<compile_context>
chip_gen: v7x
topology: tpu7x:2x2x1
jax: 0.10.2.dev20260603
libtpu: 0.0.44.dev20260713+nightly
codegen_flags: <defaults>
</compile_context>

<pallas_src>
import functools

import jax
import jax.numpy as jnp
from jax import lax
from jax.experimental import pallas as pl
from jax.experimental.pallas import tpu as pltpu
from jax.experimental.pallas import tpu_sc as plsc

_N = 10000
_E = 320000
_L = 128

_RN = 2000
_RE = 4000
_NW = 32
_CH = 80
_PW = _E // _NW
_NCH = _PW // _CH
_NPAD = 10240
_RPT = _NPAD // 16


def _silu(x):
    return x * jax.nn.sigmoid(x)


def _ln(h, g, b):
    mu = jnp.mean(h, axis=-1, keepdims=True)
    var = jnp.mean((h - mu) ** 2, axis=-1, keepdims=True)
    return (h - mu) / jnp.sqrt(var + 1e-5) * g + b


def _dot(a, b):
    return jnp.dot(a, b, preferred_element_type=jnp.float32)


def _row2(v):
    return v.reshape(1, -1)



def _full_spec(shape):
    return pl.BlockSpec(shape, lambda i: (0,) * len(shape))


def _row_spec(r, c):
    return pl.BlockSpec((r, c), lambda i: (i, 0))


def _enc_node_body(x, w0, w1, w2, b0, b1, b2, g, bln, wd, ws, hn, a, b):
    h = _silu(_dot(x[...], w0[...]) + b0[...])
    h = _silu(_dot(h, w1[...]) + b1[...])
    h = _dot(h, w2[...]) + b2[...]
    h = _ln(h, g[...], bln[...])
    hn[...] = h
    a[...] = _dot(h, wd[...])
    b[...] = _dot(h, ws[...])


def _enc_node(x, p, wd, ws):
    f = jnp.float32
    args = (x, p["Ws"][0], p["Ws"][1], p["Ws"][2], _row2(p["bs"][0]),
            _row2(p["bs"][1]), _row2(p["bs"][2]), _row2(p["g"]), _row2(p["b2"]),
            wd, ws)
    in_specs = [_row_spec(_RN, _L)] + [_full_spec(a.shape) for a in args[1:]]
    return pl.pallas_call(
        _enc_node_body,
        grid=(_N // _RN,),
        in_specs=in_specs,
        out_specs=[_row_spec(_RN, _L)] * 3,
        out_shape=[jax.ShapeDtypeStruct((_N, _L), f)] * 3,
    )(*args)


def _enc_edge_body(ea, w0, w1, w2, b0, b1, b2, g, bln, he):
    h = _silu(_dot(ea[...], w0[...]) + b0[...])
    h = _silu(_dot(h, w1[...]) + b1[...])
    h = _dot(h, w2[...]) + b2[...]
    he[...] = _ln(h, g[...], bln[...])


def _enc_edge(ea_pad, w0_pad, p):
    f = jnp.float32
    args = (ea_pad, w0_pad, p["Ws"][1], p["Ws"][2], _row2(p["bs"][0]),
            _row2(p["bs"][1]), _row2(p["bs"][2]), _row2(p["g"]), _row2(p["b2"]))
    in_specs = [_row_spec(_RE, 8)] + [_full_spec(a.shape) for a in args[1:]]
    return pl.pallas_call(
        _enc_edge_body,
        grid=(_E // _RE,),
        in_specs=in_specs,
        out_specs=_row_spec(_RE, _L),
        out_shape=jax.ShapeDtypeStruct((_E, _L), f),
    )(*args)


def _edge_block_body(g1, g2, he, w1e, w2, w3, b1, b2, b3, g, bln, eo, hn):
    t = g1[...] + g2[...] + _dot(he[...], w1e[...]) + b1[...]
    t = _silu(t)
    t = _silu(_dot(t, w2[...]) + b2[...])
    t = _dot(t, w3[...]) + b3[...]
    e = _ln(t, g[...], bln[...])
    eo[...] = e
    hn[...] = he[...] + e


def _edge_block(g1, g2, he, p):
    f = jnp.float32
    w1e = p["Ws"][0][2 * _L:]
    args = (g1, g2, he, w1e, p["Ws"][1], p["Ws"][2], _row2(p["bs"][0]),
            _row2(p["bs"][1]), _row2(p["bs"][2]), _row2(p["g"]), _row2(p["b2"]))
    in_specs = [_row_spec(_RE, _L)] * 3 + [_full_spec(a.shape) for a in args[3:]]
    return pl.pallas_call(
        _edge_block_body,
        grid=(_E // _RE,),
        in_specs=in_specs,
        out_specs=[_row_spec(_RE, _L)] * 2,
        out_shape=[jax.ShapeDtypeStruct((_E, _L), f)] * 2,
    )(*args)


def _node_block_body_ab(hn, p0, p1, wh, wa, w1, w2, b0, b1, b2, g, bln, wd, ws,
                        out, a, b):
    agg = p0[...] + p1[...]
    h = _silu(_dot(hn[...], wh[...]) + _dot(agg, wa[...]) + b0[...])
    h = _silu(_dot(h, w1[...]) + b1[...])
    h = _dot(h, w2[...]) + b2[...]
    h = _ln(h, g[...], bln[...])
    hnew = hn[...] + h
    out[...] = hnew
    a[...] = _dot(hnew, wd[...])
    b[...] = _dot(hnew, ws[...])


def _node_block_body(hn, p0, p1, wh, wa, w1, w2, b0, b1, b2, g, bln, out):
    agg = p0[...] + p1[...]
    h = _silu(_dot(hn[...], wh[...]) + _dot(agg, wa[...]) + b0[...])
    h = _silu(_dot(h, w1[...]) + b1[...])
    h = _dot(h, w2[...]) + b2[...]
    h = _ln(h, g[...], bln[...])
    out[...] = hn[...] + h


def _node_block(hn, p0, p1, p, wd, ws):
    f = jnp.float32
    w0 = p["Ws"][0]
    base = (hn, p0, p1, w0[:_L], w0[_L:], p["Ws"][1], p["Ws"][2],
            _row2(p["bs"][0]), _row2(p["bs"][1]), _row2(p["bs"][2]),
            _row2(p["g"]), _row2(p["b2"]))
    if wd is None:
        args = base
        body, n_out = _node_block_body, 1
    else:
        args = base + (wd, ws)
        body, n_out = _node_block_body_ab, 3
    in_specs = [_row_spec(_RN, _L)] * 3 + [_full_spec(a.shape) for a in args[3:]]
    out = pl.pallas_call(
        body,
        grid=(_N // _RN,),
        in_specs=in_specs,
        out_specs=[_row_spec(_RN, _L)] * n_out,
        out_shape=[jax.ShapeDtypeStruct((_N, _L), f)] * n_out,
    )(*args)
    return out if wd is not None else (out[0], None, None)


def _dec_body(hn, w0, w1, w2, b0, b1, b2, out):
    h = _silu(_dot(hn[...], w0[...]) + b0[...])
    h = _silu(_dot(h, w1[...]) + b1[...])
    out[...] = _dot(h, w2[...]) + b2[...]


def _dec(hn, p, w2_pad, b2_pad):
    f = jnp.float32
    args = (hn, p["Ws"][0], p["Ws"][1], w2_pad, _row2(p["bs"][0]),
            _row2(p["bs"][1]), b2_pad)
    in_specs = [_row_spec(_RN, _L)] + [_full_spec(a.shape) for a in args[1:]]
    return pl.pallas_call(
        _dec_body,
        grid=(_N // _RN,),
        in_specs=in_specs,
        out_specs=_row_spec(_RN, _L),
        out_shape=jax.ShapeDtypeStruct((_N, _L), f),
    )(*args)



def _sc_gather(a_tab, b_tab, dst, src):
    f = jnp.float32
    mesh = plsc.VectorSubcoreMesh(core_axis_name="c", subcore_axis_name="s")

    @functools.partial(
        pl.kernel,
        out_type=[jax.ShapeDtypeStruct((_E, _L), f)] * 2,
        mesh=mesh,
        scratch_types=[
            pltpu.VMEM((_PW,), jnp.int32),
            pltpu.VMEM((_PW,), jnp.int32),
            pltpu.VMEM((_CH, _L), f),
            pltpu.VMEM((_CH, _L), f),
            pltpu.SemaphoreType.DMA,
            pltpu.SemaphoreType.DMA,
        ],
    )
    def run(a_h, b_h, dst_h, src_h, g1_h, g2_h, di, si, ra, rb, s1, s2):
        wid = lax.axis_index("s") * 2 + lax.axis_index("c")
        base = wid * _PW
        pltpu.sync_copy(dst_h.at[pl.ds(base, _PW)], di)
        pltpu.sync_copy(src_h.at[pl.ds(base, _PW)], si)

        def body(i, carry):
            off = i * _CH
            ca = pltpu.async_copy(a_h.at[di.at[pl.ds(off, _CH)]], ra, s1)
            cb = pltpu.async_copy(b_h.at[si.at[pl.ds(off, _CH)]], rb, s2)
            ca.wait()
            cb.wait()
            pltpu.sync_copy(ra, g1_h.at[pl.ds(base + off, _CH)])
            pltpu.sync_copy(rb, g2_h.at[pl.ds(base + off, _CH)])
            return carry

        lax.fori_loop(0, _NCH, body, 0)

    return run(a_tab, b_tab, dst, src)


def _sc_scatter(e_out, dst, zeros_blk):
    f = jnp.float32
    mesh = plsc.VectorSubcoreMesh(core_axis_name="c", subcore_axis_name="s")

    @functools.partial(
        pl.kernel,
        out_type=jax.ShapeDtypeStruct((2, _NPAD, _L), f),
        mesh=mesh,
        scratch_types=[
            pltpu.VMEM((_CH,), jnp.int32),
            pltpu.VMEM((_CH, _L), f),
            pltpu.VMEM_SHARED((_NPAD, _L), f),
        ],
    )
    def run(e_h, dst_h, z_h, out_h, di, rows, acc):
        c = lax.axis_index("c")
        s = lax.axis_index("s")
        wid = s * 2 + c
        pltpu.sync_copy(z_h, rows)
        for j in range(_RPT // _CH):
            pltpu.sync_copy(rows, acc.at[pl.ds(s * _RPT + j * _CH, _CH)])
        plsc.subcore_barrier()

        def body(i, carry):
            off = wid * _PW + i * _CH
            pltpu.sync_copy(dst_h.at[pl.ds(off, _CH)], di)
            pltpu.sync_copy(e_h.at[pl.ds(off, _CH)], rows)
            pltpu.sync_copy(rows, acc.at[di], add=True)
            return carry

        lax.fori_loop(0, _NCH, body, 0)
        plsc.subcore_barrier()
        pltpu.sync_copy(acc.at[pl.ds(s * _RPT, _RPT)],
                        out_h.at[c, pl.ds(s * _RPT, _RPT)])

    return run(e_out, dst, zeros_blk)[:, :_N, :]



def kernel(x, edge_attr, edge_index, params):
    f = jnp.float32
    src = edge_index[0]
    dst = edge_index[1]
    blocks = params["blocks"]

    w1_0 = blocks[0]["eb"]["Ws"][0]
    h_n, a_tab, b_tab = _enc_node(x, params["node_enc"],
                                  w1_0[:_L], w1_0[_L:2 * _L])

    ea_pad = jnp.pad(edge_attr, ((0, 0), (0, 4)))
    ew0 = params["edge_enc"]["Ws"][0]
    ew0_pad = jnp.pad(ew0, ((0, 8 - ew0.shape[0]), (0, 0)))
    h_e = _enc_edge(ea_pad, ew0_pad, params["edge_enc"])

    zeros_blk = jnp.zeros((_CH, _L), f)

    for bi, blk in enumerate(blocks):
        g1, g2 = _sc_gather(a_tab, b_tab, dst, src)
        e_out, h_e = _edge_block(g1, g2, h_e, blk["eb"])
        parts = _sc_scatter(e_out, dst, zeros_blk)
        if bi + 1 < len(blocks):
            w1_n = blocks[bi + 1]["eb"]["Ws"][0]
            h_n, a_tab, b_tab = _node_block(h_n, parts[0], parts[1],
                                            blk["nb"], w1_n[:_L],
                                            w1_n[_L:2 * _L])
        else:
            h_n, _, _ = _node_block(h_n, parts[0], parts[1], blk["nb"],
                                    None, None)

    dp = params["dec"]
    w2_pad = jnp.pad(dp["Ws"][2], ((0, 0), (0, _L - dp["Ws"][2].shape[1])))
    b2_pad = jnp.pad(_row2(dp["bs"][2]), ((0, 0), (0, _L - dp["bs"][2].shape[0])))
    out = _dec(h_n, dp, w2_pad, b2_pad)
    return out[:, :dp["Ws"][2].shape[1]]

# --- scband reference (transcript-rebuilt; emitter-appended) ---
"""Pipeline reference for scband-mesh-graph-nets-14147622273438 (READ-ONLY COPY).

The authoritative reference and input builder live on the scoring server;
editing this copy changes nothing except your own understanding.
"""

import jax, jax.numpy as jnp
import numpy as np

N = 10000
E = 320000
NODE_IN = 128
EDGE_IN = 4
LATENT = 128
OUT = 3
MP = 5


def _mlp_params(key, sizes, ln):
    ks = jax.random.split(key, len(sizes))
    Ws, bs = [], []
    for i in range(len(sizes) - 1):
        fan = sizes[i]
        Ws.append(jax.random.normal(ks[i], (sizes[i], sizes[i + 1]), jnp.float32) * np.sqrt(2.0 / fan))
        bs.append(jnp.zeros((sizes[i + 1],), jnp.float32))
    p = {"Ws": Ws, "bs": bs}
    if ln:
        p["g"] = jnp.ones((sizes[-1],), jnp.float32)
        p["b2"] = jnp.zeros((sizes[-1],), jnp.float32)
    return p


def _mlp(p, x):
    h = x
    n = len(p["Ws"])
    for i in range(n):
        h = h @ p["Ws"][i] + p["bs"][i]
        if i < n - 1:
            h = jax.nn.silu(h)
    if "g" in p:
        mu = h.mean(axis=-1, keepdims=True)
        var = ((h - mu) ** 2).mean(axis=-1, keepdims=True)
        h = (h - mu) / jnp.sqrt(var + 1e-5) * p["g"] + p["b2"]
    return h


def setup_inputs(seed: int = 0):
    key = jax.random.key(seed)
    ks = jax.random.split(key, 6)
    x = jax.random.normal(ks[0], (N, NODE_IN), jnp.float32)
    edge_attr = jax.random.normal(ks[1], (E, EDGE_IN), jnp.float32)
    edge_index = jax.random.randint(ks[2], (2, E), 0, N, dtype=jnp.int32)
    params = {
        "node_enc": _mlp_params(ks[3], [NODE_IN, LATENT, LATENT, LATENT], True),
        "edge_enc": _mlp_params(ks[4], [EDGE_IN, LATENT, LATENT, LATENT], True),
        "blocks": [],
        "dec": _mlp_params(ks[5], [LATENT, LATENT, LATENT, OUT], False),
    }
    for b in range(MP):
        kb = jax.random.fold_in(key, 100 + b)
        k1, k2 = jax.random.split(kb)
        params["blocks"].append({
            "eb": _mlp_params(k1, [3 * LATENT, LATENT, LATENT, LATENT], True),
            "nb": _mlp_params(k2, [2 * LATENT, LATENT, LATENT, LATENT], True),
        })
    return {"x": x, "edge_attr": edge_attr, "edge_index": edge_index, "params": params}


def reference(x, edge_attr, edge_index, params):
    src = edge_index[0]
    dst = edge_index[1]
    h_n = _mlp(params["node_enc"], x)
    h_e = _mlp(params["edge_enc"], edge_attr)
    for blk in params["blocks"]:
        e_in = jnp.concatenate([jnp.take(h_n, dst, axis=0), jnp.take(h_n, src, axis=0), h_e], axis=-1)
        e_out = _mlp(blk["eb"], e_in)
        agg = jax.ops.segment_sum(e_out, dst, num_segments=x.shape[0])
        n_in = jnp.concatenate([h_n, agg], axis=-1)
        n_out = _mlp(blk["nb"], n_in)
        h_n = h_n + n_out
        h_e = h_e + e_out
    return _mlp(params["dec"], h_n)

if __name__ == "__main__":
    import jax
    _d = setup_inputs()
    print(jax.jit(kernel)(*tuple(_d.values())))

</pallas_src>

<mosaic_0001>
#map = affine_map<(d0, d1) -> (0, 0)>
#map1 = affine_map<(d0, d1) -> (0)>
#map2 = affine_map<(d0, d1) -> (0, 0, 0)>
module attributes {stable_mosaic.version = 14 : i64} {
  func.func @run(%arg0: i32, %arg1: i32, %arg2: memref<320000x128xf32, #tpu.memory_space<hbm>>, %arg3: memref<320000xi32, #tpu.memory_space<hbm>>, %arg4: memref<80x128xf32, #tpu.memory_space<hbm>>, %arg5: memref<2x10240x128xf32, #tpu.memory_space<hbm>>, %arg6: memref<80xi32, #tpu.memory_space<vmem>>, %arg7: memref<80x128xf32, #tpu.memory_space<vmem>>, %arg8: memref<10240x128xf32, #tpu.memory_space<vmem_shared>>) attributes {dimension_semantics = [#tpu.dimension_semantics<core_parallel>, #tpu.dimension_semantics<subcore_parallel>], iteration_bounds = array<i64: 2, 16>, scalar_prefetch = 0 : i64, scratch_operands = 3 : i64, tpu.core_type = #tpu.core_type<sc_vector_subcore>, window_params = [{transform_indices = #map}, {transform_indices = #map1}, {transform_indices = #map}, {transform_indices = #map2}]} {
    %mul3A = arith.constant 2 : i32
    %mul3A_0 = arith.muli %arg1, %mul3A : i32
    %add3A = arith.addi %mul3A_0, %arg0 : i32
    "tpu.region"() ({
      %run_scoped3A = tpu.sem_alloc : memref<!tpu.dma_semaphore, #tpu.memory_space<semaphore_mem>>
      tpu.enqueue_dma source(%arg4 : memref<80x128xf32, #tpu.memory_space<hbm>>) target(%arg7 : memref<80x128xf32, #tpu.memory_space<vmem>>) target_semaphore(%run_scoped3A : memref<!tpu.dma_semaphore, #tpu.memory_space<semaphore_mem>>)
      tpu.wait_dma2 semaphore(%run_scoped3A : memref<!tpu.dma_semaphore, #tpu.memory_space<semaphore_mem>>) src(%arg4 : memref<80x128xf32, #tpu.memory_space<hbm>>) dst(%arg7 : memref<80x128xf32, #tpu.memory_space<vmem>>)
      tpu.yield
    }) : () -> ()
    %mul3A_1 = arith.constant 640 : i32
    %mul3A_2 = arith.muli %arg1, %mul3A_1 : i32
    %add3A_3 = arith.constant 0 : i32
    %add3A_4 = arith.addi %mul3A_2, %add3A_3 : i32
    "tpu.region"() ({
      %run_scoped3A = tpu.sem_alloc : memref<!tpu.dma_semaphore, #tpu.memory_space<semaphore_mem>>
      %dma_start3A = arith.constant 0 : i32
      %dma_start3A_43 = tpu.memref_slice %arg8[%add3A_4, %dma_start3A] : memref<10240x128xf32, #tpu.memory_space<vmem_shared>> -> memref<80x128xf32, #tpu.memory_space<vmem_shared>>
      %dma_start3A_44 = arith.constant 0 : i32
      %dma_start3A_45 = tpu.memref_slice %arg8[%add3A_4, %dma_start3A_44] : memref<10240x128xf32, #tpu.memory_space<vmem_shared>> -> memref<80x128xf32, #tpu.memory_space<vmem_shared>>
      tpu.enqueue_dma source(%arg7 : memref<80x128xf32, #tpu.memory_space<vmem>>) target(%dma_start3A_45 : memref<80x128xf32, #tpu.memory_space<vmem_shared>>) target_semaphore(%run_scoped3A : memref<!tpu.dma_semaphore, #tpu.memory_space<semaphore_mem>>)
      %dma_wait3A = arith.constant 0 : i32
      %dma_wait3A_46 = tpu.memref_slice %arg8[%add3A_4, %dma_wait3A] : memref<10240x128xf32, #tpu.memory_space<vmem_shared>> -> memref<80x128xf32, #tpu.memory_space<vmem_shared>>
      %dma_wait3A_47 = arith.constant 0 : i32
      %dma_wait3A_48 = tpu.memref_slice %arg8[%add3A_4, %dma_wait3A_47] : memref<10240x128xf32, #tpu.memory_space<vmem_shared>> -> memref<80x128xf32, #tpu.memory_space<vmem_shared>>
      tpu.wait_dma2 semaphore(%run_scoped3A : memref<!tpu.dma_semaphore, #tpu.memory_space<semaphore_mem>>) src(%arg7 : memref<80x128xf32, #tpu.memory_space<vmem>>) dst(%dma_wait3A_48 : memref<80x128xf32, #tpu.memory_space<vmem_shared>>)
      tpu.yield
    }) : () -> ()
    %mul3A_5 = arith.constant 640 : i32
    %mul3A_6 = arith.muli %arg1, %mul3A_5 : i32
    %add3A_7 = arith.constant 80 : i32
    %add3A_8 = arith.addi %mul3A_6, %add3A_7 : i32
    "tpu.region"() ({
      %run_scoped3A = tpu.sem_alloc : memref<!tpu.dma_semaphore, #tpu.memory_space<semaphore_mem>>
      %dma_start3A = arith.constant 0 : i32
      %dma_start3A_43 = tpu.memref_slice %arg8[%add3A_8, %dma_start3A] : memref<10240x128xf32, #tpu.memory_space<vmem_shared>> -> memref<80x128xf32, #tpu.memory_space<vmem_shared>>
      %dma_start3A_44 = arith.constant 0 : i32
      %dma_start3A_45 = tpu.memref_slice %arg8[%add3A_8, %dma_start3A_44] : memref<10240x128xf32, #tpu.memory_space<vmem_shared>> -> memref<80x128xf32, #tpu.memory_space<vmem_shared>>
      tpu.enqueue_dma source(%arg7 : memref<80x128xf32, #tpu.memory_space<vmem>>) target(%dma_start3A_45 : memref<80x128xf32, #tpu.memory_space<vmem_shared>>) target_semaphore(%run_scoped3A : memref<!tpu.dma_semaphore, #tpu.memory_space<semaphore_mem>>)
      %dma_wait3A = arith.constant 0 : i32
      %dma_wait3A_46 = tpu.memref_slice %arg8[%add3A_8, %dma_wait3A] : memref<10240x128xf32, #tpu.memory_space<vmem_shared>> -> memref<80x128xf32, #tpu.memory_space<vmem_shared>>
      %dma_wait3A_47 = arith.constant 0 : i32
      %dma_wait3A_48 = tpu.memref_slice %arg8[%add3A_8, %dma_wait3A_47] : memref<10240x128xf32, #tpu.memory_space<vmem_shared>> -> memref<80x128xf32, #tpu.memory_space<vmem_shared>>
      tpu.wait_dma2 semaphore(%run_scoped3A : memref<!tpu.dma_semaphore, #tpu.memory_space<semaphore_mem>>) src(%arg7 : memref<80x128xf32, #tpu.memory_space<vmem>>) dst(%dma_wait3A_48 : memref<80x128xf32, #tpu.memory_space<vmem_shared>>)
      tpu.yield
    }) : () -> ()
    %mul3A_9 = arith.constant 640 : i32
    %mul3A_10 = arith.muli %arg1, %mul3A_9 : i32
    %add3A_11 = arith.constant 160 : i32
    %add3A_12 = arith.addi %mul3A_10, %add3A_11 : i32
    "tpu.region"() ({
      %run_scoped3A = tpu.sem_alloc : memref<!tpu.dma_semaphore, #tpu.memory_space<semaphore_mem>>
      %dma_start3A = arith.constant 0 : i32
      %dma_start3A_43 = tpu.memref_slice %arg8[%add3A_12, %dma_start3A] : memref<10240x128xf32, #tpu.memory_space<vmem_shared>> -> memref<80x128xf32, #tpu.memory_space<vmem_shared>>
      %dma_start3A_44 = arith.constant 0 : i32
      %dma_start3A_45 = tpu.memref_slice %arg8[%add3A_12, %dma_start3A_44] : memref<10240x128xf32, #tpu.memory_space<vmem_shared>> -> memref<80x128xf32, #tpu.memory_space<vmem_shared>>
      tpu.enqueue_dma source(%arg7 : memref<80x128xf32, #tpu.memory_space<vmem>>) target(%dma_start3A_45 : memref<80x128xf32, #tpu.memory_space<vmem_shared>>) target_semaphore(%run_scoped3A : memref<!tpu.dma_semaphore, #tpu.memory_space<semaphore_mem>>)
      %dma_wait3A = arith.constant 0 : i32
      %dma_wait3A_46 = tpu.memref_slice %arg8[%add3A_12, %dma_wait3A] : memref<10240x128xf32, #tpu.memory_space<vmem_shared>> -> memref<80x128xf32, #tpu.memory_space<vmem_shared>>
      %dma_wait3A_47 = arith.constant 0 : i32
      %dma_wait3A_48 = tpu.memref_slice %arg8[%add3A_12, %dma_wait3A_47] : memref<10240x128xf32, #tpu.memory_space<vmem_shared>> -> memref<80x128xf32, #tpu.memory_space<vmem_shared>>
      tpu.wait_dma2 semaphore(%run_scoped3A : memref<!tpu.dma_semaphore, #tpu.memory_space<semaphore_mem>>) src(%arg7 : memref<80x128xf32, #tpu.memory_space<vmem>>) dst(%dma_wait3A_48 : memref<80x128xf32, #tpu.memory_space<vmem_shared>>)
      tpu.yield
    }) : () -> ()
    %mul3A_13 = arith.constant 640 : i32
    %mul3A_14 = arith.muli %arg1, %mul3A_13 : i32
    %add3A_15 = arith.constant 240 : i32
    %add3A_16 = arith.addi %mul3A_14, %add3A_15 : i32
    "tpu.region"() ({
      %run_scoped3A = tpu.sem_alloc : memref<!tpu.dma_semaphore, #tpu.memory_space<semaphore_mem>>
      %dma_start3A = arith.constant 0 : i32
      %dma_start3A_43 = tpu.memref_slice %arg8[%add3A_16, %dma_start3A] : memref<10240x128xf32, #tpu.memory_space<vmem_shared>> -> memref<80x128xf32, #tpu.memory_space<vmem_shared>>
      %dma_start3A_44 = arith.constant 0 : i32
      %dma_start3A_45 = tpu.memref_slice %arg8[%add3A_16, %dma_start3A_44] : memref<10240x128xf32, #tpu.memory_space<vmem_shared>> -> memref<80x128xf32, #tpu.memory_space<vmem_shared>>
      tpu.enqueue_dma source(%arg7 : memref<80x128xf32, #tpu.memory_space<vmem>>) target(%dma_start3A_45 : memref<80x128xf32, #tpu.memory_space<vmem_shared>>) target_semaphore(%run_scoped3A : memref<!tpu.dma_semaphore, #tpu.memory_space<semaphore_mem>>)
      %dma_wait3A = arith.constant 0 : i32
      %dma_wait3A_46 = tpu.memref_slice %arg8[%add3A_16, %dma_wait3A] : memref<10240x128xf32, #tpu.memory_space<vmem_shared>> -> memref<80x128xf32, #tpu.memory_space<vmem_shared>>
      %dma_wait3A_47 = arith.constant 0 : i32
      %dma_wait3A_48 = tpu.memref_slice %arg8[%add3A_16, %dma_wait3A_47] : memref<10240x128xf32, #tpu.memory_space<vmem_shared>> -> memref<80x128xf32, #tpu.memory_space<vmem_shared>>
      tpu.wait_dma2 semaphore(%run_scoped3A : memref<!tpu.dma_semaphore, #tpu.memory_space<semaphore_mem>>) src(%arg7 : memref<80x128xf32, #tpu.memory_space<vmem>>) dst(%dma_wait3A_48 : memref<80x128xf32, #tpu.memory_space<vmem_shared>>)
      tpu.yield
    }) : () -> ()
    %mul3A_17 = arith.constant 640 : i32
    %mul3A_18 = arith.muli %arg1, %mul3A_17 : i32
    %add3A_19 = arith.constant 320 : i32
    %add3A_20 = arith.addi %mul3A_18, %add3A_19 : i32
    "tpu.region"() ({
      %run_scoped3A = tpu.sem_alloc : memref<!tpu.dma_semaphore, #tpu.memory_space<semaphore_mem>>
      %dma_start3A = arith.constant 0 : i32
      %dma_start3A_43 = tpu.memref_slice %arg8[%add3A_20, %dma_start3A] : memref<10240x128xf32, #tpu.memory_space<vmem_shared>> -> memref<80x128xf32, #tpu.memory_space<vmem_shared>>
      %dma_start3A_44 = arith.constant 0 : i32
      %dma_start3A_45 = tpu.memref_slice %arg8[%add3A_20, %dma_start3A_44] : memref<10240x128xf32, #tpu.memory_space<vmem_shared>> -> memref<80x128xf32, #tpu.memory_space<vmem_shared>>
      tpu.enqueue_dma source(%arg7 : memref<80x128xf32, #tpu.memory_space<vmem>>) target(%dma_start3A_45 : memref<80x128xf32, #tpu.memory_space<vmem_shared>>) target_semaphore(%run_scoped3A : memref<!tpu.dma_semaphore, #tpu.memory_space<semaphore_mem>>)
      %dma_wait3A = arith.constant 0 : i32
      %dma_wait3A_46 = tpu.memref_slice %arg8[%add3A_20, %dma_wait3A] : memref<10240x128xf32, #tpu.memory_space<vmem_shared>> -> memref<80x128xf32, #tpu.memory_space<vmem_shared>>
      %dma_wait3A_47 = arith.constant 0 : i32
      %dma_wait3A_48 = tpu.memref_slice %arg8[%add3A_20, %dma_wait3A_47] : memref<10240x128xf32, #tpu.memory_space<vmem_shared>> -> memref<80x128xf32, #tpu.memory_space<vmem_shared>>
      tpu.wait_dma2 semaphore(%run_scoped3A : memref<!tpu.dma_semaphore, #tpu.memory_space<semaphore_mem>>) src(%arg7 : memref<80x128xf32, #tpu.memory_space<vmem>>) dst(%dma_wait3A_48 : memref<80x128xf32, #tpu.memory_space<vmem_shared>>)
      tpu.yield
    }) : () -> ()
    %mul3A_21 = arith.constant 640 : i32
    %mul3A_22 = arith.muli %arg1, %mul3A_21 : i32
    %add3A_23 = arith.constant 400 : i32
    %add3A_24 = arith.addi %mul3A_22, %add3A_23 : i32
    "tpu.region"() ({
      %run_scoped3A = tpu.sem_alloc : memref<!tpu.dma_semaphore, #tpu.memory_space<semaphore_mem>>
      %dma_start3A = arith.constant 0 : i32
      %dma_start3A_43 = tpu.memref_slice %arg8[%add3A_24, %dma_start3A] : memref<10240x128xf32, #tpu.memory_space<vmem_shared>> -> memref<80x128xf32, #tpu.memory_space<vmem_shared>>
      %dma_start3A_44 = arith.constant 0 : i32
      %dma_start3A_45 = tpu.memref_slice %arg8[%add3A_24, %dma_start3A_44] : memref<10240x128xf32, #tpu.memory_space<vmem_shared>> -> memref<80x128xf32, #tpu.memory_space<vmem_shared>>
      tpu.enqueue_dma source(%arg7 : memref<80x128xf32, #tpu.memory_space<vmem>>) target(%dma_start3A_45 : memref<80x128xf32, #tpu.memory_space<vmem_shared>>) target_semaphore(%run_scoped3A : memref<!tpu.dma_semaphore, #tpu.memory_space<semaphore_mem>>)
      %dma_wait3A = arith.constant 0 : i32
      %dma_wait3A_46 = tpu.memref_slice %arg8[%add3A_24, %dma_wait3A] : memref<10240x128xf32, #tpu.memory_space<vmem_shared>> -> memref<80x128xf32, #tpu.memory_space<vmem_shared>>
      %dma_wait3A_47 = arith.constant 0 : i32
      %dma_wait3A_48 = tpu.memref_slice %arg8[%add3A_24, %dma_wait3A_47] : memref<10240x128xf32, #tpu.memory_space<vmem_shared>> -> memref<80x128xf32, #tpu.memory_space<vmem_shared>>
      tpu.wait_dma2 semaphore(%run_scoped3A : memref<!tpu.dma_semaphore, #tpu.memory_space<semaphore_mem>>) src(%arg7 : memref<80x128xf32, #tpu.memory_space<vmem>>) dst(%dma_wait3A_48 : memref<80x128xf32, #tpu.memory_space<vmem_shared>>)
      tpu.yield
    }) : () -> ()
    %mul3A_25 = arith.constant 640 : i32
    %mul3A_26 = arith.muli %arg1, %mul3A_25 : i32
    %add3A_27 = arith.constant 480 : i32
    %add3A_28 = arith.addi %mul3A_26, %add3A_27 : i32
    "tpu.region"() ({
      %run_scoped3A = tpu.sem_alloc : memref<!tpu.dma_semaphore, #tpu.memory_space<semaphore_mem>>
      %dma_start3A = arith.constant 0 : i32
      %dma_start3A_43 = tpu.memref_slice %arg8[%add3A_28, %dma_start3A] : memref<10240x128xf32, #tpu.memory_space<vmem_shared>> -> memref<80x128xf32, #tpu.memory_space<vmem_shared>>
      %dma_start3A_44 = arith.constant 0 : i32
      %dma_start3A_45 = tpu.memref_slice %arg8[%add3A_28, %dma_start3A_44] : memref<10240x128xf32, #tpu.memory_space<vmem_shared>> -> memref<80x128xf32, #tpu.memory_space<vmem_shared>>
      tpu.enqueue_dma source(%arg7 : memref<80x128xf32, #tpu.memory_space<vmem>>) target(%dma_start3A_45 : memref<80x128xf32, #tpu.memory_space<vmem_shared>>) target_semaphore(%run_scoped3A : memref<!tpu.dma_semaphore, #tpu.memory_space<semaphore_mem>>)
      %dma_wait3A = arith.constant 0 : i32
      %dma_wait3A_46 = tpu.memref_slice %arg8[%add3A_28, %dma_wait3A] : memref<10240x128xf32, #tpu.memory_space<vmem_shared>> -> memref<80x128xf32, #tpu.memory_space<vmem_shared>>
      %dma_wait3A_47 = arith.constant 0 : i32
      %dma_wait3A_48 = tpu.memref_slice %arg8[%add3A_28, %dma_wait3A_47] : memref<10240x128xf32, #tpu.memory_space<vmem_shared>> -> memref<80x128xf32, #tpu.memory_space<vmem_shared>>
      tpu.wait_dma2 semaphore(%run_scoped3A : memref<!tpu.dma_semaphore, #tpu.memory_space<semaphore_mem>>) src(%arg7 : memref<80x128xf32, #tpu.memory_space<vmem>>) dst(%dma_wait3A_48 : memref<80x128xf32, #tpu.memory_space<vmem_shared>>)
      tpu.yield
    }) : () -> ()
    %mul3A_29 = arith.constant 640 : i32
    %mul3A_30 = arith.muli %arg1, %mul3A_29 : i32
    %add3A_31 = arith.constant 560 : i32
    %add3A_32 = arith.addi %mul3A_30, %add3A_31 : i32
    "tpu.region"() ({
      %run_scoped3A = tpu.sem_alloc : memref<!tpu.dma_semaphore, #tpu.memory_space<semaphore_mem>>
      %dma_start3A = arith.constant 0 : i32
      %dma_start3A_43 = tpu.memref_slice %arg8[%add3A_32, %dma_start3A] : memref<10240x128xf32, #tpu.memory_space<vmem_shared>> -> memref<80x128xf32, #tpu.memory_space<vmem_shared>>
      %dma_start3A_44 = arith.constant 0 : i32
      %dma_start3A_45 = tpu.memref_slice %arg8[%add3A_32, %dma_start3A_44] : memref<10240x128xf32, #tpu.memory_space<vmem_shared>> -> memref<80x128xf32, #tpu.memory_space<vmem_shared>>
      tpu.enqueue_dma source(%arg7 : memref<80x128xf32, #tpu.memory_space<vmem>>) target(%dma_start3A_45 : memref<80x128xf32, #tpu.memory_space<vmem_shared>>) target_semaphore(%run_scoped3A : memref<!tpu.dma_semaphore, #tpu.memory_space<semaphore_mem>>)
      %dma_wait3A = arith.constant 0 : i32
      %dma_wait3A_46 = tpu.memref_slice %arg8[%add3A_32, %dma_wait3A] : memref<10240x128xf32, #tpu.memory_space<vmem_shared>> -> memref<80x128xf32, #tpu.memory_space<vmem_shared>>
      %dma_wait3A_47 = arith.constant 0 : i32
      %dma_wait3A_48 = tpu.memref_slice %arg8[%add3A_32, %dma_wait3A_47] : memref<10240x128xf32, #tpu.memory_space<vmem_shared>> -> memref<80x128xf32, #tpu.memory_space<vmem_shared>>
      tpu.wait_dma2 semaphore(%run_scoped3A : memref<!tpu.dma_semaphore, #tpu.memory_space<semaphore_mem>>) src(%arg7 : memref<80x128xf32, #tpu.memory_space<vmem>>) dst(%dma_wait3A_48 : memref<80x128xf32, #tpu.memory_space<vmem_shared>>)
      tpu.yield
    }) : () -> ()
    %barrier3A = arith.constant 0 : index
    tpu.barrier barrier_id(%barrier3A)
    %scan3A = arith.constant 0 : i32
    %scan3A_33 = arith.constant 0 : i32
    %scan3A_34 = arith.constant 125 : i32
    %scan3A_35 = arith.addi %scan3A_33, %scan3A_34 : i32
    %scan3A_36 = arith.constant 1 : i32
    scf.for %scan3A_43 = %scan3A_33 to %scan3A_35 step %scan3A_36  : i32 {
      %mul3A_44 = arith.constant 10000 : i32
      %mul3A_45 = arith.muli %add3A, %mul3A_44 : i32
      %mul3A_46 = arith.constant 80 : i32
      %mul3A_47 = arith.muli %scan3A_43, %mul3A_46 : i32
      %add3A_48 = arith.addi %mul3A_45, %mul3A_47 : i32
      "tpu.region"() ({
        %run_scoped3A = tpu.sem_alloc : memref<!tpu.dma_semaphore, #tpu.memory_space<semaphore_mem>>
        %dma_start3A = tpu.memref_slice %arg3[%add3A_48] : memref<320000xi32, #tpu.memory_space<hbm>> -> memref<80xi32, #tpu.memory_space<hbm>>
        %dma_start3A_49 = tpu.memref_slice %arg3[%add3A_48] : memref<320000xi32, #tpu.memory_space<hbm>> -> memref<80xi32, #tpu.memory_space<hbm>>
        tpu.enqueue_dma source(%dma_start3A_49 : memref<80xi32, #tpu.memory_space<hbm>>) target(%arg6 : memref<80xi32, #tpu.memory_space<vmem>>) target_semaphore(%run_scoped3A : memref<!tpu.dma_semaphore, #tpu.memory_space<semaphore_mem>>)
        %dma_wait3A = tpu.memref_slice %arg3[%add3A_48] : memref<320000xi32, #tpu.memory_space<hbm>> -> memref<80xi32, #tpu.memory_space<hbm>>
        %dma_wait3A_50 = tpu.memref_slice %arg3[%add3A_48] : memref<320000xi32, #tpu.memory_space<hbm>> -> memref<80xi32, #tpu.memory_space<hbm>>
        tpu.wait_dma2 semaphore(%run_scoped3A : memref<!tpu.dma_semaphore, #tpu.memory_space<semaphore_mem>>) src(%dma_wait3A_50 : memref<80xi32, #tpu.memory_space<hbm>>) dst(%arg6 : memref<80xi32, #tpu.memory_space<vmem>>)
        tpu.yield
      }) : () -> ()
      "tpu.region"() ({
        %run_scoped3A = tpu.sem_alloc : memref<!tpu.dma_semaphore, #tpu.memory_space<semaphore_mem>>
        %dma_start3A = arith.constant 0 : i32
        %dma_start3A_49 = tpu.memref_slice %arg2[%add3A_48, %dma_start3A] : memref<320000x128xf32, #tpu.memory_space<hbm>> -> memref<80x128xf32, #tpu.memory_space<hbm>>
        %dma_start3A_50 = arith.constant 0 : i32
        %dma_start3A_51 = tpu.memref_slice %arg2[%add3A_48, %dma_start3A_50] : memref<320000x128xf32, #tpu.memory_space<hbm>> -> memref<80x128xf32, #tpu.memory_space<hbm>>
        tpu.enqueue_dma source(%dma_start3A_51 : memref<80x128xf32, #tpu.memory_space<hbm>>) target(%arg7 : memref<80x128xf32, #tpu.memory_space<vmem>>) target_semaphore(%run_scoped3A : memref<!tpu.dma_semaphore, #tpu.memory_space<semaphore_mem>>)
        %dma_wait3A = arith.constant 0 : i32
        %dma_wait3A_52 = tpu.memref_slice %arg2[%add3A_48, %dma_wait3A] : memref<320000x128xf32, #tpu.memory_space<hbm>> -> memref<80x128xf32, #tpu.memory_space<hbm>>
        %dma_wait3A_53 = arith.constant 0 : i32
        %dma_wait3A_54 = tpu.memref_slice %arg2[%add3A_48, %dma_wait3A_53] : memref<320000x128xf32, #tpu.memory_space<hbm>> -> memref<80x128xf32, #tpu.memory_space<hbm>>
        tpu.wait_dma2 semaphore(%run_scoped3A : memref<!tpu.dma_semaphore, #tpu.memory_space<semaphore_mem>>) src(%dma_wait3A_54 : memref<80x128xf32, #tpu.memory_space<hbm>>) dst(%arg7 : memref<80x128xf32, #tpu.memory_space<vmem>>)
        tpu.yield
      }) : () -> ()
      "tpu.region"() ({
        %run_scoped3A = tpu.sem_alloc : memref<!tpu.dma_semaphore, #tpu.memory_space<semaphore_mem>>
        %dma_start3A = arith.constant 0 : i32
        %dma_start3A_49 = arith.constant 0 : i32
        %dma_start3A_50 = tpu.memref_slice %arg8[%dma_start3A, %dma_start3A_49] : memref<10240x128xf32, #tpu.memory_space<vmem_shared>> -> memref<10240x128xf32, #tpu.memory_space<vmem_shared>>
        tpu.enqueue_indirect_dma source(%arg7 : memref<80x128xf32, #tpu.memory_space<vmem>>) target(%dma_start3A_50 : memref<10240x128xf32, #tpu.memory_space<vmem_shared>>) offsets(%arg6 : memref<80xi32, #tpu.memory_space<vmem>>) semaphore(%run_scoped3A : memref<!tpu.dma_semaphore, #tpu.memory_space<semaphore_mem>>) {add = true}
        %dma_wait3A = arith.constant 0 : i32
        %dma_wait3A_51 = arith.constant 0 : i32
        %dma_wait3A_52 = tpu.memref_slice %arg8[%dma_wait3A, %dma_wait3A_51] : memref<10240x128xf32, #tpu.memory_space<vmem_shared>> -> memref<10240x128xf32, #tpu.memory_space<vmem_shared>>
        tpu.wait_indirect_dma semaphore(%run_scoped3A : memref<!tpu.dma_semaphore, #tpu.memory_space<semaphore_mem>>) src(%arg7 : memref<80x128xf32, #tpu.memory_space<vmem>>) dst(%dma_wait3A_52 : memref<10240x128xf32, #tpu.memory_space<vmem_shared>>)
        tpu.yield
      }) : () -> ()
    }
    %scan3A_37 = arith.constant 125 : i32
    %barrier3A_38 = arith.constant 0 : index
    tpu.barrier barrier_id(%barrier3A_38)
    %mul3A_39 = arith.constant 640 : i32
    %mul3A_40 = arith.muli %arg1, %mul3A_39 : i32
    %mul3A_41 = arith.constant 640 : i32
    %mul3A_42 = arith.muli %arg1, %mul3A_41 : i32
    "tpu.region"() ({
      %run_scoped3A = tpu.sem_alloc : memref<!tpu.dma_semaphore, #tpu.memory_space<semaphore_mem>>
      %dma_start3A = arith.constant 0 : i32
      %dma_start3A_43 = tpu.memref_slice %arg5[%arg0, %mul3A_42, %dma_start3A] : memref<2x10240x128xf32, #tpu.memory_space<hbm>> -> memref<1x640x128xf32, #tpu.memory_space<hbm>>
      %dma_start3A_44 = tpu.memref_squeeze %dma_start3A_43 : memref<1x640x128xf32, #tpu.memory_space<hbm>> -> memref<640x128xf32, #tpu.memory_space<hbm>>
      %dma_start3A_45 = arith.constant 0 : i32
      %dma_start3A_46 = tpu.memref_slice %arg8[%mul3A_40, %dma_start3A_45] : memref<10240x128xf32, #tpu.memory_space<vmem_shared>> -> memref<640x128xf32, #tpu.memory_space<vmem_shared>>
      tpu.enqueue_dma source(%dma_start3A_46 : memref<640x128xf32, #tpu.memory_space<vmem_shared>>) target(%dma_start3A_44 : memref<640x128xf32, #tpu.memory_space<hbm>>) target_semaphore(%run_scoped3A : memref<!tpu.dma_semaphore, #tpu.memory_space<semaphore_mem>>)
      %dma_wait3A = arith.constant 0 : i32
      %dma_wait3A_47 = tpu.memref_slice %arg5[%arg0, %mul3A_42, %dma_wait3A] : memref<2x10240x128xf32, #tpu.memory_space<hbm>> -> memref<1x640x128xf32, #tpu.memory_space<hbm>>
      %dma_wait3A_48 = tpu.memref_squeeze %dma_wait3A_47 : memref<1x640x128xf32, #tpu.memory_space<hbm>> -> memref<640x128xf32, #tpu.memory_space<hbm>>
      %dma_wait3A_49 = arith.constant 0 : i32
      %dma_wait3A_50 = tpu.memref_slice %arg8[%mul3A_40, %dma_wait3A_49] : memref<10240x128xf32, #tpu.memory_space<vmem_shared>> -> memref<640x128xf32, #tpu.memory_space<vmem_shared>>
      tpu.wait_dma2 semaphore(%run_scoped3A : memref<!tpu.dma_semaphore, #tpu.memory_space<semaphore_mem>>) src(%dma_wait3A_50 : memref<640x128xf32, #tpu.memory_space<vmem_shared>>) dst(%dma_wait3A_48 : memref<640x128xf32, #tpu.memory_space<hbm>>)
      tpu.yield
    }) : () -> ()
    return
  }
}

#map = affine_map<(d0, d1) -> (0, 0)>
#map1 = affine_map<(d0, d1) -> (0)>
module attributes {stable_mosaic.version = 14 : i64} {
  func.func @run(%arg0: i32, %arg1: i32, %arg2: memref<10000x128xf32, #tpu.memory_space<hbm>>, %arg3: memref<10000x128xf32, #tpu.memory_space<hbm>>, %arg4: memref<320000xi32, #tpu.memory_space<hbm>>, %arg5: memref<320000xi32, #tpu.memory_space<hbm>>, %arg6: memref<320000x128xf32, #tpu.memory_space<hbm>>, %arg7: memref<320000x128xf32, #tpu.memory_space<hbm>>, %arg8: memref<10000xi32, #tpu.memory_space<vmem>>, %arg9: memref<10000xi32, #tpu.memory_space<vmem>>, %arg10: memref<80x128xf32, #tpu.memory_space<vmem>>, %arg11: memref<80x128xf32, #tpu.memory_space<vmem>>, %arg12: memref<!tpu.dma_semaphore, #tpu.memory_space<semaphore_mem>>, %arg13: memref<!tpu.dma_semaphore, #tpu.memory_space<semaphore_mem>>) attributes {dimension_semantics = [#tpu.dimension_semantics<core_parallel>, #tpu.dimension_semantics<subcore_parallel>], iteration_bounds = array<i64: 2, 16>, scalar_prefetch = 0 : i64, scratch_operands = 6 : i64, tpu.core_type = #tpu.core_type<sc_vector_subcore>, window_params = [{transform_indices = #map}, {transform_indices = #map}, {transform_indices = #map1}, {transform_indices = #map1}, {transform_indices = #map}, {transform_indices = #map}]} {
    %mul3A = arith.constant 2 : i32
    %mul3A_0 = arith.muli %arg1, %mul3A : i32
    %add3A = arith.addi %mul3A_0, %arg0 : i32
    %mul3A_1 = arith.constant 10000 : i32
    %mul3A_2 = arith.muli %add3A, %mul3A_1 : i32
    "tpu.region"() ({
      %run_scoped3A = tpu.sem_alloc : memref<!tpu.dma_semaphore, #tpu.memory_space<semaphore_mem>>
      %dma_start3A = tpu.memref_slice %arg4[%mul3A_2] : memref<320000xi32, #tpu.memory_space<hbm>> -> memref<10000xi32, #tpu.memory_space<hbm>>
      %dma_start3A_8 = tpu.memref_slice %arg4[%mul3A_2] : memref<320000xi32, #tpu.memory_space<hbm>> -> memref<10000xi32, #tpu.memory_space<hbm>>
      tpu.enqueue_dma source(%dma_start3A_8 : memref<10000xi32, #tpu.memory_space<hbm>>) target(%arg8 : memref<10000xi32, #tpu.memory_space<vmem>>) target_semaphore(%run_scoped3A : memref<!tpu.dma_semaphore, #tpu.memory_space<semaphore_mem>>)
      %dma_wait3A = tpu.memref_slice %arg4[%mul3A_2] : memref<320000xi32, #tpu.memory_space<hbm>> -> memref<10000xi32, #tpu.memory_space<hbm>>
      %dma_wait3A_9 = tpu.memref_slice %arg4[%mul3A_2] : memref<320000xi32, #tpu.memory_space<hbm>> -> memref<10000xi32, #tpu.memory_space<hbm>>
      tpu.wait_dma2 semaphore(%run_scoped3A : memref<!tpu.dma_semaphore, #tpu.memory_space<semaphore_mem>>) src(%dma_wait3A_9 : memref<10000xi32, #tpu.memory_space<hbm>>) dst(%arg8 : memref<10000xi32, #tpu.memory_space<vmem>>)
      tpu.yield
    }) : () -> ()
    "tpu.region"() ({
      %run_scoped3A = tpu.sem_alloc : memref<!tpu.dma_semaphore, #tpu.memory_space<semaphore_mem>>
      %dma_start3A = tpu.memref_slice %arg5[%mul3A_2] : memref<320000xi32, #tpu.memory_space<hbm>> -> memref<10000xi32, #tpu.memory_space<hbm>>
      %dma_start3A_8 = tpu.memref_slice %arg5[%mul3A_2] : memref<320000xi32, #tpu.memory_space<hbm>> -> memref<10000xi32, #tpu.memory_space<hbm>>
      tpu.enqueue_dma source(%dma_start3A_8 : memref<10000xi32, #tpu.memory_space<hbm>>) target(%arg9 : memref<10000xi32, #tpu.memory_space<vmem>>) target_semaphore(%run_scoped3A : memref<!tpu.dma_semaphore, #tpu.memory_space<semaphore_mem>>)
      %dma_wait3A = tpu.memref_slice %arg5[%mul3A_2] : memref<320000xi32, #tpu.memory_space<hbm>> -> memref<10000xi32, #tpu.memory_space<hbm>>
      %dma_wait3A_9 = tpu.memref_slice %arg5[%mul3A_2] : memref<320000xi32, #tpu.memory_space<hbm>> -> memref<10000xi32, #tpu.memory_space<hbm>>
      tpu.wait_dma2 semaphore(%run_scoped3A : memref<!tpu.dma_semaphore, #tpu.memory_space<semaphore_mem>>) src(%dma_wait3A_9 : memref<10000xi32, #tpu.memory_space<hbm>>) dst(%arg9 : memref<10000xi32, #tpu.memory_space<vmem>>)
      tpu.yield
    }) : () -> ()
    %scan3A = arith.constant 0 : i32
    %scan3A_3 = arith.constant 0 : i32
    %scan3A_4 = arith.constant 125 : i32
    %scan3A_5 = arith.addi %scan3A_3, %scan3A_4 : i32
    %scan3A_6 = arith.constant 1 : i32
    scf.for %scan3A_8 = %scan3A_3 to %scan3A_5 step %scan3A_6  : i32 {
      %mul3A_9 = arith.constant 80 : i32
      %mul3A_10 = arith.muli %scan3A_8, %mul3A_9 : i32
      %dma_start3A = tpu.memref_slice %arg8[%mul3A_10] : memref<10000xi32, #tpu.memory_space<vmem>> -> memref<80xi32, #tpu.memory_space<vmem>>
      %dma_start3A_11 = arith.constant 0 : i32
      %dma_start3A_12 = arith.constant 0 : i32
      %dma_start3A_13 = tpu.memref_slice %arg2[%dma_start3A_11, %dma_start3A_12] : memref<10000x128xf32, #tpu.memory_space<hbm>> -> memref<10000x128xf32, #tpu.memory_space<hbm>>
      tpu.enqueue_indirect_dma source(%dma_start3A_13 : memref<10000x128xf32, #tpu.memory_space<hbm>>) target(%arg10 : memref<80x128xf32, #tpu.memory_space<vmem>>) offsets(%dma_start3A : memref<80xi32, #tpu.memory_space<vmem>>) semaphore(%arg12 : memref<!tpu.dma_semaphore, #tpu.memory_space<semaphore_mem>>)
      %dma_start3A_14 = tpu.memref_slice %arg9[%mul3A_10] : memref<10000xi32, #tpu.memory_space<vmem>> -> memref<80xi32, #tpu.memory_space<vmem>>
      %dma_start3A_15 = arith.constant 0 : i32
      %dma_start3A_16 = arith.constant 0 : i32
      %dma_start3A_17 = tpu.memref_slice %arg3[%dma_start3A_15, %dma_start3A_16] : memref<10000x128xf32, #tpu.memory_space<hbm>> -> memref<10000x128xf32, #tpu.memory_space<hbm>>
      tpu.enqueue_indirect_dma source(%dma_start3A_17 : memref<10000x128xf32, #tpu.memory_space<hbm>>) target(%arg11 : memref<80x128xf32, #tpu.memory_space<vmem>>) offsets(%dma_start3A_14 : memref<80xi32, #tpu.memory_space<vmem>>) semaphore(%arg13 : memref<!tpu.dma_semaphore, #tpu.memory_space<semaphore_mem>>)
      %dma_wait3A = tpu.memref_slice %arg8[%mul3A_10] : memref<10000xi32, #tpu.memory_space<vmem>> -> memref<80xi32, #tpu.memory_space<vmem>>
      %dma_wait3A_18 = arith.constant 0 : i32
      %dma_wait3A_19 = arith.constant 0 : i32
      %dma_wait3A_20 = tpu.memref_slice %arg2[%dma_wait3A_18, %dma_wait3A_19] : memref<10000x128xf32, #tpu.memory_space<hbm>> -> memref<10000x128xf32, #tpu.memory_space<hbm>>
      tpu.wait_indirect_dma semaphore(%arg12 : memref<!tpu.dma_semaphore, #tpu.memory_space<semaphore_mem>>) src(%dma_wait3A_20 : memref<10000x128xf32, #tpu.memory_space<hbm>>) dst(%arg10 : memref<80x128xf32, #tpu.memory_space<vmem>>)
      %dma_wait3A_21 = tpu.memref_slice %arg9[%mul3A_10] : memref<10000xi32, #tpu.memory_space<vmem>> -> memref<80xi32, #tpu.memory_space<vmem>>
      %dma_wait3A_22 = arith.constant 0 : i32
      %dma_wait3A_23 = arith.constant 0 : i32
      %dma_wait3A_24 = tpu.memref_slice %arg3[%dma_wait3A_22, %dma_wait3A_23] : memref<10000x128xf32, #tpu.memory_space<hbm>> -> memref<10000x128xf32, #tpu.memory_space<hbm>>
      tpu.wait_indirect_dma semaphore(%arg13 : memref<!tpu.dma_semaphore, #tpu.memory_space<semaphore_mem>>) src(%dma_wait3A_24 : memref<10000x128xf32, #tpu.memory_space<hbm>>) dst(%arg11 : memref<80x128xf32, #tpu.memory_space<vmem>>)
      %add3A_25 = arith.addi %mul3A_2, %mul3A_10 : i32
      "tpu.region"() ({
        %run_scoped3A = tpu.sem_alloc : memref<!tpu.dma_semaphore, #tpu.memory_space<semaphore_mem>>
        %dma_start3A_27 = arith.constant 0 : i32
        %dma_start3A_28 = tpu.memref_slice %arg6[%add3A_25, %dma_start3A_27] : memref<320000x128xf32, #tpu.memory_space<hbm>> -> memref<80x128xf32, #tpu.memory_space<hbm>>
        %dma_start3A_29 = arith.constant 0 : i32
        %dma_start3A_30 = tpu.memref_slice %arg6[%add3A_25, %dma_start3A_29] : memref<320000x128xf32, #tpu.memory_space<hbm>> -> memref<80x128xf32, #tpu.memory_space<hbm>>
        tpu.enqueue_dma source(%arg10 : memref<80x128xf32, #tpu.memory_space<vmem>>) target(%dma_start3A_30 : memref<80x128xf32, #tpu.memory_space<hbm>>) target_semaphore(%run_scoped3A : memref<!tpu.dma_semaphore, #tpu.memory_space<semaphore_mem>>)
        %dma_wait3A_31 = arith.constant 0 : i32
        %dma_wait3A_32 = tpu.memref_slice %arg6[%add3A_25, %dma_wait3A_31] : memref<320000x128xf32, #tpu.memory_space<hbm>> -> memref<80x128xf32, #tpu.memory_space<hbm>>
        %dma_wait3A_33 = arith.constant 0 : i32
        %dma_wait3A_34 = tpu.memref_slice %arg6[%add3A_25, %dma_wait3A_33] : memref<320000x128xf32, #tpu.memory_space<hbm>> -> memref<80x128xf32, #tpu.memory_space<hbm>>
        tpu.wait_dma2 semaphore(%run_scoped3A : memref<!tpu.dma_semaphore, #tpu.memory_space<semaphore_mem>>) src(%arg10 : memref<80x128xf32, #tpu.memory_space<vmem>>) dst(%dma_wait3A_34 : memref<80x128xf32, #tpu.memory_space<hbm>>)
        tpu.yield
      }) : () -> ()
      %add3A_26 = arith.addi %mul3A_2, %mul3A_10 : i32
      "tpu.region"() ({
        %run_scoped3A = tpu.sem_alloc : memref<!tpu.dma_semaphore, #tpu.memory_space<semaphore_mem>>
        %dma_start3A_27 = arith.constant 0 : i32
        %dma_start3A_28 = tpu.memref_slice %arg7[%add3A_26, %dma_start3A_27] : memref<320000x128xf32, #tpu.memory_space<hbm>> -> memref<80x128xf32, #tpu.memory_space<hbm>>
        %dma_start3A_29 = arith.constant 0 : i32
        %dma_start3A_30 = tpu.memref_slice %arg7[%add3A_26, %dma_start3A_29] : memref<320000x128xf32, #tpu.memory_space<hbm>> -> memref<80x128xf32, #tpu.memory_space<hbm>>
        tpu.enqueue_dma source(%arg11 : memref<80x128xf32, #tpu.memory_space<vmem>>) target(%dma_start3A_30 : memref<80x128xf32, #tpu.memory_space<hbm>>) target_semaphore(%run_scoped3A : memref<!tpu.dma_semaphore, #tpu.memory_space<semaphore_mem>>)
        %dma_wait3A_31 = arith.constant 0 : i32
        %dma_wait3A_32 = tpu.memref_slice %arg7[%add3A_26, %dma_wait3A_31] : memref<320000x128xf32, #tpu.memory_space<hbm>> -> memref<80x128xf32, #tpu.memory_space<hbm>>
        %dma_wait3A_33 = arith.constant 0 : i32
        %dma_wait3A_34 = tpu.memref_slice %arg7[%add3A_26, %dma_wait3A_33] : memref<320000x128xf32, #tpu.memory_space<hbm>> -> memref<80x128xf32, #tpu.memory_space<hbm>>
        tpu.wait_dma2 semaphore(%run_scoped3A : memref<!tpu.dma_semaphore, #tpu.memory_space<semaphore_mem>>) src(%arg11 : memref<80x128xf32, #tpu.memory_space<vmem>>) dst(%dma_wait3A_34 : memref<80x128xf32, #tpu.memory_space<hbm>>)
        tpu.yield
      }) : () -> ()
    }
    %scan3A_7 = arith.constant 125 : i32
    return
  }
}

#map = affine_map<(d0, d1) -> (0, 0)>
#map1 = affine_map<(d0, d1) -> (0)>
module attributes {stable_mosaic.version = 14 : i64} {
  func.func @run(%arg0: i32, %arg1: i32, %arg2: memref<10000x128xf32, #tpu.memory_space<hbm>>, %arg3: memref<10000x128xf32, #tpu.memory_space<hbm>>, %arg4: memref<320000xi32, #tpu.memory_space<hbm>>, %arg5: memref<320000xi32, #tpu.memory_space<hbm>>, %arg6: memref<320000x128xf32, #tpu.memory_space<hbm>>, %arg7: memref<320000x128xf32, #tpu.memory_space<hbm>>, %arg8: memref<10000xi32, #tpu.memory_space<vmem>>, %arg9: memref<10000xi32, #tpu.memory_space<vmem>>, %arg10: memref<80x128xf32, #tpu.memory_space<vmem>>, %arg11: memref<80x128xf32, #tpu.memory_space<vmem>>, %arg12: memref<!tpu.dma_semaphore, #tpu.memory_space<semaphore_mem>>, %arg13: memref<!tpu.dma_semaphore, #tpu.memory_space<semaphore_mem>>) attributes {dimension_semantics = [#tpu.dimension_semantics<core_parallel>, #tpu.dimension_semantics<subcore_parallel>], iteration_bounds = array<i64: 2, 16>, scalar_prefetch = 0 : i64, scratch_operands = 6 : i64, tpu.core_type = #tpu.core_type<sc_vector_subcore>, window_params = [{transform_indices = #map}, {transform_indices = #map}, {transform_indices = #map1}, {transform_indices = #map1}, {transform_indices = #map}, {transform_indices = #map}]} {
    %mul3A = arith.constant 2 : i32
    %mul3A_0 = arith.muli %arg1, %mul3A : i32
    %add3A = arith.addi %mul3A_0, %arg0 : i32
    %mul3A_1 = arith.constant 10000 : i32
    %mul3A_2 = arith.muli %add3A, %mul3A_1 : i32
    "tpu.region"() ({
      %run_scoped3A = tpu.sem_alloc : memref<!tpu.dma_semaphore, #tpu.memory_space<semaphore_mem>>
      %dma_start3A = tpu.memref_slice %arg4[%mul3A_2] : memref<320000xi32, #tpu.memory_space<hbm>> -> memref<10000xi32, #tpu.memory_space<hbm>>
      %dma_start3A_8 = tpu.memref_slice %arg4[%mul3A_2] : memref<320000xi32, #tpu.memory_space<hbm>> -> memref<10000xi32, #tpu.memory_space<hbm>>
      tpu.enqueue_dma source(%dma_start3A_8 : memref<10000xi32, #tpu.memory_space<hbm>>) target(%arg8 : memref<10000xi32, #tpu.memory_space<vmem>>) target_semaphore(%run_scoped3A : memref<!tpu.dma_semaphore, #tpu.memory_space<semaphore_mem>>)
      %dma_wait3A = tpu.memref_slice %arg4[%mul3A_2] : memref<320000xi32, #tpu.memory_space<hbm>> -> memref<10000xi32, #tpu.memory_space<hbm>>
      %dma_wait3A_9 = tpu.memref_slice %arg4[%mul3A_2] : memref<320000xi32, #tpu.memory_space<hbm>> -> memref<10000xi32, #tpu.memory_space<hbm>>
      tpu.wait_dma2 semaphore(%run_scoped3A : memref<!tpu.dma_semaphore, #tpu.memory_space<semaphore_mem>>) src(%dma_wait3A_9 : memref<10000xi32, #tpu.memory_space<hbm>>) dst(%arg8 : memref<10000xi32, #tpu.memory_space<vmem>>)
      tpu.yield
    }) : () -> ()
    "tpu.region"() ({
      %run_scoped3A = tpu.sem_alloc : memref<!tpu.dma_semaphore, #tpu.memory_space<semaphore_mem>>
      %dma_start3A = tpu.memref_slice %arg5[%mul3A_2] : memref<320000xi32, #tpu.memory_space<hbm>> -> memref<10000xi32, #tpu.memory_space<hbm>>
      %dma_start3A_8 = tpu.memref_slice %arg5[%mul3A_2] : memref<320000xi32, #tpu.memory_space<hbm>> -> memref<10000xi32, #tpu.memory_space<hbm>>
      tpu.enqueue_dma source(%dma_start3A_8 : memref<10000xi32, #tpu.memory_space<hbm>>) target(%arg9 : memref<10000xi32, #tpu.memory_space<vmem>>) target_semaphore(%run_scoped3A : memref<!tpu.dma_semaphore, #tpu.memory_space<semaphore_mem>>)
      %dma_wait3A = tpu.memref_slice %arg5[%mul3A_2] : memref<320000xi32, #tpu.memory_space<hbm>> -> memref<10000xi32, #tpu.memory_space<hbm>>
      %dma_wait3A_9 = tpu.memref_slice %arg5[%mul3A_2] : memref<320000xi32, #tpu.memory_space<hbm>> -> memref<10000xi32, #tpu.memory_space<hbm>>
      tpu.wait_dma2 semaphore(%run_scoped3A : memref<!tpu.dma_semaphore, #tpu.memory_space<semaphore_mem>>) src(%dma_wait3A_9 : memref<10000xi32, #tpu.memory_space<hbm>>) dst(%arg9 : memref<10000xi32, #tpu.memory_space<vmem>>)
      tpu.yield
    }) : () -> ()
    %scan3A = arith.constant 0 : i32
    %scan3A_3 = arith.constant 0 : i32
    %scan3A_4 = arith.constant 125 : i32
    %scan3A_5 = arith.addi %scan3A_3, %scan3A_4 : i32
    %scan3A_6 = arith.constant 1 : i32
    scf.for %scan3A_8 = %scan3A_3 to %scan3A_5 step %scan3A_6  : i32 {
      %mul3A_9 = arith.constant 80 : i32
      %mul3A_10 = arith.muli %scan3A_8, %mul3A_9 : i32
      %dma_start3A = tpu.memref_slice %arg8[%mul3A_10] : memref<10000xi32, #tpu.memory_space<vmem>> -> memref<80xi32, #tpu.memory_space<vmem>>
      %dma_start3A_11 = arith.constant 0 : i32
      %dma_start3A_12 = arith.constant 0 : i32
      %dma_start3A_13 = tpu.memref_slice %arg2[%dma_start3A_11, %dma_start3A_12] : memref<10000x128xf32, #tpu.memory_space<hbm>> -> memref<10000x128xf32, #tpu.memory_space<hbm>>
      tpu.enqueue_indirect_dma source(%dma_start3A_13 : memref<10000x128xf32, #tpu.memory_space<hbm>>) target(%arg10 : memref<80x128xf32, #tpu.memory_space<vmem>>) offsets(%dma_start3A : memref<80xi32, #tpu.memory_space<vmem>>) semaphore(%arg12 : memref<!tpu.dma_semaphore, #tpu.memory_space<semaphore_mem>>)
      %dma_start3A_14 = tpu.memref_slice %arg9[%mul3A_10] : memref<10000xi32, #tpu.memory_space<vmem>> -> memref<80xi32, #tpu.memory_space<vmem>>
      %dma_start3A_15 = arith.constant 0 : i32
      %dma_start3A_16 = arith.constant 0 : i32
      %dma_start3A_17 = tpu.memref_slice %arg3[%dma_start3A_15, %dma_start3A_16] : memref<10000x128xf32, #tpu.memory_space<hbm>> -> memref<10000x128xf32, #tpu.memory_space<hbm>>
      tpu.enqueue_indirect_dma source(%dma_start3A_17 : memref<10000x128xf32, #tpu.memory_space<hbm>>) target(%arg11 : memref<80x128xf32, #tpu.memory_space<vmem>>) offsets(%dma_start3A_14 : memref<80xi32, #tpu.memory_space<vmem>>) semaphore(%arg13 : memref<!tpu.dma_semaphore, #tpu.memory_space<semaphore_mem>>)
      %dma_wait3A = tpu.memref_slice %arg8[%mul3A_10] : memref<10000xi32, #tpu.memory_space<vmem>> -> memref<80xi32, #tpu.memory_space<vmem>>
      %dma_wait3A_18 = arith.constant 0 : i32
      %dma_wait3A_19 = arith.constant 0 : i32
      %dma_wait3A_20 = tpu.memref_slice %arg2[%dma_wait3A_18, %dma_wait3A_19] : memref<10000x128xf32, #tpu.memory_space<hbm>> -> memref<10000x128xf32, #tpu.memory_space<hbm>>
      tpu.wait_indirect_dma semaphore(%arg12 : memref<!tpu.dma_semaphore, #tpu.memory_space<semaphore_mem>>) src(%dma_wait3A_20 : memref<10000x128xf32, #tpu.memory_space<hbm>>) dst(%arg10 : memref<80x128xf32, #tpu.memory_space<vmem>>)
      %dma_wait3A_21 = tpu.memref_slice %arg9[%mul3A_10] : memref<10000xi32, #tpu.memory_space<vmem>> -> memref<80xi32, #tpu.memory_space<vmem>>
      %dma_wait3A_22 = arith.constant 0 : i32
      %dma_wait3A_23 = arith.constant 0 : i32
      %dma_wait3A_24 = tpu.memref_slice %arg3[%dma_wait3A_22, %dma_wait3A_23] : memref<10000x128xf32, #tpu.memory_space<hbm>> -> memref<10000x128xf32, #tpu.memory_space<hbm>>
      tpu.wait_indirect_dma semaphore(%arg13 : memref<!tpu.dma_semaphore, #tpu.memory_space<semaphore_mem>>) src(%dma_wait3A_24 : memref<10000x128xf32, #tpu.memory_space<hbm>>) dst(%arg11 : memref<80x128xf32, #tpu.memory_space<vmem>>)
      %add3A_25 = arith.addi %mul3A_2, %mul3A_10 : i32
      "tpu.region"() ({
        %run_scoped3A = tpu.sem_alloc : memref<!tpu.dma_semaphore, #tpu.memory_space<semaphore_mem>>
        %dma_start3A_27 = arith.constant 0 : i32
        %dma_start3A_28 = tpu.memref_slice %arg6[%add3A_25, %dma_start3A_27] : memref<320000x128xf32, #tpu.memory_space<hbm>> -> memref<80x128xf32, #tpu.memory_space<hbm>>
        %dma_start3A_29 = arith.constant 0 : i32
        %dma_start3A_30 = tpu.memref_slice %arg6[%add3A_25, %dma_start3A_29] : memref<320000x128xf32, #tpu.memory_space<hbm>> -> memref<80x128xf32, #tpu.memory_space<hbm>>
        tpu.enqueue_dma source(%arg10 : memref<80x128xf32, #tpu.memory_space<vmem>>) target(%dma_start3A_30 : memref<80x128xf32, #tpu.memory_space<hbm>>) target_semaphore(%run_scoped3A : memref<!tpu.dma_semaphore, #tpu.memory_space<semaphore_mem>>)
        %dma_wait3A_31 = arith.constant 0 : i32
        %dma_wait3A_32 = tpu.memref_slice %arg6[%add3A_25, %dma_wait3A_31] : memref<320000x128xf32, #tpu.memory_space<hbm>> -> memref<80x128xf32, #tpu.memory_space<hbm>>
        %dma_wait3A_33 = arith.constant 0 : i32
        %dma_wait3A_34 = tpu.memref_slice %arg6[%add3A_25, %dma_wait3A_33] : memref<320000x128xf32, #tpu.memory_space<hbm>> -> memref<80x128xf32, #tpu.memory_space<hbm>>
        tpu.wait_dma2 semaphore(%run_scoped3A : memref<!tpu.dma_semaphore, #tpu.memory_space<semaphore_mem>>) src(%arg10 : memref<80x128xf32, #tpu.memory_space<vmem>>) dst(%dma_wait3A_34 : memref<80x128xf32, #tpu.memory_space<hbm>>)
        tpu.yield
      }) : () -> ()
      %add3A_26 = arith.addi %mul3A_2, %mul3A_10 : i32
      "tpu.region"() ({
        %run_scoped3A = tpu.sem_alloc : memref<!tpu.dma_semaphore, #tpu.memory_space<semaphore_mem>>
        %dma_start3A_27 = arith.constant 0 : i32
        %dma_start3A_28 = tpu.memref_slice %arg7[%add3A_26, %dma_start3A_27] : memref<320000x128xf32, #tpu.memory_space<hbm>> -> memref<80x128xf32, #tpu.memory_space<hbm>>
        %dma_start3A_29 = arith.constant 0 : i32
        %dma_start3A_30 = tpu.memref_slice %arg7[%add3A_26, %dma_start3A_29] : memref<320000x128xf32, #tpu.memory_space<hbm>> -> memref<80x128xf32, #tpu.memory_space<hbm>>
        tpu.enqueue_dma source(%arg11 : memref<80x128xf32, #tpu.memory_space<vmem>>) target(%dma_start3A_30 : memref<80x128xf32, #tpu.memory_space<hbm>>) target_semaphore(%run_scoped3A : memref<!tpu.dma_semaphore, #tpu.memory_space<semaphore_mem>>)
        %dma_wait3A_31 = arith.constant 0 : i32
        %dma_wait3A_32 = tpu.memref_slice %arg7[%add3A_26, %dma_wait3A_31] : memref<320000x128xf32, #tpu.memory_space<hbm>> -> memref<80x128xf32, #tpu.memory_space<hbm>>
        %dma_wait3A_33 = arith.constant 0 : i32
        %dma_wait3A_34 = tpu.memref_slice %arg7[%add3A_26, %dma_wait3A_33] : memref<320000x128xf32, #tpu.memory_space<hbm>> -> memref<80x128xf32, #tpu.memory_space<hbm>>
        tpu.wait_dma2 semaphore(%run_scoped3A : memref<!tpu.dma_semaphore, #tpu.memory_space<semaphore_mem>>) src(%arg11 : memref<80x128xf32, #tpu.memory_space<vmem>>) dst(%dma_wait3A_34 : memref<80x128xf32, #tpu.memory_space<hbm>>)
        tpu.yield
      }) : () -> ()
    }
    %scan3A_7 = arith.constant 125 : i32
    return
  }
}

#map = affine_map<(d0, d1) -> (0, 0)>
#map1 = affine_map<(d0, d1) -> (0)>
#map2 = affine_map<(d0, d1) -> (0, 0, 0)>
module attributes {stable_mosaic.version = 14 : i64} {
  func.func @run(%arg0: i32, %arg1: i32, %arg2: memref<320000x128xf32, #tpu.memory_space<hbm>>, %arg3: memref<320000xi32, #tpu.memory_space<hbm>>, %arg4: memref<80x128xf32, #tpu.memory_space<hbm>>, %arg5: memref<2x10240x128xf32, #tpu.memory_space<hbm>>, %arg6: memref<80xi32, #tpu.memory_space<vmem>>, %arg7: memref<80x128xf32, #tpu.memory_space<vmem>>, %arg8: memref<10240x128xf32, #tpu.memory_space<vmem_shared>>) attributes {dimension_semantics = [#tpu.dimension_semantics<core_parallel>, #tpu.dimension_semantics<subcore_parallel>], iteration_bounds = array<i64: 2, 16>, scalar_prefetch = 0 : i64, scratch_operands = 3 : i64, tpu.core_type = #tpu.core_type<sc_vector_subcore>, window_params = [{transform_indices = #map}, {transform_indices = #map1}, {transform_indices = #map}, {transform_indices = #map2}]} {
    %mul3A = arith.constant 2 : i32
    %mul3A_0 = arith.muli %arg1, %mul3A : i32
    %add3A = arith.addi %mul3A_0, %arg0 : i32
    "tpu.region"() ({
      %run_scoped3A = tpu.sem_alloc : memref<!tpu.dma_semaphore, #tpu.memory_space<semaphore_mem>>
      tpu.enqueue_dma source(%arg4 : memref<80x128xf32, #tpu.memory_space<hbm>>) target(%arg7 : memref<80x128xf32, #tpu.memory_space<vmem>>) target_semaphore(%run_scoped3A : memref<!tpu.dma_semaphore, #tpu.memory_space<semaphore_mem>>)
      tpu.wait_dma2 semaphore(%run_scoped3A : memref<!tpu.dma_semaphore, #tpu.memory_space<semaphore_mem>>) src(%arg4 : memref<80x128xf32, #tpu.memory_space<hbm>>) dst(%arg7 : memref<80x128xf32, #tpu.memory_space<vmem>>)
      tpu.yield
    }) : () -> ()
    %mul3A_1 = arith.constant 640 : i32
    %mul3A_2 = arith.muli %arg1, %mul3A_1 : i32
    %add3A_3 = arith.constant 0 : i32
    %add3A_4 = arith.addi %mul3A_2, %add3A_3 : i32
    "tpu.region"() ({
      %run_scoped3A = tpu.sem_alloc : memref<!tpu.dma_semaphore, #tpu.memory_space<semaphore_mem>>
      %dma_start3A = arith.constant 0 : i32
      %dma_start3A_43 = tpu.memref_slice %arg8[%add3A_4, %dma_start3A] : memref<10240x128xf32, #tpu.memory_space<vmem_shared>> -> memref<80x128xf32, #tpu.memory_space<vmem_shared>>
      %dma_start3A_44 = arith.constant 0 : i32
      %dma_start3A_45 = tpu.memref_slice %arg8[%add3A_4, %dma_start3A_44] : memref<10240x128xf32, #tpu.memory_space<vmem_shared>> -> memref<80x128xf32, #tpu.memory_space<vmem_shared>>
      tpu.enqueue_dma source(%arg7 : memref<80x128xf32, #tpu.memory_space<vmem>>) target(%dma_start3A_45 : memref<80x128xf32, #tpu.memory_space<vmem_shared>>) target_semaphore(%run_scoped3A : memref<!tpu.dma_semaphore, #tpu.memory_space<semaphore_mem>>)
      %dma_wait3A = arith.constant 0 : i32
      %dma_wait3A_46 = tpu.memref_slice %arg8[%add3A_4, %dma_wait3A] : memref<10240x128xf32, #tpu.memory_space<vmem_shared>> -> memref<80x128xf32, #tpu.memory_space<vmem_shared>>
      %dma_wait3A_47 = arith.constant 0 : i32
      %dma_wait3A_48 = tpu.memref_slice %arg8[%add3A_4, %dma_wait3A_47] : memref<10240x128xf32, #tpu.memory_space<vmem_shared>> -> memref<80x128xf32, #tpu.memory_space<vmem_shared>>
      tpu.wait_dma2 semaphore(%run_scoped3A : memref<!tpu.dma_semaphore, #tpu.memory_space<semaphore_mem>>) src(%arg7 : memref<80x128xf32, #tpu.memory_space<vmem>>) dst(%dma_wait3A_48 : memref<80x128xf32, #tpu.memory_space<vmem_shared>>)
      tpu.yield
    }) : () -> ()
    %mul3A_5 = arith.constant 640 : i32
    %mul3A_6 = arith.muli %arg1, %mul3A_5 : i32
    %add3A_7 = arith.constant 80 : i32
    %add3A_8 = arith.addi %mul3A_6, %add3A_7 : i32
    "tpu.region"() ({
      %run_scoped3A = tpu.sem_alloc : memref<!tpu.dma_semaphore, #tpu.memory_space<semaphore_mem>>
      %dma_start3A = arith.constant 0 : i32
      %dma_start3A_43 = tpu.memref_slice %arg8[%add3A_8, %dma_start3A] : memref<10240x128xf32, #tpu.memory_space<vmem_shared>> -> memref<80x128xf32, #tpu.memory_space<vmem_shared>>
      %dma_start3A_44 = arith.constant 0 : i32
      %dma_start3A_45 = tpu.memref_slice %arg8[%add3A_8, %dma_start3A_44] : memref<10240x128xf32, #tpu.memory_space<vmem_shared>> -> memref<80x128xf32, #tpu.memory_space<vmem_shared>>
      tpu.enqueue_dma source(%arg7 : memref<80x128xf32, #tpu.memory_space<vmem>>) target(%dma_start3A_45 : memref<80x128xf32, #tpu.memory_space<vmem_shared>>) target_semaphore(%run_scoped3A : memref<!tpu.dma_semaphore, #tpu.memory_space<semaphore_mem>>)
      %dma_wait3A = arith.constant 0 : i32
      %dma_wait3A_46 = tpu.memref_slice %arg8[%add3A_8, %dma_wait3A] : memref<10240x128xf32, #tpu.memory_space<vmem_shared>> -> memref<80x128xf32, #tpu.memory_space<vmem_shared>>
      %dma_wait3A_47 = arith.constant 0 : i32
      %dma_wait3A_48 = tpu.memref_slice %arg8[%add3A_8, %dma_wait3A_47] : memref<10240x128xf32, #tpu.memory_space<vmem_shared>> -> memref<80x128xf32, #tpu.memory_space<vmem_shared>>
      tpu.wait_dma2 semaphore(%run_scoped3A : memref<!tpu.dma_semaphore, #tpu.memory_space<semaphore_mem>>) src(%arg7 : memref<80x128xf32, #tpu.memory_space<vmem>>) dst(%dma_wait3A_48 : memref<80x128xf32, #tpu.memory_space<vmem_shared>>)
      tpu.yield
    }) : () -> ()
    %mul3A_9 = arith.constant 640 : i32
    %mul3A_10 = arith.muli %arg1, %mul3A_9 : i32
    %add3A_11 = arith.constant 160 : i32
    %add3A_12 = arith.addi %mul3A_10, %add3A_11 : i32
    "tpu.region"() ({
      %run_scoped3A = tpu.sem_alloc : memref<!tpu.dma_semaphore, #tpu.memory_space<semaphore_mem>>
      %dma_start3A = arith.constant 0 : i32
      %dma_start3A_43 = tpu.memref_slice %arg8[%add3A_12, %dma_start3A] : memref<10240x128xf32, #tpu.memory_space<vmem_shared>> -> memref<80x128xf32, #tpu.memory_space<vmem_shared>>
      %dma_start3A_44 = arith.constant 0 : i32
      %dma_start3A_45 = tpu.memref_slice %arg8[%add3A_12, %dma_start3A_44] : memref<10240x128xf32, #tpu.memory_space<vmem_shared>> -> memref<80x128xf32, #tpu.memory_space<vmem_shared>>
      tpu.enqueue_dma source(%arg7 : memref<80x128xf32, #tpu.memory_space<vmem>>) target(%dma_start3A_45 : memref<80x128xf32, #tpu.memory_space<vmem_shared>>) target_semaphore(%run_scoped3A : memref<!tpu.dma_semaphore, #tpu.memory_space<semaphore_mem>>)
      %dma_wait3A = arith.constant 0 : i32
      %dma_wait3A_46 = tpu.memref_slice %arg8[%add3A_12, %dma_wait3A] : memref<10240x128xf32, #tpu.memory_space<vmem_shared>> -> memref<80x128xf32, #tpu.memory_space<vmem_shared>>
      %dma_wait3A_47 = arith.constant 0 : i32
      %dma_wait3A_48 = tpu.memref_slice %arg8[%add3A_12, %dma_wait3A_47] : memref<10240x128xf32, #tpu.memory_space<vmem_shared>> -> memref<80x128xf32, #tpu.memory_space<vmem_shared>>
      tpu.wait_dma2 semaphore(%run_scoped3A : memref<!tpu.dma_semaphore, #tpu.memory_space<semaphore_mem>>) src(%arg7 : memref<80x128xf32, #tpu.memory_space<vmem>>) dst(%dma_wait3A_48 : memref<80x128xf32, #tpu.memory_space<vmem_shared>>)
      tpu.yield
    }) : () -> ()
    %mul3A_13 = arith.constant 640 : i32
    %mul3A_14 = arith.muli %arg1, %mul3A_13 : i32
    %add3A_15 = arith.constant 240 : i32
    %add3A_16 = arith.addi %mul3A_14, %add3A_15 : i32
    "tpu.region"() ({
      %run_scoped3A = tpu.sem_alloc : memref<!tpu.dma_semaphore, #tpu.memory_space<semaphore_mem>>
      %dma_start3A = arith.constant 0 : i32
      %dma_start3A_43 = tpu.memref_slice %arg8[%add3A_16, %dma_start3A] : memref<10240x128xf32, #tpu.memory_space<vmem_shared>> -> memref<80x128xf32, #tpu.memory_space<vmem_shared>>
      %dma_start3A_44 = arith.constant 0 : i32
      %dma_start3A_45 = tpu.memref_slice %arg8[%add3A_16, %dma_start3A_44] : memref<10240x128xf32, #tpu.memory_space<vmem_shared>> -> memref<80x128xf32, #tpu.memory_space<vmem_shared>>
      tpu.enqueue_dma source(%arg7 : memref<80x128xf32, #tpu.memory_space<vmem>>) target(%dma_start3A_45 : memref<80x128xf32, #tpu.memory_space<vmem_shared>>) target_semaphore(%run_scoped3A : memref<!tpu.dma_semaphore, #tpu.memory_space<semaphore_mem>>)
      %dma_wait3A = arith.constant 0 : i32
      %dma_wait3A_46 = tpu.memref_slice %arg8[%add3A_16, %dma_wait3A] : memref<10240x128xf32, #tpu.memory_space<vmem_shared>> -> memref<80x128xf32, #tpu.memory_space<vmem_shared>>
      %dma_wait3A_47 = arith.constant 0 : i32
      %dma_wait3A_48 = tpu.memref_slice %arg8[%add3A_16, %dma_wait3A_47] : memref<10240x128xf32, #tpu.memory_space<vmem_shared>> -> memref<80x128xf32, #tpu.memory_space<vmem_shared>>
      tpu.wait_dma2 semaphore(%run_scoped3A : memref<!tpu.dma_semaphore, #tpu.memory_space<semaphore_mem>>) src(%arg7 : memref<80x128xf32, #tpu.memory_space<vmem>>) dst(%dma_wait3A_48 : memref<80x128xf32, #tpu.memory_space<vmem_shared>>)
      tpu.yield
    }) : () -> ()
    %mul3A_17 = arith.constant 640 : i32
    %mul3A_18 = arith.muli %arg1, %mul3A_17 : i32
    %add3A_19 = arith.constant 320 : i32
    %add3A_20 = arith.addi %mul3A_18, %add3A_19 : i32
    "tpu.region"() ({
      %run_scoped3A = tpu.sem_alloc : memref<!tpu.dma_semaphore, #tpu.memory_space<semaphore_mem>>
      %dma_start3A = arith.constant 0 : i32
      %dma_start3A_43 = tpu.memref_slice %arg8[%add3A_20, %dma_start3A] : memref<10240x128xf32, #tpu.memory_space<vmem_shared>> -> memref<80x128xf32, #tpu.memory_space<vmem_shared>>
      %dma_start3A_44 = arith.constant 0 : i32
      %dma_start3A_45 = tpu.memref_slice %arg8[%add3A_20, %dma_start3A_44] : memref<10240x128xf32, #tpu.memory_space<vmem_shared>> -> memref<80x128xf32, #tpu.memory_space<vmem_shared>>
      tpu.enqueue_dma source(%arg7 : memref<80x128xf32, #tpu.memory_space<vmem>>) target(%dma_start3A_45 : memref<80x128xf32, #tpu.memory_space<vmem_shared>>) target_semaphore(%run_scoped3A : memref<!tpu.dma_semaphore, #tpu.memory_space<semaphore_mem>>)
      %dma_wait3A = arith.constant 0 : i32
      %dma_wait3A_46 = tpu.memref_slice %arg8[%add3A_20, %dma_wait3A] : memref<10240x128xf32, #tpu.memory_space<vmem_shared>> -> memref<80x128xf32, #tpu.memory_space<vmem_shared>>
      %dma_wait3A_47 = arith.constant 0 : i32
      %dma_wait3A_48 = tpu.memref_slice %arg8[%add3A_20, %dma_wait3A_47] : memref<10240x128xf32, #tpu.memory_space<vmem_shared>> -> memref<80x128xf32, #tpu.memory_space<vmem_shared>>
      tpu.wait_dma2 semaphore(%run_scoped3A : memref<!tpu.dma_semaphore, #tpu.memory_space<semaphore_mem>>) src(%arg7 : memref<80x128xf32, #tpu.memory_space<vmem>>) dst(%dma_wait3A_48 : memref<80x128xf32, #tpu.memory_space<vmem_shared>>)
      tpu.yield
    }) : () -> ()
    %mul3A_21 = arith.constant 640 : i32
    %mul3A_22 = arith.muli %arg1, %mul3A_21 : i32
    %add3A_23 = arith.constant 400 : i32
    %add3A_24 = arith.addi %mul3A_22, %add3A_23 : i32
    "tpu.region"() ({
      %run_scoped3A = tpu.sem_alloc : memref<!tpu.dma_semaphore, #tpu.memory_space<semaphore_mem>>
      %dma_start3A = arith.constant 0 : i32
      %dma_start3A_43 = tpu.memref_slice %arg8[%add3A_24, %dma_start3A] : memref<10240x128xf32, #tpu.memory_space<vmem_shared>> -> memref<80x128xf32, #tpu.memory_space<vmem_shared>>
      %dma_start3A_44 = arith.constant 0 : i32
      %dma_start3A_45 = tpu.memref_slice %arg8[%add3A_24, %dma_start3A_44] : memref<10240x128xf32, #tpu.memory_space<vmem_shared>> -> memref<80x128xf32, #tpu.memory_space<vmem_shared>>
      tpu.enqueue_dma source(%arg7 : memref<80x128xf32, #tpu.memory_space<vmem>>) target(%dma_start3A_45 : memref<80x128xf32, #tpu.memory_space<vmem_shared>>) target_semaphore(%run_scoped3A : memref<!tpu.dma_semaphore, #tpu.memory_space<semaphore_mem>>)
      %dma_wait3A = arith.constant 0 : i32
      %dma_wait3A_46 = tpu.memref_slice %arg8[%add3A_24, %dma_wait3A] : memref<10240x128xf32, #tpu.memory_space<vmem_shared>> -> memref<80x128xf32, #tpu.memory_space<vmem_shared>>
      %dma_wait3A_47 = arith.constant 0 : i32
      %dma_wait3A_48 = tpu.memref_slice %arg8[%add3A_24, %dma_wait3A_47] : memref<10240x128xf32, #tpu.memory_space<vmem_shared>> -> memref<80x128xf32, #tpu.memory_space<vmem_shared>>
      tpu.wait_dma2 semaphore(%run_scoped3A : memref<!tpu.dma_semaphore, #tpu.memory_space<semaphore_mem>>) src(%arg7 : memref<80x128xf32, #tpu.memory_space<vmem>>) dst(%dma_wait3A_48 : memref<80x128xf32, #tpu.memory_space<vmem_shared>>)
      tpu.yield
    }) : () -> ()
    %mul3A_25 = arith.constant 640 : i32
    %mul3A_26 = arith.muli %arg1, %mul3A_25 : i32
    %add3A_27 = arith.constant 480 : i32
    %add3A_28 = arith.addi %mul3A_26, %add3A_27 : i32
    "tpu.region"() ({
      %run_scoped3A = tpu.sem_alloc : memref<!tpu.dma_semaphore, #tpu.memory_space<semaphore_mem>>
      %dma_start3A = arith.constant 0 : i32
      %dma_start3A_43 = tpu.memref_slice %arg8[%add3A_28, %dma_start3A] : memref<10240x128xf32, #tpu.memory_space<vmem_shared>> -> memref<80x128xf32, #tpu.memory_space<vmem_shared>>
      %dma_start3A_44 = arith.constant 0 : i32
      %dma_start3A_45 = tpu.memref_slice %arg8[%add3A_28, %dma_start3A_44] : memref<10240x128xf32, #tpu.memory_space<vmem_shared>> -> memref<80x128xf32, #tpu.memory_space<vmem_shared>>
      tpu.enqueue_dma source(%arg7 : memref<80x128xf32, #tpu.memory_space<vmem>>) target(%dma_start3A_45 : memref<80x128xf32, #tpu.memory_space<vmem_shared>>) target_semaphore(%run_scoped3A : memref<!tpu.dma_semaphore, #tpu.memory_space<semaphore_mem>>)
      %dma_wait3A = arith.constant 0 : i32
      %dma_wait3A_46 = tpu.memref_slice %arg8[%add3A_28, %dma_wait3A] : memref<10240x128xf32, #tpu.memory_space<vmem_shared>> -> memref<80x128xf32, #tpu.memory_space<vmem_shared>>
      %dma_wait3A_47 = arith.constant 0 : i32
      %dma_wait3A_48 = tpu.memref_slice %arg8[%add3A_28, %dma_wait3A_47] : memref<10240x128xf32, #tpu.memory_space<vmem_shared>> -> memref<80x128xf32, #tpu.memory_space<vmem_shared>>
      tpu.wait_dma2 semaphore(%run_scoped3A : memref<!tpu.dma_semaphore, #tpu.memory_space<semaphore_mem>>) src(%arg7 : memref<80x128xf32, #tpu.memory_space<vmem>>) dst(%dma_wait3A_48 : memref<80x128xf32, #tpu.memory_space<vmem_shared>>)
      tpu.yield
    }) : () -> ()
    %mul3A_29 = arith.constant 640 : i32
    %mul3A_30 = arith.muli %arg1, %mul3A_29 : i32
    %add3A_31 = arith.constant 560 : i32
    %add3A_32 = arith.addi %mul3A_30, %add3A_31 : i32
    "tpu.region"() ({
      %run_scoped3A = tpu.sem_alloc : memref<!tpu.dma_semaphore, #tpu.memory_space<semaphore_mem>>
      %dma_start3A = arith.constant 0 : i32
      %dma_start3A_43 = tpu.memref_slice %arg8[%add3A_32, %dma_start3A] : memref<10240x128xf32, #tpu.memory_space<vmem_shared>> -> memref<80x128xf32, #tpu.memory_space<vmem_shared>>
      %dma_start3A_44 = arith.constant 0 : i32
      %dma_start3A_45 = tpu.memref_slice %arg8[%add3A_32, %dma_start3A_44] : memref<10240x128xf32, #tpu.memory_space<vmem_shared>> -> memref<80x128xf32, #tpu.memory_space<vmem_shared>>
      tpu.enqueue_dma source(%arg7 : memref<80x128xf32, #tpu.memory_space<vmem>>) target(%dma_start3A_45 : memref<80x128xf32, #tpu.memory_space<vmem_shared>>) target_semaphore(%run_scoped3A : memref<!tpu.dma_semaphore, #tpu.memory_space<semaphore_mem>>)
      %dma_wait3A = arith.constant 0 : i32
      %dma_wait3A_46 = tpu.memref_slice %arg8[%add3A_32, %dma_wait3A] : memref<10240x128xf32, #tpu.memory_space<vmem_shared>> -> memref<80x128xf32, #tpu.memory_space<vmem_shared>>
      %dma_wait3A_47 = arith.constant 0 : i32
      %dma_wait3A_48 = tpu.memref_slice %arg8[%add3A_32, %dma_wait3A_47] : memref<10240x128xf32, #tpu.memory_space<vmem_shared>> -> memref<80x128xf32, #tpu.memory_space<vmem_shared>>
      tpu.wait_dma2 semaphore(%run_scoped3A : memref<!tpu.dma_semaphore, #tpu.memory_space<semaphore_mem>>) src(%arg7 : memref<80x128xf32, #tpu.memory_space<vmem>>) dst(%dma_wait3A_48 : memref<80x128xf32, #tpu.memory_space<vmem_shared>>)
      tpu.yield
    }) : () -> ()
    %barrier3A = arith.constant 0 : index
    tpu.barrier barrier_id(%barrier3A)
    %scan3A = arith.constant 0 : i32
    %scan3A_33 = arith.constant 0 : i32
    %scan3A_34 = arith.constant 125 : i32
    %scan3A_35 = arith.addi %scan3A_33, %scan3A_34 : i32
    %scan3A_36 = arith.constant 1 : i32
    scf.for %scan3A_43 = %scan3A_33 to %scan3A_35 step %scan3A_36  : i32 {
      %mul3A_44 = arith.constant 10000 : i32
      %mul3A_45 = arith.muli %add3A, %mul3A_44 : i32
      %mul3A_46 = arith.constant 80 : i32
      %mul3A_47 = arith.muli %scan3A_43, %mul3A_46 : i32
      %add3A_48 = arith.addi %mul3A_45, %mul3A_47 : i32
      "tpu.region"() ({
        %run_scoped3A = tpu.sem_alloc : memref<!tpu.dma_semaphore, #tpu.memory_space<semaphore_mem>>
        %dma_start3A = tpu.memref_slice %arg3[%add3A_48] : memref<320000xi32, #tpu.memory_space<hbm>> -> memref<80xi32, #tpu.memory_space<hbm>>
        %dma_start3A_49 = tpu.memref_slice %arg3[%add3A_48] : memref<320000xi32, #tpu.memory_space<hbm>> -> memref<80xi32, #tpu.memory_space<hbm>>
        tpu.enqueue_dma source(%dma_start3A_49 : memref<80xi32, #tpu.memory_space<hbm>>) target(%arg6 : memref<80xi32, #tpu.memory_space<vmem>>) target_semaphore(%run_scoped3A : memref<!tpu.dma_semaphore, #tpu.memory_space<semaphore_mem>>)
        %dma_wait3A = tpu.memref_slice %arg3[%add3A_48] : memref<320000xi32, #tpu.memory_space<hbm>> -> memref<80xi32, #tpu.memory_space<hbm>>
        %dma_wait3A_50 = tpu.memref_slice %arg3[%add3A_48] : memref<320000xi32, #tpu.memory_space<hbm>> -> memref<80xi32, #tpu.memory_space<hbm>>
        tpu.wait_dma2 semaphore(%run_scoped3A : memref<!tpu.dma_semaphore, #tpu.memory_space<semaphore_mem>>) src(%dma_wait3A_50 : memref<80xi32, #tpu.memory_space<hbm>>) dst(%arg6 : memref<80xi32, #tpu.memory_space<vmem>>)
        tpu.yield
      }) : () -> ()
      "tpu.region"() ({
        %run_scoped3A = tpu.sem_alloc : memref<!tpu.dma_semaphore, #tpu.memory_space<semaphore_mem>>
        %dma_start3A = arith.constant 0 : i32
        %dma_start3A_49 = tpu.memref_slice %arg2[%add3A_48, %dma_start3A] : memref<320000x128xf32, #tpu.memory_space<hbm>> -> memref<80x128xf32, #tpu.memory_space<hbm>>
        %dma_start3A_50 = arith.constant 0 : i32
        %dma_start3A_51 = tpu.memref_slice %arg2[%add3A_48, %dma_start3A_50] : memref<320000x128xf32, #tpu.memory_space<hbm>> -> memref<80x128xf32, #tpu.memory_space<hbm>>
        tpu.enqueue_dma source(%dma_start3A_51 : memref<80x128xf32, #tpu.memory_space<hbm>>) target(%arg7 : memref<80x128xf32, #tpu.memory_space<vmem>>) target_semaphore(%run_scoped3A : memref<!tpu.dma_semaphore, #tpu.memory_space<semaphore_mem>>)
        %dma_wait3A = arith.constant 0 : i32
        %dma_wait3A_52 = tpu.memref_slice %arg2[%add3A_48, %dma_wait3A] : memref<320000x128xf32, #tpu.memory_space<hbm>> -> memref<80x128xf32, #tpu.memory_space<hbm>>
        %dma_wait3A_53 = arith.constant 0 : i32
        %dma_wait3A_54 = tpu.memref_slice %arg2[%add3A_48, %dma_wait3A_53] : memref<320000x128xf32, #tpu.memory_space<hbm>> -> memref<80x128xf32, #tpu.memory_space<hbm>>
        tpu.wait_dma2 semaphore(%run_scoped3A : memref<!tpu.dma_semaphore, #tpu.memory_space<semaphore_mem>>) src(%dma_wait3A_54 : memref<80x128xf32, #tpu.memory_space<hbm>>) dst(%arg7 : memref<80x128xf32, #tpu.memory_space<vmem>>)
        tpu.yield
      }) : () -> ()
      "tpu.region"() ({
        %run_scoped3A = tpu.sem_alloc : memref<!tpu.dma_semaphore, #tpu.memory_space<semaphore_mem>>
        %dma_start3A = arith.constant 0 : i32
        %dma_start3A_49 = arith.constant 0 : i32
        %dma_start3A_50 = tpu.memref_slice %arg8[%dma_start3A, %dma_start3A_49] : memref<10240x128xf32, #tpu.memory_space<vmem_shared>> -> memref<10240x128xf32, #tpu.memory_space<vmem_shared>>
        tpu.enqueue_indirect_dma source(%arg7 : memref<80x128xf32, #tpu.memory_space<vmem>>) target(%dma_start3A_50 : memref<10240x128xf32, #tpu.memory_space<vmem_shared>>) offsets(%arg6 : memref<80xi32, #tpu.memory_space<vmem>>) semaphore(%run_scoped3A : memref<!tpu.dma_semaphore, #tpu.memory_space<semaphore_mem>>) {add = true}
        %dma_wait3A = arith.constant 0 : i32
        %dma_wait3A_51 = arith.constant 0 : i32
        %dma_wait3A_52 = tpu.memref_slice %arg8[%dma_wait3A, %dma_wait3A_51] : memref<10240x128xf32, #tpu.memory_space<vmem_shared>> -> memref<10240x128xf32, #tpu.memory_space<vmem_shared>>
        tpu.wait_indirect_dma semaphore(%run_scoped3A : memref<!tpu.dma_semaphore, #tpu.memory_space<semaphore_mem>>) src(%arg7 : memref<80x128xf32, #tpu.memory_space<vmem>>) dst(%dma_wait3A_52 : memref<10240x128xf32, #tpu.memory_space<vmem_shared>>)
        tpu.yield
      }) : () -> ()
    }
    %scan3A_37 = arith.constant 125 : i32
    %barrier3A_38 = arith.constant 0 : index
    tpu.barrier barrier_id(%barrier3A_38)
    %mul3A_39 = arith.constant 640 : i32
    %mul3A_40 = arith.muli %arg1, %mul3A_39 : i32
    %mul3A_41 = arith.constant 640 : i32
    %mul3A_42 = arith.muli %arg1, %mul3A_41 : i32
    "tpu.region"() ({
      %run_scoped3A = tpu.sem_alloc : memref<!tpu.dma_semaphore, #tpu.memory_space<semaphore_mem>>
      %dma_start3A = arith.constant 0 : i32
      %dma_start3A_43 = tpu.memref_slice %arg5[%arg0, %mul3A_42, %dma_start3A] : memref<2x10240x128xf32, #tpu.memory_space<hbm>> -> memref<1x640x128xf32, #tpu.memory_space<hbm>>
      %dma_start3A_44 = tpu.memref_squeeze %dma_start3A_43 : memref<1x640x128xf32, #tpu.memory_space<hbm>> -> memref<640x128xf32, #tpu.memory_space<hbm>>
      %dma_start3A_45 = arith.constant 0 : i32
      %dma_start3A_46 = tpu.memref_slice %arg8[%mul3A_40, %dma_start3A_45] : memref<10240x128xf32, #tpu.memory_space<vmem_shared>> -> memref<640x128xf32, #tpu.memory_space<vmem_shared>>
      tpu.enqueue_dma source(%dma_start3A_46 : memref<640x128xf32, #tpu.memory_space<vmem_shared>>) target(%dma_start3A_44 : memref<640x128xf32, #tpu.memory_space<hbm>>) target_semaphore(%run_scoped3A : memref<!tpu.dma_semaphore, #tpu.memory_space<semaphore_mem>>)
      %dma_wait3A = arith.constant 0 : i32
      %dma_wait3A_47 = tpu.memref_slice %arg5[%arg0, %mul3A_42, %dma_wait3A] : memref<2x10240x128xf32, #tpu.memory_space<hbm>> -> memref<1x640x128xf32, #tpu.memory_space<hbm>>
      %dma_wait3A_48 = tpu.memref_squeeze %dma_wait3A_47 : memref<1x640x128xf32, #tpu.memory_space<hbm>> -> memref<640x128xf32, #tpu.memory_space<hbm>>
      %dma_wait3A_49 = arith.constant 0 : i32
      %dma_wait3A_50 = tpu.memref_slice %arg8[%mul3A_40, %dma_wait3A_49] : memref<10240x128xf32, #tpu.memory_space<vmem_shared>> -> memref<640x128xf32, #tpu.memory_space<vmem_shared>>
      tpu.wait_dma2 semaphore(%run_scoped3A : memref<!tpu.dma_semaphore, #tpu.memory_space<semaphore_mem>>) src(%dma_wait3A_50 : memref<640x128xf32, #tpu.memory_space<vmem_shared>>) dst(%dma_wait3A_48 : memref<640x128xf32, #tpu.memory_space<hbm>>)
      tpu.yield
    }) : () -> ()
    return
  }
}

#map = affine_map<(d0, d1) -> (0, 0)>
#map1 = affine_map<(d0, d1) -> (0)>
module attributes {stable_mosaic.version = 14 : i64} {
  func.func @run(%arg0: i32, %arg1: i32, %arg2: memref<10000x128xf32, #tpu.memory_space<hbm>>, %arg3: memref<10000x128xf32, #tpu.memory_space<hbm>>, %arg4: memref<320000xi32, #tpu.memory_space<hbm>>, %arg5: memref<320000xi32, #tpu.memory_space<hbm>>, %arg6: memref<320000x128xf32, #tpu.memory_space<hbm>>, %arg7: memref<320000x128xf32, #tpu.memory_space<hbm>>, %arg8: memref<10000xi32, #tpu.memory_space<vmem>>, %arg9: memref<10000xi32, #tpu.memory_space<vmem>>, %arg10: memref<80x128xf32, #tpu.memory_space<vmem>>, %arg11: memref<80x128xf32, #tpu.memory_space<vmem>>, %arg12: memref<!tpu.dma_semaphore, #tpu.memory_space<semaphore_mem>>, %arg13: memref<!tpu.dma_semaphore, #tpu.memory_space<semaphore_mem>>) attributes {dimension_semantics = [#tpu.dimension_semantics<core_parallel>, #tpu.dimension_semantics<subcore_parallel>], iteration_bounds = array<i64: 2, 16>, scalar_prefetch = 0 : i64, scratch_operands = 6 : i64, tpu.core_type = #tpu.core_type<sc_vector_subcore>, window_params = [{transform_indices = #map}, {transform_indices = #map}, {transform_indices = #map1}, {transform_indices = #map1}, {transform_indices = #map}, {transform_indices = #map}]} {
    %mul3A = arith.constant 2 : i32
    %mul3A_0 = arith.muli %arg1, %mul3A : i32
    %add3A = arith.addi %mul3A_0, %arg0 : i32
    %mul3A_1 = arith.constant 10000 : i32
    %mul3A_2 = arith.muli %add3A, %mul3A_1 : i32
    "tpu.region"() ({
      %run_scoped3A = tpu.sem_alloc : memref<!tpu.dma_semaphore, #tpu.memory_space<semaphore_mem>>
      %dma_start3A = tpu.memref_slice %arg4[%mul3A_2] : memref<320000xi32, #tpu.memory_space<hbm>> -> memref<10000xi32, #tpu.memory_space<hbm>>
      %dma_start3A_8 = tpu.memref_slice %arg4[%mul3A_2] : memref<320000xi32, #tpu.memory_space<hbm>> -> memref<10000xi32, #tpu.memory_space<hbm>>
      tpu.enqueue_dma source(%dma_start3A_8 : memref<10000xi32, #tpu.memory_space<hbm>>) target(%arg8 : memref<10000xi32, #tpu.memory_space<vmem>>) target_semaphore(%run_scoped3A : memref<!tpu.dma_semaphore, #tpu.memory_space<semaphore_mem>>)
      %dma_wait3A = tpu.memref_slice %arg4[%mul3A_2] : memref<320000xi32, #tpu.memory_space<hbm>> -> memref<10000xi32, #tpu.memory_space<hbm>>
      %dma_wait3A_9 = tpu.memref_slice %arg4[%mul3A_2] : memref<320000xi32, #tpu.memory_space<hbm>> -> memref<10000xi32, #tpu.memory_space<hbm>>
      tpu.wait_dma2 semaphore(%run_scoped3A : memref<!tpu.dma_semaphore, #tpu.memory_space<semaphore_mem>>) src(%dma_wait3A_9 : memref<10000xi32, #tpu.memory_space<hbm>>) dst(%arg8 : memref<10000xi32, #tpu.memory_space<vmem>>)
      tpu.yield
    }) : () -> ()
    "tpu.region"() ({
      %run_scoped3A = tpu.sem_alloc : memref<!tpu.dma_semaphore, #tpu.memory_space<semaphore_mem>>
      %dma_start3A = tpu.memref_slice %arg5[%mul3A_2] : memref<320000xi32, #tpu.memory_space<hbm>> -> memref<10000xi32, #tpu.memory_space<hbm>>
      %dma_start3A_8 = tpu.memref_slice %arg5[%mul3A_2] : memref<320000xi32, #tpu.memory_space<hbm>> -> memref<10000xi32, #tpu.memory_space<hbm>>
      tpu.enqueue_dma source(%dma_start3A_8 : memref<10000xi32, #tpu.memory_space<hbm>>) target(%arg9 : memref<10000xi32, #tpu.memory_space<vmem>>) target_semaphore(%run_scoped3A : memref<!tpu.dma_semaphore, #tpu.memory_space<semaphore_mem>>)
      %dma_wait3A = tpu.memref_slice %arg5[%mul3A_2] : memref<320000xi32, #tpu.memory_space<hbm>> -> memref<10000xi32, #tpu.memory_space<hbm>>
      %dma_wait3A_9 = tpu.memref_slice %arg5[%mul3A_2] : memref<320000xi32, #tpu.memory_space<hbm>> -> memref<10000xi32, #tpu.memory_space<hbm>>
      tpu.wait_dma2 semaphore(%run_scoped3A : memref<!tpu.dma_semaphore, #tpu.memory_space<semaphore_mem>>) src(%dma_wait3A_9 : memref<10000xi32, #tpu.memory_space<hbm>>) dst(%arg9 : memref<10000xi32, #tpu.memory_space<vmem>>)
      tpu.yield
    }) : () -> ()
    %scan3A = arith.constant 0 : i32
    %scan3A_3 = arith.constant 0 : i32
    %scan3A_4 = arith.constant 125 : i32
    %scan3A_5 = arith.addi %scan3A_3, %scan3A_4 : i32
    %scan3A_6 = arith.constant 1 : i32
    scf.for %scan3A_8 = %scan3A_3 to %scan3A_5 step %scan3A_6  : i32 {
      %mul3A_9 = arith.constant 80 : i32
      %mul3A_10 = arith.muli %scan3A_8, %mul3A_9 : i32
      %dma_start3A = tpu.memref_slice %arg8[%mul3A_10] : memref<10000xi32, #tpu.memory_space<vmem>> -> memref<80xi32, #tpu.memory_space<vmem>>
      %dma_start3A_11 = arith.constant 0 : i32
      %dma_start3A_12 = arith.constant 0 : i32
      %dma_start3A_13 = tpu.memref_slice %arg2[%dma_start3A_11, %dma_start3A_12] : memref<10000x128xf32, #tpu.memory_space<hbm>> -> memref<10000x128xf32, #tpu.memory_space<hbm>>
      tpu.enqueue_indirect_dma source(%dma_start3A_13 : memref<10000x128xf32, #tpu.memory_space<hbm>>) target(%arg10 : memref<80x128xf32, #tpu.memory_space<vmem>>) offsets(%dma_start3A : memref<80xi32, #tpu.memory_space<vmem>>) semaphore(%arg12 : memref<!tpu.dma_semaphore, #tpu.memory_space<semaphore_mem>>)
      %dma_start3A_14 = tpu.memref_slice %arg9[%mul3A_10] : memref<10000xi32, #tpu.memory_space<vmem>> -> memref<80xi32, #tpu.memory_space<vmem>>
      %dma_start3A_15 = arith.constant 0 : i32
      %dma_start3A_16 = arith.constant 0 : i32
      %dma_start3A_17 = tpu.memref_slice %arg3[%dma_start3A_15, %dma_start3A_16] : memref<10000x128xf32, #tpu.memory_space<hbm>> -> memref<10000x128xf32, #tpu.memory_space<hbm>>
      tpu.enqueue_indirect_dma source(%dma_start3A_17 : memref<10000x128xf32, #tpu.memory_space<hbm>>) target(%arg11 : memref<80x128xf32, #tpu.memory_space<vmem>>) offsets(%dma_start3A_14 : memref<80xi32, #tpu.memory_space<vmem>>) semaphore(%arg13 : memref<!tpu.dma_semaphore, #tpu.memory_space<semaphore_mem>>)
      %dma_wait3A = tpu.memref_slice %arg8[%mul3A_10] : memref<10000xi32, #tpu.memory_space<vmem>> -> memref<80xi32, #tpu.memory_space<vmem>>
      %dma_wait3A_18 = arith.constant 0 : i32
      %dma_wait3A_19 = arith.constant 0 : i32
      %dma_wait3A_20 = tpu.memref_slice %arg2[%dma_wait3A_18, %dma_wait3A_19] : memref<10000x128xf32, #tpu.memory_space<hbm>> -> memref<10000x128xf32, #tpu.memory_space<hbm>>
      tpu.wait_indirect_dma semaphore(%arg12 : memref<!tpu.dma_semaphore, #tpu.memory_space<semaphore_mem>>) src(%dma_wait3A_20 : memref<10000x128xf32, #tpu.memory_space<hbm>>) dst(%arg10 : memref<80x128xf32, #tpu.memory_space<vmem>>)
      %dma_wait3A_21 = tpu.memref_slice %arg9[%mul3A_10] : memref<10000xi32, #tpu.memory_space<vmem>> -> memref<80xi32, #tpu.memory_space<vmem>>
      %dma_wait3A_22 = arith.constant 0 : i32
      %dma_wait3A_23 = arith.constant 0 : i32
      %dma_wait3A_24 = tpu.memref_slice %arg3[%dma_wait3A_22, %dma_wait3A_23] : memref<10000x128xf32, #tpu.memory_space<hbm>> -> memref<10000x128xf32, #tpu.memory_space<hbm>>
      tpu.wait_indirect_dma semaphore(%arg13 : memref<!tpu.dma_semaphore, #tpu.memory_space<semaphore_mem>>) src(%dma_wait3A_24 : memref<10000x128xf32, #tpu.memory_space<hbm>>) dst(%arg11 : memref<80x128xf32, #tpu.memory_space<vmem>>)
      %add3A_25 = arith.addi %mul3A_2, %mul3A_10 : i32
      "tpu.region"() ({
        %run_scoped3A = tpu.sem_alloc : memref<!tpu.dma_semaphore, #tpu.memory_space<semaphore_mem>>
        %dma_start3A_27 = arith.constant 0 : i32
        %dma_start3A_28 = tpu.memref_slice %arg6[%add3A_25, %dma_start3A_27] : memref<320000x128xf32, #tpu.memory_space<hbm>> -> memref<80x128xf32, #tpu.memory_space<hbm>>
        %dma_start3A_29 = arith.constant 0 : i32
        %dma_start3A_30 = tpu.memref_slice %arg6[%add3A_25, %dma_start3A_29] : memref<320000x128xf32, #tpu.memory_space<hbm>> -> memref<80x128xf32, #tpu.memory_space<hbm>>
        tpu.enqueue_dma source(%arg10 : memref<80x128xf32, #tpu.memory_space<vmem>>) target(%dma_start3A_30 : memref<80x128xf32, #tpu.memory_space<hbm>>) target_semaphore(%run_scoped3A : memref<!tpu.dma_semaphore, #tpu.memory_space<semaphore_mem>>)
        %dma_wait3A_31 = arith.constant 0 : i32
        %dma_wait3A_32 = tpu.memref_slice %arg6[%add3A_25, %dma_wait3A_31] : memref<320000x128xf32, #tpu.memory_space<hbm>> -> memref<80x128xf32, #tpu.memory_space<hbm>>
        %dma_wait3A_33 = arith.constant 0 : i32
        %dma_wait3A_34 = tpu.memref_slice %arg6[%add3A_25, %dma_wait3A_33] : memref<320000x128xf32, #tpu.memory_space<hbm>> -> memref<80x128xf32, #tpu.memory_space<hbm>>
        tpu.wait_dma2 semaphore(%run_scoped3A : memref<!tpu.dma_semaphore, #tpu.memory_space<semaphore_mem>>) src(%arg10 : memref<80x128xf32, #tpu.memory_space<vmem>>) dst(%dma_wait3A_34 : memref<80x128xf32, #tpu.memory_space<hbm>>)
        tpu.yield
      }) : () -> ()
      %add3A_26 = arith.addi %mul3A_2, %mul3A_10 : i32
      "tpu.region"() ({
        %run_scoped3A = tpu.sem_alloc : memref<!tpu.dma_semaphore, #tpu.memory_space<semaphore_mem>>
        %dma_start3A_27 = arith.constant 0 : i32
        %dma_start3A_28 = tpu.memref_slice %arg7[%add3A_26, %dma_start3A_27] : memref<320000x128xf32, #tpu.memory_space<hbm>> -> memref<80x128xf32, #tpu.memory_space<hbm>>
        %dma_start3A_29 = arith.constant 0 : i32
        %dma_start3A_30 = tpu.memref_slice %arg7[%add3A_26, %dma_start3A_29] : memref<320000x128xf32, #tpu.memory_space<hbm>> -> memref<80x128xf32, #tpu.memory_space<hbm>>
        tpu.enqueue_dma source(%arg11 : memref<80x128xf32, #tpu.memory_space<vmem>>) target(%dma_start3A_30 : memref<80x128xf32, #tpu.memory_space<hbm>>) target_semaphore(%run_scoped3A : memref<!tpu.dma_semaphore, #tpu.memory_space<semaphore_mem>>)
        %dma_wait3A_31 = arith.constant 0 : i32
        %dma_wait3A_32 = tpu.memref_slice %arg7[%add3A_26, %dma_wait3A_31] : memref<320000x128xf32, #tpu.memory_space<hbm>> -> memref<80x128xf32, #tpu.memory_space<hbm>>
        %dma_wait3A_33 = arith.constant 0 : i32
        %dma_wait3A_34 = tpu.memref_slice %arg7[%add3A_26, %dma_wait3A_33] : memref<320000x128xf32, #tpu.memory_space<hbm>> -> memref<80x128xf32, #tpu.memory_space<hbm>>
        tpu.wait_dma2 semaphore(%run_scoped3A : memref<!tpu.dma_semaphore, #tpu.memory_space<semaphore_mem>>) src(%arg11 : memref<80x128xf32, #tpu.memory_space<vmem>>) dst(%dma_wait3A_34 : memref<80x128xf32, #tpu.memory_space<hbm>>)
        tpu.yield
      }) : () -> ()
    }
    %scan3A_7 = arith.constant 125 : i32
    return
  }
}

#map = affine_map<(d0, d1) -> (0, 0)>
#map1 = affine_map<(d0, d1) -> (0)>
#map2 = affine_map<(d0, d1) -> (0, 0, 0)>
module attributes {stable_mosaic.version = 14 : i64} {
  func.func @run(%arg0: i32, %arg1: i32, %arg2: memref<320000x128xf32, #tpu.memory_space<hbm>>, %arg3: memref<320000xi32, #tpu.memory_space<hbm>>, %arg4: memref<80x128xf32, #tpu.memory_space<hbm>>, %arg5: memref<2x10240x128xf32, #tpu.memory_space<hbm>>, %arg6: memref<80xi32, #tpu.memory_space<vmem>>, %arg7: memref<80x128xf32, #tpu.memory_space<vmem>>, %arg8: memref<10240x128xf32, #tpu.memory_space<vmem_shared>>) attributes {dimension_semantics = [#tpu.dimension_semantics<core_parallel>, #tpu.dimension_semantics<subcore_parallel>], iteration_bounds = array<i64: 2, 16>, scalar_prefetch = 0 : i64, scratch_operands = 3 : i64, tpu.core_type = #tpu.core_type<sc_vector_subcore>, window_params = [{transform_indices = #map}, {transform_indices = #map1}, {transform_indices = #map}, {transform_indices = #map2}]} {
    %mul3A = arith.constant 2 : i32
    %mul3A_0 = arith.muli %arg1, %mul3A : i32
    %add3A = arith.addi %mul3A_0, %arg0 : i32
    "tpu.region"() ({
      %run_scoped3A = tpu.sem_alloc : memref<!tpu.dma_semaphore, #tpu.memory_space<semaphore_mem>>
      tpu.enqueue_dma source(%arg4 : memref<80x128xf32, #tpu.memory_space<hbm>>) target(%arg7 : memref<80x128xf32, #tpu.memory_space<vmem>>) target_semaphore(%run_scoped3A : memref<!tpu.dma_semaphore, #tpu.memory_space<semaphore_mem>>)
      tpu.wait_dma2 semaphore(%run_scoped3A : memref<!tpu.dma_semaphore, #tpu.memory_space<semaphore_mem>>) src(%arg4 : memref<80x128xf32, #tpu.memory_space<hbm>>) dst(%arg7 : memref<80x128xf32, #tpu.memory_space<vmem>>)
      tpu.yield
    }) : () -> ()
    %mul3A_1 = arith.constant 640 : i32
    %mul3A_2 = arith.muli %arg1, %mul3A_1 : i32
    %add3A_3 = arith.constant 0 : i32
    %add3A_4 = arith.addi %mul3A_2, %add3A_3 : i32
    "tpu.region"() ({
      %run_scoped3A = tpu.sem_alloc : memref<!tpu.dma_semaphore, #tpu.memory_space<semaphore_mem>>
      %dma_start3A = arith.constant 0 : i32
      %dma_start3A_43 = tpu.memref_slice %arg8[%add3A_4, %dma_start3A] : memref<10240x128xf32, #tpu.memory_space<vmem_shared>> -> memref<80x128xf32, #tpu.memory_space<vmem_shared>>
      %dma_start3A_44 = arith.constant 0 : i32
      %dma_start3A_45 = tpu.memref_slice %arg8[%add3A_4, %dma_start3A_44] : memref<10240x128xf32, #tpu.memory_space<vmem_shared>> -> memref<80x128xf32, #tpu.memory_space<vmem_shared>>
      tpu.enqueue_dma source(%arg7 : memref<80x128xf32, #tpu.memory_space<vmem>>) target(%dma_start3A_45 : memref<80x128xf32, #tpu.memory_space<vmem_shared>>) target_semaphore(%run_scoped3A : memref<!tpu.dma_semaphore, #tpu.memory_space<semaphore_mem>>)
      %dma_wait3A = arith.constant 0 : i32
      %dma_wait3A_46 = tpu.memref_slice %arg8[%add3A_4, %dma_wait3A] : memref<10240x128xf32, #tpu.memory_space<vmem_shared>> -> memref<80x128xf32, #tpu.memory_space<vmem_shared>>
      %dma_wait3A_47 = arith.constant 0 : i32
      %dma_wait3A_48 = tpu.memref_slice %arg8[%add3A_4, %dma_wait3A_47] : memref<10240x128xf32, #tpu.memory_space<vmem_shared>> -> memref<80x128xf32, #tpu.memory_space<vmem_shared>>
      tpu.wait_dma2 semaphore(%run_scoped3A : memref<!tpu.dma_semaphore, #tpu.memory_space<semaphore_mem>>) src(%arg7 : memref<80x128xf32, #tpu.memory_space<vmem>>) dst(%dma_wait3A_48 : memref<80x128xf32, #tpu.memory_space<vmem_shared>>)
      tpu.yield
    }) : () -> ()
    %mul3A_5 = arith.constant 640 : i32
    %mul3A_6 = arith.muli %arg1, %mul3A_5 : i32
    %add3A_7 = arith.constant 80 : i32
    %add3A_8 = arith.addi %mul3A_6, %add3A_7 : i32
    "tpu.region"() ({
      %run_scoped3A = tpu.sem_alloc : memref<!tpu.dma_semaphore, #tpu.memory_space<semaphore_mem>>
      %dma_start3A = arith.constant 0 : i32
      %dma_start3A_43 = tpu.memref_slice %arg8[%add3A_8, %dma_start3A] : memref<10240x128xf32, #tpu.memory_space<vmem_shared>> -> memref<80x128xf32, #tpu.memory_space<vmem_shared>>
      %dma_start3A_44 = arith.constant 0 : i32
      %dma_start3A_45 = tpu.memref_slice %arg8[%add3A_8, %dma_start3A_44] : memref<10240x128xf32, #tpu.memory_space<vmem_shared>> -> memref<80x128xf32, #tpu.memory_space<vmem_shared>>
      tpu.enqueue_dma source(%arg7 : memref<80x128xf32, #tpu.memory_space<vmem>>) target(%dma_start3A_45 : memref<80x128xf32, #tpu.memory_space<vmem_shared>>) target_semaphore(%run_scoped3A : memref<!tpu.dma_semaphore, #tpu.memory_space<semaphore_mem>>)
      %dma_wait3A = arith.constant 0 : i32
      %dma_wait3A_46 = tpu.memref_slice %arg8[%add3A_8, %dma_wait3A] : memref<10240x128xf32, #tpu.memory_space<vmem_shared>> -> memref<80x128xf32, #tpu.memory_space<vmem_shared>>
      %dma_wait3A_47 = arith.constant 0 : i32
      %dma_wait3A_48 = tpu.memref_slice %arg8[%add3A_8, %dma_wait3A_47] : memref<10240x128xf32, #tpu.memory_space<vmem_shared>> -> memref<80x128xf32, #tpu.memory_space<vmem_shared>>
      tpu.wait_dma2 semaphore(%run_scoped3A : memref<!tpu.dma_semaphore, #tpu.memory_space<semaphore_mem>>) src(%arg7 : memref<80x128xf32, #tpu.memory_space<vmem>>) dst(%dma_wait3A_48 : memref<80x128xf32, #tpu.memory_space<vmem_shared>>)
      tpu.yield
    }) : () -> ()
    %mul3A_9 = arith.constant 640 : i32
    %mul3A_10 = arith.muli %arg1, %mul3A_9 : i32
    %add3A_11 = arith.constant 160 : i32
    %add3A_12 = arith.addi %mul3A_10, %add3A_11 : i32
    "tpu.region"() ({
      %run_scoped3A = tpu.sem_alloc : memref<!tpu.dma_semaphore, #tpu.memory_space<semaphore_mem>>
      %dma_start3A = arith.constant 0 : i32
      %dma_start3A_43 = tpu.memref_slice %arg8[%add3A_12, %dma_start3A] : memref<10240x128xf32, #tpu.memory_space<vmem_shared>> -> memref<80x128xf32, #tpu.memory_space<vmem_shared>>
      %dma_start3A_44 = arith.constant 0 : i32
      %dma_start3A_45 = tpu.memref_slice %arg8[%add3A_12, %dma_start3A_44] : memref<10240x128xf32, #tpu.memory_space<vmem_shared>> -> memref<80x128xf32, #tpu.memory_space<vmem_shared>>
      tpu.enqueue_dma source(%arg7 : memref<80x128xf32, #tpu.memory_space<vmem>>) target(%dma_start3A_45 : memref<80x128xf32, #tpu.memory_space<vmem_shared>>) target_semaphore(%run_scoped3A : memref<!tpu.dma_semaphore, #tpu.memory_space<semaphore_mem>>)
      %dma_wait3A = arith.constant 0 : i32
      %dma_wait3A_46 = tpu.memref_slice %arg8[%add3A_12, %dma_wait3A] : memref<10240x128xf32, #tpu.memory_space<vmem_shared>> -> memref<80x128xf32, #tpu.memory_space<vmem_shared>>
      %dma_wait3A_47 = arith.constant 0 : i32
      %dma_wait3A_48 = tpu.memref_slice %arg8[%add3A_12, %dma_wait3A_47] : memref<10240x128xf32, #tpu.memory_space<vmem_shared>> -> memref<80x128xf32, #tpu.memory_space<vmem_shared>>
      tpu.wait_dma2 semaphore(%run_scoped3A : memref<!tpu.dma_semaphore, #tpu.memory_space<semaphore_mem>>) src(%arg7 : memref<80x128xf32, #tpu.memory_space<vmem>>) dst(%dma_wait3A_48 : memref<80x128xf32, #tpu.memory_space<vmem_shared>>)
      tpu.yield
    }) : () -> ()
    %mul3A_13 = arith.constant 640 : i32
    %mul3A_14 = arith.muli %arg1, %mul3A_13 : i32
    %add3A_15 = arith.constant 240 : i32
    %add3A_16 = arith.addi %mul3A_14, %add3A_15 : i32
    "tpu.region"() ({
      %run_scoped3A = tpu.sem_alloc : memref<!tpu.dma_semaphore, #tpu.memory_space<semaphore_mem>>
      %dma_start3A = arith.constant 0 : i32
      %dma_start3A_43 = tpu.memref_slice %arg8[%add3A_16, %dma_start3A] : memref<10240x128xf32, #tpu.memory_space<vmem_shared>> -> memref<80x128xf32, #tpu.memory_space<vmem_shared>>
      %dma_start3A_44 = arith.constant 0 : i32
      %dma_start3A_45 = tpu.memref_slice %arg8[%add3A_16, %dma_start3A_44] : memref<10240x128xf32, #tpu.memory_space<vmem_shared>> -> memref<80x128xf32, #tpu.memory_space<vmem_shared>>
      tpu.enqueue_dma source(%arg7 : memref<80x128xf32, #tpu.memory_space<vmem>>) target(%dma_start3A_45 : memref<80x128xf32, #tpu.memory_space<vmem_shared>>) target_semaphore(%run_scoped3A : memref<!tpu.dma_semaphore, #tpu.memory_space<semaphore_mem>>)
      %dma_wait3A = arith.constant 0 : i32
      %dma_wait3A_46 = tpu.memref_slice %arg8[%add3A_16, %dma_wait3A] : memref<10240x128xf32, #tpu.memory_space<vmem_shared>> -> memref<80x128xf32, #tpu.memory_space<vmem_shared>>
      %dma_wait3A_47 = arith.constant 0 : i32
      %dma_wait3A_48 = tpu.memref_slice %arg8[%add3A_16, %dma_wait3A_47] : memref<10240x128xf32, #tpu.memory_space<vmem_shared>> -> memref<80x128xf32, #tpu.memory_space<vmem_shared>>
      tpu.wait_dma2 semaphore(%run_scoped3A : memref<!tpu.dma_semaphore, #tpu.memory_space<semaphore_mem>>) src(%arg7 : memref<80x128xf32, #tpu.memory_space<vmem>>) dst(%dma_wait3A_48 : memref<80x128xf32, #tpu.memory_space<vmem_shared>>)
      tpu.yield
    }) : () -> ()
    %mul3A_17 = arith.constant 640 : i32
    %mul3A_18 = arith.muli %arg1, %mul3A_17 : i32
    %add3A_19 = arith.constant 320 : i32
    %add3A_20 = arith.addi %mul3A_18, %add3A_19 : i32
    "tpu.region"() ({
      %run_scoped3A = tpu.sem_alloc : memref<!tpu.dma_semaphore, #tpu.memory_space<semaphore_mem>>
      %dma_start3A = arith.constant 0 : i32
      %dma_start3A_43 = tpu.memref_slice %arg8[%add3A_20, %dma_start3A] : memref<10240x128xf32, #tpu.memory_space<vmem_shared>> -> memref<80x128xf32, #tpu.memory_space<vmem_shared>>
      %dma_start3A_44 = arith.constant 0 : i32
      %dma_start3A_45 = tpu.memref_slice %arg8[%add3A_20, %dma_start3A_44] : memref<10240x128xf32, #tpu.memory_space<vmem_shared>> -> memref<80x128xf32, #tpu.memory_space<vmem_shared>>
      tpu.enqueue_dma source(%arg7 : memref<80x128xf32, #tpu.memory_space<vmem>>) target(%dma_start3A_45 : memref<80x128xf32, #tpu.memory_space<vmem_shared>>) target_semaphore(%run_scoped3A : memref<!tpu.dma_semaphore, #tpu.memory_space<semaphore_mem>>)
      %dma_wait3A = arith.constant 0 : i32
      %dma_wait3A_46 = tpu.memref_slice %arg8[%add3A_20, %dma_wait3A] : memref<10240x128xf32, #tpu.memory_space<vmem_shared>> -> memref<80x128xf32, #tpu.memory_space<vmem_shared>>
      %dma_wait3A_47 = arith.constant 0 : i32
      %dma_wait3A_48 = tpu.memref_slice %arg8[%add3A_20, %dma_wait3A_47] : memref<10240x128xf32, #tpu.memory_space<vmem_shared>> -> memref<80x128xf32, #tpu.memory_space<vmem_shared>>
      tpu.wait_dma2 semaphore(%run_scoped3A : memref<!tpu.dma_semaphore, #tpu.memory_space<semaphore_mem>>) src(%arg7 : memref<80x128xf32, #tpu.memory_space<vmem>>) dst(%dma_wait3A_48 : memref<80x128xf32, #tpu.memory_space<vmem_shared>>)
      tpu.yield
    }) : () -> ()
    %mul3A_21 = arith.constant 640 : i32
    %mul3A_22 = arith.muli %arg1, %mul3A_21 : i32
    %add3A_23 = arith.constant 400 : i32
    %add3A_24 = arith.addi %mul3A_22, %add3A_23 : i32
    "tpu.region"() ({
      %run_scoped3A = tpu.sem_alloc : memref<!tpu.dma_semaphore, #tpu.memory_space<semaphore_mem>>
      %dma_start3A = arith.constant 0 : i32
      %dma_start3A_43 = tpu.memref_slice %arg8[%add3A_24, %dma_start3A] : memref<10240x128xf32, #tpu.memory_space<vmem_shared>> -> memref<80x128xf32, #tpu.memory_space<vmem_shared>>
      %dma_start3A_44 = arith.constant 0 : i32
      %dma_start3A_45 = tpu.memref_slice %arg8[%add3A_24, %dma_start3A_44] : memref<10240x128xf32, #tpu.memory_space<vmem_shared>> -> memref<80x128xf32, #tpu.memory_space<vmem_shared>>
      tpu.enqueue_dma source(%arg7 : memref<80x128xf32, #tpu.memory_space<vmem>>) target(%dma_start3A_45 : memref<80x128xf32, #tpu.memory_space<vmem_shared>>) target_semaphore(%run_scoped3A : memref<!tpu.dma_semaphore, #tpu.memory_space<semaphore_mem>>)
      %dma_wait3A = arith.constant 0 : i32
      %dma_wait3A_46 = tpu.memref_slice %arg8[%add3A_24, %dma_wait3A] : memref<10240x128xf32, #tpu.memory_space<vmem_shared>> -> memref<80x128xf32, #tpu.memory_space<vmem_shared>>
      %dma_wait3A_47 = arith.constant 0 : i32
      %dma_wait3A_48 = tpu.memref_slice %arg8[%add3A_24, %dma_wait3A_47] : memref<10240x128xf32, #tpu.memory_space<vmem_shared>> -> memref<80x128xf32, #tpu.memory_space<vmem_shared>>
      tpu.wait_dma2 semaphore(%run_scoped3A : memref<!tpu.dma_semaphore, #tpu.memory_space<semaphore_mem>>) src(%arg7 : memref<80x128xf32, #tpu.memory_space<vmem>>) dst(%dma_wait3A_48 : memref<80x128xf32, #tpu.memory_space<vmem_shared>>)
      tpu.yield
    }) : () -> ()
    %mul3A_25 = arith.constant 640 : i32
    %mul3A_26 = arith.muli %arg1, %mul3A_25 : i32
    %add3A_27 = arith.constant 480 : i32
    %add3A_28 = arith.addi %mul3A_26, %add3A_27 : i32
    "tpu.region"() ({
      %run_scoped3A = tpu.sem_alloc : memref<!tpu.dma_semaphore, #tpu.memory_space<semaphore_mem>>
      %dma_start3A = arith.constant 0 : i32
      %dma_start3A_43 = tpu.memref_slice %arg8[%add3A_28, %dma_start3A] : memref<10240x128xf32, #tpu.memory_space<vmem_shared>> -> memref<80x128xf32, #tpu.memory_space<vmem_shared>>
      %dma_start3A_44 = arith.constant 0 : i32
      %dma_start3A_45 = tpu.memref_slice %arg8[%add3A_28, %dma_start3A_44] : memref<10240x128xf32, #tpu.memory_space<vmem_shared>> -> memref<80x128xf32, #tpu.memory_space<vmem_shared>>
      tpu.enqueue_dma source(%arg7 : memref<80x128xf32, #tpu.memory_space<vmem>>) target(%dma_start3A_45 : memref<80x128xf32, #tpu.memory_space<vmem_shared>>) target_semaphore(%run_scoped3A : memref<!tpu.dma_semaphore, #tpu.memory_space<semaphore_mem>>)
      %dma_wait3A = arith.constant 0 : i32
      %dma_wait3A_46 = tpu.memref_slice %arg8[%add3A_28, %dma_wait3A] : memref<10240x128xf32, #tpu.memory_space<vmem_shared>> -> memref<80x128xf32, #tpu.memory_space<vmem_shared>>
      %dma_wait3A_47 = arith.constant 0 : i32
      %dma_wait3A_48 = tpu.memref_slice %arg8[%add3A_28, %dma_wait3A_47] : memref<10240x128xf32, #tpu.memory_space<vmem_shared>> -> memref<80x128xf32, #tpu.memory_space<vmem_shared>>
      tpu.wait_dma2 semaphore(%run_scoped3A : memref<!tpu.dma_semaphore, #tpu.memory_space<semaphore_mem>>) src(%arg7 : memref<80x128xf32, #tpu.memory_space<vmem>>) dst(%dma_wait3A_48 : memref<80x128xf32, #tpu.memory_space<vmem_shared>>)
      tpu.yield
    }) : () -> ()
    %mul3A_29 = arith.constant 640 : i32
    %mul3A_30 = arith.muli %arg1, %mul3A_29 : i32
    %add3A_31 = arith.constant 560 : i32
    %add3A_32 = arith.addi %mul3A_30, %add3A_31 : i32
    "tpu.region"() ({
      %run_scoped3A = tpu.sem_alloc : memref<!tpu.dma_semaphore, #tpu.memory_space<semaphore_mem>>
      %dma_start3A = arith.constant 0 : i32
      %dma_start3A_43 = tpu.memref_slice %arg8[%add3A_32, %dma_start3A] : memref<10240x128xf32, #tpu.memory_space<vmem_shared>> -> memref<80x128xf32, #tpu.memory_space<vmem_shared>>
      %dma_start3A_44 = arith.constant 0 : i32
      %dma_start3A_45 = tpu.memref_slice %arg8[%add3A_32, %dma_start3A_44] : memref<10240x128xf32, #tpu.memory_space<vmem_shared>> -> memref<80x128xf32, #tpu.memory_space<vmem_shared>>
      tpu.enqueue_dma source(%arg7 : memref<80x128xf32, #tpu.memory_space<vmem>>) target(%dma_start3A_45 : memref<80x128xf32, #tpu.memory_space<vmem_shared>>) target_semaphore(%run_scoped3A : memref<!tpu.dma_semaphore, #tpu.memory_space<semaphore_mem>>)
      %dma_wait3A = arith.constant 0 : i32
      %dma_wait3A_46 = tpu.memref_slice %arg8[%add3A_32, %dma_wait3A] : memref<10240x128xf32, #tpu.memory_space<vmem_shared>> -> memref<80x128xf32, #tpu.memory_space<vmem_shared>>
      %dma_wait3A_47 = arith.constant 0 : i32
      %dma_wait3A_48 = tpu.memref_slice %arg8[%add3A_32, %dma_wait3A_47] : memref<10240x128xf32, #tpu.memory_space<vmem_shared>> -> memref<80x128xf32, #tpu.memory_space<vmem_shared>>
      tpu.wait_dma2 semaphore(%run_scoped3A : memref<!tpu.dma_semaphore, #tpu.memory_space<semaphore_mem>>) src(%arg7 : memref<80x128xf32, #tpu.memory_space<vmem>>) dst(%dma_wait3A_48 : memref<80x128xf32, #tpu.memory_space<vmem_shared>>)
      tpu.yield
    }) : () -> ()
    %barrier3A = arith.constant 0 : index
    tpu.barrier barrier_id(%barrier3A)
    %scan3A = arith.constant 0 : i32
    %scan3A_33 = arith.constant 0 : i32
    %scan3A_34 = arith.constant 125 : i32
    %scan3A_35 = arith.addi %scan3A_33, %scan3A_34 : i32
    %scan3A_36 = arith.constant 1 : i32
    scf.for %scan3A_43 = %scan3A_33 to %scan3A_35 step %scan3A_36  : i32 {
      %mul3A_44 = arith.constant 10000 : i32
      %mul3A_45 = arith.muli %add3A, %mul3A_44 : i32
      %mul3A_46 = arith.constant 80 : i32
      %mul3A_47 = arith.muli %scan3A_43, %mul3A_46 : i32
      %add3A_48 = arith.addi %mul3A_45, %mul3A_47 : i32
      "tpu.region"() ({
        %run_scoped3A = tpu.sem_alloc : memref<!tpu.dma_semaphore, #tpu.memory_space<semaphore_mem>>
        %dma_start3A = tpu.memref_slice %arg3[%add3A_48] : memref<320000xi32, #tpu.memory_space<hbm>> -> memref<80xi32, #tpu.memory_space<hbm>>
        %dma_start3A_49 = tpu.memref_slice %arg3[%add3A_48] : memref<320000xi32, #tpu.memory_space<hbm>> -> memref<80xi32, #tpu.memory_space<hbm>>
        tpu.enqueue_dma source(%dma_start3A_49 : memref<80xi32, #tpu.memory_space<hbm>>) target(%arg6 : memref<80xi32, #tpu.memory_space<vmem>>) target_semaphore(%run_scoped3A : memref<!tpu.dma_semaphore, #tpu.memory_space<semaphore_mem>>)
        %dma_wait3A = tpu.memref_slice %arg3[%add3A_48] : memref<320000xi32, #tpu.memory_space<hbm>> -> memref<80xi32, #tpu.memory_space<hbm>>
        %dma_wait3A_50 = tpu.memref_slice %arg3[%add3A_48] : memref<320000xi32, #tpu.memory_space<hbm>> -> memref<80xi32, #tpu.memory_space<hbm>>
        tpu.wait_dma2 semaphore(%run_scoped3A : memref<!tpu.dma_semaphore, #tpu.memory_space<semaphore_mem>>) src(%dma_wait3A_50 : memref<80xi32, #tpu.memory_space<hbm>>) dst(%arg6 : memref<80xi32, #tpu.memory_space<vmem>>)
        tpu.yield
      }) : () -> ()
      "tpu.region"() ({
        %run_scoped3A = tpu.sem_alloc : memref<!tpu.dma_semaphore, #tpu.memory_space<semaphore_mem>>
        %dma_start3A = arith.constant 0 : i32
        %dma_start3A_49 = tpu.memref_slice %arg2[%add3A_48, %dma_start3A] : memref<320000x128xf32, #tpu.memory_space<hbm>> -> memref<80x128xf32, #tpu.memory_space<hbm>>
        %dma_start3A_50 = arith.constant 0 : i32
        %dma_start3A_51 = tpu.memref_slice %arg2[%add3A_48, %dma_start3A_50] : memref<320000x128xf32, #tpu.memory_space<hbm>> -> memref<80x128xf32, #tpu.memory_space<hbm>>
        tpu.enqueue_dma source(%dma_start3A_51 : memref<80x128xf32, #tpu.memory_space<hbm>>) target(%arg7 : memref<80x128xf32, #tpu.memory_space<vmem>>) target_semaphore(%run_scoped3A : memref<!tpu.dma_semaphore, #tpu.memory_space<semaphore_mem>>)
        %dma_wait3A = arith.constant 0 : i32
        %dma_wait3A_52 = tpu.memref_slice %arg2[%add3A_48, %dma_wait3A] : memref<320000x128xf32, #tpu.memory_space<hbm>> -> memref<80x128xf32, #tpu.memory_space<hbm>>
        %dma_wait3A_53 = arith.constant 0 : i32
        %dma_wait3A_54 = tpu.memref_slice %arg2[%add3A_48, %dma_wait3A_53] : memref<320000x128xf32, #tpu.memory_space<hbm>> -> memref<80x128xf32, #tpu.memory_space<hbm>>
        tpu.wait_dma2 semaphore(%run_scoped3A : memref<!tpu.dma_semaphore, #tpu.memory_space<semaphore_mem>>) src(%dma_wait3A_54 : memref<80x128xf32, #tpu.memory_space<hbm>>) dst(%arg7 : memref<80x128xf32, #tpu.memory_space<vmem>>)
        tpu.yield
      }) : () -> ()
      "tpu.region"() ({
        %run_scoped3A = tpu.sem_alloc : memref<!tpu.dma_semaphore, #tpu.memory_space<semaphore_mem>>
        %dma_start3A = arith.constant 0 : i32
        %dma_start3A_49 = arith.constant 0 : i32
        %dma_start3A_50 = tpu.memref_slice %arg8[%dma_start3A, %dma_start3A_49] : memref<10240x128xf32, #tpu.memory_space<vmem_shared>> -> memref<10240x128xf32, #tpu.memory_space<vmem_shared>>
        tpu.enqueue_indirect_dma source(%arg7 : memref<80x128xf32, #tpu.memory_space<vmem>>) target(%dma_start3A_50 : memref<10240x128xf32, #tpu.memory_space<vmem_shared>>) offsets(%arg6 : memref<80xi32, #tpu.memory_space<vmem>>) semaphore(%run_scoped3A : memref<!tpu.dma_semaphore, #tpu.memory_space<semaphore_mem>>) {add = true}
        %dma_wait3A = arith.constant 0 : i32
        %dma_wait3A_51 = arith.constant 0 : i32
        %dma_wait3A_52 = tpu.memref_slice %arg8[%dma_wait3A, %dma_wait3A_51] : memref<10240x128xf32, #tpu.memory_space<vmem_shared>> -> memref<10240x128xf32, #tpu.memory_space<vmem_shared>>
        tpu.wait_indirect_dma semaphore(%run_scoped3A : memref<!tpu.dma_semaphore, #tpu.memory_space<semaphore_mem>>) src(%arg7 : memref<80x128xf32, #tpu.memory_space<vmem>>) dst(%dma_wait3A_52 : memref<10240x128xf32, #tpu.memory_space<vmem_shared>>)
        tpu.yield
      }) : () -> ()
    }
    %scan3A_37 = arith.constant 125 : i32
    %barrier3A_38 = arith.constant 0 : index
    tpu.barrier barrier_id(%barrier3A_38)
    %mul3A_39 = arith.constant 640 : i32
    %mul3A_40 = arith.muli %arg1, %mul3A_39 : i32
    %mul3A_41 = arith.constant 640 : i32
    %mul3A_42 = arith.muli %arg1, %mul3A_41 : i32
    "tpu.region"() ({
      %run_scoped3A = tpu.sem_alloc : memref<!tpu.dma_semaphore, #tpu.memory_space<semaphore_mem>>
      %dma_start3A = arith.constant 0 : i32
      %dma_start3A_43 = tpu.memref_slice %arg5[%arg0, %mul3A_42, %dma_start3A] : memref<2x10240x128xf32, #tpu.memory_space<hbm>> -> memref<1x640x128xf32, #tpu.memory_space<hbm>>
      %dma_start3A_44 = tpu.memref_squeeze %dma_start3A_43 : memref<1x640x128xf32, #tpu.memory_space<hbm>> -> memref<640x128xf32, #tpu.memory_space<hbm>>
      %dma_start3A_45 = arith.constant 0 : i32
      %dma_start3A_46 = tpu.memref_slice %arg8[%mul3A_40, %dma_start3A_45] : memref<10240x128xf32, #tpu.memory_space<vmem_shared>> -> memref<640x128xf32, #tpu.memory_space<vmem_shared>>
      tpu.enqueue_dma source(%dma_start3A_46 : memref<640x128xf32, #tpu.memory_space<vmem_shared>>) target(%dma_start3A_44 : memref<640x128xf32, #tpu.memory_space<hbm>>) target_semaphore(%run_scoped3A : memref<!tpu.dma_semaphore, #tpu.memory_space<semaphore_mem>>)
      %dma_wait3A = arith.constant 0 : i32
      %dma_wait3A_47 = tpu.memref_slice %arg5[%arg0, %mul3A_42, %dma_wait3A] : memref<2x10240x128xf32, #tpu.memory_space<hbm>> -> memref<1x640x128xf32, #tpu.memory_space<hbm>>
      %dma_wait3A_48 = tpu.memref_squeeze %dma_wait3A_47 : memref<1x640x128xf32, #tpu.memory_space<hbm>> -> memref<640x128xf32, #tpu.memory_space<hbm>>
      %dma_wait3A_49 = arith.constant 0 : i32
      %dma_wait3A_50 = tpu.memref_slice %arg8[%mul3A_40, %dma_wait3A_49] : memref<10240x128xf32, #tpu.memory_space<vmem_shared>> -> memref<640x128xf32, #tpu.memory_space<vmem_shared>>
      tpu.wait_dma2 semaphore(%run_scoped3A : memref<!tpu.dma_semaphore, #tpu.memory_space<semaphore_mem>>) src(%dma_wait3A_50 : memref<640x128xf32, #tpu.memory_space<vmem_shared>>) dst(%dma_wait3A_48 : memref<640x128xf32, #tpu.memory_space<hbm>>)
      tpu.yield
    }) : () -> ()
    return
  }
}

#map = affine_map<(d0, d1) -> (0, 0)>
#map1 = affine_map<(d0, d1) -> (0)>
module attributes {stable_mosaic.version = 14 : i64} {
  func.func @run(%arg0: i32, %arg1: i32, %arg2: memref<10000x128xf32, #tpu.memory_space<hbm>>, %arg3: memref<10000x128xf32, #tpu.memory_space<hbm>>, %arg4: memref<320000xi32, #tpu.memory_space<hbm>>, %arg5: memref<320000xi32, #tpu.memory_space<hbm>>, %arg6: memref<320000x128xf32, #tpu.memory_space<hbm>>, %arg7: memref<320000x128xf32, #tpu.memory_space<hbm>>, %arg8: memref<10000xi32, #tpu.memory_space<vmem>>, %arg9: memref<10000xi32, #tpu.memory_space<vmem>>, %arg10: memref<80x128xf32, #tpu.memory_space<vmem>>, %arg11: memref<80x128xf32, #tpu.memory_space<vmem>>, %arg12: memref<!tpu.dma_semaphore, #tpu.memory_space<semaphore_mem>>, %arg13: memref<!tpu.dma_semaphore, #tpu.memory_space<semaphore_mem>>) attributes {dimension_semantics = [#tpu.dimension_semantics<core_parallel>, #tpu.dimension_semantics<subcore_parallel>], iteration_bounds = array<i64: 2, 16>, scalar_prefetch = 0 : i64, scratch_operands = 6 : i64, tpu.core_type = #tpu.core_type<sc_vector_subcore>, window_params = [{transform_indices = #map}, {transform_indices = #map}, {transform_indices = #map1}, {transform_indices = #map1}, {transform_indices = #map}, {transform_indices = #map}]} {
    %mul3A = arith.constant 2 : i32
    %mul3A_0 = arith.muli %arg1, %mul3A : i32
    %add3A = arith.addi %mul3A_0, %arg0 : i32
    %mul3A_1 = arith.constant 10000 : i32
    %mul3A_2 = arith.muli %add3A, %mul3A_1 : i32
    "tpu.region"() ({
      %run_scoped3A = tpu.sem_alloc : memref<!tpu.dma_semaphore, #tpu.memory_space<semaphore_mem>>
      %dma_start3A = tpu.memref_slice %arg4[%mul3A_2] : memref<320000xi32, #tpu.memory_space<hbm>> -> memref<10000xi32, #tpu.memory_space<hbm>>
      %dma_start3A_8 = tpu.memref_slice %arg4[%mul3A_2] : memref<320000xi32, #tpu.memory_space<hbm>> -> memref<10000xi32, #tpu.memory_space<hbm>>
      tpu.enqueue_dma source(%dma_start3A_8 : memref<10000xi32, #tpu.memory_space<hbm>>) target(%arg8 : memref<10000xi32, #tpu.memory_space<vmem>>) target_semaphore(%run_scoped3A : memref<!tpu.dma_semaphore, #tpu.memory_space<semaphore_mem>>)
      %dma_wait3A = tpu.memref_slice %arg4[%mul3A_2] : memref<320000xi32, #tpu.memory_space<hbm>> -> memref<10000xi32, #tpu.memory_space<hbm>>
      %dma_wait3A_9 = tpu.memref_slice %arg4[%mul3A_2] : memref<320000xi32, #tpu.memory_space<hbm>> -> memref<10000xi32, #tpu.memory_space<hbm>>
      tpu.wait_dma2 semaphore(%run_scoped3A : memref<!tpu.dma_semaphore, #tpu.memory_space<semaphore_mem>>) src(%dma_wait3A_9 : memref<10000xi32, #tpu.memory_space<hbm>>) dst(%arg8 : memref<10000xi32, #tpu.memory_space<vmem>>)
      tpu.yield
    }) : () -> ()
    "tpu.region"() ({
      %run_scoped3A = tpu.sem_alloc : memref<!tpu.dma_semaphore, #tpu.memory_space<semaphore_mem>>
      %dma_start3A = tpu.memref_slice %arg5[%mul3A_2] : memref<320000xi32, #tpu.memory_space<hbm>> -> memref<10000xi32, #tpu.memory_space<hbm>>
      %dma_start3A_8 = tpu.memref_slice %arg5[%mul3A_2] : memref<320000xi32, #tpu.memory_space<hbm>> -> memref<10000xi32, #tpu.memory_space<hbm>>
      tpu.enqueue_dma source(%dma_start3A_8 : memref<10000xi32, #tpu.memory_space<hbm>>) target(%arg9 : memref<10000xi32, #tpu.memory_space<vmem>>) target_semaphore(%run_scoped3A : memref<!tpu.dma_semaphore, #tpu.memory_space<semaphore_mem>>)
      %dma_wait3A = tpu.memref_slice %arg5[%mul3A_2] : memref<320000xi32, #tpu.memory_space<hbm>> -> memref<10000xi32, #tpu.memory_space<hbm>>
      %dma_wait3A_9 = tpu.memref_slice %arg5[%mul3A_2] : memref<320000xi32, #tpu.memory_space<hbm>> -> memref<10000xi32, #tpu.memory_space<hbm>>
      tpu.wait_dma2 semaphore(%run_scoped3A : memref<!tpu.dma_semaphore, #tpu.memory_space<semaphore_mem>>) src(%dma_wait3A_9 : memref<10000xi32, #tpu.memory_space<hbm>>) dst(%arg9 : memref<10000xi32, #tpu.memory_space<vmem>>)
      tpu.yield
    }) : () -> ()
    %scan3A = arith.constant 0 : i32
    %scan3A_3 = arith.constant 0 : i32
    %scan3A_4 = arith.constant 125 : i32
    %scan3A_5 = arith.addi %scan3A_3, %scan3A_4 : i32
    %scan3A_6 = arith.constant 1 : i32
    scf.for %scan3A_8 = %scan3A_3 to %scan3A_5 step %scan3A_6  : i32 {
      %mul3A_9 = arith.constant 80 : i32
      %mul3A_10 = arith.muli %scan3A_8, %mul3A_9 : i32
      %dma_start3A = tpu.memref_slice %arg8[%mul3A_10] : memref<10000xi32, #tpu.memory_space<vmem>> -> memref<80xi32, #tpu.memory_space<vmem>>
      %dma_start3A_11 = arith.constant 0 : i32
      %dma_start3A_12 = arith.constant 0 : i32
      %dma_start3A_13 = tpu.memref_slice %arg2[%dma_start3A_11, %dma_start3A_12] : memref<10000x128xf32, #tpu.memory_space<hbm>> -> memref<10000x128xf32, #tpu.memory_space<hbm>>
      tpu.enqueue_indirect_dma source(%dma_start3A_13 : memref<10000x128xf32, #tpu.memory_space<hbm>>) target(%arg10 : memref<80x128xf32, #tpu.memory_space<vmem>>) offsets(%dma_start3A : memref<80xi32, #tpu.memory_space<vmem>>) semaphore(%arg12 : memref<!tpu.dma_semaphore, #tpu.memory_space<semaphore_mem>>)
      %dma_start3A_14 = tpu.memref_slice %arg9[%mul3A_10] : memref<10000xi32, #tpu.memory_space<vmem>> -> memref<80xi32, #tpu.memory_space<vmem>>
      %dma_start3A_15 = arith.constant 0 : i32
      %dma_start3A_16 = arith.constant 0 : i32
      %dma_start3A_17 = tpu.memref_slice %arg3[%dma_start3A_15, %dma_start3A_16] : memref<10000x128xf32, #tpu.memory_space<hbm>> -> memref<10000x128xf32, #tpu.memory_space<hbm>>
      tpu.enqueue_indirect_dma source(%dma_start3A_17 : memref<10000x128xf32, #tpu.memory_space<hbm>>) target(%arg11 : memref<80x128xf32, #tpu.memory_space<vmem>>) offsets(%dma_start3A_14 : memref<80xi32, #tpu.memory_space<vmem>>) semaphore(%arg13 : memref<!tpu.dma_semaphore, #tpu.memory_space<semaphore_mem>>)
      %dma_wait3A = tpu.memref_slice %arg8[%mul3A_10] : memref<10000xi32, #tpu.memory_space<vmem>> -> memref<80xi32, #tpu.memory_space<vmem>>
      %dma_wait3A_18 = arith.constant 0 : i32
      %dma_wait3A_19 = arith.constant 0 : i32
      %dma_wait3A_20 = tpu.memref_slice %arg2[%dma_wait3A_18, %dma_wait3A_19] : memref<10000x128xf32, #tpu.memory_space<hbm>> -> memref<10000x128xf32, #tpu.memory_space<hbm>>
      tpu.wait_indirect_dma semaphore(%arg12 : memref<!tpu.dma_semaphore, #tpu.memory_space<semaphore_mem>>) src(%dma_wait3A_20 : memref<10000x128xf32, #tpu.memory_space<hbm>>) dst(%arg10 : memref<80x128xf32, #tpu.memory_space<vmem>>)
      %dma_wait3A_21 = tpu.memref_slice %arg9[%mul3A_10] : memref<10000xi32, #tpu.memory_space<vmem>> -> memref<80xi32, #tpu.memory_space<vmem>>
      %dma_wait3A_22 = arith.constant 0 : i32
      %dma_wait3A_23 = arith.constant 0 : i32
      %dma_wait3A_24 = tpu.memref_slice %arg3[%dma_wait3A_22, %dma_wait3A_23] : memref<10000x128xf32, #tpu.memory_space<hbm>> -> memref<10000x128xf32, #tpu.memory_space<hbm>>
      tpu.wait_indirect_dma semaphore(%arg13 : memref<!tpu.dma_semaphore, #tpu.memory_space<semaphore_mem>>) src(%dma_wait3A_24 : memref<10000x128xf32, #tpu.memory_space<hbm>>) dst(%arg11 : memref<80x128xf32, #tpu.memory_space<vmem>>)
      %add3A_25 = arith.addi %mul3A_2, %mul3A_10 : i32
      "tpu.region"() ({
        %run_scoped3A = tpu.sem_alloc : memref<!tpu.dma_semaphore, #tpu.memory_space<semaphore_mem>>
        %dma_start3A_27 = arith.constant 0 : i32
        %dma_start3A_28 = tpu.memref_slice %arg6[%add3A_25, %dma_start3A_27] : memref<320000x128xf32, #tpu.memory_space<hbm>> -> memref<80x128xf32, #tpu.memory_space<hbm>>
        %dma_start3A_29 = arith.constant 0 : i32
        %dma_start3A_30 = tpu.memref_slice %arg6[%add3A_25, %dma_start3A_29] : memref<320000x128xf32, #tpu.memory_space<hbm>> -> memref<80x128xf32, #tpu.memory_space<hbm>>
        tpu.enqueue_dma source(%arg10 : memref<80x128xf32, #tpu.memory_space<vmem>>) target(%dma_start3A_30 : memref<80x128xf32, #tpu.memory_space<hbm>>) target_semaphore(%run_scoped3A : memref<!tpu.dma_semaphore, #tpu.memory_space<semaphore_mem>>)
        %dma_wait3A_31 = arith.constant 0 : i32
        %dma_wait3A_32 = tpu.memref_slice %arg6[%add3A_25, %dma_wait3A_31] : memref<320000x128xf32, #tpu.memory_space<hbm>> -> memref<80x128xf32, #tpu.memory_space<hbm>>
        %dma_wait3A_33 = arith.constant 0 : i32
        %dma_wait3A_34 = tpu.memref_slice %arg6[%add3A_25, %dma_wait3A_33] : memref<320000x128xf32, #tpu.memory_space<hbm>> -> memref<80x128xf32, #tpu.memory_space<hbm>>
        tpu.wait_dma2 semaphore(%run_scoped3A : memref<!tpu.dma_semaphore, #tpu.memory_space<semaphore_mem>>) src(%arg10 : memref<80x128xf32, #tpu.memory_space<vmem>>) dst(%dma_wait3A_34 : memref<80x128xf32, #tpu.memory_space<hbm>>)
        tpu.yield
      }) : () -> ()
      %add3A_26 = arith.addi %mul3A_2, %mul3A_10 : i32
      "tpu.region"() ({
        %run_scoped3A = tpu.sem_alloc : memref<!tpu.dma_semaphore, #tpu.memory_space<semaphore_mem>>
        %dma_start3A_27 = arith.constant 0 : i32
        %dma_start3A_28 = tpu.memref_slice %arg7[%add3A_26, %dma_start3A_27] : memref<320000x128xf32, #tpu.memory_space<hbm>> -> memref<80x128xf32, #tpu.memory_space<hbm>>
        %dma_start3A_29 = arith.constant 0 : i32
        %dma_start3A_30 = tpu.memref_slice %arg7[%add3A_26, %dma_start3A_29] : memref<320000x128xf32, #tpu.memory_space<hbm>> -> memref<80x128xf32, #tpu.memory_space<hbm>>
        tpu.enqueue_dma source(%arg11 : memref<80x128xf32, #tpu.memory_space<vmem>>) target(%dma_start3A_30 : memref<80x128xf32, #tpu.memory_space<hbm>>) target_semaphore(%run_scoped3A : memref<!tpu.dma_semaphore, #tpu.memory_space<semaphore_mem>>)
        %dma_wait3A_31 = arith.constant 0 : i32
        %dma_wait3A_32 = tpu.memref_slice %arg7[%add3A_26, %dma_wait3A_31] : memref<320000x128xf32, #tpu.memory_space<hbm>> -> memref<80x128xf32, #tpu.memory_space<hbm>>
        %dma_wait3A_33 = arith.constant 0 : i32
        %dma_wait3A_34 = tpu.memref_slice %arg7[%add3A_26, %dma_wait3A_33] : memref<320000x128xf32, #tpu.memory_space<hbm>> -> memref<80x128xf32, #tpu.memory_space<hbm>>
        tpu.wait_dma2 semaphore(%run_scoped3A : memref<!tpu.dma_semaphore, #tpu.memory_space<semaphore_mem>>) src(%arg11 : memref<80x128xf32, #tpu.memory_space<vmem>>) dst(%dma_wait3A_34 : memref<80x128xf32, #tpu.memory_space<hbm>>)
        tpu.yield
      }) : () -> ()
    }
    %scan3A_7 = arith.constant 125 : i32
    return
  }
}

#map = affine_map<(d0, d1) -> (0, 0)>
#map1 = affine_map<(d0, d1) -> (0)>
#map2 = affine_map<(d0, d1) -> (0, 0, 0)>
module attributes {stable_mosaic.version = 14 : i64} {
  func.func @run(%arg0: i32, %arg1: i32, %arg2: memref<320000x128xf32, #tpu.memory_space<hbm>>, %arg3: memref<320000xi32, #tpu.memory_space<hbm>>, %arg4: memref<80x128xf32, #tpu.memory_space<hbm>>, %arg5: memref<2x10240x128xf32, #tpu.memory_space<hbm>>, %arg6: memref<80xi32, #tpu.memory_space<vmem>>, %arg7: memref<80x128xf32, #tpu.memory_space<vmem>>, %arg8: memref<10240x128xf32, #tpu.memory_space<vmem_shared>>) attributes {dimension_semantics = [#tpu.dimension_semantics<core_parallel>, #tpu.dimension_semantics<subcore_parallel>], iteration_bounds = array<i64: 2, 16>, scalar_prefetch = 0 : i64, scratch_operands = 3 : i64, tpu.core_type = #tpu.core_type<sc_vector_subcore>, window_params = [{transform_indices = #map}, {transform_indices = #map1}, {transform_indices = #map}, {transform_indices = #map2}]} {
    %mul3A = arith.constant 2 : i32
    %mul3A_0 = arith.muli %arg1, %mul3A : i32
    %add3A = arith.addi %mul3A_0, %arg0 : i32
    "tpu.region"() ({
      %run_scoped3A = tpu.sem_alloc : memref<!tpu.dma_semaphore, #tpu.memory_space<semaphore_mem>>
      tpu.enqueue_dma source(%arg4 : memref<80x128xf32, #tpu.memory_space<hbm>>) target(%arg7 : memref<80x128xf32, #tpu.memory_space<vmem>>) target_semaphore(%run_scoped3A : memref<!tpu.dma_semaphore, #tpu.memory_space<semaphore_mem>>)
      tpu.wait_dma2 semaphore(%run_scoped3A : memref<!tpu.dma_semaphore, #tpu.memory_space<semaphore_mem>>) src(%arg4 : memref<80x128xf32, #tpu.memory_space<hbm>>) dst(%arg7 : memref<80x128xf32, #tpu.memory_space<vmem>>)
      tpu.yield
    }) : () -> ()
    %mul3A_1 = arith.constant 640 : i32
    %mul3A_2 = arith.muli %arg1, %mul3A_1 : i32
    %add3A_3 = arith.constant 0 : i32
    %add3A_4 = arith.addi %mul3A_2, %add3A_3 : i32
    "tpu.region"() ({
      %run_scoped3A = tpu.sem_alloc : memref<!tpu.dma_semaphore, #tpu.memory_space<semaphore_mem>>
      %dma_start3A = arith.constant 0 : i32
      %dma_start3A_43 = tpu.memref_slice %arg8[%add3A_4, %dma_start3A] : memref<10240x128xf32, #tpu.memory_space<vmem_shared>> -> memref<80x128xf32, #tpu.memory_space<vmem_shared>>
      %dma_start3A_44 = arith.constant 0 : i32
      %dma_start3A_45 = tpu.memref_slice %arg8[%add3A_4, %dma_start3A_44] : memref<10240x128xf32, #tpu.memory_space<vmem_shared>> -> memref<80x128xf32, #tpu.memory_space<vmem_shared>>
      tpu.enqueue_dma source(%arg7 : memref<80x128xf32, #tpu.memory_space<vmem>>) target(%dma_start3A_45 : memref<80x128xf32, #tpu.memory_space<vmem_shared>>) target_semaphore(%run_scoped3A : memref<!tpu.dma_semaphore, #tpu.memory_space<semaphore_mem>>)
      %dma_wait3A = arith.constant 0 : i32
      %dma_wait3A_46 = tpu.memref_slice %arg8[%add3A_4, %dma_wait3A] : memref<10240x128xf32, #tpu.memory_space<vmem_shared>> -> memref<80x128xf32, #tpu.memory_space<vmem_shared>>
      %dma_wait3A_47 = arith.constant 0 : i32
      %dma_wait3A_48 = tpu.memref_slice %arg8[%add3A_4, %dma_wait3A_47] : memref<10240x128xf32, #tpu.memory_space<vmem_shared>> -> memref<80x128xf32, #tpu.memory_space<vmem_shared>>
      tpu.wait_dma2 semaphore(%run_scoped3A : memref<!tpu.dma_semaphore, #tpu.memory_space<semaphore_mem>>) src(%arg7 : memref<80x128xf32, #tpu.memory_space<vmem>>) dst(%dma_wait3A_48 : memref<80x128xf32, #tpu.memory_space<vmem_shared>>)
      tpu.yield
    }) : () -> ()
    %mul3A_5 = arith.constant 640 : i32
    %mul3A_6 = arith.muli %arg1, %mul3A_5 : i32
    %add3A_7 = arith.constant 80 : i32
    %add3A_8 = arith.addi %mul3A_6, %add3A_7 : i32
    "tpu.region"() ({
      %run_scoped3A = tpu.sem_alloc : memref<!tpu.dma_semaphore, #tpu.memory_space<semaphore_mem>>
      %dma_start3A = arith.constant 0 : i32
      %dma_start3A_43 = tpu.memref_slice %arg8[%add3A_8, %dma_start3A] : memref<10240x128xf32, #tpu.memory_space<vmem_shared>> -> memref<80x128xf32, #tpu.memory_space<vmem_shared>>
      %dma_start3A_44 = arith.constant 0 : i32
      %dma_start3A_45 = tpu.memref_slice %arg8[%add3A_8, %dma_start3A_44] : memref<10240x128xf32, #tpu.memory_space<vmem_shared>> -> memref<80x128xf32, #tpu.memory_space<vmem_shared>>
      tpu.enqueue_dma source(%arg7 : memref<80x128xf32, #tpu.memory_space<vmem>>) target(%dma_start3A_45 : memref<80x128xf32, #tpu.memory_space<vmem_shared>>) target_semaphore(%run_scoped3A : memref<!tpu.dma_semaphore, #tpu.memory_space<semaphore_mem>>)
      %dma_wait3A = arith.constant 0 : i32
      %dma_wait3A_46 = tpu.memref_slice %arg8[%add3A_8, %dma_wait3A] : memref<10240x128xf32, #tpu.memory_space<vmem_shared>> -> memref<80x128xf32, #tpu.memory_space<vmem_shared>>
      %dma_wait3A_47 = arith.constant 0 : i32
      %dma_wait3A_48 = tpu.memref_slice %arg8[%add3A_8, %dma_wait3A_47] : memref<10240x128xf32, #tpu.memory_space<vmem_shared>> -> memref<80x128xf32, #tpu.memory_space<vmem_shared>>
      tpu.wait_dma2 semaphore(%run_scoped3A : memref<!tpu.dma_semaphore, #tpu.memory_space<semaphore_mem>>) src(%arg7 : memref<80x128xf32, #tpu.memory_space<vmem>>) dst(%dma_wait3A_48 : memref<80x128xf32, #tpu.memory_space<vmem_shared>>)
      tpu.yield
    }) : () -> ()
    %mul3A_9 = arith.constant 640 : i32
    %mul3A_10 = arith.muli %arg1, %mul3A_9 : i32
    %add3A_11 = arith.constant 160 : i32
    %add3A_12 = arith.addi %mul3A_10, %add3A_11 : i32
    "tpu.region"() ({
      %run_scoped3A = tpu.sem_alloc : memref<!tpu.dma_semaphore, #tpu.memory_space<semaphore_mem>>
      %dma_start3A = arith.constant 0 : i32
      %dma_start3A_43 = tpu.memref_slice %arg8[%add3A_12, %dma_start3A] : memref<10240x128xf32, #tpu.memory_space<vmem_shared>> -> memref<80x128xf32, #tpu.memory_space<vmem_shared>>
      %dma_start3A_44 = arith.constant 0 : i32
      %dma_start3A_45 = tpu.memref_slice %arg8[%add3A_12, %dma_start3A_44] : memref<10240x128xf32, #tpu.memory_space<vmem_shared>> -> memref<80x128xf32, #tpu.memory_space<vmem_shared>>
      tpu.enqueue_dma source(%arg7 : memref<80x128xf32, #tpu.memory_space<vmem>>) target(%dma_start3A_45 : memref<80x128xf32, #tpu.memory_space<vmem_shared>>) target_semaphore(%run_scoped3A : memref<!tpu.dma_semaphore, #tpu.memory_space<semaphore_mem>>)
      %dma_wait3A = arith.constant 0 : i32
      %dma_wait3A_46 = tpu.memref_slice %arg8[%add3A_12, %dma_wait3A] : memref<10240x128xf32, #tpu.memory_space<vmem_shared>> -> memref<80x128xf32, #tpu.memory_space<vmem_shared>>
      %dma_wait3A_47 = arith.constant 0 : i32
      %dma_wait3A_48 = tpu.memref_slice %arg8[%add3A_12, %dma_wait3A_47] : memref<10240x128xf32, #tpu.memory_space<vmem_shared>> -> memref<80x128xf32, #tpu.memory_space<vmem_shared>>
      tpu.wait_dma2 semaphore(%run_scoped3A : memref<!tpu.dma_semaphore, #tpu.memory_space<semaphore_mem>>) src(%arg7 : memref<80x128xf32, #tpu.memory_space<vmem>>) dst(%dma_wait3A_48 : memref<80x128xf32, #tpu.memory_space<vmem_shared>>)
      tpu.yield
    }) : () -> ()
    %mul3A_13 = arith.constant 640 : i32
    %mul3A_14 = arith.muli %arg1, %mul3A_13 : i32
    %add3A_15 = arith.constant 240 : i32
    %add3A_16 = arith.addi %mul3A_14, %add3A_15 : i32
    "tpu.region"() ({
      %run_scoped3A = tpu.sem_alloc : memref<!tpu.dma_semaphore, #tpu.memory_space<semaphore_mem>>
      %dma_start3A = arith.constant 0 : i32
      %dma_start3A_43 = tpu.memref_slice %arg8[%add3A_16, %dma_start3A] : memref<10240x128xf32, #tpu.memory_space<vmem_shared>> -> memref<80x128xf32, #tpu.memory_space<vmem_shared>>
      %dma_start3A_44 = arith.constant 0 : i32
      %dma_start3A_45 = tpu.memref_slice %arg8[%add3A_16, %dma_start3A_44] : memref<10240x128xf32, #tpu.memory_space<vmem_shared>> -> memref<80x128xf32, #tpu.memory_space<vmem_shared>>
      tpu.enqueue_dma source(%arg7 : memref<80x128xf32, #tpu.memory_space<vmem>>) target(%dma_start3A_45 : memref<80x128xf32, #tpu.memory_space<vmem_shared>>) target_semaphore(%run_scoped3A : memref<!tpu.dma_semaphore, #tpu.memory_space<semaphore_mem>>)
      %dma_wait3A = arith.constant 0 : i32
      %dma_wait3A_46 = tpu.memref_slice %arg8[%add3A_16, %dma_wait3A] : memref<10240x128xf32, #tpu.memory_space<vmem_shared>> -> memref<80x128xf32, #tpu.memory_space<vmem_shared>>
      %dma_wait3A_47 = arith.constant 0 : i32
      %dma_wait3A_48 = tpu.memref_slice %arg8[%add3A_16, %dma_wait3A_47] : memref<10240x128xf32, #tpu.memory_space<vmem_shared>> -> memref<80x128xf32, #tpu.memory_space<vmem_shared>>
      tpu.wait_dma2 semaphore(%run_scoped3A : memref<!tpu.dma_semaphore, #tpu.memory_space<semaphore_mem>>) src(%arg7 : memref<80x128xf32, #tpu.memory_space<vmem>>) dst(%dma_wait3A_48 : memref<80x128xf32, #tpu.memory_space<vmem_shared>>)
      tpu.yield
    }) : () -> ()
    %mul3A_17 = arith.constant 640 : i32
    %mul3A_18 = arith.muli %arg1, %mul3A_17 : i32
    %add3A_19 = arith.constant 320 : i32
    %add3A_20 = arith.addi %mul3A_18, %add3A_19 : i32
    "tpu.region"() ({
      %run_scoped3A = tpu.sem_alloc : memref<!tpu.dma_semaphore, #tpu.memory_space<semaphore_mem>>
      %dma_start3A = arith.constant 0 : i32
      %dma_start3A_43 = tpu.memref_slice %arg8[%add3A_20, %dma_start3A] : memref<10240x128xf32, #tpu.memory_space<vmem_shared>> -> memref<80x128xf32, #tpu.memory_space<vmem_shared>>
      %dma_start3A_44 = arith.constant 0 : i32
      %dma_start3A_45 = tpu.memref_slice %arg8[%add3A_20, %dma_start3A_44] : memref<10240x128xf32, #tpu.memory_space<vmem_shared>> -> memref<80x128xf32, #tpu.memory_space<vmem_shared>>
      tpu.enqueue_dma source(%arg7 : memref<80x128xf32, #tpu.memory_space<vmem>>) target(%dma_start3A_45 : memref<80x128xf32, #tpu.memory_space<vmem_shared>>) target_semaphore(%run_scoped3A : memref<!tpu.dma_semaphore, #tpu.memory_space<semaphore_mem>>)
      %dma_wait3A = arith.constant 0 : i32
      %dma_wait3A_46 = tpu.memref_slice %arg8[%add3A_20, %dma_wait3A] : memref<10240x128xf32, #tpu.memory_space<vmem_shared>> -> memref<80x128xf32, #tpu.memory_space<vmem_shared>>
      %dma_wait3A_47 = arith.constant 0 : i32
      %dma_wait3A_48 = tpu.memref_slice %arg8[%add3A_20, %dma_wait3A_47] : memref<10240x128xf32, #tpu.memory_space<vmem_shared>> -> memref<80x128xf32, #tpu.memory_space<vmem_shared>>
      tpu.wait_dma2 semaphore(%run_scoped3A : memref<!tpu.dma_semaphore, #tpu.memory_space<semaphore_mem>>) src(%arg7 : memref<80x128xf32, #tpu.memory_space<vmem>>) dst(%dma_wait3A_48 : memref<80x128xf32, #tpu.memory_space<vmem_shared>>)
      tpu.yield
    }) : () -> ()
    %mul3A_21 = arith.constant 640 : i32
    %mul3A_22 = arith.muli %arg1, %mul3A_21 : i32
    %add3A_23 = arith.constant 400 : i32
    %add3A_24 = arith.addi %mul3A_22, %add3A_23 : i32
    "tpu.region"() ({
      %run_scoped3A = tpu.sem_alloc : memref<!tpu.dma_semaphore, #tpu.memory_space<semaphore_mem>>
      %dma_start3A = arith.constant 0 : i32
      %dma_start3A_43 = tpu.memref_slice %arg8[%add3A_24, %dma_start3A] : memref<10240x128xf32, #tpu.memory_space<vmem_shared>> -> memref<80x128xf32, #tpu.memory_space<vmem_shared>>
      %dma_start3A_44 = arith.constant 0 : i32
      %dma_start3A_45 = tpu.memref_slice %arg8[%add3A_24, %dma_start3A_44] : memref<10240x128xf32, #tpu.memory_space<vmem_shared>> -> memref<80x128xf32, #tpu.memory_space<vmem_shared>>
      tpu.enqueue_dma source(%arg7 : memref<80x128xf32, #tpu.memory_space<vmem>>) target(%dma_start3A_45 : memref<80x128xf32, #tpu.memory_space<vmem_shared>>) target_semaphore(%run_scoped3A : memref<!tpu.dma_semaphore, #tpu.memory_space<semaphore_mem>>)
      %dma_wait3A = arith.constant 0 : i32
      %dma_wait3A_46 = tpu.memref_slice %arg8[%add3A_24, %dma_wait3A] : memref<10240x128xf32, #tpu.memory_space<vmem_shared>> -> memref<80x128xf32, #tpu.memory_space<vmem_shared>>
      %dma_wait3A_47 = arith.constant 0 : i32
      %dma_wait3A_48 = tpu.memref_slice %arg8[%add3A_24, %dma_wait3A_47] : memref<10240x128xf32, #tpu.memory_space<vmem_shared>> -> memref<80x128xf32, #tpu.memory_space<vmem_shared>>
      tpu.wait_dma2 semaphore(%run_scoped3A : memref<!tpu.dma_semaphore, #tpu.memory_space<semaphore_mem>>) src(%arg7 : memref<80x128xf32, #tpu.memory_space<vmem>>) dst(%dma_wait3A_48 : memref<80x128xf32, #tpu.memory_space<vmem_shared>>)
      tpu.yield
    }) : () -> ()
    %mul3A_25 = arith.constant 640 : i32
    %mul3A_26 = arith.muli %arg1, %mul3A_25 : i32
    %add3A_27 = arith.constant 480 : i32
    %add3A_28 = arith.addi %mul3A_26, %add3A_27 : i32
    "tpu.region"() ({
      %run_scoped3A = tpu.sem_alloc : memref<!tpu.dma_semaphore, #tpu.memory_space<semaphore_mem>>
      %dma_start3A = arith.constant 0 : i32
      %dma_start3A_43 = tpu.memref_slice %arg8[%add3A_28, %dma_start3A] : memref<10240x128xf32, #tpu.memory_space<vmem_shared>> -> memref<80x128xf32, #tpu.memory_space<vmem_shared>>
      %dma_start3A_44 = arith.constant 0 : i32
      %dma_start3A_45 = tpu.memref_slice %arg8[%add3A_28, %dma_start3A_44] : memref<10240x128xf32, #tpu.memory_space<vmem_shared>> -> memref<80x128xf32, #tpu.memory_space<vmem_shared>>
      tpu.enqueue_dma source(%arg7 : memref<80x128xf32, #tpu.memory_space<vmem>>) target(%dma_start3A_45 : memref<80x128xf32, #tpu.memory_space<vmem_shared>>) target_semaphore(%run_scoped3A : memref<!tpu.dma_semaphore, #tpu.memory_space<semaphore_mem>>)
      %dma_wait3A = arith.constant 0 : i32
      %dma_wait3A_46 = tpu.memref_slice %arg8[%add3A_28, %dma_wait3A] : memref<10240x128xf32, #tpu.memory_space<vmem_shared>> -> memref<80x128xf32, #tpu.memory_space<vmem_shared>>
      %dma_wait3A_47 = arith.constant 0 : i32
      %dma_wait3A_48 = tpu.memref_slice %arg8[%add3A_28, %dma_wait3A_47] : memref<10240x128xf32, #tpu.memory_space<vmem_shared>> -> memref<80x128xf32, #tpu.memory_space<vmem_shared>>
      tpu.wait_dma2 semaphore(%run_scoped3A : memref<!tpu.dma_semaphore, #tpu.memory_space<semaphore_mem>>) src(%arg7 : memref<80x128xf32, #tpu.memory_space<vmem>>) dst(%dma_wait3A_48 : memref<80x128xf32, #tpu.memory_space<vmem_shared>>)
      tpu.yield
    }) : () -> ()
    %mul3A_29 = arith.constant 640 : i32
    %mul3A_30 = arith.muli %arg1, %mul3A_29 : i32
    %add3A_31 = arith.constant 560 : i32
    %add3A_32 = arith.addi %mul3A_30, %add3A_31 : i32
    "tpu.region"() ({
      %run_scoped3A = tpu.sem_alloc : memref<!tpu.dma_semaphore, #tpu.memory_space<semaphore_mem>>
      %dma_start3A = arith.constant 0 : i32
      %dma_start3A_43 = tpu.memref_slice %arg8[%add3A_32, %dma_start3A] : memref<10240x128xf32, #tpu.memory_space<vmem_shared>> -> memref<80x128xf32, #tpu.memory_space<vmem_shared>>
      %dma_start3A_44 = arith.constant 0 : i32
      %dma_start3A_45 = tpu.memref_slice %arg8[%add3A_32, %dma_start3A_44] : memref<10240x128xf32, #tpu.memory_space<vmem_shared>> -> memref<80x128xf32, #tpu.memory_space<vmem_shared>>
      tpu.enqueue_dma source(%arg7 : memref<80x128xf32, #tpu.memory_space<vmem>>) target(%dma_start3A_45 : memref<80x128xf32, #tpu.memory_space<vmem_shared>>) target_semaphore(%run_scoped3A : memref<!tpu.dma_semaphore, #tpu.memory_space<semaphore_mem>>)
      %dma_wait3A = arith.constant 0 : i32
      %dma_wait3A_46 = tpu.memref_slice %arg8[%add3A_32, %dma_wait3A] : memref<10240x128xf32, #tpu.memory_space<vmem_shared>> -> memref<80x128xf32, #tpu.memory_space<vmem_shared>>
      %dma_wait3A_47 = arith.constant 0 : i32
      %dma_wait3A_48 = tpu.memref_slice %arg8[%add3A_32, %dma_wait3A_47] : memref<10240x128xf32, #tpu.memory_space<vmem_shared>> -> memref<80x128xf32, #tpu.memory_space<vmem_shared>>
      tpu.wait_dma2 semaphore(%run_scoped3A : memref<!tpu.dma_semaphore, #tpu.memory_space<semaphore_mem>>) src(%arg7 : memref<80x128xf32, #tpu.memory_space<vmem>>) dst(%dma_wait3A_48 : memref<80x128xf32, #tpu.memory_space<vmem_shared>>)
      tpu.yield
    }) : () -> ()
    %barrier3A = arith.constant 0 : index
    tpu.barrier barrier_id(%barrier3A)
    %scan3A = arith.constant 0 : i32
    %scan3A_33 = arith.constant 0 : i32
    %scan3A_34 = arith.constant 125 : i32
    %scan3A_35 = arith.addi %scan3A_33, %scan3A_34 : i32
    %scan3A_36 = arith.constant 1 : i32
    scf.for %scan3A_43 = %scan3A_33 to %scan3A_35 step %scan3A_36  : i32 {
      %mul3A_44 = arith.constant 10000 : i32
      %mul3A_45 = arith.muli %add3A, %mul3A_44 : i32
      %mul3A_46 = arith.constant 80 : i32
      %mul3A_47 = arith.muli %scan3A_43, %mul3A_46 : i32
      %add3A_48 = arith.addi %mul3A_45, %mul3A_47 : i32
      "tpu.region"() ({
        %run_scoped3A = tpu.sem_alloc : memref<!tpu.dma_semaphore, #tpu.memory_space<semaphore_mem>>
        %dma_start3A = tpu.memref_slice %arg3[%add3A_48] : memref<320000xi32, #tpu.memory_space<hbm>> -> memref<80xi32, #tpu.memory_space<hbm>>
        %dma_start3A_49 = tpu.memref_slice %arg3[%add3A_48] : memref<320000xi32, #tpu.memory_space<hbm>> -> memref<80xi32, #tpu.memory_space<hbm>>
        tpu.enqueue_dma source(%dma_start3A_49 : memref<80xi32, #tpu.memory_space<hbm>>) target(%arg6 : memref<80xi32, #tpu.memory_space<vmem>>) target_semaphore(%run_scoped3A : memref<!tpu.dma_semaphore, #tpu.memory_space<semaphore_mem>>)
        %dma_wait3A = tpu.memref_slice %arg3[%add3A_48] : memref<320000xi32, #tpu.memory_space<hbm>> -> memref<80xi32, #tpu.memory_space<hbm>>
        %dma_wait3A_50 = tpu.memref_slice %arg3[%add3A_48] : memref<320000xi32, #tpu.memory_space<hbm>> -> memref<80xi32, #tpu.memory_space<hbm>>
        tpu.wait_dma2 semaphore(%run_scoped3A : memref<!tpu.dma_semaphore, #tpu.memory_space<semaphore_mem>>) src(%dma_wait3A_50 : memref<80xi32, #tpu.memory_space<hbm>>) dst(%arg6 : memref<80xi32, #tpu.memory_space<vmem>>)
        tpu.yield
      }) : () -> ()
      "tpu.region"() ({
        %run_scoped3A = tpu.sem_alloc : memref<!tpu.dma_semaphore, #tpu.memory_space<semaphore_mem>>
        %dma_start3A = arith.constant 0 : i32
        %dma_start3A_49 = tpu.memref_slice %arg2[%add3A_48, %dma_start3A] : memref<320000x128xf32, #tpu.memory_space<hbm>> -> memref<80x128xf32, #tpu.memory_space<hbm>>
        %dma_start3A_50 = arith.constant 0 : i32
        %dma_start3A_51 = tpu.memref_slice %arg2[%add3A_48, %dma_start3A_50] : memref<320000x128xf32, #tpu.memory_space<hbm>> -> memref<80x128xf32, #tpu.memory_space<hbm>>
        tpu.enqueue_dma source(%dma_start3A_51 : memref<80x128xf32, #tpu.memory_space<hbm>>) target(%arg7 : memref<80x128xf32, #tpu.memory_space<vmem>>) target_semaphore(%run_scoped3A : memref<!tpu.dma_semaphore, #tpu.memory_space<semaphore_mem>>)
        %dma_wait3A = arith.constant 0 : i32
        %dma_wait3A_52 = tpu.memref_slice %arg2[%add3A_48, %dma_wait3A] : memref<320000x128xf32, #tpu.memory_space<hbm>> -> memref<80x128xf32, #tpu.memory_space<hbm>>
        %dma_wait3A_53 = arith.constant 0 : i32
        %dma_wait3A_54 = tpu.memref_slice %arg2[%add3A_48, %dma_wait3A_53] : memref<320000x128xf32, #tpu.memory_space<hbm>> -> memref<80x128xf32, #tpu.memory_space<hbm>>
        tpu.wait_dma2 semaphore(%run_scoped3A : memref<!tpu.dma_semaphore, #tpu.memory_space<semaphore_mem>>) src(%dma_wait3A_54 : memref<80x128xf32, #tpu.memory_space<hbm>>) dst(%arg7 : memref<80x128xf32, #tpu.memory_space<vmem>>)
        tpu.yield
      }) : () -> ()
      "tpu.region"() ({
        %run_scoped3A = tpu.sem_alloc : memref<!tpu.dma_semaphore, #tpu.memory_space<semaphore_mem>>
        %dma_start3A = arith.constant 0 : i32
        %dma_start3A_49 = arith.constant 0 : i32
        %dma_start3A_50 = tpu.memref_slice %arg8[%dma_start3A, %dma_start3A_49] : memref<10240x128xf32, #tpu.memory_space<vmem_shared>> -> memref<10240x128xf32, #tpu.memory_space<vmem_shared>>
        tpu.enqueue_indirect_dma source(%arg7 : memref<80x128xf32, #tpu.memory_space<vmem>>) target(%dma_start3A_50 : memref<10240x128xf32, #tpu.memory_space<vmem_shared>>) offsets(%arg6 : memref<80xi32, #tpu.memory_space<vmem>>) semaphore(%run_scoped3A : memref<!tpu.dma_semaphore, #tpu.memory_space<semaphore_mem>>) {add = true}
        %dma_wait3A = arith.constant 0 : i32
        %dma_wait3A_51 = arith.constant 0 : i32
        %dma_wait3A_52 = tpu.memref_slice %arg8[%dma_wait3A, %dma_wait3A_51] : memref<10240x128xf32, #tpu.memory_space<vmem_shared>> -> memref<10240x128xf32, #tpu.memory_space<vmem_shared>>
        tpu.wait_indirect_dma semaphore(%run_scoped3A : memref<!tpu.dma_semaphore, #tpu.memory_space<semaphore_mem>>) src(%arg7 : memref<80x128xf32, #tpu.memory_space<vmem>>) dst(%dma_wait3A_52 : memref<10240x128xf32, #tpu.memory_space<vmem_shared>>)
        tpu.yield
      }) : () -> ()
    }
    %scan3A_37 = arith.constant 125 : i32
    %barrier3A_38 = arith.constant 0 : index
    tpu.barrier barrier_id(%barrier3A_38)
    %mul3A_39 = arith.constant 640 : i32
    %mul3A_40 = arith.muli %arg1, %mul3A_39 : i32
    %mul3A_41 = arith.constant 640 : i32
    %mul3A_42 = arith.muli %arg1, %mul3A_41 : i32
    "tpu.region"() ({
      %run_scoped3A = tpu.sem_alloc : memref<!tpu.dma_semaphore, #tpu.memory_space<semaphore_mem>>
      %dma_start3A = arith.constant 0 : i32
      %dma_start3A_43 = tpu.memref_slice %arg5[%arg0, %mul3A_42, %dma_start3A] : memref<2x10240x128xf32, #tpu.memory_space<hbm>> -> memref<1x640x128xf32, #tpu.memory_space<hbm>>
      %dma_start3A_44 = tpu.memref_squeeze %dma_start3A_43 : memref<1x640x128xf32, #tpu.memory_space<hbm>> -> memref<640x128xf32, #tpu.memory_space<hbm>>
      %dma_start3A_45 = arith.constant 0 : i32
      %dma_start3A_46 = tpu.memref_slice %arg8[%mul3A_40, %dma_start3A_45] : memref<10240x128xf32, #tpu.memory_space<vmem_shared>> -> memref<640x128xf32, #tpu.memory_space<vmem_shared>>
      tpu.enqueue_dma source(%dma_start3A_46 : memref<640x128xf32, #tpu.memory_space<vmem_shared>>) target(%dma_start3A_44 : memref<640x128xf32, #tpu.memory_space<hbm>>) target_semaphore(%run_scoped3A : memref<!tpu.dma_semaphore, #tpu.memory_space<semaphore_mem>>)
      %dma_wait3A = arith.constant 0 : i32
      %dma_wait3A_47 = tpu.memref_slice %arg5[%arg0, %mul3A_42, %dma_wait3A] : memref<2x10240x128xf32, #tpu.memory_space<hbm>> -> memref<1x640x128xf32, #tpu.memory_space<hbm>>
      %dma_wait3A_48 = tpu.memref_squeeze %dma_wait3A_47 : memref<1x640x128xf32, #tpu.memory_space<hbm>> -> memref<640x128xf32, #tpu.memory_space<hbm>>
      %dma_wait3A_49 = arith.constant 0 : i32
      %dma_wait3A_50 = tpu.memref_slice %arg8[%mul3A_40, %dma_wait3A_49] : memref<10240x128xf32, #tpu.memory_space<vmem_shared>> -> memref<640x128xf32, #tpu.memory_space<vmem_shared>>
      tpu.wait_dma2 semaphore(%run_scoped3A : memref<!tpu.dma_semaphore, #tpu.memory_space<semaphore_mem>>) src(%dma_wait3A_50 : memref<640x128xf32, #tpu.memory_space<vmem_shared>>) dst(%dma_wait3A_48 : memref<640x128xf32, #tpu.memory_space<hbm>>)
      tpu.yield
    }) : () -> ()
    return
  }
}

#map = affine_map<(d0, d1) -> (0, 0)>
#map1 = affine_map<(d0, d1) -> (0)>
module attributes {stable_mosaic.version = 14 : i64} {
  func.func @run(%arg0: i32, %arg1: i32, %arg2: memref<10000x128xf32, #tpu.memory_space<hbm>>, %arg3: memref<10000x128xf32, #tpu.memory_space<hbm>>, %arg4: memref<320000xi32, #tpu.memory_space<hbm>>, %arg5: memref<320000xi32, #tpu.memory_space<hbm>>, %arg6: memref<320000x128xf32, #tpu.memory_space<hbm>>, %arg7: memref<320000x128xf32, #tpu.memory_space<hbm>>, %arg8: memref<10000xi32, #tpu.memory_space<vmem>>, %arg9: memref<10000xi32, #tpu.memory_space<vmem>>, %arg10: memref<80x128xf32, #tpu.memory_space<vmem>>, %arg11: memref<80x128xf32, #tpu.memory_space<vmem>>, %arg12: memref<!tpu.dma_semaphore, #tpu.memory_space<semaphore_mem>>, %arg13: memref<!tpu.dma_semaphore, #tpu.memory_space<semaphore_mem>>) attributes {dimension_semantics = [#tpu.dimension_semantics<core_parallel>, #tpu.dimension_semantics<subcore_parallel>], iteration_bounds = array<i64: 2, 16>, scalar_prefetch = 0 : i64, scratch_operands = 6 : i64, tpu.core_type = #tpu.core_type<sc_vector_subcore>, window_params = [{transform_indices = #map}, {transform_indices = #map}, {transform_indices = #map1}, {transform_indices = #map1}, {transform_indices = #map}, {transform_indices = #map}]} {
    %mul3A = arith.constant 2 : i32
    %mul3A_0 = arith.muli %arg1, %mul3A : i32
    %add3A = arith.addi %mul3A_0, %arg0 : i32
    %mul3A_1 = arith.constant 10000 : i32
    %mul3A_2 = arith.muli %add3A, %mul3A_1 : i32
    "tpu.region"() ({
      %run_scoped3A = tpu.sem_alloc : memref<!tpu.dma_semaphore, #tpu.memory_space<semaphore_mem>>
      %dma_start3A = tpu.memref_slice %arg4[%mul3A_2] : memref<320000xi32, #tpu.memory_space<hbm>> -> memref<10000xi32, #tpu.memory_space<hbm>>
      %dma_start3A_8 = tpu.memref_slice %arg4[%mul3A_2] : memref<320000xi32, #tpu.memory_space<hbm>> -> memref<10000xi32, #tpu.memory_space<hbm>>
      tpu.enqueue_dma source(%dma_start3A_8 : memref<10000xi32, #tpu.memory_space<hbm>>) target(%arg8 : memref<10000xi32, #tpu.memory_space<vmem>>) target_semaphore(%run_scoped3A : memref<!tpu.dma_semaphore, #tpu.memory_space<semaphore_mem>>)
      %dma_wait3A = tpu.memref_slice %arg4[%mul3A_2] : memref<320000xi32, #tpu.memory_space<hbm>> -> memref<10000xi32, #tpu.memory_space<hbm>>
      %dma_wait3A_9 = tpu.memref_slice %arg4[%mul3A_2] : memref<320000xi32, #tpu.memory_space<hbm>> -> memref<10000xi32, #tpu.memory_space<hbm>>
      tpu.wait_dma2 semaphore(%run_scoped3A : memref<!tpu.dma_semaphore, #tpu.memory_space<semaphore_mem>>) src(%dma_wait3A_9 : memref<10000xi32, #tpu.memory_space<hbm>>) dst(%arg8 : memref<10000xi32, #tpu.memory_space<vmem>>)
      tpu.yield
    }) : () -> ()
    "tpu.region"() ({
      %run_scoped3A = tpu.sem_alloc : memref<!tpu.dma_semaphore, #tpu.memory_space<semaphore_mem>>
      %dma_start3A = tpu.memref_slice %arg5[%mul3A_2] : memref<320000xi32, #tpu.memory_space<hbm>> -> memref<10000xi32, #tpu.memory_space<hbm>>
      %dma_start3A_8 = tpu.memref_slice %arg5[%mul3A_2] : memref<320000xi32, #tpu.memory_space<hbm>> -> memref<10000xi32, #tpu.memory_space<hbm>>
      tpu.enqueue_dma source(%dma_start3A_8 : memref<10000xi32, #tpu.memory_space<hbm>>) target(%arg9 : memref<10000xi32, #tpu.memory_space<vmem>>) target_semaphore(%run_scoped3A : memref<!tpu.dma_semaphore, #tpu.memory_space<semaphore_mem>>)
      %dma_wait3A = tpu.memref_slice %arg5[%mul3A_2] : memref<320000xi32, #tpu.memory_space<hbm>> -> memref<10000xi32, #tpu.memory_space<hbm>>
      %dma_wait3A_9 = tpu.memref_slice %arg5[%mul3A_2] : memref<320000xi32, #tpu.memory_space<hbm>> -> memref<10000xi32, #tpu.memory_space<hbm>>
      tpu.wait_dma2 semaphore(%run_scoped3A : memref<!tpu.dma_semaphore, #tpu.memory_space<semaphore_mem>>) src(%dma_wait3A_9 : memref<10000xi32, #tpu.memory_space<hbm>>) dst(%arg9 : memref<10000xi32, #tpu.memory_space<vmem>>)
      tpu.yield
    }) : () -> ()
    %scan3A = arith.constant 0 : i32
    %scan3A_3 = arith.constant 0 : i32
    %scan3A_4 = arith.constant 125 : i32
    %scan3A_5 = arith.addi %scan3A_3, %scan3A_4 : i32
    %scan3A_6 = arith.constant 1 : i32
    scf.for %scan3A_8 = %scan3A_3 to %scan3A_5 step %scan3A_6  : i32 {
      %mul3A_9 = arith.constant 80 : i32
      %mul3A_10 = arith.muli %scan3A_8, %mul3A_9 : i32
      %dma_start3A = tpu.memref_slice %arg8[%mul3A_10] : memref<10000xi32, #tpu.memory_space<vmem>> -> memref<80xi32, #tpu.memory_space<vmem>>
      %dma_start3A_11 = arith.constant 0 : i32
      %dma_start3A_12 = arith.constant 0 : i32
      %dma_start3A_13 = tpu.memref_slice %arg2[%dma_start3A_11, %dma_start3A_12] : memref<10000x128xf32, #tpu.memory_space<hbm>> -> memref<10000x128xf32, #tpu.memory_space<hbm>>
      tpu.enqueue_indirect_dma source(%dma_start3A_13 : memref<10000x128xf32, #tpu.memory_space<hbm>>) target(%arg10 : memref<80x128xf32, #tpu.memory_space<vmem>>) offsets(%dma_start3A : memref<80xi32, #tpu.memory_space<vmem>>) semaphore(%arg12 : memref<!tpu.dma_semaphore, #tpu.memory_space<semaphore_mem>>)
      %dma_start3A_14 = tpu.memref_slice %arg9[%mul3A_10] : memref<10000xi32, #tpu.memory_space<vmem>> -> memref<80xi32, #tpu.memory_space<vmem>>
      %dma_start3A_15 = arith.constant 0 : i32
      %dma_start3A_16 = arith.constant 0 : i32
      %dma_start3A_17 = tpu.memref_slice %arg3[%dma_start3A_15, %dma_start3A_16] : memref<10000x128xf32, #tpu.memory_space<hbm>> -> memref<10000x128xf32, #tpu.memory_space<hbm>>
      tpu.enqueue_indirect_dma source(%dma_start3A_17 : memref<10000x128xf32, #tpu.memory_space<hbm>>) target(%arg11 : memref<80x128xf32, #tpu.memory_space<vmem>>) offsets(%dma_start3A_14 : memref<80xi32, #tpu.memory_space<vmem>>) semaphore(%arg13 : memref<!tpu.dma_semaphore, #tpu.memory_space<semaphore_mem>>)
      %dma_wait3A = tpu.memref_slice %arg8[%mul3A_10] : memref<10000xi32, #tpu.memory_space<vmem>> -> memref<80xi32, #tpu.memory_space<vmem>>
      %dma_wait3A_18 = arith.constant 0 : i32
      %dma_wait3A_19 = arith.constant 0 : i32
      %dma_wait3A_20 = tpu.memref_slice %arg2[%dma_wait3A_18, %dma_wait3A_19] : memref<10000x128xf32, #tpu.memory_space<hbm>> -> memref<10000x128xf32, #tpu.memory_space<hbm>>
      tpu.wait_indirect_dma semaphore(%arg12 : memref<!tpu.dma_semaphore, #tpu.memory_space<semaphore_mem>>) src(%dma_wait3A_20 : memref<10000x128xf32, #tpu.memory_space<hbm>>) dst(%arg10 : memref<80x128xf32, #tpu.memory_space<vmem>>)
      %dma_wait3A_21 = tpu.memref_slice %arg9[%mul3A_10] : memref<10000xi32, #tpu.memory_space<vmem>> -> memref<80xi32, #tpu.memory_space<vmem>>
      %dma_wait3A_22 = arith.constant 0 : i32
      %dma_wait3A_23 = arith.constant 0 : i32
      %dma_wait3A_24 = tpu.memref_slice %arg3[%dma_wait3A_22, %dma_wait3A_23] : memref<10000x128xf32, #tpu.memory_space<hbm>> -> memref<10000x128xf32, #tpu.memory_space<hbm>>
      tpu.wait_indirect_dma semaphore(%arg13 : memref<!tpu.dma_semaphore, #tpu.memory_space<semaphore_mem>>) src(%dma_wait3A_24 : memref<10000x128xf32, #tpu.memory_space<hbm>>) dst(%arg11 : memref<80x128xf32, #tpu.memory_space<vmem>>)
      %add3A_25 = arith.addi %mul3A_2, %mul3A_10 : i32
      "tpu.region"() ({
        %run_scoped3A = tpu.sem_alloc : memref<!tpu.dma_semaphore, #tpu.memory_space<semaphore_mem>>
        %dma_start3A_27 = arith.constant 0 : i32
        %dma_start3A_28 = tpu.memref_slice %arg6[%add3A_25, %dma_start3A_27] : memref<320000x128xf32, #tpu.memory_space<hbm>> -> memref<80x128xf32, #tpu.memory_space<hbm>>
        %dma_start3A_29 = arith.constant 0 : i32
        %dma_start3A_30 = tpu.memref_slice %arg6[%add3A_25, %dma_start3A_29] : memref<320000x128xf32, #tpu.memory_space<hbm>> -> memref<80x128xf32, #tpu.memory_space<hbm>>
        tpu.enqueue_dma source(%arg10 : memref<80x128xf32, #tpu.memory_space<vmem>>) target(%dma_start3A_30 : memref<80x128xf32, #tpu.memory_space<hbm>>) target_semaphore(%run_scoped3A : memref<!tpu.dma_semaphore, #tpu.memory_space<semaphore_mem>>)
        %dma_wait3A_31 = arith.constant 0 : i32
        %dma_wait3A_32 = tpu.memref_slice %arg6[%add3A_25, %dma_wait3A_31] : memref<320000x128xf32, #tpu.memory_space<hbm>> -> memref<80x128xf32, #tpu.memory_space<hbm>>
        %dma_wait3A_33 = arith.constant 0 : i32
        %dma_wait3A_34 = tpu.memref_slice %arg6[%add3A_25, %dma_wait3A_33] : memref<320000x128xf32, #tpu.memory_space<hbm>> -> memref<80x128xf32, #tpu.memory_space<hbm>>
        tpu.wait_dma2 semaphore(%run_scoped3A : memref<!tpu.dma_semaphore, #tpu.memory_space<semaphore_mem>>) src(%arg10 : memref<80x128xf32, #tpu.memory_space<vmem>>) dst(%dma_wait3A_34 : memref<80x128xf32, #tpu.memory_space<hbm>>)
        tpu.yield
      }) : () -> ()
      %add3A_26 = arith.addi %mul3A_2, %mul3A_10 : i32
      "tpu.region"() ({
        %run_scoped3A = tpu.sem_alloc : memref<!tpu.dma_semaphore, #tpu.memory_space<semaphore_mem>>
        %dma_start3A_27 = arith.constant 0 : i32
        %dma_start3A_28 = tpu.memref_slice %arg7[%add3A_26, %dma_start3A_27] : memref<320000x128xf32, #tpu.memory_space<hbm>> -> memref<80x128xf32, #tpu.memory_space<hbm>>
        %dma_start3A_29 = arith.constant 0 : i32
        %dma_start3A_30 = tpu.memref_slice %arg7[%add3A_26, %dma_start3A_29] : memref<320000x128xf32, #tpu.memory_space<hbm>> -> memref<80x128xf32, #tpu.memory_space<hbm>>
        tpu.enqueue_dma source(%arg11 : memref<80x128xf32, #tpu.memory_space<vmem>>) target(%dma_start3A_30 : memref<80x128xf32, #tpu.memory_space<hbm>>) target_semaphore(%run_scoped3A : memref<!tpu.dma_semaphore, #tpu.memory_space<semaphore_mem>>)
        %dma_wait3A_31 = arith.constant 0 : i32
        %dma_wait3A_32 = tpu.memref_slice %arg7[%add3A_26, %dma_wait3A_31] : memref<320000x128xf32, #tpu.memory_space<hbm>> -> memref<80x128xf32, #tpu.memory_space<hbm>>
        %dma_wait3A_33 = arith.constant 0 : i32
        %dma_wait3A_34 = tpu.memref_slice %arg7[%add3A_26, %dma_wait3A_33] : memref<320000x128xf32, #tpu.memory_space<hbm>> -> memref<80x128xf32, #tpu.memory_space<hbm>>
        tpu.wait_dma2 semaphore(%run_scoped3A : memref<!tpu.dma_semaphore, #tpu.memory_space<semaphore_mem>>) src(%arg11 : memref<80x128xf32, #tpu.memory_space<vmem>>) dst(%dma_wait3A_34 : memref<80x128xf32, #tpu.memory_space<hbm>>)
        tpu.yield
      }) : () -> ()
    }
    %scan3A_7 = arith.constant 125 : i32
    return
  }
}

#map = affine_map<(d0, d1) -> (0, 0)>
#map1 = affine_map<(d0, d1) -> (0)>
#map2 = affine_map<(d0, d1) -> (0, 0, 0)>
module attributes {stable_mosaic.version = 14 : i64} {
  func.func @run(%arg0: i32, %arg1: i32, %arg2: memref<320000x128xf32, #tpu.memory_space<hbm>>, %arg3: memref<320000xi32, #tpu.memory_space<hbm>>, %arg4: memref<80x128xf32, #tpu.memory_space<hbm>>, %arg5: memref<2x10240x128xf32, #tpu.memory_space<hbm>>, %arg6: memref<80xi32, #tpu.memory_space<vmem>>, %arg7: memref<80x128xf32, #tpu.memory_space<vmem>>, %arg8: memref<10240x128xf32, #tpu.memory_space<vmem_shared>>) attributes {dimension_semantics = [#tpu.dimension_semantics<core_parallel>, #tpu.dimension_semantics<subcore_parallel>], iteration_bounds = array<i64: 2, 16>, scalar_prefetch = 0 : i64, scratch_operands = 3 : i64, tpu.core_type = #tpu.core_type<sc_vector_subcore>, window_params = [{transform_indices = #map}, {transform_indices = #map1}, {transform_indices = #map}, {transform_indices = #map2}]} {
    %mul3A = arith.constant 2 : i32
    %mul3A_0 = arith.muli %arg1, %mul3A : i32
    %add3A = arith.addi %mul3A_0, %arg0 : i32
    "tpu.region"() ({
      %run_scoped3A = tpu.sem_alloc : memref<!tpu.dma_semaphore, #tpu.memory_space<semaphore_mem>>
      tpu.enqueue_dma source(%arg4 : memref<80x128xf32, #tpu.memory_space<hbm>>) target(%arg7 : memref<80x128xf32, #tpu.memory_space<vmem>>) target_semaphore(%run_scoped3A : memref<!tpu.dma_semaphore, #tpu.memory_space<semaphore_mem>>)
      tpu.wait_dma2 semaphore(%run_scoped3A : memref<!tpu.dma_semaphore, #tpu.memory_space<semaphore_mem>>) src(%arg4 : memref<80x128xf32, #tpu.memory_space<hbm>>) dst(%arg7 : memref<80x128xf32, #tpu.memory_space<vmem>>)
      tpu.yield
    }) : () -> ()
    %mul3A_1 = arith.constant 640 : i32
    %mul3A_2 = arith.muli %arg1, %mul3A_1 : i32
    %add3A_3 = arith.constant 0 : i32
    %add3A_4 = arith.addi %mul3A_2, %add3A_3 : i32
    "tpu.region"() ({
      %run_scoped3A = tpu.sem_alloc : memref<!tpu.dma_semaphore, #tpu.memory_space<semaphore_mem>>
      %dma_start3A = arith.constant 0 : i32
      %dma_start3A_43 = tpu.memref_slice %arg8[%add3A_4, %dma_start3A] : memref<10240x128xf32, #tpu.memory_space<vmem_shared>> -> memref<80x128xf32, #tpu.memory_space<vmem_shared>>
      %dma_start3A_44 = arith.constant 0 : i32
      %dma_start3A_45 = tpu.memref_slice %arg8[%add3A_4, %dma_start3A_44] : memref<10240x128xf32, #tpu.memory_space<vmem_shared>> -> memref<80x128xf32, #tpu.memory_space<vmem_shared>>
      tpu.enqueue_dma source(%arg7 : memref<80x128xf32, #tpu.memory_space<vmem>>) target(%dma_start3A_45 : memref<80x128xf32, #tpu.memory_space<vmem_shared>>) target_semaphore(%run_scoped3A : memref<!tpu.dma_semaphore, #tpu.memory_space<semaphore_mem>>)
      %dma_wait3A = arith.constant 0 : i32
      %dma_wait3A_46 = tpu.memref_slice %arg8[%add3A_4, %dma_wait3A] : memref<10240x128xf32, #tpu.memory_space<vmem_shared>> -> memref<80x128xf32, #tpu.memory_space<vmem_shared>>
      %dma_wait3A_47 = arith.constant 0 : i32
      %dma_wait3A_48 = tpu.memref_slice %arg8[%add3A_4, %dma_wait3A_47] : memref<10240x128xf32, #tpu.memory_space<vmem_shared>> -> memref<80x128xf32, #tpu.memory_space<vmem_shared>>
      tpu.wait_dma2 semaphore(%run_scoped3A : memref<!tpu.dma_semaphore, #tpu.memory_space<semaphore_mem>>) src(%arg7 : memref<80x128xf32, #tpu.memory_space<vmem>>) dst(%dma_wait3A_48 : memref<80x128xf32, #tpu.memory_space<vmem_shared>>)
      tpu.yield
    }) : () -> ()
    %mul3A_5 = arith.constant 640 : i32
    %mul3A_6 = arith.muli %arg1, %mul3A_5 : i32
    %add3A_7 = arith.constant 80 : i32
    %add3A_8 = arith.addi %mul3A_6, %add3A_7 : i32
    "tpu.region"() ({
      %run_scoped3A = tpu.sem_alloc : memref<!tpu.dma_semaphore, #tpu.memory_space<semaphore_mem>>
      %dma_start3A = arith.constant 0 : i32
      %dma_start3A_43 = tpu.memref_slice %arg8[%add3A_8, %dma_start3A] : memref<10240x128xf32, #tpu.memory_space<vmem_shared>> -> memref<80x128xf32, #tpu.memory_space<vmem_shared>>
      %dma_start3A_44 = arith.constant 0 : i32
      %dma_start3A_45 = tpu.memref_slice %arg8[%add3A_8, %dma_start3A_44] : memref<10240x128xf32, #tpu.memory_space<vmem_shared>> -> memref<80x128xf32, #tpu.memory_space<vmem_shared>>
      tpu.enqueue_dma source(%arg7 : memref<80x128xf32, #tpu.memory_space<vmem>>) target(%dma_start3A_45 : memref<80x128xf32, #tpu.memory_space<vmem_shared>>) target_semaphore(%run_scoped3A : memref<!tpu.dma_semaphore, #tpu.memory_space<semaphore_mem>>)
      %dma_wait3A = arith.constant 0 : i32
      %dma_wait3A_46 = tpu.memref_slice %arg8[%add3A_8, %dma_wait3A] : memref<10240x128xf32, #tpu.memory_space<vmem_shared>> -> memref<80x128xf32, #tpu.memory_space<vmem_shared>>
      %dma_wait3A_47 = arith.constant 0 : i32
      %dma_wait3A_48 = tpu.memref_slice %arg8[%add3A_8, %dma_wait3A_47] : memref<10240x128xf32, #tpu.memory_space<vmem_shared>> -> memref<80x128xf32, #tpu.memory_space<vmem_shared>>
      tpu.wait_dma2 semaphore(%run_scoped3A : memref<!tpu.dma_semaphore, #tpu.memory_space<semaphore_mem>>) src(%arg7 : memref<80x128xf32, #tpu.memory_space<vmem>>) dst(%dma_wait3A_48 : memref<80x128xf32, #tpu.memory_space<vmem_shared>>)
      tpu.yield
    }) : () -> ()
    %mul3A_9 = arith.constant 640 : i32
    %mul3A_10 = arith.muli %arg1, %mul3A_9 : i32
    %add3A_11 = arith.constant 160 : i32
    %add3A_12 = arith.addi %mul3A_10, %add3A_11 : i32
    "tpu.region"() ({
      %run_scoped3A = tpu.sem_alloc : memref<!tpu.dma_semaphore, #tpu.memory_space<semaphore_mem>>
      %dma_start3A = arith.constant 0 : i32
      %dma_start3A_43 = tpu.memref_slice %arg8[%add3A_12, %dma_start3A] : memref<10240x128xf32, #tpu.memory_space<vmem_shared>> -> memref<80x128xf32, #tpu.memory_space<vmem_shared>>
      %dma_start3A_44 = arith.constant 0 : i32
      %dma_start3A_45 = tpu.memref_slice %arg8[%add3A_12, %dma_start3A_44] : memref<10240x128xf32, #tpu.memory_space<vmem_shared>> -> memref<80x128xf32, #tpu.memory_space<vmem_shared>>
      tpu.enqueue_dma source(%arg7 : memref<80x128xf32, #tpu.memory_space<vmem>>) target(%dma_start3A_45 : memref<80x128xf32, #tpu.memory_space<vmem_shared>>) target_semaphore(%run_scoped3A : memref<!tpu.dma_semaphore, #tpu.memory_space<semaphore_mem>>)
      %dma_wait3A = arith.constant 0 : i32
      %dma_wait3A_46 = tpu.memref_slice %arg8[%add3A_12, %dma_wait3A] : memref<10240x128xf32, #tpu.memory_space<vmem_shared>> -> memref<80x128xf32, #tpu.memory_space<vmem_shared>>
      %dma_wait3A_47 = arith.constant 0 : i32
      %dma_wait3A_48 = tpu.memref_slice %arg8[%add3A_12, %dma_wait3A_47] : memref<10240x128xf32, #tpu.memory_space<vmem_shared>> -> memref<80x128xf32, #tpu.memory_space<vmem_shared>>
      tpu.wait_dma2 semaphore(%run_scoped3A : memref<!tpu.dma_semaphore, #tpu.memory_space<semaphore_mem>>) src(%arg7 : memref<80x128xf32, #tpu.memory_space<vmem>>) dst(%dma_wait3A_48 : memref<80x128xf32, #tpu.memory_space<vmem_shared>>)
      tpu.yield
    }) : () -> ()
    %mul3A_13 = arith.constant 640 : i32
    %mul3A_14 = arith.muli %arg1, %mul3A_13 : i32
    %add3A_15 = arith.constant 240 : i32
    %add3A_16 = arith.addi %mul3A_14, %add3A_15 : i32
    "tpu.region"() ({
      %run_scoped3A = tpu.sem_alloc : memref<!tpu.dma_semaphore, #tpu.memory_space<semaphore_mem>>
      %dma_start3A = arith.constant 0 : i32
      %dma_start3A_43 = tpu.memref_slice %arg8[%add3A_16, %dma_start3A] : memref<10240x128xf32, #tpu.memory_space<vmem_shared>> -> memref<80x128xf32, #tpu.memory_space<vmem_shared>>
      %dma_start3A_44 = arith.constant 0 : i32
      %dma_start3A_45 = tpu.memref_slice %arg8[%add3A_16, %dma_start3A_44] : memref<10240x128xf32, #tpu.memory_space<vmem_shared>> -> memref<80x128xf32, #tpu.memory_space<vmem_shared>>
      tpu.enqueue_dma source(%arg7 : memref<80x128xf32, #tpu.memory_space<vmem>>) target(%dma_start3A_45 : memref<80x128xf32, #tpu.memory_space<vmem_shared>>) target_semaphore(%run_scoped3A : memref<!tpu.dma_semaphore, #tpu.memory_space<semaphore_mem>>)
      %dma_wait3A = arith.constant 0 : i32
      %dma_wait3A_46 = tpu.memref_slice %arg8[%add3A_16, %dma_wait3A] : memref<10240x128xf32, #tpu.memory_space<vmem_shared>> -> memref<80x128xf32, #tpu.memory_space<vmem_shared>>
      %dma_wait3A_47 = arith.constant 0 : i32
      %dma_wait3A_48 = tpu.memref_slice %arg8[%add3A_16, %dma_wait3A_47] : memref<10240x128xf32, #tpu.memory_space<vmem_shared>> -> memref<80x128xf32, #tpu.memory_space<vmem_shared>>
      tpu.wait_dma2 semaphore(%run_scoped3A : memref<!tpu.dma_semaphore, #tpu.memory_space<semaphore_mem>>) src(%arg7 : memref<80x128xf32, #tpu.memory_space<vmem>>) dst(%dma_wait3A_48 : memref<80x128xf32, #tpu.memory_space<vmem_shared>>)
      tpu.yield
    }) : () -> ()
    %mul3A_17 = arith.constant 640 : i32
    %mul3A_18 = arith.muli %arg1, %mul3A_17 : i32
    %add3A_19 = arith.constant 320 : i32
    %add3A_20 = arith.addi %mul3A_18, %add3A_19 : i32
    "tpu.region"() ({
      %run_scoped3A = tpu.sem_alloc : memref<!tpu.dma_semaphore, #tpu.memory_space<semaphore_mem>>
      %dma_start3A = arith.constant 0 : i32
      %dma_start3A_43 = tpu.memref_slice %arg8[%add3A_20, %dma_start3A] : memref<10240x128xf32, #tpu.memory_space<vmem_shared>> -> memref<80x128xf32, #tpu.memory_space<vmem_shared>>
      %dma_start3A_44 = arith.constant 0 : i32
      %dma_start3A_45 = tpu.memref_slice %arg8[%add3A_20, %dma_start3A_44] : memref<10240x128xf32, #tpu.memory_space<vmem_shared>> -> memref<80x128xf32, #tpu.memory_space<vmem_shared>>
      tpu.enqueue_dma source(%arg7 : memref<80x128xf32, #tpu.memory_space<vmem>>) target(%dma_start3A_45 : memref<80x128xf32, #tpu.memory_space<vmem_shared>>) target_semaphore(%run_scoped3A : memref<!tpu.dma_semaphore, #tpu.memory_space<semaphore_mem>>)
      %dma_wait3A = arith.constant 0 : i32
      %dma_wait3A_46 = tpu.memref_slice %arg8[%add3A_20, %dma_wait3A] : memref<10240x128xf32, #tpu.memory_space<vmem_shared>> -> memref<80x128xf32, #tpu.memory_space<vmem_shared>>
      %dma_wait3A_47 = arith.constant 0 : i32
      %dma_wait3A_48 = tpu.memref_slice %arg8[%add3A_20, %dma_wait3A_47] : memref<10240x128xf32, #tpu.memory_space<vmem_shared>> -> memref<80x128xf32, #tpu.memory_space<vmem_shared>>
      tpu.wait_dma2 semaphore(%run_scoped3A : memref<!tpu.dma_semaphore, #tpu.memory_space<semaphore_mem>>) src(%arg7 : memref<80x128xf32, #tpu.memory_space<vmem>>) dst(%dma_wait3A_48 : memref<80x128xf32, #tpu.memory_space<vmem_shared>>)
      tpu.yield
    }) : () -> ()
    %mul3A_21 = arith.constant 640 : i32
    %mul3A_22 = arith.muli %arg1, %mul3A_21 : i32
    %add3A_23 = arith.constant 400 : i32
    %add3A_24 = arith.addi %mul3A_22, %add3A_23 : i32
    "tpu.region"() ({
      %run_scoped3A = tpu.sem_alloc : memref<!tpu.dma_semaphore, #tpu.memory_space<semaphore_mem>>
      %dma_start3A = arith.constant 0 : i32
      %dma_start3A_43 = tpu.memref_slice %arg8[%add3A_24, %dma_start3A] : memref<10240x128xf32, #tpu.memory_space<vmem_shared>> -> memref<80x128xf32, #tpu.memory_space<vmem_shared>>
      %dma_start3A_44 = arith.constant 0 : i32
      %dma_start3A_45 = tpu.memref_slice %arg8[%add3A_24, %dma_start3A_44] : memref<10240x128xf32, #tpu.memory_space<vmem_shared>> -> memref<80x128xf32, #tpu.memory_space<vmem_shared>>
      tpu.enqueue_dma source(%arg7 : memref<80x128xf32, #tpu.memory_space<vmem>>) target(%dma_start3A_45 : memref<80x128xf32, #tpu.memory_space<vmem_shared>>) target_semaphore(%run_scoped3A : memref<!tpu.dma_semaphore, #tpu.memory_space<semaphore_mem>>)
      %dma_wait3A = arith.constant 0 : i32
      %dma_wait3A_46 = tpu.memref_slice %arg8[%add3A_24, %dma_wait3A] : memref<10240x128xf32, #tpu.memory_space<vmem_shared>> -> memref<80x128xf32, #tpu.memory_space<vmem_shared>>
      %dma_wait3A_47 = arith.constant 0 : i32
      %dma_wait3A_48 = tpu.memref_slice %arg8[%add3A_24, %dma_wait3A_47] : memref<10240x128xf32, #tpu.memory_space<vmem_shared>> -> memref<80x128xf32, #tpu.memory_space<vmem_shared>>
      tpu.wait_dma2 semaphore(%run_scoped3A : memref<!tpu.dma_semaphore, #tpu.memory_space<semaphore_mem>>) src(%arg7 : memref<80x128xf32, #tpu.memory_space<vmem>>) dst(%dma_wait3A_48 : memref<80x128xf32, #tpu.memory_space<vmem_shared>>)
      tpu.yield
    }) : () -> ()
    %mul3A_25 = arith.constant 640 : i32
    %mul3A_26 = arith.muli %arg1, %mul3A_25 : i32
    %add3A_27 = arith.constant 480 : i32
    %add3A_28 = arith.addi %mul3A_26, %add3A_27 : i32
    "tpu.region"() ({
      %run_scoped3A = tpu.sem_alloc : memref<!tpu.dma_semaphore, #tpu.memory_space<semaphore_mem>>
      %dma_start3A = arith.constant 0 : i32
      %dma_start3A_43 = tpu.memref_slice %arg8[%add3A_28, %dma_start3A] : memref<10240x128xf32, #tpu.memory_space<vmem_shared>> -> memref<80x128xf32, #tpu.memory_space<vmem_shared>>
      %dma_start3A_44 = arith.constant 0 : i32
      %dma_start3A_45 = tpu.memref_slice %arg8[%add3A_28, %dma_start3A_44] : memref<10240x128xf32, #tpu.memory_space<vmem_shared>> -> memref<80x128xf32, #tpu.memory_space<vmem_shared>>
      tpu.enqueue_dma source(%arg7 : memref<80x128xf32, #tpu.memory_space<vmem>>) target(%dma_start3A_45 : memref<80x128xf32, #tpu.memory_space<vmem_shared>>) target_semaphore(%run_scoped3A : memref<!tpu.dma_semaphore, #tpu.memory_space<semaphore_mem>>)
      %dma_wait3A = arith.constant 0 : i32
      %dma_wait3A_46 = tpu.memref_slice %arg8[%add3A_28, %dma_wait3A] : memref<10240x128xf32, #tpu.memory_space<vmem_shared>> -> memref<80x128xf32, #tpu.memory_space<vmem_shared>>
      %dma_wait3A_47 = arith.constant 0 : i32
      %dma_wait3A_48 = tpu.memref_slice %arg8[%add3A_28, %dma_wait3A_47] : memref<10240x128xf32, #tpu.memory_space<vmem_shared>> -> memref<80x128xf32, #tpu.memory_space<vmem_shared>>
      tpu.wait_dma2 semaphore(%run_scoped3A : memref<!tpu.dma_semaphore, #tpu.memory_space<semaphore_mem>>) src(%arg7 : memref<80x128xf32, #tpu.memory_space<vmem>>) dst(%dma_wait3A_48 : memref<80x128xf32, #tpu.memory_space<vmem_shared>>)
      tpu.yield
    }) : () -> ()
    %mul3A_29 = arith.constant 640 : i32
    %mul3A_30 = arith.muli %arg1, %mul3A_29 : i32
    %add3A_31 = arith.constant 560 : i32
    %add3A_32 = arith.addi %mul3A_30, %add3A_31 : i32
    "tpu.region"() ({
      %run_scoped3A = tpu.sem_alloc : memref<!tpu.dma_semaphore, #tpu.memory_space<semaphore_mem>>
      %dma_start3A = arith.constant 0 : i32
      %dma_start3A_43 = tpu.memref_slice %arg8[%add3A_32, %dma_start3A] : memref<10240x128xf32, #tpu.memory_space<vmem_shared>> -> memref<80x128xf32, #tpu.memory_space<vmem_shared>>
      %dma_start3A_44 = arith.constant 0 : i32
      %dma_start3A_45 = tpu.memref_slice %arg8[%add3A_32, %dma_start3A_44] : memref<10240x128xf32, #tpu.memory_space<vmem_shared>> -> memref<80x128xf32, #tpu.memory_space<vmem_shared>>
      tpu.enqueue_dma source(%arg7 : memref<80x128xf32, #tpu.memory_space<vmem>>) target(%dma_start3A_45 : memref<80x128xf32, #tpu.memory_space<vmem_shared>>) target_semaphore(%run_scoped3A : memref<!tpu.dma_semaphore, #tpu.memory_space<semaphore_mem>>)
      %dma_wait3A = arith.constant 0 : i32
      %dma_wait3A_46 = tpu.memref_slice %arg8[%add3A_32, %dma_wait3A] : memref<10240x128xf32, #tpu.memory_space<vmem_shared>> -> memref<80x128xf32, #tpu.memory_space<vmem_shared>>
      %dma_wait3A_47 = arith.constant 0 : i32
      %dma_wait3A_48 = tpu.memref_slice %arg8[%add3A_32, %dma_wait3A_47] : memref<10240x128xf32, #tpu.memory_space<vmem_shared>> -> memref<80x128xf32, #tpu.memory_space<vmem_shared>>
      tpu.wait_dma2 semaphore(%run_scoped3A : memref<!tpu.dma_semaphore, #tpu.memory_space<semaphore_mem>>) src(%arg7 : memref<80x128xf32, #tpu.memory_space<vmem>>) dst(%dma_wait3A_48 : memref<80x128xf32, #tpu.memory_space<vmem_shared>>)
      tpu.yield
    }) : () -> ()
    %barrier3A = arith.constant 0 : index
    tpu.barrier barrier_id(%barrier3A)
    %scan3A = arith.constant 0 : i32
    %scan3A_33 = arith.constant 0 : i32
    %scan3A_34 = arith.constant 125 : i32
    %scan3A_35 = arith.addi %scan3A_33, %scan3A_34 : i32
    %scan3A_36 = arith.constant 1 : i32
    scf.for %scan3A_43 = %scan3A_33 to %scan3A_35 step %scan3A_36  : i32 {
      %mul3A_44 = arith.constant 10000 : i32
      %mul3A_45 = arith.muli %add3A, %mul3A_44 : i32
      %mul3A_46 = arith.constant 80 : i32
      %mul3A_47 = arith.muli %scan3A_43, %mul3A_46 : i32
      %add3A_48 = arith.addi %mul3A_45, %mul3A_47 : i32
      "tpu.region"() ({
        %run_scoped3A = tpu.sem_alloc : memref<!tpu.dma_semaphore, #tpu.memory_space<semaphore_mem>>
        %dma_start3A = tpu.memref_slice %arg3[%add3A_48] : memref<320000xi32, #tpu.memory_space<hbm>> -> memref<80xi32, #tpu.memory_space<hbm>>
        %dma_start3A_49 = tpu.memref_slice %arg3[%add3A_48] : memref<320000xi32, #tpu.memory_space<hbm>> -> memref<80xi32, #tpu.memory_space<hbm>>
        tpu.enqueue_dma source(%dma_start3A_49 : memref<80xi32, #tpu.memory_space<hbm>>) target(%arg6 : memref<80xi32, #tpu.memory_space<vmem>>) target_semaphore(%run_scoped3A : memref<!tpu.dma_semaphore, #tpu.memory_space<semaphore_mem>>)
        %dma_wait3A = tpu.memref_slice %arg3[%add3A_48] : memref<320000xi32, #tpu.memory_space<hbm>> -> memref<80xi32, #tpu.memory_space<hbm>>
        %dma_wait3A_50 = tpu.memref_slice %arg3[%add3A_48] : memref<320000xi32, #tpu.memory_space<hbm>> -> memref<80xi32, #tpu.memory_space<hbm>>
        tpu.wait_dma2 semaphore(%run_scoped3A : memref<!tpu.dma_semaphore, #tpu.memory_space<semaphore_mem>>) src(%dma_wait3A_50 : memref<80xi32, #tpu.memory_space<hbm>>) dst(%arg6 : memref<80xi32, #tpu.memory_space<vmem>>)
        tpu.yield
      }) : () -> ()
      "tpu.region"() ({
        %run_scoped3A = tpu.sem_alloc : memref<!tpu.dma_semaphore, #tpu.memory_space<semaphore_mem>>
        %dma_start3A = arith.constant 0 : i32
        %dma_start3A_49 = tpu.memref_slice %arg2[%add3A_48, %dma_start3A] : memref<320000x128xf32, #tpu.memory_space<hbm>> -> memref<80x128xf32, #tpu.memory_space<hbm>>
        %dma_start3A_50 = arith.constant 0 : i32
        %dma_start3A_51 = tpu.memref_slice %arg2[%add3A_48, %dma_start3A_50] : memref<320000x128xf32, #tpu.memory_space<hbm>> -> memref<80x128xf32, #tpu.memory_space<hbm>>
        tpu.enqueue_dma source(%dma_start3A_51 : memref<80x128xf32, #tpu.memory_space<hbm>>) target(%arg7 : memref<80x128xf32, #tpu.memory_space<vmem>>) target_semaphore(%run_scoped3A : memref<!tpu.dma_semaphore, #tpu.memory_space<semaphore_mem>>)
        %dma_wait3A = arith.constant 0 : i32
        %dma_wait3A_52 = tpu.memref_slice %arg2[%add3A_48, %dma_wait3A] : memref<320000x128xf32, #tpu.memory_space<hbm>> -> memref<80x128xf32, #tpu.memory_space<hbm>>
        %dma_wait3A_53 = arith.constant 0 : i32
        %dma_wait3A_54 = tpu.memref_slice %arg2[%add3A_48, %dma_wait3A_53] : memref<320000x128xf32, #tpu.memory_space<hbm>> -> memref<80x128xf32, #tpu.memory_space<hbm>>
        tpu.wait_dma2 semaphore(%run_scoped3A : memref<!tpu.dma_semaphore, #tpu.memory_space<semaphore_mem>>) src(%dma_wait3A_54 : memref<80x128xf32, #tpu.memory_space<hbm>>) dst(%arg7 : memref<80x128xf32, #tpu.memory_space<vmem>>)
        tpu.yield
      }) : () -> ()
      "tpu.region"() ({
        %run_scoped3A = tpu.sem_alloc : memref<!tpu.dma_semaphore, #tpu.memory_space<semaphore_mem>>
        %dma_start3A = arith.constant 0 : i32
        %dma_start3A_49 = arith.constant 0 : i32
        %dma_start3A_50 = tpu.memref_slice %arg8[%dma_start3A, %dma_start3A_49] : memref<10240x128xf32, #tpu.memory_space<vmem_shared>> -> memref<10240x128xf32, #tpu.memory_space<vmem_shared>>
        tpu.enqueue_indirect_dma source(%arg7 : memref<80x128xf32, #tpu.memory_space<vmem>>) target(%dma_start3A_50 : memref<10240x128xf32, #tpu.memory_space<vmem_shared>>) offsets(%arg6 : memref<80xi32, #tpu.memory_space<vmem>>) semaphore(%run_scoped3A : memref<!tpu.dma_semaphore, #tpu.memory_space<semaphore_mem>>) {add = true}
        %dma_wait3A = arith.constant 0 : i32
        %dma_wait3A_51 = arith.constant 0 : i32
        %dma_wait3A_52 = tpu.memref_slice %arg8[%dma_wait3A, %dma_wait3A_51] : memref<10240x128xf32, #tpu.memory_space<vmem_shared>> -> memref<10240x128xf32, #tpu.memory_space<vmem_shared>>
        tpu.wait_indirect_dma semaphore(%run_scoped3A : memref<!tpu.dma_semaphore, #tpu.memory_space<semaphore_mem>>) src(%arg7 : memref<80x128xf32, #tpu.memory_space<vmem>>) dst(%dma_wait3A_52 : memref<10240x128xf32, #tpu.memory_space<vmem_shared>>)
        tpu.yield
      }) : () -> ()
    }
    %scan3A_37 = arith.constant 125 : i32
    %barrier3A_38 = arith.constant 0 : index
    tpu.barrier barrier_id(%barrier3A_38)
    %mul3A_39 = arith.constant 640 : i32
    %mul3A_40 = arith.muli %arg1, %mul3A_39 : i32
    %mul3A_41 = arith.constant 640 : i32
    %mul3A_42 = arith.muli %arg1, %mul3A_41 : i32
    "tpu.region"() ({
      %run_scoped3A = tpu.sem_alloc : memref<!tpu.dma_semaphore, #tpu.memory_space<semaphore_mem>>
      %dma_start3A = arith.constant 0 : i32
      %dma_start3A_43 = tpu.memref_slice %arg5[%arg0, %mul3A_42, %dma_start3A] : memref<2x10240x128xf32, #tpu.memory_space<hbm>> -> memref<1x640x128xf32, #tpu.memory_space<hbm>>
      %dma_start3A_44 = tpu.memref_squeeze %dma_start3A_43 : memref<1x640x128xf32, #tpu.memory_space<hbm>> -> memref<640x128xf32, #tpu.memory_space<hbm>>
      %dma_start3A_45 = arith.constant 0 : i32
      %dma_start3A_46 = tpu.memref_slice %arg8[%mul3A_40, %dma_start3A_45] : memref<10240x128xf32, #tpu.memory_space<vmem_shared>> -> memref<640x128xf32, #tpu.memory_space<vmem_shared>>
      tpu.enqueue_dma source(%dma_start3A_46 : memref<640x128xf32, #tpu.memory_space<vmem_shared>>) target(%dma_start3A_44 : memref<640x128xf32, #tpu.memory_space<hbm>>) target_semaphore(%run_scoped3A : memref<!tpu.dma_semaphore, #tpu.memory_space<semaphore_mem>>)
      %dma_wait3A = arith.constant 0 : i32
      %dma_wait3A_47 = tpu.memref_slice %arg5[%arg0, %mul3A_42, %dma_wait3A] : memref<2x10240x128xf32, #tpu.memory_space<hbm>> -> memref<1x640x128xf32, #tpu.memory_space<hbm>>
      %dma_wait3A_48 = tpu.memref_squeeze %dma_wait3A_47 : memref<1x640x128xf32, #tpu.memory_space<hbm>> -> memref<640x128xf32, #tpu.memory_space<hbm>>
      %dma_wait3A_49 = arith.constant 0 : i32
      %dma_wait3A_50 = tpu.memref_slice %arg8[%mul3A_40, %dma_wait3A_49] : memref<10240x128xf32, #tpu.memory_space<vmem_shared>> -> memref<640x128xf32, #tpu.memory_space<vmem_shared>>
      tpu.wait_dma2 semaphore(%run_scoped3A : memref<!tpu.dma_semaphore, #tpu.memory_space<semaphore_mem>>) src(%dma_wait3A_50 : memref<640x128xf32, #tpu.memory_space<vmem_shared>>) dst(%dma_wait3A_48 : memref<640x128xf32, #tpu.memory_space<hbm>>)
      tpu.yield
    }) : () -> ()
    return
  }
}

module attributes {stable_mosaic.version = 14 : i64} {
  func.func @_enc_node_body(%arg0: i32, %arg1: memref<2000x128xf32, #tpu.memory_space<vmem>>, %arg2: memref<128x128xf32, #tpu.memory_space<vmem>>, %arg3: memref<128x128xf32, #tpu.memory_space<vmem>>, %arg4: memref<128x128xf32, #tpu.memory_space<vmem>>, %arg5: memref<1x128xf32, #tpu.memory_space<vmem>>, %arg6: memref<1x128xf32, #tpu.memory_space<vmem>>, %arg7: memref<1x128xf32, #tpu.memory_space<vmem>>, %arg8: memref<1x128xf32, #tpu.memory_space<vmem>>, %arg9: memref<1x128xf32, #tpu.memory_space<vmem>>, %arg10: memref<128x128xf32, #tpu.memory_space<vmem>>, %arg11: memref<128x128xf32, #tpu.memory_space<vmem>>, %arg12: memref<2000x128xf32, #tpu.memory_space<vmem>>, %arg13: memref<2000x128xf32, #tpu.memory_space<vmem>>, %arg14: memref<2000x128xf32, #tpu.memory_space<vmem>>) attributes {dimension_semantics = [#tpu.dimension_semantics<arbitrary>], iteration_bounds = array<i64: 5>, scalar_prefetch = 0 : i64, scratch_operands = 0 : i64, tpu.core_type = #tpu.core_type<tc>, window_params = [{transform_indices = @transform_0, window_bounds = array<i64: 2000, 128>}, {pipeline_mode = #tpu.pipeline_mode<synchronous>, transform_indices = @transform_1, window_bounds = array<i64: 128, 128>}, {pipeline_mode = #tpu.pipeline_mode<synchronous>, transform_indices = @transform_2, window_bounds = array<i64: 128, 128>}, {pipeline_mode = #tpu.pipeline_mode<synchronous>, transform_indices = @transform_3, window_bounds = array<i64: 128, 128>}, {pipeline_mode = #tpu.pipeline_mode<synchronous>, transform_indices = @transform_4, window_bounds = array<i64: 1, 128>}, {pipeline_mode = #tpu.pipeline_mode<synchronous>, transform_indices = @transform_5, window_bounds = array<i64: 1, 128>}, {pipeline_mode = #tpu.pipeline_mode<synchronous>, transform_indices = @transform_6, window_bounds = array<i64: 1, 128>}, {pipeline_mode = #tpu.pipeline_mode<synchronous>, transform_indices = @transform_7, window_bounds = array<i64: 1, 128>}, {pipeline_mode = #tpu.pipeline_mode<synchronous>, transform_indices = @transform_8, window_bounds = array<i64: 1, 128>}, {pipeline_mode = #tpu.pipeline_mode<synchronous>, transform_indices = @transform_9, window_bounds = array<i64: 128, 128>}, {pipeline_mode = #tpu.pipeline_mode<synchronous>, transform_indices = @transform_10, window_bounds = array<i64: 128, 128>}, {transform_indices = @transform_11, window_bounds = array<i64: 2000, 128>}, {transform_indices = @transform_12, window_bounds = array<i64: 2000, 128>}, {transform_indices = @transform_13, window_bounds = array<i64: 2000, 128>}]} {
    %get3A = arith.constant 0 : index
    %get3A_0 = arith.constant 0 : index
    %get3A_1 = vector.load %arg1[%get3A, %get3A_0] : memref<2000x128xf32, #tpu.memory_space<vmem>>, vector<2000x128xf32>
    %get3A_2 = arith.constant 0 : index
    %get3A_3 = arith.constant 0 : index
    %get3A_4 = vector.load %arg2[%get3A_2, %get3A_3] : memref<128x128xf32, #tpu.memory_space<vmem>>, vector<128x128xf32>
    %dot_general3A = arith.constant dense<0.000000e+00> : vector<2000x128xf32>
    %dot_general3A_5 = tpu.matmul %get3A_1, %get3A_4, %dot_general3A {dimension_numbers = #tpu.dot_dimension_numbers<[1], [0], [0], [1], [0, 0, 1, 1], [], []>, transpose_lhs_hint = false} : vector<2000x128xf32>, vector<128x128xf32>, vector<2000x128xf32> -> vector<2000x128xf32>
    %get3A_6 = arith.constant 0 : index
    %get3A_7 = arith.constant 0 : index
    %get3A_8 = vector.load %arg5[%get3A_6, %get3A_7] : memref<1x128xf32, #tpu.memory_space<vmem>>, vector<1x128xf32>
    %add3A = vector.broadcast %get3A_8 : vector<1x128xf32> to vector<2000x128xf32>
    %add3A_9 = arith.addf %dot_general3A_5, %add3A : vector<2000x128xf32>
    %logistic3A = arith.negf %add3A_9 : vector<2000x128xf32>
    %logistic3A_10 = math.exp %logistic3A : vector<2000x128xf32>
    %logistic3A_11 = arith.constant 1.000000e+00 : f32
    %logistic3A_12 = vector.broadcast %logistic3A_11 : f32 to vector<2000x128xf32>
    %logistic3A_13 = arith.addf %logistic3A_12, %logistic3A_10 : vector<2000x128xf32>
    %logistic3A_14 = arith.divf %logistic3A_12, %logistic3A_13 : vector<2000x128xf32>
    %mul3A = arith.mulf %add3A_9, %logistic3A_14 : vector<2000x128xf32>
    %get3A_15 = arith.constant 0 : index
    %get3A_16 = arith.constant 0 : index
    %get3A_17 = vector.load %arg3[%get3A_15, %get3A_16] : memref<128x128xf32, #tpu.memory_space<vmem>>, vector<128x128xf32>
    %dot_general3A_18 = arith.constant dense<0.000000e+00> : vector<2000x128xf32>
    %dot_general3A_19 = tpu.matmul %mul3A, %get3A_17, %dot_general3A_18 {dimension_numbers = #tpu.dot_dimension_numbers<[1], [0], [0], [1], [0, 0, 1, 1], [], []>, transpose_lhs_hint = false} : vector<2000x128xf32>, vector<128x128xf32>, vector<2000x128xf32> -> vector<2000x128xf32>
    %get3A_20 = arith.constant 0 : index
    %get3A_21 = arith.constant 0 : index
    %get3A_22 = vector.load %arg6[%get3A_20, %get3A_21] : memref<1x128xf32, #tpu.memory_space<vmem>>, vector<1x128xf32>
    %add3A_23 = vector.broadcast %get3A_22 : vector<1x128xf32> to vector<2000x128xf32>
    %add3A_24 = arith.addf %dot_general3A_19, %add3A_23 : vector<2000x128xf32>
    %logistic3A_25 = arith.negf %add3A_24 : vector<2000x128xf32>
    %logistic3A_26 = math.exp %logistic3A_25 : vector<2000x128xf32>
    %logistic3A_27 = arith.constant 1.000000e+00 : f32
    %logistic3A_28 = vector.broadcast %logistic3A_27 : f32 to vector<2000x128xf32>
    %logistic3A_29 = arith.addf %logistic3A_28, %logistic3A_26 : vector<2000x128xf32>
    %logistic3A_30 = arith.divf %logistic3A_28, %logistic3A_29 : vector<2000x128xf32>
    %mul3A_31 = arith.mulf %add3A_24, %logistic3A_30 : vector<2000x128xf32>
    %get3A_32 = arith.constant 0 : index
    %get3A_33 = arith.constant 0 : index
    %get3A_34 = vector.load %arg4[%get3A_32, %get3A_33] : memref<128x128xf32, #tpu.memory_space<vmem>>, vector<128x128xf32>
    %dot_general3A_35 = arith.constant dense<0.000000e+00> : vector<2000x128xf32>
    %dot_general3A_36 = tpu.matmul %mul3A_31, %get3A_34, %dot_general3A_35 {dimension_numbers = #tpu.dot_dimension_numbers<[1], [0], [0], [1], [0, 0, 1, 1], [], []>, transpose_lhs_hint = false} : vector<2000x128xf32>, vector<128x128xf32>, vector<2000x128xf32> -> vector<2000x128xf32>
    %get3A_37 = arith.constant 0 : index
    %get3A_38 = arith.constant 0 : index
    %get3A_39 = vector.load %arg7[%get3A_37, %get3A_38] : memref<1x128xf32, #tpu.memory_space<vmem>>, vector<1x128xf32>
    %add3A_40 = vector.broadcast %get3A_39 : vector<1x128xf32> to vector<2000x128xf32>
    %add3A_41 = arith.addf %dot_general3A_36, %add3A_40 : vector<2000x128xf32>
    %get3A_42 = arith.constant 0 : index
    %get3A_43 = arith.constant 0 : index
    %get3A_44 = vector.load %arg8[%get3A_42, %get3A_43] : memref<1x128xf32, #tpu.memory_space<vmem>>, vector<1x128xf32>
    %get3A_45 = arith.constant 0 : index
    %get3A_46 = arith.constant 0 : index
    %get3A_47 = vector.load %arg9[%get3A_45, %get3A_46] : memref<1x128xf32, #tpu.memory_space<vmem>>, vector<1x128xf32>
    %reduce_sum3A = arith.constant dense<0.000000e+00> : vector<2000xf32>
    %reduce_sum3A_48 = vector.multi_reduction <add>, %add3A_41, %reduce_sum3A [1] : vector<2000x128xf32> to vector<2000xf32>
    %broadcast_in_dim3A = vector.shape_cast %reduce_sum3A_48 : vector<2000xf32> to vector<2000x1xf32>
    %div3A = arith.constant 1.280000e+02 : f32
    %div3A_49 = vector.broadcast %div3A : f32 to vector<2000x1xf32>
    %div3A_50 = arith.divf %broadcast_in_dim3A, %div3A_49 : vector<2000x1xf32>
    %sub3A = vector.broadcast %div3A_50 : vector<2000x1xf32> to vector<2000x128xf32>
    %sub3A_51 = arith.subf %add3A_41, %sub3A : vector<2000x128xf32>
    %integer_pow3A = arith.mulf %sub3A_51, %sub3A_51 : vector<2000x128xf32>
    %reduce_sum3A_52 = arith.constant dense<0.000000e+00> : vector<2000xf32>
    %reduce_sum3A_53 = vector.multi_reduction <add>, %integer_pow3A, %reduce_sum3A_52 [1] : vector<2000x128xf32> to vector<2000xf32>
    %broadcast_in_dim3A_54 = vector.shape_cast %reduce_sum3A_53 : vector<2000xf32> to vector<2000x1xf32>
    %div3A_55 = arith.constant 1.280000e+02 : f32
    %div3A_56 = vector.broadcast %div3A_55 : f32 to vector<2000x1xf32>
    %div3A_57 = arith.divf %broadcast_in_dim3A_54, %div3A_56 : vector<2000x1xf32>
    %sub3A_58 = vector.broadcast %div3A_50 : vector<2000x1xf32> to vector<2000x128xf32>
    %sub3A_59 = arith.subf %add3A_41, %sub3A_58 : vector<2000x128xf32>
    %add3A_60 = arith.constant 9.99999974E-6 : f32
    %add3A_61 = vector.broadcast %add3A_60 : f32 to vector<2000x1xf32>
    %add3A_62 = arith.addf %div3A_57, %add3A_61 : vector<2000x1xf32>
    %sqrt3A = math.sqrt %add3A_62 : vector<2000x1xf32>
    %div3A_63 = vector.broadcast %sqrt3A : vector<2000x1xf32> to vector<2000x128xf32>
    %div3A_64 = arith.divf %sub3A_59, %div3A_63 : vector<2000x128xf32>
    %mul3A_65 = vector.broadcast %get3A_44 : vector<1x128xf32> to vector<2000x128xf32>
    %mul3A_66 = arith.mulf %div3A_64, %mul3A_65 : vector<2000x128xf32>
    %add3A_67 = vector.broadcast %get3A_47 : vector<1x128xf32> to vector<2000x128xf32>
    %add3A_68 = arith.addf %mul3A_66, %add3A_67 : vector<2000x128xf32>
    %swap3A = arith.constant 0 : index
    %swap3A_69 = arith.constant 0 : index
    %swap3A_70 = vector.load %arg12[%swap3A, %swap3A_69] : memref<2000x128xf32, #tpu.memory_space<vmem>>, vector<2000x128xf32>
    tpu.vector_store %arg12[%swap3A, %swap3A_69], %add3A_68 {strides = array<i32>} : memref<2000x128xf32, #tpu.memory_space<vmem>>, vector<2000x128xf32>,
    %get3A_71 = arith.constant 0 : index
    %get3A_72 = arith.constant 0 : index
    %get3A_73 = vector.load %arg10[%get3A_71, %get3A_72] : memref<128x128xf32, #tpu.memory_space<vmem>>, vector<128x128xf32>
    %dot_general3A_74 = arith.constant dense<0.000000e+00> : vector<2000x128xf32>
    %dot_general3A_75 = tpu.matmul %add3A_68, %get3A_73, %dot_general3A_74 {dimension_numbers = #tpu.dot_dimension_numbers<[1], [0], [0], [1], [0, 0, 1, 1], [], []>, transpose_lhs_hint = false} : vector<2000x128xf32>, vector<128x128xf32>, vector<2000x128xf32> -> vector<2000x128xf32>
    %swap3A_76 = arith.constant 0 : index
    %swap3A_77 = arith.constant 0 : index
    %swap3A_78 = vector.load %arg13[%swap3A_76, %swap3A_77] : memref<2000x128xf32, #tpu.memory_space<vmem>>, vector<2000x128xf32>
    tpu.vector_store %arg13[%swap3A_76, %swap3A_77], %dot_general3A_75 {strides = array<i32>} : memref<2000x128xf32, #tpu.memory_space<vmem>>, vector<2000x128xf32>,
    %get3A_79 = arith.constant 0 : index
    %get3A_80 = arith.constant 0 : index
    %get3A_81 = vector.load %arg11[%get3A_79, %get3A_80] : memref<128x128xf32, #tpu.memory_space<vmem>>, vector<128x128xf32>
    %dot_general3A_82 = arith.constant dense<0.000000e+00> : vector<2000x128xf32>
    %dot_general3A_83 = tpu.matmul %add3A_68, %get3A_81, %dot_general3A_82 {dimension_numbers = #tpu.dot_dimension_numbers<[1], [0], [0], [1], [0, 0, 1, 1], [], []>, transpose_lhs_hint = false} : vector<2000x128xf32>, vector<128x128xf32>, vector<2000x128xf32> -> vector<2000x128xf32>
    %swap3A_84 = arith.constant 0 : index
    %swap3A_85 = arith.constant 0 : index
    %swap3A_86 = vector.load %arg14[%swap3A_84, %swap3A_85] : memref<2000x128xf32, #tpu.memory_space<vmem>>, vector<2000x128xf32>
    tpu.vector_store %arg14[%swap3A_84, %swap3A_85], %dot_general3A_83 {strides = array<i32>} : memref<2000x128xf32, #tpu.memory_space<vmem>>, vector<2000x128xf32>,
    return
  }
  func.func @transform_0(%arg0: i32) -> (i32, i32) {
    %c0_i32 = arith.constant 0 : i32
    %c0_i32_0 = arith.constant 0 : i32
    return %arg0, %c0_i32 : i32, i32
  }
  func.func @transform_1(%arg0: i32) -> (i32, i32) {
    %c0_i32 = arith.constant 0 : i32
    %c0_i32_0 = arith.constant 0 : i32
    %c0_i32_1 = arith.constant 0 : i32
    return %c0_i32, %c0_i32_0 : i32, i32
  }
  func.func @transform_2(%arg0: i32) -> (i32, i32) {
    %c0_i32 = arith.constant 0 : i32
    %c0_i32_0 = arith.constant 0 : i32
    %c0_i32_1 = arith.constant 0 : i32
    return %c0_i32, %c0_i32_0 : i32, i32
  }
  func.func @transform_3(%arg0: i32) -> (i32, i32) {
    %c0_i32 = arith.constant 0 : i32
    %c0_i32_0 = arith.constant 0 : i32
    %c0_i32_1 = arith.constant 0 : i32
    return %c0_i32, %c0_i32_0 : i32, i32
  }
  func.func @transform_4(%arg0: i32) -> (i32, i32) {
    %c0_i32 = arith.constant 0 : i32
    %c0_i32_0 = arith.constant 0 : i32
    %c0_i32_1 = arith.constant 0 : i32
    return %c0_i32, %c0_i32_0 : i32, i32
  }
  func.func @transform_5(%arg0: i32) -> (i32, i32) {
    %c0_i32 = arith.constant 0 : i32
    %c0_i32_0 = arith.constant 0 : i32
    %c0_i32_1 = arith.constant 0 : i32
    return %c0_i32, %c0_i32_0 : i32, i32
  }
  func.func @transform_6(%arg0: i32) -> (i32, i32) {
    %c0_i32 = arith.constant 0 : i32
    %c0_i32_0 = arith.constant 0 : i32
    %c0_i32_1 = arith.constant 0 : i32
    return %c0_i32, %c0_i32_0 : i32, i32
  }
  func.func @transform_7(%arg0: i32) -> (i32, i32) {
    %c0_i32 = arith.constant 0 : i32
    %c0_i32_0 = arith.constant 0 : i32
    %c0_i32_1 = arith.constant 0 : i32
    return %c0_i32, %c0_i32_0 : i32, i32
  }
  func.func @transform_8(%arg0: i32) -> (i32, i32) {
    %c0_i32 = arith.constant 0 : i32
    %c0_i32_0 = arith.constant 0 : i32
    %c0_i32_1 = arith.constant 0 : i32
    return %c0_i32, %c0_i32_0 : i32, i32
  }
  func.func @transform_9(%arg0: i32) -> (i32, i32) {
    %c0_i32 = arith.constant 0 : i32
    %c0_i32_0 = arith.constant 0 : i32
    %c0_i32_1 = arith.constant 0 : i32
    return %c0_i32, %c0_i32_0 : i32, i32
  }
  func.func @transform_10(%arg0: i32) -> (i32, i32) {
    %c0_i32 = arith.constant 0 : i32
    %c0_i32_0 = arith.constant 0 : i32
    %c0_i32_1 = arith.constant 0 : i32
    return %c0_i32, %c0_i32_0 : i32, i32
  }
  func.func @transform_11(%arg0: i32) -> (i32, i32) {
    %c0_i32 = arith.constant 0 : i32
    %c0_i32_0 = arith.constant 0 : i32
    return %arg0, %c0_i32 : i32, i32
  }
  func.func @transform_12(%arg0: i32) -> (i32, i32) {
    %c0_i32 = arith.constant 0 : i32
    %c0_i32_0 = arith.constant 0 : i32
    return %arg0, %c0_i32 : i32, i32
  }
  func.func @transform_13(%arg0: i32) -> (i32, i32) {
    %c0_i32 = arith.constant 0 : i32
    %c0_i32_0 = arith.constant 0 : i32
    return %arg0, %c0_i32 : i32, i32
  }
}

module attributes {stable_mosaic.version = 14 : i64} {
  func.func @_enc_edge_body(%arg0: i32, %arg1: memref<4000x8xf32, #tpu.memory_space<vmem>>, %arg2: memref<8x128xf32, #tpu.memory_space<vmem>>, %arg3: memref<128x128xf32, #tpu.memory_space<vmem>>, %arg4: memref<128x128xf32, #tpu.memory_space<vmem>>, %arg5: memref<1x128xf32, #tpu.memory_space<vmem>>, %arg6: memref<1x128xf32, #tpu.memory_space<vmem>>, %arg7: memref<1x128xf32, #tpu.memory_space<vmem>>, %arg8: memref<1x128xf32, #tpu.memory_space<vmem>>, %arg9: memref<1x128xf32, #tpu.memory_space<vmem>>, %arg10: memref<4000x128xf32, #tpu.memory_space<vmem>>) attributes {dimension_semantics = [#tpu.dimension_semantics<arbitrary>], iteration_bounds = array<i64: 80>, scalar_prefetch = 0 : i64, scratch_operands = 0 : i64, tpu.core_type = #tpu.core_type<tc>, window_params = [{transform_indices = @transform_0, window_bounds = array<i64: 4000, 8>}, {pipeline_mode = #tpu.pipeline_mode<synchronous>, transform_indices = @transform_1, window_bounds = array<i64: 8, 128>}, {pipeline_mode = #tpu.pipeline_mode<synchronous>, transform_indices = @transform_2, window_bounds = array<i64: 128, 128>}, {pipeline_mode = #tpu.pipeline_mode<synchronous>, transform_indices = @transform_3, window_bounds = array<i64: 128, 128>}, {pipeline_mode = #tpu.pipeline_mode<synchronous>, transform_indices = @transform_4, window_bounds = array<i64: 1, 128>}, {pipeline_mode = #tpu.pipeline_mode<synchronous>, transform_indices = @transform_5, window_bounds = array<i64: 1, 128>}, {pipeline_mode = #tpu.pipeline_mode<synchronous>, transform_indices = @transform_6, window_bounds = array<i64: 1, 128>}, {pipeline_mode = #tpu.pipeline_mode<synchronous>, transform_indices = @transform_7, window_bounds = array<i64: 1, 128>}, {pipeline_mode = #tpu.pipeline_mode<synchronous>, transform_indices = @transform_8, window_bounds = array<i64: 1, 128>}, {transform_indices = @transform_9, window_bounds = array<i64: 4000, 128>}]} {
    %get3A = arith.constant 0 : index
    %get3A_0 = arith.constant 0 : index
    %get3A_1 = vector.load %arg1[%get3A, %get3A_0] : memref<4000x8xf32, #tpu.memory_space<vmem>>, vector<4000x8xf32>
    %get3A_2 = arith.constant 0 : index
    %get3A_3 = arith.constant 0 : index
    %get3A_4 = vector.load %arg2[%get3A_2, %get3A_3] : memref<8x128xf32, #tpu.memory_space<vmem>>, vector<8x128xf32>
    %dot_general3A = arith.constant dense<0.000000e+00> : vector<4000x128xf32>
    %dot_general3A_5 = tpu.matmul %get3A_1, %get3A_4, %dot_general3A {dimension_numbers = #tpu.dot_dimension_numbers<[1], [0], [0], [1], [0, 0, 1, 1], [], []>, transpose_lhs_hint = false} : vector<4000x8xf32>, vector<8x128xf32>, vector<4000x128xf32> -> vector<4000x128xf32>
    %get3A_6 = arith.constant 0 : index
    %get3A_7 = arith.constant 0 : index
    %get3A_8 = vector.load %arg5[%get3A_6, %get3A_7] : memref<1x128xf32, #tpu.memory_space<vmem>>, vector<1x128xf32>
    %add3A = vector.broadcast %get3A_8 : vector<1x128xf32> to vector<4000x128xf32>
    %add3A_9 = arith.addf %dot_general3A_5, %add3A : vector<4000x128xf32>
    %logistic3A = arith.negf %add3A_9 : vector<4000x128xf32>
    %logistic3A_10 = math.exp %logistic3A : vector<4000x128xf32>
    %logistic3A_11 = arith.constant 1.000000e+00 : f32
    %logistic3A_12 = vector.broadcast %logistic3A_11 : f32 to vector<4000x128xf32>
    %logistic3A_13 = arith.addf %logistic3A_12, %logistic3A_10 : vector<4000x128xf32>
    %logistic3A_14 = arith.divf %logistic3A_12, %logistic3A_13 : vector<4000x128xf32>
    %mul3A = arith.mulf %add3A_9, %logistic3A_14 : vector<4000x128xf32>
    %get3A_15 = arith.constant 0 : index
    %get3A_16 = arith.constant 0 : index
    %get3A_17 = vector.load %arg3[%get3A_15, %get3A_16] : memref<128x128xf32, #tpu.memory_space<vmem>>, vector<128x128xf32>
    %dot_general3A_18 = arith.constant dense<0.000000e+00> : vector<4000x128xf32>
    %dot_general3A_19 = tpu.matmul %mul3A, %get3A_17, %dot_general3A_18 {dimension_numbers = #tpu.dot_dimension_numbers<[1], [0], [0], [1], [0, 0, 1, 1], [], []>, transpose_lhs_hint = false} : vector<4000x128xf32>, vector<128x128xf32>, vector<4000x128xf32> -> vector<4000x128xf32>
    %get3A_20 = arith.constant 0 : index
    %get3A_21 = arith.constant 0 : index
    %get3A_22 = vector.load %arg6[%get3A_20, %get3A_21] : memref<1x128xf32, #tpu.memory_space<vmem>>, vector<1x128xf32>
    %add3A_23 = vector.broadcast %get3A_22 : vector<1x128xf32> to vector<4000x128xf32>
    %add3A_24 = arith.addf %dot_general3A_19, %add3A_23 : vector<4000x128xf32>
    %logistic3A_25 = arith.negf %add3A_24 : vector<4000x128xf32>
    %logistic3A_26 = math.exp %logistic3A_25 : vector<4000x128xf32>
    %logistic3A_27 = arith.constant 1.000000e+00 : f32
    %logistic3A_28 = vector.broadcast %logistic3A_27 : f32 to vector<4000x128xf32>
    %logistic3A_29 = arith.addf %logistic3A_28, %logistic3A_26 : vector<4000x128xf32>
    %logistic3A_30 = arith.divf %logistic3A_28, %logistic3A_29 : vector<4000x128xf32>
    %mul3A_31 = arith.mulf %add3A_24, %logistic3A_30 : vector<4000x128xf32>
    %get3A_32 = arith.constant 0 : index
    %get3A_33 = arith.constant 0 : index
    %get3A_34 = vector.load %arg4[%get3A_32, %get3A_33] : memref<128x128xf32, #tpu.memory_space<vmem>>, vector<128x128xf32>
    %dot_general3A_35 = arith.constant dense<0.000000e+00> : vector<4000x128xf32>
    %dot_general3A_36 = tpu.matmul %mul3A_31, %get3A_34, %dot_general3A_35 {dimension_numbers = #tpu.dot_dimension_numbers<[1], [0], [0], [1], [0, 0, 1, 1], [], []>, transpose_lhs_hint = false} : vector<4000x128xf32>, vector<128x128xf32>, vector<4000x128xf32> -> vector<4000x128xf32>
    %get3A_37 = arith.constant 0 : index
    %get3A_38 = arith.constant 0 : index
    %get3A_39 = vector.load %arg7[%get3A_37, %get3A_38] : memref<1x128xf32, #tpu.memory_space<vmem>>, vector<1x128xf32>
    %add3A_40 = vector.broadcast %get3A_39 : vector<1x128xf32> to vector<4000x128xf32>
    %add3A_41 = arith.addf %dot_general3A_36, %add3A_40 : vector<4000x128xf32>
    %get3A_42 = arith.constant 0 : index
    %get3A_43 = arith.constant 0 : index
    %get3A_44 = vector.load %arg8[%get3A_42, %get3A_43] : memref<1x128xf32, #tpu.memory_space<vmem>>, vector<1x128xf32>
    %get3A_45 = arith.constant 0 : index
    %get3A_46 = arith.constant 0 : index
    %get3A_47 = vector.load %arg9[%get3A_45, %get3A_46] : memref<1x128xf32, #tpu.memory_space<vmem>>, vector<1x128xf32>
    %reduce_sum3A = arith.constant dense<0.000000e+00> : vector<4000xf32>
    %reduce_sum3A_48 = vector.multi_reduction <add>, %add3A_41, %reduce_sum3A [1] : vector<4000x128xf32> to vector<4000xf32>
    %broadcast_in_dim3A = vector.shape_cast %reduce_sum3A_48 : vector<4000xf32> to vector<4000x1xf32>
    %div3A = arith.constant 1.280000e+02 : f32
    %div3A_49 = vector.broadcast %div3A : f32 to vector<4000x1xf32>
    %div3A_50 = arith.divf %broadcast_in_dim3A, %div3A_49 : vector<4000x1xf32>
    %sub3A = vector.broadcast %div3A_50 : vector<4000x1xf32> to vector<4000x128xf32>
    %sub3A_51 = arith.subf %add3A_41, %sub3A : vector<4000x128xf32>
    %integer_pow3A = arith.mulf %sub3A_51, %sub3A_51 : vector<4000x128xf32>
    %reduce_sum3A_52 = arith.constant dense<0.000000e+00> : vector<4000xf32>
    %reduce_sum3A_53 = vector.multi_reduction <add>, %integer_pow3A, %reduce_sum3A_52 [1] : vector<4000x128xf32> to vector<4000xf32>
    %broadcast_in_dim3A_54 = vector.shape_cast %reduce_sum3A_53 : vector<4000xf32> to vector<4000x1xf32>
    %div3A_55 = arith.constant 1.280000e+02 : f32
    %div3A_56 = vector.broadcast %div3A_55 : f32 to vector<4000x1xf32>
    %div3A_57 = arith.divf %broadcast_in_dim3A_54, %div3A_56 : vector<4000x1xf32>
    %sub3A_58 = vector.broadcast %div3A_50 : vector<4000x1xf32> to vector<4000x128xf32>
    %sub3A_59 = arith.subf %add3A_41, %sub3A_58 : vector<4000x128xf32>
    %add3A_60 = arith.constant 9.99999974E-6 : f32
    %add3A_61 = vector.broadcast %add3A_60 : f32 to vector<4000x1xf32>
    %add3A_62 = arith.addf %div3A_57, %add3A_61 : vector<4000x1xf32>
    %sqrt3A = math.sqrt %add3A_62 : vector<4000x1xf32>
    %div3A_63 = vector.broadcast %sqrt3A : vector<4000x1xf32> to vector<4000x128xf32>
    %div3A_64 = arith.divf %sub3A_59, %div3A_63 : vector<4000x128xf32>
    %mul3A_65 = vector.broadcast %get3A_44 : vector<1x128xf32> to vector<4000x128xf32>
    %mul3A_66 = arith.mulf %div3A_64, %mul3A_65 : vector<4000x128xf32>
    %add3A_67 = vector.broadcast %get3A_47 : vector<1x128xf32> to vector<4000x128xf32>
    %add3A_68 = arith.addf %mul3A_66, %add3A_67 : vector<4000x128xf32>
    %swap3A = arith.constant 0 : index
    %swap3A_69 = arith.constant 0 : index
    %swap3A_70 = vector.load %arg10[%swap3A, %swap3A_69] : memref<4000x128xf32, #tpu.memory_space<vmem>>, vector<4000x128xf32>
    tpu.vector_store %arg10[%swap3A, %swap3A_69], %add3A_68 {strides = array<i32>} : memref<4000x128xf32, #tpu.memory_space<vmem>>, vector<4000x128xf32>,
    return
  }
  func.func @transform_0(%arg0: i32) -> (i32, i32) {
    %c0_i32 = arith.constant 0 : i32
    %c0_i32_0 = arith.constant 0 : i32
    return %arg0, %c0_i32 : i32, i32
  }
  func.func @transform_1(%arg0: i32) -> (i32, i32) {
    %c0_i32 = arith.constant 0 : i32
    %c0_i32_0 = arith.constant 0 : i32
    %c0_i32_1 = arith.constant 0 : i32
    return %c0_i32, %c0_i32_0 : i32, i32
  }
  func.func @transform_2(%arg0: i32) -> (i32, i32) {
    %c0_i32 = arith.constant 0 : i32
    %c0_i32_0 = arith.constant 0 : i32
    %c0_i32_1 = arith.constant 0 : i32
    return %c0_i32, %c0_i32_0 : i32, i32
  }
  func.func @transform_3(%arg0: i32) -> (i32, i32) {
    %c0_i32 = arith.constant 0 : i32
    %c0_i32_0 = arith.constant 0 : i32
    %c0_i32_1 = arith.constant 0 : i32
    return %c0_i32, %c0_i32_0 : i32, i32
  }
  func.func @transform_4(%arg0: i32) -> (i32, i32) {
    %c0_i32 = arith.constant 0 : i32
    %c0_i32_0 = arith.constant 0 : i32
    %c0_i32_1 = arith.constant 0 : i32
    return %c0_i32, %c0_i32_0 : i32, i32
  }
  func.func @transform_5(%arg0: i32) -> (i32, i32) {
    %c0_i32 = arith.constant 0 : i32
    %c0_i32_0 = arith.constant 0 : i32
    %c0_i32_1 = arith.constant 0 : i32
    return %c0_i32, %c0_i32_0 : i32, i32
  }
  func.func @transform_6(%arg0: i32) -> (i32, i32) {
    %c0_i32 = arith.constant 0 : i32
    %c0_i32_0 = arith.constant 0 : i32
    %c0_i32_1 = arith.constant 0 : i32
    return %c0_i32, %c0_i32_0 : i32, i32
  }
  func.func @transform_7(%arg0: i32) -> (i32, i32) {
    %c0_i32 = arith.constant 0 : i32
    %c0_i32_0 = arith.constant 0 : i32
    %c0_i32_1 = arith.constant 0 : i32
    return %c0_i32, %c0_i32_0 : i32, i32
  }
  func.func @transform_8(%arg0: i32) -> (i32, i32) {
    %c0_i32 = arith.constant 0 : i32
    %c0_i32_0 = arith.constant 0 : i32
    %c0_i32_1 = arith.constant 0 : i32
    return %c0_i32, %c0_i32_0 : i32, i32
  }
  func.func @transform_9(%arg0: i32) -> (i32, i32) {
    %c0_i32 = arith.constant 0 : i32
    %c0_i32_0 = arith.constant 0 : i32
    return %arg0, %c0_i32 : i32, i32
  }
}

module attributes {stable_mosaic.version = 14 : i64} {
  func.func @_edge_block_body(%arg0: i32, %arg1: memref<4000x128xf32, #tpu.memory_space<vmem>>, %arg2: memref<4000x128xf32, #tpu.memory_space<vmem>>, %arg3: memref<4000x128xf32, #tpu.memory_space<vmem>>, %arg4: memref<128x128xf32, #tpu.memory_space<vmem>>, %arg5: memref<128x128xf32, #tpu.memory_space<vmem>>, %arg6: memref<128x128xf32, #tpu.memory_space<vmem>>, %arg7: memref<1x128xf32, #tpu.memory_space<vmem>>, %arg8: memref<1x128xf32, #tpu.memory_space<vmem>>, %arg9: memref<1x128xf32, #tpu.memory_space<vmem>>, %arg10: memref<1x128xf32, #tpu.memory_space<vmem>>, %arg11: memref<1x128xf32, #tpu.memory_space<vmem>>, %arg12: memref<4000x128xf32, #tpu.memory_space<vmem>>, %arg13: memref<4000x128xf32, #tpu.memory_space<vmem>>) attributes {dimension_semantics = [#tpu.dimension_semantics<arbitrary>], iteration_bounds = array<i64: 80>, scalar_prefetch = 0 : i64, scratch_operands = 0 : i64, tpu.core_type = #tpu.core_type<tc>, window_params = [{transform_indices = @transform_0, window_bounds = array<i64: 4000, 128>}, {transform_indices = @transform_1, window_bounds = array<i64: 4000, 128>}, {transform_indices = @transform_2, window_bounds = array<i64: 4000, 128>}, {pipeline_mode = #tpu.pipeline_mode<synchronous>, transform_indices = @transform_3, window_bounds = array<i64: 128, 128>}, {pipeline_mode = #tpu.pipeline_mode<synchronous>, transform_indices = @transform_4, window_bounds = array<i64: 128, 128>}, {pipeline_mode = #tpu.pipeline_mode<synchronous>, transform_indices = @transform_5, window_bounds = array<i64: 128, 128>}, {pipeline_mode = #tpu.pipeline_mode<synchronous>, transform_indices = @transform_6, window_bounds = array<i64: 1, 128>}, {pipeline_mode = #tpu.pipeline_mode<synchronous>, transform_indices = @transform_7, window_bounds = array<i64: 1, 128>}, {pipeline_mode = #tpu.pipeline_mode<synchronous>, transform_indices = @transform_8, window_bounds = array<i64: 1, 128>}, {pipeline_mode = #tpu.pipeline_mode<synchronous>, transform_indices = @transform_9, window_bounds = array<i64: 1, 128>}, {pipeline_mode = #tpu.pipeline_mode<synchronous>, transform_indices = @transform_10, window_bounds = array<i64: 1, 128>}, {transform_indices = @transform_11, window_bounds = array<i64: 4000, 128>}, {transform_indices = @transform_12, window_bounds = array<i64: 4000, 128>}]} {
    %get3A = arith.constant 0 : index
    %get3A_0 = arith.constant 0 : index
    %get3A_1 = vector.load %arg1[%get3A, %get3A_0] : memref<4000x128xf32, #tpu.memory_space<vmem>>, vector<4000x128xf32>
    %get3A_2 = arith.constant 0 : index
    %get3A_3 = arith.constant 0 : index
    %get3A_4 = vector.load %arg2[%get3A_2, %get3A_3] : memref<4000x128xf32, #tpu.memory_space<vmem>>, vector<4000x128xf32>
    %add3A = arith.addf %get3A_1, %get3A_4 : vector<4000x128xf32>
    %get3A_5 = arith.constant 0 : index
    %get3A_6 = arith.constant 0 : index
    %get3A_7 = vector.load %arg3[%get3A_5, %get3A_6] : memref<4000x128xf32, #tpu.memory_space<vmem>>, vector<4000x128xf32>
    %get3A_8 = arith.constant 0 : index
    %get3A_9 = arith.constant 0 : index
    %get3A_10 = vector.load %arg4[%get3A_8, %get3A_9] : memref<128x128xf32, #tpu.memory_space<vmem>>, vector<128x128xf32>
    %dot_general3A = arith.constant dense<0.000000e+00> : vector<4000x128xf32>
    %dot_general3A_11 = tpu.matmul %get3A_7, %get3A_10, %dot_general3A {dimension_numbers = #tpu.dot_dimension_numbers<[1], [0], [0], [1], [0, 0, 1, 1], [], []>, transpose_lhs_hint = false} : vector<4000x128xf32>, vector<128x128xf32>, vector<4000x128xf32> -> vector<4000x128xf32>
    %add3A_12 = arith.addf %add3A, %dot_general3A_11 : vector<4000x128xf32>
    %get3A_13 = arith.constant 0 : index
    %get3A_14 = arith.constant 0 : index
    %get3A_15 = vector.load %arg7[%get3A_13, %get3A_14] : memref<1x128xf32, #tpu.memory_space<vmem>>, vector<1x128xf32>
    %add3A_16 = vector.broadcast %get3A_15 : vector<1x128xf32> to vector<4000x128xf32>
    %add3A_17 = arith.addf %add3A_12, %add3A_16 : vector<4000x128xf32>
    %logistic3A = arith.negf %add3A_17 : vector<4000x128xf32>
    %logistic3A_18 = math.exp %logistic3A : vector<4000x128xf32>
    %logistic3A_19 = arith.constant 1.000000e+00 : f32
    %logistic3A_20 = vector.broadcast %logistic3A_19 : f32 to vector<4000x128xf32>
    %logistic3A_21 = arith.addf %logistic3A_20, %logistic3A_18 : vector<4000x128xf32>
    %logistic3A_22 = arith.divf %logistic3A_20, %logistic3A_21 : vector<4000x128xf32>
    %mul3A = arith.mulf %add3A_17, %logistic3A_22 : vector<4000x128xf32>
    %get3A_23 = arith.constant 0 : index
    %get3A_24 = arith.constant 0 : index
    %get3A_25 = vector.load %arg5[%get3A_23, %get3A_24] : memref<128x128xf32, #tpu.memory_space<vmem>>, vector<128x128xf32>
    %dot_general3A_26 = arith.constant dense<0.000000e+00> : vector<4000x128xf32>
    %dot_general3A_27 = tpu.matmul %mul3A, %get3A_25, %dot_general3A_26 {dimension_numbers = #tpu.dot_dimension_numbers<[1], [0], [0], [1], [0, 0, 1, 1], [], []>, transpose_lhs_hint = false} : vector<4000x128xf32>, vector<128x128xf32>, vector<4000x128xf32> -> vector<4000x128xf32>
    %get3A_28 = arith.constant 0 : index
    %get3A_29 = arith.constant 0 : index
    %get3A_30 = vector.load %arg8[%get3A_28, %get3A_29] : memref<1x128xf32, #tpu.memory_space<vmem>>, vector<1x128xf32>
    %add3A_31 = vector.broadcast %get3A_30 : vector<1x128xf32> to vector<4000x128xf32>
    %add3A_32 = arith.addf %dot_general3A_27, %add3A_31 : vector<4000x128xf32>
    %logistic3A_33 = arith.negf %add3A_32 : vector<4000x128xf32>
    %logistic3A_34 = math.exp %logistic3A_33 : vector<4000x128xf32>
    %logistic3A_35 = arith.constant 1.000000e+00 : f32
    %logistic3A_36 = vector.broadcast %logistic3A_35 : f32 to vector<4000x128xf32>
    %logistic3A_37 = arith.addf %logistic3A_36, %logistic3A_34 : vector<4000x128xf32>
    %logistic3A_38 = arith.divf %logistic3A_36, %logistic3A_37 : vector<4000x128xf32>
    %mul3A_39 = arith.mulf %add3A_32, %logistic3A_38 : vector<4000x128xf32>
    %get3A_40 = arith.constant 0 : index
    %get3A_41 = arith.constant 0 : index
    %get3A_42 = vector.load %arg6[%get3A_40, %get3A_41] : memref<128x128xf32, #tpu.memory_space<vmem>>, vector<128x128xf32>
    %dot_general3A_43 = arith.constant dense<0.000000e+00> : vector<4000x128xf32>
    %dot_general3A_44 = tpu.matmul %mul3A_39, %get3A_42, %dot_general3A_43 {dimension_numbers = #tpu.dot_dimension_numbers<[1], [0], [0], [1], [0, 0, 1, 1], [], []>, transpose_lhs_hint = false} : vector<4000x128xf32>, vector<128x128xf32>, vector<4000x128xf32> -> vector<4000x128xf32>
    %get3A_45 = arith.constant 0 : index
    %get3A_46 = arith.constant 0 : index
    %get3A_47 = vector.load %arg9[%get3A_45, %get3A_46] : memref<1x128xf32, #tpu.memory_space<vmem>>, vector<1x128xf32>
    %add3A_48 = vector.broadcast %get3A_47 : vector<1x128xf32> to vector<4000x128xf32>
    %add3A_49 = arith.addf %dot_general3A_44, %add3A_48 : vector<4000x128xf32>
    %get3A_50 = arith.constant 0 : index
    %get3A_51 = arith.constant 0 : index
    %get3A_52 = vector.load %arg10[%get3A_50, %get3A_51] : memref<1x128xf32, #tpu.memory_space<vmem>>, vector<1x128xf32>
    %get3A_53 = arith.constant 0 : index
    %get3A_54 = arith.constant 0 : index
    %get3A_55 = vector.load %arg11[%get3A_53, %get3A_54] : memref<1x128xf32, #tpu.memory_space<vmem>>, vector<1x128xf32>
    %reduce_sum3A = arith.constant dense<0.000000e+00> : vector<4000xf32>
    %reduce_sum3A_56 = vector.multi_reduction <add>, %add3A_49, %reduce_sum3A [1] : vector<4000x128xf32> to vector<4000xf32>
    %broadcast_in_dim3A = vector.shape_cast %reduce_sum3A_56 : vector<4000xf32> to vector<4000x1xf32>
    %div3A = arith.constant 1.280000e+02 : f32
    %div3A_57 = vector.broadcast %div3A : f32 to vector<4000x1xf32>
    %div3A_58 = arith.divf %broadcast_in_dim3A, %div3A_57 : vector<4000x1xf32>
    %sub3A = vector.broadcast %div3A_58 : vector<4000x1xf32> to vector<4000x128xf32>
    %sub3A_59 = arith.subf %add3A_49, %sub3A : vector<4000x128xf32>
    %integer_pow3A = arith.mulf %sub3A_59, %sub3A_59 : vector<4000x128xf32>
    %reduce_sum3A_60 = arith.constant dense<0.000000e+00> : vector<4000xf32>
    %reduce_sum3A_61 = vector.multi_reduction <add>, %integer_pow3A, %reduce_sum3A_60 [1] : vector<4000x128xf32> to vector<4000xf32>
    %broadcast_in_dim3A_62 = vector.shape_cast %reduce_sum3A_61 : vector<4000xf32> to vector<4000x1xf32>
    %div3A_63 = arith.constant 1.280000e+02 : f32
    %div3A_64 = vector.broadcast %div3A_63 : f32 to vector<4000x1xf32>
    %div3A_65 = arith.divf %broadcast_in_dim3A_62, %div3A_64 : vector<4000x1xf32>
    %sub3A_66 = vector.broadcast %div3A_58 : vector<4000x1xf32> to vector<4000x128xf32>
    %sub3A_67 = arith.subf %add3A_49, %sub3A_66 : vector<4000x128xf32>
    %add3A_68 = arith.constant 9.99999974E-6 : f32
    %add3A_69 = vector.broadcast %add3A_68 : f32 to vector<4000x1xf32>
    %add3A_70 = arith.addf %div3A_65, %add3A_69 : vector<4000x1xf32>
    %sqrt3A = math.sqrt %add3A_70 : vector<4000x1xf32>
    %div3A_71 = vector.broadcast %sqrt3A : vector<4000x1xf32> to vector<4000x128xf32>
    %div3A_72 = arith.divf %sub3A_67, %div3A_71 : vector<4000x128xf32>
    %mul3A_73 = vector.broadcast %get3A_52 : vector<1x128xf32> to vector<4000x128xf32>
    %mul3A_74 = arith.mulf %div3A_72, %mul3A_73 : vector<4000x128xf32>
    %add3A_75 = vector.broadcast %get3A_55 : vector<1x128xf32> to vector<4000x128xf32>
    %add3A_76 = arith.addf %mul3A_74, %add3A_75 : vector<4000x128xf32>
    %swap3A = arith.constant 0 : index
    %swap3A_77 = arith.constant 0 : index
    %swap3A_78 = vector.load %arg12[%swap3A, %swap3A_77] : memref<4000x128xf32, #tpu.memory_space<vmem>>, vector<4000x128xf32>
    tpu.vector_store %arg12[%swap3A, %swap3A_77], %add3A_76 {strides = array<i32>} : memref<4000x128xf32, #tpu.memory_space<vmem>>, vector<4000x128xf32>,
    %get3A_79 = arith.constant 0 : index
    %get3A_80 = arith.constant 0 : index
    %get3A_81 = vector.load %arg3[%get3A_79, %get3A_80] : memref<4000x128xf32, #tpu.memory_space<vmem>>, vector<4000x128xf32>
    %add3A_82 = arith.addf %get3A_81, %add3A_76 : vector<4000x128xf32>
    %swap3A_83 = arith.constant 0 : index
    %swap3A_84 = arith.constant 0 : index
    %swap3A_85 = vector.load %arg13[%swap3A_83, %swap3A_84] : memref<4000x128xf32, #tpu.memory_space<vmem>>, vector<4000x128xf32>
    tpu.vector_store %arg13[%swap3A_83, %swap3A_84], %add3A_82 {strides = array<i32>} : memref<4000x128xf32, #tpu.memory_space<vmem>>, vector<4000x128xf32>,
    return
  }
  func.func @transform_0(%arg0: i32) -> (i32, i32) {
    %c0_i32 = arith.constant 0 : i32
    %c0_i32_0 = arith.constant 0 : i32
    return %arg0, %c0_i32 : i32, i32
  }
  func.func @transform_1(%arg0: i32) -> (i32, i32) {
    %c0_i32 = arith.constant 0 : i32
    %c0_i32_0 = arith.constant 0 : i32
    return %arg0, %c0_i32 : i32, i32
  }
  func.func @transform_2(%arg0: i32) -> (i32, i32) {
    %c0_i32 = arith.constant 0 : i32
    %c0_i32_0 = arith.constant 0 : i32
    return %arg0, %c0_i32 : i32, i32
  }
  func.func @transform_3(%arg0: i32) -> (i32, i32) {
    %c0_i32 = arith.constant 0 : i32
    %c0_i32_0 = arith.constant 0 : i32
    %c0_i32_1 = arith.constant 0 : i32
    return %c0_i32, %c0_i32_0 : i32, i32
  }
  func.func @transform_4(%arg0: i32) -> (i32, i32) {
    %c0_i32 = arith.constant 0 : i32
    %c0_i32_0 = arith.constant 0 : i32
    %c0_i32_1 = arith.constant 0 : i32
    return %c0_i32, %c0_i32_0 : i32, i32
  }
  func.func @transform_5(%arg0: i32) -> (i32, i32) {
    %c0_i32 = arith.constant 0 : i32
    %c0_i32_0 = arith.constant 0 : i32
    %c0_i32_1 = arith.constant 0 : i32
    return %c0_i32, %c0_i32_0 : i32, i32
  }
  func.func @transform_6(%arg0: i32) -> (i32, i32) {
    %c0_i32 = arith.constant 0 : i32
    %c0_i32_0 = arith.constant 0 : i32
    %c0_i32_1 = arith.constant 0 : i32
    return %c0_i32, %c0_i32_0 : i32, i32
  }
  func.func @transform_7(%arg0: i32) -> (i32, i32) {
    %c0_i32 = arith.constant 0 : i32
    %c0_i32_0 = arith.constant 0 : i32
    %c0_i32_1 = arith.constant 0 : i32
    return %c0_i32, %c0_i32_0 : i32, i32
  }
  func.func @transform_8(%arg0: i32) -> (i32, i32) {
    %c0_i32 = arith.constant 0 : i32
    %c0_i32_0 = arith.constant 0 : i32
    %c0_i32_1 = arith.constant 0 : i32
    return %c0_i32, %c0_i32_0 : i32, i32
  }
  func.func @transform_9(%arg0: i32) -> (i32, i32) {
    %c0_i32 = arith.constant 0 : i32
    %c0_i32_0 = arith.constant 0 : i32
    %c0_i32_1 = arith.constant 0 : i32
    return %c0_i32, %c0_i32_0 : i32, i32
  }
  func.func @transform_10(%arg0: i32) -> (i32, i32) {
    %c0_i32 = arith.constant 0 : i32
    %c0_i32_0 = arith.constant 0 : i32
    %c0_i32_1 = arith.constant 0 : i32
    return %c0_i32, %c0_i32_0 : i32, i32
  }
  func.func @transform_11(%arg0: i32) -> (i32, i32) {
    %c0_i32 = arith.constant 0 : i32
    %c0_i32_0 = arith.constant 0 : i32
    return %arg0, %c0_i32 : i32, i32
  }
  func.func @transform_12(%arg0: i32) -> (i32, i32) {
    %c0_i32 = arith.constant 0 : i32
    %c0_i32_0 = arith.constant 0 : i32
    return %arg0, %c0_i32 : i32, i32
  }
}

module attributes {stable_mosaic.version = 14 : i64} {
  func.func @_node_block_body_ab(%arg0: i32, %arg1: memref<2000x128xf32, #tpu.memory_space<vmem>>, %arg2: memref<2000x128xf32, #tpu.memory_space<vmem>>, %arg3: memref<2000x128xf32, #tpu.memory_space<vmem>>, %arg4: memref<128x128xf32, #tpu.memory_space<vmem>>, %arg5: memref<128x128xf32, #tpu.memory_space<vmem>>, %arg6: memref<128x128xf32, #tpu.memory_space<vmem>>, %arg7: memref<128x128xf32, #tpu.memory_space<vmem>>, %arg8: memref<1x128xf32, #tpu.memory_space<vmem>>, %arg9: memref<1x128xf32, #tpu.memory_space<vmem>>, %arg10: memref<1x128xf32, #tpu.memory_space<vmem>>, %arg11: memref<1x128xf32, #tpu.memory_space<vmem>>, %arg12: memref<1x128xf32, #tpu.memory_space<vmem>>, %arg13: memref<128x128xf32, #tpu.memory_space<vmem>>, %arg14: memref<128x128xf32, #tpu.memory_space<vmem>>, %arg15: memref<2000x128xf32, #tpu.memory_space<vmem>>, %arg16: memref<2000x128xf32, #tpu.memory_space<vmem>>, %arg17: memref<2000x128xf32, #tpu.memory_space<vmem>>) attributes {dimension_semantics = [#tpu.dimension_semantics<arbitrary>], iteration_bounds = array<i64: 5>, scalar_prefetch = 0 : i64, scratch_operands = 0 : i64, tpu.core_type = #tpu.core_type<tc>, window_params = [{transform_indices = @transform_0, window_bounds = array<i64: 2000, 128>}, {transform_indices = @transform_1, window_bounds = array<i64: 2000, 128>}, {transform_indices = @transform_2, window_bounds = array<i64: 2000, 128>}, {pipeline_mode = #tpu.pipeline_mode<synchronous>, transform_indices = @transform_3, window_bounds = array<i64: 128, 128>}, {pipeline_mode = #tpu.pipeline_mode<synchronous>, transform_indices = @transform_4, window_bounds = array<i64: 128, 128>}, {pipeline_mode = #tpu.pipeline_mode<synchronous>, transform_indices = @transform_5, window_bounds = array<i64: 128, 128>}, {pipeline_mode = #tpu.pipeline_mode<synchronous>, transform_indices = @transform_6, window_bounds = array<i64: 128, 128>}, {pipeline_mode = #tpu.pipeline_mode<synchronous>, transform_indices = @transform_7, window_bounds = array<i64: 1, 128>}, {pipeline_mode = #tpu.pipeline_mode<synchronous>, transform_indices = @transform_8, window_bounds = array<i64: 1, 128>}, {pipeline_mode = #tpu.pipeline_mode<synchronous>, transform_indices = @transform_9, window_bounds = array<i64: 1, 128>}, {pipeline_mode = #tpu.pipeline_mode<synchronous>, transform_indices = @transform_10, window_bounds = array<i64: 1, 128>}, {pipeline_mode = #tpu.pipeline_mode<synchronous>, transform_indices = @transform_11, window_bounds = array<i64: 1, 128>}, {pipeline_mode = #tpu.pipeline_mode<synchronous>, transform_indices = @transform_12, window_bounds = array<i64: 128, 128>}, {pipeline_mode = #tpu.pipeline_mode<synchronous>, transform_indices = @transform_13, window_bounds = array<i64: 128, 128>}, {transform_indices = @transform_14, window_bounds = array<i64: 2000, 128>}, {transform_indices = @transform_15, window_bounds = array<i64: 2000, 128>}, {transform_indices = @transform_16, window_bounds = array<i64: 2000, 128>}]} {
    %get3A = arith.constant 0 : index
    %get3A_0 = arith.constant 0 : index
    %get3A_1 = vector.load %arg2[%get3A, %get3A_0] : memref<2000x128xf32, #tpu.memory_space<vmem>>, vector<2000x128xf32>
    %get3A_2 = arith.constant 0 : index
    %get3A_3 = arith.constant 0 : index
    %get3A_4 = vector.load %arg3[%get3A_2, %get3A_3] : memref<2000x128xf32, #tpu.memory_space<vmem>>, vector<2000x128xf32>
    %add3A = arith.addf %get3A_1, %get3A_4 : vector<2000x128xf32>
    %get3A_5 = arith.constant 0 : index
    %get3A_6 = arith.constant 0 : index
    %get3A_7 = vector.load %arg1[%get3A_5, %get3A_6] : memref<2000x128xf32, #tpu.memory_space<vmem>>, vector<2000x128xf32>
    %get3A_8 = arith.constant 0 : index
    %get3A_9 = arith.constant 0 : index
    %get3A_10 = vector.load %arg4[%get3A_8, %get3A_9] : memref<128x128xf32, #tpu.memory_space<vmem>>, vector<128x128xf32>
    %dot_general3A = arith.constant dense<0.000000e+00> : vector<2000x128xf32>
    %dot_general3A_11 = tpu.matmul %get3A_7, %get3A_10, %dot_general3A {dimension_numbers = #tpu.dot_dimension_numbers<[1], [0], [0], [1], [0, 0, 1, 1], [], []>, transpose_lhs_hint = false} : vector<2000x128xf32>, vector<128x128xf32>, vector<2000x128xf32> -> vector<2000x128xf32>
    %get3A_12 = arith.constant 0 : index
    %get3A_13 = arith.constant 0 : index
    %get3A_14 = vector.load %arg5[%get3A_12, %get3A_13] : memref<128x128xf32, #tpu.memory_space<vmem>>, vector<128x128xf32>
    %dot_general3A_15 = arith.constant dense<0.000000e+00> : vector<2000x128xf32>
    %dot_general3A_16 = tpu.matmul %add3A, %get3A_14, %dot_general3A_15 {dimension_numbers = #tpu.dot_dimension_numbers<[1], [0], [0], [1], [0, 0, 1, 1], [], []>, transpose_lhs_hint = false} : vector<2000x128xf32>, vector<128x128xf32>, vector<2000x128xf32> -> vector<2000x128xf32>
    %add3A_17 = arith.addf %dot_general3A_11, %dot_general3A_16 : vector<2000x128xf32>
    %get3A_18 = arith.constant 0 : index
    %get3A_19 = arith.constant 0 : index
    %get3A_20 = vector.load %arg8[%get3A_18, %get3A_19] : memref<1x128xf32, #tpu.memory_space<vmem>>, vector<1x128xf32>
    %add3A_21 = vector.broadcast %get3A_20 : vector<1x128xf32> to vector<2000x128xf32>
    %add3A_22 = arith.addf %add3A_17, %add3A_21 : vector<2000x128xf32>
    %logistic3A = arith.negf %add3A_22 : vector<2000x128xf32>
    %logistic3A_23 = math.exp %logistic3A : vector<2000x128xf32>
    %logistic3A_24 = arith.constant 1.000000e+00 : f32
    %logistic3A_25 = vector.broadcast %logistic3A_24 : f32 to vector<2000x128xf32>
    %logistic3A_26 = arith.addf %logistic3A_25, %logistic3A_23 : vector<2000x128xf32>
    %logistic3A_27 = arith.divf %logistic3A_25, %logistic3A_26 : vector<2000x128xf32>
    %mul3A = arith.mulf %add3A_22, %logistic3A_27 : vector<2000x128xf32>
    %get3A_28 = arith.constant 0 : index
    %get3A_29 = arith.constant 0 : index
    %get3A_30 = vector.load %arg6[%get3A_28, %get3A_29] : memref<128x128xf32, #tpu.memory_space<vmem>>, vector<128x128xf32>
    %dot_general3A_31 = arith.constant dense<0.000000e+00> : vector<2000x128xf32>
    %dot_general3A_32 = tpu.matmul %mul3A, %get3A_30, %dot_general3A_31 {dimension_numbers = #tpu.dot_dimension_numbers<[1], [0], [0], [1], [0, 0, 1, 1], [], []>, transpose_lhs_hint = false} : vector<2000x128xf32>, vector<128x128xf32>, vector<2000x128xf32> -> vector<2000x128xf32>
    %get3A_33 = arith.constant 0 : index
    %get3A_34 = arith.constant 0 : index
    %get3A_35 = vector.load %arg9[%get3A_33, %get3A_34] : memref<1x128xf32, #tpu.memory_space<vmem>>, vector<1x128xf32>
    %add3A_36 = vector.broadcast %get3A_35 : vector<1x128xf32> to vector<2000x128xf32>
    %add3A_37 = arith.addf %dot_general3A_32, %add3A_36 : vector<2000x128xf32>
    %logistic3A_38 = arith.negf %add3A_37 : vector<2000x128xf32>
    %logistic3A_39 = math.exp %logistic3A_38 : vector<2000x128xf32>
    %logistic3A_40 = arith.constant 1.000000e+00 : f32
    %logistic3A_41 = vector.broadcast %logistic3A_40 : f32 to vector<2000x128xf32>
    %logistic3A_42 = arith.addf %logistic3A_41, %logistic3A_39 : vector<2000x128xf32>
    %logistic3A_43 = arith.divf %logistic3A_41, %logistic3A_42 : vector<2000x128xf32>
    %mul3A_44 = arith.mulf %add3A_37, %logistic3A_43 : vector<2000x128xf32>
    %get3A_45 = arith.constant 0 : index
    %get3A_46 = arith.constant 0 : index
    %get3A_47 = vector.load %arg7[%get3A_45, %get3A_46] : memref<128x128xf32, #tpu.memory_space<vmem>>, vector<128x128xf32>
    %dot_general3A_48 = arith.constant dense<0.000000e+00> : vector<2000x128xf32>
    %dot_general3A_49 = tpu.matmul %mul3A_44, %get3A_47, %dot_general3A_48 {dimension_numbers = #tpu.dot_dimension_numbers<[1], [0], [0], [1], [0, 0, 1, 1], [], []>, transpose_lhs_hint = false} : vector<2000x128xf32>, vector<128x128xf32>, vector<2000x128xf32> -> vector<2000x128xf32>
    %get3A_50 = arith.constant 0 : index
    %get3A_51 = arith.constant 0 : index
    %get3A_52 = vector.load %arg10[%get3A_50, %get3A_51] : memref<1x128xf32, #tpu.memory_space<vmem>>, vector<1x128xf32>
    %add3A_53 = vector.broadcast %get3A_52 : vector<1x128xf32> to vector<2000x128xf32>
    %add3A_54 = arith.addf %dot_general3A_49, %add3A_53 : vector<2000x128xf32>
    %get3A_55 = arith.constant 0 : index
    %get3A_56 = arith.constant 0 : index
    %get3A_57 = vector.load %arg11[%get3A_55, %get3A_56] : memref<1x128xf32, #tpu.memory_space<vmem>>, vector<1x128xf32>
    %get3A_58 = arith.constant 0 : index
    %get3A_59 = arith.constant 0 : index
    %get3A_60 = vector.load %arg12[%get3A_58, %get3A_59] : memref<1x128xf32, #tpu.memory_space<vmem>>, vector<1x128xf32>
    %reduce_sum3A = arith.constant dense<0.000000e+00> : vector<2000xf32>
    %reduce_sum3A_61 = vector.multi_reduction <add>, %add3A_54, %reduce_sum3A [1] : vector<2000x128xf32> to vector<2000xf32>
    %broadcast_in_dim3A = vector.shape_cast %reduce_sum3A_61 : vector<2000xf32> to vector<2000x1xf32>
    %div3A = arith.constant 1.280000e+02 : f32
    %div3A_62 = vector.broadcast %div3A : f32 to vector<2000x1xf32>
    %div3A_63 = arith.divf %broadcast_in_dim3A, %div3A_62 : vector<2000x1xf32>
    %sub3A = vector.broadcast %div3A_63 : vector<2000x1xf32> to vector<2000x128xf32>
    %sub3A_64 = arith.subf %add3A_54, %sub3A : vector<2000x128xf32>
    %integer_pow3A = arith.mulf %sub3A_64, %sub3A_64 : vector<2000x128xf32>
    %reduce_sum3A_65 = arith.constant dense<0.000000e+00> : vector<2000xf32>
    %reduce_sum3A_66 = vector.multi_reduction <add>, %integer_pow3A, %reduce_sum3A_65 [1] : vector<2000x128xf32> to vector<2000xf32>
    %broadcast_in_dim3A_67 = vector.shape_cast %reduce_sum3A_66 : vector<2000xf32> to vector<2000x1xf32>
    %div3A_68 = arith.constant 1.280000e+02 : f32
    %div3A_69 = vector.broadcast %div3A_68 : f32 to vector<2000x1xf32>
    %div3A_70 = arith.divf %broadcast_in_dim3A_67, %div3A_69 : vector<2000x1xf32>
    %sub3A_71 = vector.broadcast %div3A_63 : vector<2000x1xf32> to vector<2000x128xf32>
    %sub3A_72 = arith.subf %add3A_54, %sub3A_71 : vector<2000x128xf32>
    %add3A_73 = arith.constant 9.99999974E-6 : f32
    %add3A_74 = vector.broadcast %add3A_73 : f32 to vector<2000x1xf32>
    %add3A_75 = arith.addf %div3A_70, %add3A_74 : vector<2000x1xf32>
    %sqrt3A = math.sqrt %add3A_75 : vector<2000x1xf32>
    %div3A_76 = vector.broadcast %sqrt3A : vector<2000x1xf32> to vector<2000x128xf32>
    %div3A_77 = arith.divf %sub3A_72, %div3A_76 : vector<2000x128xf32>
    %mul3A_78 = vector.broadcast %get3A_57 : vector<1x128xf32> to vector<2000x128xf32>
    %mul3A_79 = arith.mulf %div3A_77, %mul3A_78 : vector<2000x128xf32>
    %add3A_80 = vector.broadcast %get3A_60 : vector<1x128xf32> to vector<2000x128xf32>
    %add3A_81 = arith.addf %mul3A_79, %add3A_80 : vector<2000x128xf32>
    %get3A_82 = arith.constant 0 : index
    %get3A_83 = arith.constant 0 : index
    %get3A_84 = vector.load %arg1[%get3A_82, %get3A_83] : memref<2000x128xf32, #tpu.memory_space<vmem>>, vector<2000x128xf32>
    %add3A_85 = arith.addf %get3A_84, %add3A_81 : vector<2000x128xf32>
    %swap3A = arith.constant 0 : index
    %swap3A_86 = arith.constant 0 : index
    %swap3A_87 = vector.load %arg15[%swap3A, %swap3A_86] : memref<2000x128xf32, #tpu.memory_space<vmem>>, vector<2000x128xf32>
    tpu.vector_store %arg15[%swap3A, %swap3A_86], %add3A_85 {strides = array<i32>} : memref<2000x128xf32, #tpu.memory_space<vmem>>, vector<2000x128xf32>,
    %get3A_88 = arith.constant 0 : index
    %get3A_89 = arith.constant 0 : index
    %get3A_90 = vector.load %arg13[%get3A_88, %get3A_89] : memref<128x128xf32, #tpu.memory_space<vmem>>, vector<128x128xf32>
    %dot_general3A_91 = arith.constant dense<0.000000e+00> : vector<2000x128xf32>
    %dot_general3A_92 = tpu.matmul %add3A_85, %get3A_90, %dot_general3A_91 {dimension_numbers = #tpu.dot_dimension_numbers<[1], [0], [0], [1], [0, 0, 1, 1], [], []>, transpose_lhs_hint = false} : vector<2000x128xf32>, vector<128x128xf32>, vector<2000x128xf32> -> vector<2000x128xf32>
    %swap3A_93 = arith.constant 0 : index
    %swap3A_94 = arith.constant 0 : index
    %swap3A_95 = vector.load %arg16[%swap3A_93, %swap3A_94] : memref<2000x128xf32, #tpu.memory_space<vmem>>, vector<2000x128xf32>
    tpu.vector_store %arg16[%swap3A_93, %swap3A_94], %dot_general3A_92 {strides = array<i32>} : memref<2000x128xf32, #tpu.memory_space<vmem>>, vector<2000x128xf32>,
    %get3A_96 = arith.constant 0 : index
    %get3A_97 = arith.constant 0 : index
    %get3A_98 = vector.load %arg14[%get3A_96, %get3A_97] : memref<128x128xf32, #tpu.memory_space<vmem>>, vector<128x128xf32>
    %dot_general3A_99 = arith.constant dense<0.000000e+00> : vector<2000x128xf32>
    %dot_general3A_100 = tpu.matmul %add3A_85, %get3A_98, %dot_general3A_99 {dimension_numbers = #tpu.dot_dimension_numbers<[1], [0], [0], [1], [0, 0, 1, 1], [], []>, transpose_lhs_hint = false} : vector<2000x128xf32>, vector<128x128xf32>, vector<2000x128xf32> -> vector<2000x128xf32>
    %swap3A_101 = arith.constant 0 : index
    %swap3A_102 = arith.constant 0 : index
    %swap3A_103 = vector.load %arg17[%swap3A_101, %swap3A_102] : memref<2000x128xf32, #tpu.memory_space<vmem>>, vector<2000x128xf32>
    tpu.vector_store %arg17[%swap3A_101, %swap3A_102], %dot_general3A_100 {strides = array<i32>} : memref<2000x128xf32, #tpu.memory_space<vmem>>, vector<2000x128xf32>,
    return
  }
  func.func @transform_0(%arg0: i32) -> (i32, i32) {
    %c0_i32 = arith.constant 0 : i32
    %c0_i32_0 = arith.constant 0 : i32
    return %arg0, %c0_i32 : i32, i32
  }
  func.func @transform_1(%arg0: i32) -> (i32, i32) {
    %c0_i32 = arith.constant 0 : i32
    %c0_i32_0 = arith.constant 0 : i32
    return %arg0, %c0_i32 : i32, i32
  }
  func.func @transform_2(%arg0: i32) -> (i32, i32) {
    %c0_i32 = arith.constant 0 : i32
    %c0_i32_0 = arith.constant 0 : i32
    return %arg0, %c0_i32 : i32, i32
  }
  func.func @transform_3(%arg0: i32) -> (i32, i32) {
    %c0_i32 = arith.constant 0 : i32
    %c0_i32_0 = arith.constant 0 : i32
    %c0_i32_1 = arith.constant 0 : i32
    return %c0_i32, %c0_i32_0 : i32, i32
  }
  func.func @transform_4(%arg0: i32) -> (i32, i32) {
    %c0_i32 = arith.constant 0 : i32
    %c0_i32_0 = arith.constant 0 : i32
    %c0_i32_1 = arith.constant 0 : i32
    return %c0_i32, %c0_i32_0 : i32, i32
  }
  func.func @transform_5(%arg0: i32) -> (i32, i32) {
    %c0_i32 = arith.constant 0 : i32
    %c0_i32_0 = arith.constant 0 : i32
    %c0_i32_1 = arith.constant 0 : i32
    return %c0_i32, %c0_i32_0 : i32, i32
  }
  func.func @transform_6(%arg0: i32) -> (i32, i32) {
    %c0_i32 = arith.constant 0 : i32
    %c0_i32_0 = arith.constant 0 : i32
    %c0_i32_1 = arith.constant 0 : i32
    return %c0_i32, %c0_i32_0 : i32, i32
  }
  func.func @transform_7(%arg0: i32) -> (i32, i32) {
    %c0_i32 = arith.constant 0 : i32
    %c0_i32_0 = arith.constant 0 : i32
    %c0_i32_1 = arith.constant 0 : i32
    return %c0_i32, %c0_i32_0 : i32, i32
  }
  func.func @transform_8(%arg0: i32) -> (i32, i32) {
    %c0_i32 = arith.constant 0 : i32
    %c0_i32_0 = arith.constant 0 : i32
    %c0_i32_1 = arith.constant 0 : i32
    return %c0_i32, %c0_i32_0 : i32, i32
  }
  func.func @transform_9(%arg0: i32) -> (i32, i32) {
    %c0_i32 = arith.constant 0 : i32
    %c0_i32_0 = arith.constant 0 : i32
    %c0_i32_1 = arith.constant 0 : i32
    return %c0_i32, %c0_i32_0 : i32, i32
  }
  func.func @transform_10(%arg0: i32) -> (i32, i32) {
    %c0_i32 = arith.constant 0 : i32
    %c0_i32_0 = arith.constant 0 : i32
    %c0_i32_1 = arith.constant 0 : i32
    return %c0_i32, %c0_i32_0 : i32, i32
  }
  func.func @transform_11(%arg0: i32) -> (i32, i32) {
    %c0_i32 = arith.constant 0 : i32
    %c0_i32_0 = arith.constant 0 : i32
    %c0_i32_1 = arith.constant 0 : i32
    return %c0_i32, %c0_i32_0 : i32, i32
  }
  func.func @transform_12(%arg0: i32) -> (i32, i32) {
    %c0_i32 = arith.constant 0 : i32
    %c0_i32_0 = arith.constant 0 : i32
    %c0_i32_1 = arith.constant 0 : i32
    return %c0_i32, %c0_i32_0 : i32, i32
  }
  func.func @transform_13(%arg0: i32) -> (i32, i32) {
    %c0_i32 = arith.constant 0 : i32
    %c0_i32_0 = arith.constant 0 : i32
    %c0_i32_1 = arith.constant 0 : i32
    return %c0_i32, %c0_i32_0 : i32, i32
  }
  func.func @transform_14(%arg0: i32) -> (i32, i32) {
    %c0_i32 = arith.constant 0 : i32
    %c0_i32_0 = arith.constant 0 : i32
    return %arg0, %c0_i32 : i32, i32
  }
  func.func @transform_15(%arg0: i32) -> (i32, i32) {
    %c0_i32 = arith.constant 0 : i32
    %c0_i32_0 = arith.constant 0 : i32
    return %arg0, %c0_i32 : i32, i32
  }
  func.func @transform_16(%arg0: i32) -> (i32, i32) {
    %c0_i32 = arith.constant 0 : i32
    %c0_i32_0 = arith.constant 0 : i32
    return %arg0, %c0_i32 : i32, i32
  }
}

module attributes {stable_mosaic.version = 14 : i64} {
  func.func @_node_block_body(%arg0: i32, %arg1: memref<2000x128xf32, #tpu.memory_space<vmem>>, %arg2: memref<2000x128xf32, #tpu.memory_space<vmem>>, %arg3: memref<2000x128xf32, #tpu.memory_space<vmem>>, %arg4: memref<128x128xf32, #tpu.memory_space<vmem>>, %arg5: memref<128x128xf32, #tpu.memory_space<vmem>>, %arg6: memref<128x128xf32, #tpu.memory_space<vmem>>, %arg7: memref<128x128xf32, #tpu.memory_space<vmem>>, %arg8: memref<1x128xf32, #tpu.memory_space<vmem>>, %arg9: memref<1x128xf32, #tpu.memory_space<vmem>>, %arg10: memref<1x128xf32, #tpu.memory_space<vmem>>, %arg11: memref<1x128xf32, #tpu.memory_space<vmem>>, %arg12: memref<1x128xf32, #tpu.memory_space<vmem>>, %arg13: memref<2000x128xf32, #tpu.memory_space<vmem>>) attributes {dimension_semantics = [#tpu.dimension_semantics<arbitrary>], iteration_bounds = array<i64: 5>, scalar_prefetch = 0 : i64, scratch_operands = 0 : i64, tpu.core_type = #tpu.core_type<tc>, window_params = [{transform_indices = @transform_0, window_bounds = array<i64: 2000, 128>}, {transform_indices = @transform_1, window_bounds = array<i64: 2000, 128>}, {transform_indices = @transform_2, window_bounds = array<i64: 2000, 128>}, {pipeline_mode = #tpu.pipeline_mode<synchronous>, transform_indices = @transform_3, window_bounds = array<i64: 128, 128>}, {pipeline_mode = #tpu.pipeline_mode<synchronous>, transform_indices = @transform_4, window_bounds = array<i64: 128, 128>}, {pipeline_mode = #tpu.pipeline_mode<synchronous>, transform_indices = @transform_5, window_bounds = array<i64: 128, 128>}, {pipeline_mode = #tpu.pipeline_mode<synchronous>, transform_indices = @transform_6, window_bounds = array<i64: 128, 128>}, {pipeline_mode = #tpu.pipeline_mode<synchronous>, transform_indices = @transform_7, window_bounds = array<i64: 1, 128>}, {pipeline_mode = #tpu.pipeline_mode<synchronous>, transform_indices = @transform_8, window_bounds = array<i64: 1, 128>}, {pipeline_mode = #tpu.pipeline_mode<synchronous>, transform_indices = @transform_9, window_bounds = array<i64: 1, 128>}, {pipeline_mode = #tpu.pipeline_mode<synchronous>, transform_indices = @transform_10, window_bounds = array<i64: 1, 128>}, {pipeline_mode = #tpu.pipeline_mode<synchronous>, transform_indices = @transform_11, window_bounds = array<i64: 1, 128>}, {transform_indices = @transform_12, window_bounds = array<i64: 2000, 128>}]} {
    %get3A = arith.constant 0 : index
    %get3A_0 = arith.constant 0 : index
    %get3A_1 = vector.load %arg2[%get3A, %get3A_0] : memref<2000x128xf32, #tpu.memory_space<vmem>>, vector<2000x128xf32>
    %get3A_2 = arith.constant 0 : index
    %get3A_3 = arith.constant 0 : index
    %get3A_4 = vector.load %arg3[%get3A_2, %get3A_3] : memref<2000x128xf32, #tpu.memory_space<vmem>>, vector<2000x128xf32>
    %add3A = arith.addf %get3A_1, %get3A_4 : vector<2000x128xf32>
    %get3A_5 = arith.constant 0 : index
    %get3A_6 = arith.constant 0 : index
    %get3A_7 = vector.load %arg1[%get3A_5, %get3A_6] : memref<2000x128xf32, #tpu.memory_space<vmem>>, vector<2000x128xf32>
    %get3A_8 = arith.constant 0 : index
    %get3A_9 = arith.constant 0 : index
    %get3A_10 = vector.load %arg4[%get3A_8, %get3A_9] : memref<128x128xf32, #tpu.memory_space<vmem>>, vector<128x128xf32>
    %dot_general3A = arith.constant dense<0.000000e+00> : vector<2000x128xf32>
    %dot_general3A_11 = tpu.matmul %get3A_7, %get3A_10, %dot_general3A {dimension_numbers = #tpu.dot_dimension_numbers<[1], [0], [0], [1], [0, 0, 1, 1], [], []>, transpose_lhs_hint = false} : vector<2000x128xf32>, vector<128x128xf32>, vector<2000x128xf32> -> vector<2000x128xf32>
    %get3A_12 = arith.constant 0 : index
    %get3A_13 = arith.constant 0 : index
    %get3A_14 = vector.load %arg5[%get3A_12, %get3A_13] : memref<128x128xf32, #tpu.memory_space<vmem>>, vector<128x128xf32>
    %dot_general3A_15 = arith.constant dense<0.000000e+00> : vector<2000x128xf32>
    %dot_general3A_16 = tpu.matmul %add3A, %get3A_14, %dot_general3A_15 {dimension_numbers = #tpu.dot_dimension_numbers<[1], [0], [0], [1], [0, 0, 1, 1], [], []>, transpose_lhs_hint = false} : vector<2000x128xf32>, vector<128x128xf32>, vector<2000x128xf32> -> vector<2000x128xf32>
    %add3A_17 = arith.addf %dot_general3A_11, %dot_general3A_16 : vector<2000x128xf32>
    %get3A_18 = arith.constant 0 : index
    %get3A_19 = arith.constant 0 : index
    %get3A_20 = vector.load %arg8[%get3A_18, %get3A_19] : memref<1x128xf32, #tpu.memory_space<vmem>>, vector<1x128xf32>
    %add3A_21 = vector.broadcast %get3A_20 : vector<1x128xf32> to vector<2000x128xf32>
    %add3A_22 = arith.addf %add3A_17, %add3A_21 : vector<2000x128xf32>
    %logistic3A = arith.negf %add3A_22 : vector<2000x128xf32>
    %logistic3A_23 = math.exp %logistic3A : vector<2000x128xf32>
    %logistic3A_24 = arith.constant 1.000000e+00 : f32
    %logistic3A_25 = vector.broadcast %logistic3A_24 : f32 to vector<2000x128xf32>
    %logistic3A_26 = arith.addf %logistic3A_25, %logistic3A_23 : vector<2000x128xf32>
    %logistic3A_27 = arith.divf %logistic3A_25, %logistic3A_26 : vector<2000x128xf32>
    %mul3A = arith.mulf %add3A_22, %logistic3A_27 : vector<2000x128xf32>
    %get3A_28 = arith.constant 0 : index
    %get3A_29 = arith.constant 0 : index
    %get3A_30 = vector.load %arg6[%get3A_28, %get3A_29] : memref<128x128xf32, #tpu.memory_space<vmem>>, vector<128x128xf32>
    %dot_general3A_31 = arith.constant dense<0.000000e+00> : vector<2000x128xf32>
    %dot_general3A_32 = tpu.matmul %mul3A, %get3A_30, %dot_general3A_31 {dimension_numbers = #tpu.dot_dimension_numbers<[1], [0], [0], [1], [0, 0, 1, 1], [], []>, transpose_lhs_hint = false} : vector<2000x128xf32>, vector<128x128xf32>, vector<2000x128xf32> -> vector<2000x128xf32>
    %get3A_33 = arith.constant 0 : index
    %get3A_34 = arith.constant 0 : index
    %get3A_35 = vector.load %arg9[%get3A_33, %get3A_34] : memref<1x128xf32, #tpu.memory_space<vmem>>, vector<1x128xf32>
    %add3A_36 = vector.broadcast %get3A_35 : vector<1x128xf32> to vector<2000x128xf32>
    %add3A_37 = arith.addf %dot_general3A_32, %add3A_36 : vector<2000x128xf32>
    %logistic3A_38 = arith.negf %add3A_37 : vector<2000x128xf32>
    %logistic3A_39 = math.exp %logistic3A_38 : vector<2000x128xf32>
    %logistic3A_40 = arith.constant 1.000000e+00 : f32
    %logistic3A_41 = vector.broadcast %logistic3A_40 : f32 to vector<2000x128xf32>
    %logistic3A_42 = arith.addf %logistic3A_41, %logistic3A_39 : vector<2000x128xf32>
    %logistic3A_43 = arith.divf %logistic3A_41, %logistic3A_42 : vector<2000x128xf32>
    %mul3A_44 = arith.mulf %add3A_37, %logistic3A_43 : vector<2000x128xf32>
    %get3A_45 = arith.constant 0 : index
    %get3A_46 = arith.constant 0 : index
    %get3A_47 = vector.load %arg7[%get3A_45, %get3A_46] : memref<128x128xf32, #tpu.memory_space<vmem>>, vector<128x128xf32>
    %dot_general3A_48 = arith.constant dense<0.000000e+00> : vector<2000x128xf32>
    %dot_general3A_49 = tpu.matmul %mul3A_44, %get3A_47, %dot_general3A_48 {dimension_numbers = #tpu.dot_dimension_numbers<[1], [0], [0], [1], [0, 0, 1, 1], [], []>, transpose_lhs_hint = false} : vector<2000x128xf32>, vector<128x128xf32>, vector<2000x128xf32> -> vector<2000x128xf32>
    %get3A_50 = arith.constant 0 : index
    %get3A_51 = arith.constant 0 : index
    %get3A_52 = vector.load %arg10[%get3A_50, %get3A_51] : memref<1x128xf32, #tpu.memory_space<vmem>>, vector<1x128xf32>
    %add3A_53 = vector.broadcast %get3A_52 : vector<1x128xf32> to vector<2000x128xf32>
    %add3A_54 = arith.addf %dot_general3A_49, %add3A_53 : vector<2000x128xf32>
    %get3A_55 = arith.constant 0 : index
    %get3A_56 = arith.constant 0 : index
    %get3A_57 = vector.load %arg11[%get3A_55, %get3A_56] : memref<1x128xf32, #tpu.memory_space<vmem>>, vector<1x128xf32>
    %get3A_58 = arith.constant 0 : index
    %get3A_59 = arith.constant 0 : index
    %get3A_60 = vector.load %arg12[%get3A_58, %get3A_59] : memref<1x128xf32, #tpu.memory_space<vmem>>, vector<1x128xf32>
    %reduce_sum3A = arith.constant dense<0.000000e+00> : vector<2000xf32>
    %reduce_sum3A_61 = vector.multi_reduction <add>, %add3A_54, %reduce_sum3A [1] : vector<2000x128xf32> to vector<2000xf32>
    %broadcast_in_dim3A = vector.shape_cast %reduce_sum3A_61 : vector<2000xf32> to vector<2000x1xf32>
    %div3A = arith.constant 1.280000e+02 : f32
    %div3A_62 = vector.broadcast %div3A : f32 to vector<2000x1xf32>
    %div3A_63 = arith.divf %broadcast_in_dim3A, %div3A_62 : vector<2000x1xf32>
    %sub3A = vector.broadcast %div3A_63 : vector<2000x1xf32> to vector<2000x128xf32>
    %sub3A_64 = arith.subf %add3A_54, %sub3A : vector<2000x128xf32>
    %integer_pow3A = arith.mulf %sub3A_64, %sub3A_64 : vector<2000x128xf32>
    %reduce_sum3A_65 = arith.constant dense<0.000000e+00> : vector<2000xf32>
    %reduce_sum3A_66 = vector.multi_reduction <add>, %integer_pow3A, %reduce_sum3A_65 [1] : vector<2000x128xf32> to vector<2000xf32>
    %broadcast_in_dim3A_67 = vector.shape_cast %reduce_sum3A_66 : vector<2000xf32> to vector<2000x1xf32>
    %div3A_68 = arith.constant 1.280000e+02 : f32
    %div3A_69 = vector.broadcast %div3A_68 : f32 to vector<2000x1xf32>
    %div3A_70 = arith.divf %broadcast_in_dim3A_67, %div3A_69 : vector<2000x1xf32>
    %sub3A_71 = vector.broadcast %div3A_63 : vector<2000x1xf32> to vector<2000x128xf32>
    %sub3A_72 = arith.subf %add3A_54, %sub3A_71 : vector<2000x128xf32>
    %add3A_73 = arith.constant 9.99999974E-6 : f32
    %add3A_74 = vector.broadcast %add3A_73 : f32 to vector<2000x1xf32>
    %add3A_75 = arith.addf %div3A_70, %add3A_74 : vector<2000x1xf32>
    %sqrt3A = math.sqrt %add3A_75 : vector<2000x1xf32>
    %div3A_76 = vector.broadcast %sqrt3A : vector<2000x1xf32> to vector<2000x128xf32>
    %div3A_77 = arith.divf %sub3A_72, %div3A_76 : vector<2000x128xf32>
    %mul3A_78 = vector.broadcast %get3A_57 : vector<1x128xf32> to vector<2000x128xf32>
    %mul3A_79 = arith.mulf %div3A_77, %mul3A_78 : vector<2000x128xf32>
    %add3A_80 = vector.broadcast %get3A_60 : vector<1x128xf32> to vector<2000x128xf32>
    %add3A_81 = arith.addf %mul3A_79, %add3A_80 : vector<2000x128xf32>
    %get3A_82 = arith.constant 0 : index
    %get3A_83 = arith.constant 0 : index
    %get3A_84 = vector.load %arg1[%get3A_82, %get3A_83] : memref<2000x128xf32, #tpu.memory_space<vmem>>, vector<2000x128xf32>
    %add3A_85 = arith.addf %get3A_84, %add3A_81 : vector<2000x128xf32>
    %swap3A = arith.constant 0 : index
    %swap3A_86 = arith.constant 0 : index
    %swap3A_87 = vector.load %arg13[%swap3A, %swap3A_86] : memref<2000x128xf32, #tpu.memory_space<vmem>>, vector<2000x128xf32>
    tpu.vector_store %arg13[%swap3A, %swap3A_86], %add3A_85 {strides = array<i32>} : memref<2000x128xf32, #tpu.memory_space<vmem>>, vector<2000x128xf32>,
    return
  }
  func.func @transform_0(%arg0: i32) -> (i32, i32) {
    %c0_i32 = arith.constant 0 : i32
    %c0_i32_0 = arith.constant 0 : i32
    return %arg0, %c0_i32 : i32, i32
  }
  func.func @transform_1(%arg0: i32) -> (i32, i32) {
    %c0_i32 = arith.constant 0 : i32
    %c0_i32_0 = arith.constant 0 : i32
    return %arg0, %c0_i32 : i32, i32
  }
  func.func @transform_2(%arg0: i32) -> (i32, i32) {
    %c0_i32 = arith.constant 0 : i32
    %c0_i32_0 = arith.constant 0 : i32
    return %arg0, %c0_i32 : i32, i32
  }
  func.func @transform_3(%arg0: i32) -> (i32, i32) {
    %c0_i32 = arith.constant 0 : i32
    %c0_i32_0 = arith.constant 0 : i32
    %c0_i32_1 = arith.constant 0 : i32
    return %c0_i32, %c0_i32_0 : i32, i32
  }
  func.func @transform_4(%arg0: i32) -> (i32, i32) {
    %c0_i32 = arith.constant 0 : i32
    %c0_i32_0 = arith.constant 0 : i32
    %c0_i32_1 = arith.constant 0 : i32
    return %c0_i32, %c0_i32_0 : i32, i32
  }
  func.func @transform_5(%arg0: i32) -> (i32, i32) {
    %c0_i32 = arith.constant 0 : i32
    %c0_i32_0 = arith.constant 0 : i32
    %c0_i32_1 = arith.constant 0 : i32
    return %c0_i32, %c0_i32_0 : i32, i32
  }
  func.func @transform_6(%arg0: i32) -> (i32, i32) {
    %c0_i32 = arith.constant 0 : i32
    %c0_i32_0 = arith.constant 0 : i32
    %c0_i32_1 = arith.constant 0 : i32
    return %c0_i32, %c0_i32_0 : i32, i32
  }
  func.func @transform_7(%arg0: i32) -> (i32, i32) {
    %c0_i32 = arith.constant 0 : i32
    %c0_i32_0 = arith.constant 0 : i32
    %c0_i32_1 = arith.constant 0 : i32
    return %c0_i32, %c0_i32_0 : i32, i32
  }
  func.func @transform_8(%arg0: i32) -> (i32, i32) {
    %c0_i32 = arith.constant 0 : i32
    %c0_i32_0 = arith.constant 0 : i32
    %c0_i32_1 = arith.constant 0 : i32
    return %c0_i32, %c0_i32_0 : i32, i32
  }
  func.func @transform_9(%arg0: i32) -> (i32, i32) {
    %c0_i32 = arith.constant 0 : i32
    %c0_i32_0 = arith.constant 0 : i32
    %c0_i32_1 = arith.constant 0 : i32
    return %c0_i32, %c0_i32_0 : i32, i32
  }
  func.func @transform_10(%arg0: i32) -> (i32, i32) {
    %c0_i32 = arith.constant 0 : i32
    %c0_i32_0 = arith.constant 0 : i32
    %c0_i32_1 = arith.constant 0 : i32
    return %c0_i32, %c0_i32_0 : i32, i32
  }
  func.func @transform_11(%arg0: i32) -> (i32, i32) {
    %c0_i32 = arith.constant 0 : i32
    %c0_i32_0 = arith.constant 0 : i32
    %c0_i32_1 = arith.constant 0 : i32
    return %c0_i32, %c0_i32_0 : i32, i32
  }
  func.func @transform_12(%arg0: i32) -> (i32, i32) {
    %c0_i32 = arith.constant 0 : i32
    %c0_i32_0 = arith.constant 0 : i32
    return %arg0, %c0_i32 : i32, i32
  }
}

module attributes {stable_mosaic.version = 14 : i64} {
  func.func @_dec_body(%arg0: i32, %arg1: memref<2000x128xf32, #tpu.memory_space<vmem>>, %arg2: memref<128x128xf32, #tpu.memory_space<vmem>>, %arg3: memref<128x128xf32, #tpu.memory_space<vmem>>, %arg4: memref<128x128xf32, #tpu.memory_space<vmem>>, %arg5: memref<1x128xf32, #tpu.memory_space<vmem>>, %arg6: memref<1x128xf32, #tpu.memory_space<vmem>>, %arg7: memref<1x128xf32, #tpu.memory_space<vmem>>, %arg8: memref<2000x128xf32, #tpu.memory_space<vmem>>) attributes {dimension_semantics = [#tpu.dimension_semantics<arbitrary>], iteration_bounds = array<i64: 5>, scalar_prefetch = 0 : i64, scratch_operands = 0 : i64, tpu.core_type = #tpu.core_type<tc>, window_params = [{transform_indices = @transform_0, window_bounds = array<i64: 2000, 128>}, {pipeline_mode = #tpu.pipeline_mode<synchronous>, transform_indices = @transform_1, window_bounds = array<i64: 128, 128>}, {pipeline_mode = #tpu.pipeline_mode<synchronous>, transform_indices = @transform_2, window_bounds = array<i64: 128, 128>}, {pipeline_mode = #tpu.pipeline_mode<synchronous>, transform_indices = @transform_3, window_bounds = array<i64: 128, 128>}, {pipeline_mode = #tpu.pipeline_mode<synchronous>, transform_indices = @transform_4, window_bounds = array<i64: 1, 128>}, {pipeline_mode = #tpu.pipeline_mode<synchronous>, transform_indices = @transform_5, window_bounds = array<i64: 1, 128>}, {pipeline_mode = #tpu.pipeline_mode<synchronous>, transform_indices = @transform_6, window_bounds = array<i64: 1, 128>}, {transform_indices = @transform_7, window_bounds = array<i64: 2000, 128>}]} {
    %get3A = arith.constant 0 : index
    %get3A_0 = arith.constant 0 : index
    %get3A_1 = vector.load %arg1[%get3A, %get3A_0] : memref<2000x128xf32, #tpu.memory_space<vmem>>, vector<2000x128xf32>
    %get3A_2 = arith.constant 0 : index
    %get3A_3 = arith.constant 0 : index
    %get3A_4 = vector.load %arg2[%get3A_2, %get3A_3] : memref<128x128xf32, #tpu.memory_space<vmem>>, vector<128x128xf32>
    %dot_general3A = arith.constant dense<0.000000e+00> : vector<2000x128xf32>
    %dot_general3A_5 = tpu.matmul %get3A_1, %get3A_4, %dot_general3A {dimension_numbers = #tpu.dot_dimension_numbers<[1], [0], [0], [1], [0, 0, 1, 1], [], []>, transpose_lhs_hint = false} : vector<2000x128xf32>, vector<128x128xf32>, vector<2000x128xf32> -> vector<2000x128xf32>
    %get3A_6 = arith.constant 0 : index
    %get3A_7 = arith.constant 0 : index
    %get3A_8 = vector.load %arg5[%get3A_6, %get3A_7] : memref<1x128xf32, #tpu.memory_space<vmem>>, vector<1x128xf32>
    %add3A = vector.broadcast %get3A_8 : vector<1x128xf32> to vector<2000x128xf32>
    %add3A_9 = arith.addf %dot_general3A_5, %add3A : vector<2000x128xf32>
    %logistic3A = arith.negf %add3A_9 : vector<2000x128xf32>
    %logistic3A_10 = math.exp %logistic3A : vector<2000x128xf32>
    %logistic3A_11 = arith.constant 1.000000e+00 : f32
    %logistic3A_12 = vector.broadcast %logistic3A_11 : f32 to vector<2000x128xf32>
    %logistic3A_13 = arith.addf %logistic3A_12, %logistic3A_10 : vector<2000x128xf32>
    %logistic3A_14 = arith.divf %logistic3A_12, %logistic3A_13 : vector<2000x128xf32>
    %mul3A = arith.mulf %add3A_9, %logistic3A_14 : vector<2000x128xf32>
    %get3A_15 = arith.constant 0 : index
    %get3A_16 = arith.constant 0 : index
    %get3A_17 = vector.load %arg3[%get3A_15, %get3A_16] : memref<128x128xf32, #tpu.memory_space<vmem>>, vector<128x128xf32>
    %dot_general3A_18 = arith.constant dense<0.000000e+00> : vector<2000x128xf32>
    %dot_general3A_19 = tpu.matmul %mul3A, %get3A_17, %dot_general3A_18 {dimension_numbers = #tpu.dot_dimension_numbers<[1], [0], [0], [1], [0, 0, 1, 1], [], []>, transpose_lhs_hint = false} : vector<2000x128xf32>, vector<128x128xf32>, vector<2000x128xf32> -> vector<2000x128xf32>
    %get3A_20 = arith.constant 0 : index
    %get3A_21 = arith.constant 0 : index
    %get3A_22 = vector.load %arg6[%get3A_20, %get3A_21] : memref<1x128xf32, #tpu.memory_space<vmem>>, vector<1x128xf32>
    %add3A_23 = vector.broadcast %get3A_22 : vector<1x128xf32> to vector<2000x128xf32>
    %add3A_24 = arith.addf %dot_general3A_19, %add3A_23 : vector<2000x128xf32>
    %logistic3A_25 = arith.negf %add3A_24 : vector<2000x128xf32>
    %logistic3A_26 = math.exp %logistic3A_25 : vector<2000x128xf32>
    %logistic3A_27 = arith.constant 1.000000e+00 : f32
    %logistic3A_28 = vector.broadcast %logistic3A_27 : f32 to vector<2000x128xf32>
    %logistic3A_29 = arith.addf %logistic3A_28, %logistic3A_26 : vector<2000x128xf32>
    %logistic3A_30 = arith.divf %logistic3A_28, %logistic3A_29 : vector<2000x128xf32>
    %mul3A_31 = arith.mulf %add3A_24, %logistic3A_30 : vector<2000x128xf32>
    %get3A_32 = arith.constant 0 : index
    %get3A_33 = arith.constant 0 : index
    %get3A_34 = vector.load %arg4[%get3A_32, %get3A_33] : memref<128x128xf32, #tpu.memory_space<vmem>>, vector<128x128xf32>
    %dot_general3A_35 = arith.constant dense<0.000000e+00> : vector<2000x128xf32>
    %dot_general3A_36 = tpu.matmul %mul3A_31, %get3A_34, %dot_general3A_35 {dimension_numbers = #tpu.dot_dimension_numbers<[1], [0], [0], [1], [0, 0, 1, 1], [], []>, transpose_lhs_hint = false} : vector<2000x128xf32>, vector<128x128xf32>, vector<2000x128xf32> -> vector<2000x128xf32>
    %get3A_37 = arith.constant 0 : index
    %get3A_38 = arith.constant 0 : index
    %get3A_39 = vector.load %arg7[%get3A_37, %get3A_38] : memref<1x128xf32, #tpu.memory_space<vmem>>, vector<1x128xf32>
    %add3A_40 = vector.broadcast %get3A_39 : vector<1x128xf32> to vector<2000x128xf32>
    %add3A_41 = arith.addf %dot_general3A_36, %add3A_40 : vector<2000x128xf32>
    %swap3A = arith.constant 0 : index
    %swap3A_42 = arith.constant 0 : index
    %swap3A_43 = vector.load %arg8[%swap3A, %swap3A_42] : memref<2000x128xf32, #tpu.memory_space<vmem>>, vector<2000x128xf32>
    tpu.vector_store %arg8[%swap3A, %swap3A_42], %add3A_41 {strides = array<i32>} : memref<2000x128xf32, #tpu.memory_space<vmem>>, vector<2000x128xf32>,
    return
  }
  func.func @transform_0(%arg0: i32) -> (i32, i32) {
    %c0_i32 = arith.constant 0 : i32
    %c0_i32_0 = arith.constant 0 : i32
    return %arg0, %c0_i32 : i32, i32
  }
  func.func @transform_1(%arg0: i32) -> (i32, i32) {
    %c0_i32 = arith.constant 0 : i32
    %c0_i32_0 = arith.constant 0 : i32
    %c0_i32_1 = arith.constant 0 : i32
    return %c0_i32, %c0_i32_0 : i32, i32
  }
  func.func @transform_2(%arg0: i32) -> (i32, i32) {
    %c0_i32 = arith.constant 0 : i32
    %c0_i32_0 = arith.constant 0 : i32
    %c0_i32_1 = arith.constant 0 : i32
    return %c0_i32, %c0_i32_0 : i32, i32
  }
  func.func @transform_3(%arg0: i32) -> (i32, i32) {
    %c0_i32 = arith.constant 0 : i32
    %c0_i32_0 = arith.constant 0 : i32
    %c0_i32_1 = arith.constant 0 : i32
    return %c0_i32, %c0_i32_0 : i32, i32
  }
  func.func @transform_4(%arg0: i32) -> (i32, i32) {
    %c0_i32 = arith.constant 0 : i32
    %c0_i32_0 = arith.constant 0 : i32
    %c0_i32_1 = arith.constant 0 : i32
    return %c0_i32, %c0_i32_0 : i32, i32
  }
  func.func @transform_5(%arg0: i32) -> (i32, i32) {
    %c0_i32 = arith.constant 0 : i32
    %c0_i32_0 = arith.constant 0 : i32
    %c0_i32_1 = arith.constant 0 : i32
    return %c0_i32, %c0_i32_0 : i32, i32
  }
  func.func @transform_6(%arg0: i32) -> (i32, i32) {
    %c0_i32 = arith.constant 0 : i32
    %c0_i32_0 = arith.constant 0 : i32
    %c0_i32_1 = arith.constant 0 : i32
    return %c0_i32, %c0_i32_0 : i32, i32
  }
  func.func @transform_7(%arg0: i32) -> (i32, i32) {
    %c0_i32 = arith.constant 0 : i32
    %c0_i32_0 = arith.constant 0 : i32
    return %arg0, %c0_i32 : i32, i32
  }
}

</mosaic_0001>

<sc_bundles>
// kernel: kernel.25.cloned.1.call-start
scs
__scs_entry_jumppad:
0x0: {  	(pc) =	sbr.rel $0x88, $3  }
0x1: {  	(tag) =	ssettag $0x0;
	lr =	simm.s32 $0x1  }
0x2: {  	[smem:$0x3F38] =	sst lr;
	_ =	strace $0xD0000000  }
0x3: {  	_ = 	snop  }
0x4: {  	_ = 	snop  }
0x5: {  	_ = 	snop  }
0x6: {  	_ = 	snop  }
0x7: {  	_ = 	snop  }
__scs_overlays_trampoline_lowered:
0x8: {  	[smem:$0x3F47] =	sst s0  }
0x9: {  	[smem:$0x3F48] =	sst s1  }
0xa: {  	[smem:$0x3F49] =	sst s2  }
0xb: {  	[smem:$0x3F4A] =	sst s3  }
0xc: {  	[smem:$0x3F4B] =	sst s4  }
0xd: {  	[smem:$0x3F4C] =	sst s5  }
0xe: {  	[smem:$0x3F4D] =	sst s6  }
0xf: {  	[smem:$0x3F4E] =	sst s7  }
0x10: {  	[smem:$0x3F4F] =	sst s8  }
0x11: {  	[smem:$0x3F50] =	sst s9;
	s0 =	simm.s32 @!p0 $0x0  }
0x12: {  	s1 =	sld [smem:$0x3F36];
	s0 =	simm.s32 @p0 $0x1  }
0x13: {  	[smem:$0x3F51] =	sst s0;
	s0 =	simm.s32 @!p1 $0x0  }
0x14: {  	s2 =	sld [smem:$0x3F35];
	s0 =	simm.s32 @p1 $0x1  }
0x15: {  	[smem:$0x3F52] =	sst s0;
	s0 =	simm.s32 @!p2 $0x0  }
0x16: {  	s3 =	sld [smem:$0x3FDB];
	s0 =	simm.s32 @p2 $0x1  }
0x17: {  	s4 =	simm.s32 $0x1BF5;
	[smem:$0x3F54] =	sst s0  }
0x18: {  	s0 =	sld [smem:$0x3F37];
	_ =	swait.ge [sflag:s4], $0x0  }
0x19: {  	s7 =	sld [smem:$0x3F38]  }
0x1a: {  	s8 =	sadd.s32 $0xFFFFE003, lr  }
0x1b: {  	s9 =	sadd.s32 $0xFFFFFEF7, lr;
	s5 =	simm.s32 $0xFFFFFFFF;
	p2 =	slt.u32 s8, $0xFFFFF086  }
0x1c: {  	p1 =	slt.u32 s9, $0xF7A;
	s5 =	simm.s32 @!p2 $0x0  }
0x1d: {  	s5 =	simm.s32 @p1 $0x1;
	p0 =	seq.s32 s7, s2  }
0x1e: {  	s7 =	smul.u32 @!p0 $0xF7A, s2;
	p2 =	seq.s32 @!p0 s5, $0x0  }
0x1f: {  	s9 =	smul.u32 $0xF7A, s1;
	s8 =	simm.s32 @!p0 $0x1BF5;
	p2 =	por !p2, p0  }
0x20: {  	[sflag:s8] =	ssyncset.s32 @!p0 $0xFFFFF086;
	s6 =	sadd.s32 @!p0 s3, s7;
	s7 =	simm.s32 @!p0 $0x108  }
0x21: {  	s3 =	sadd.s32 s3, s9;
	s6 =	sadd.s32 @!p0 $0x88, s6;
	s7 =	simm.s32 @p2 $0x1082  }
0x22: {  	[simem:s7], [sflag:s8] =	dma.local @!p0 [hbm:s6], $0xF7A  }
0x23: {  	s9 =	sor.u32 $0xD0000000, s2;
	s6 =	simm.s32 $0x108;
	_ =	swait.ge @!p0 [sflag:s8], $0x0  }
0x24: {  	s3 =	sadd.s32 $0x88, s3;
	s6 =	simm.s32 @!p1 $0x1082;
	[sflag:s4] =	ssyncset.s32 $0xFFFFF086  }
0x25: {  	[simem:s6], [sflag:s4] =	dma.local [hbm:s3], $0xF7A  }
0x26: {  	[smem:$0x3F38] =	sst s1;
	(tag) =	ssettag s2;
	_ =	strace s9  }
0x27: {  	s1 =	sld [smem:$0x3F48]  }
0x28: {  	s2 =	sld [smem:$0x3F49]  }
0x29: {  	s4 =	sld [smem:$0x3F4B]  }
0x2a: {  	p0 =	seq.s32 s5, $0x0;
	s5 =	sld [smem:$0x3F4C]  }
0x2b: {  	s6 =	sld [smem:$0x3F4D]  }
0x2c: {  	s7 =	sld [smem:$0x3F4E]  }
0x2d: {  	s3 =	simm.s32 $0x108;
	s8 =	sld [smem:$0x3F4F]  }
0x2e: {  	s3 =	simm.s32 @!p0 $0x1082;
	s9 =	sld [smem:$0x3F50]  }
0x2f: {  	lr =	sadd.s32 s0, s3;
	s0 =	sld [smem:$0x3F47]  }
0x30: {  	s3 =	sld [smem:$0x3F4A]  }
0x31: {  	[smem:$0x3F53] =	sst s10  }
0x32: {  	s10 =	sld [smem:$0x3F51];
	_ =	sdelay $0x3  }
0x33: {  	p0 =	seq.s32 s10, $0x1;
	s10 =	sld [smem:$0x3F53];
	_ =	sdelay $0x3  }
0x34: {  	[smem:$0x3F53] =	sst s10  }
0x35: {  	s10 =	sld [smem:$0x3F52];
	_ =	sdelay $0x3  }
0x36: {  	p1 =	seq.s32 s10, $0x1;
	s10 =	sld [smem:$0x3F53];
	_ =	sdelay $0x3  }
0x37: {  	[smem:$0x3F53] =	sst s10  }
0x38: {  	s10 =	sld [smem:$0x3F54]  }
0x39: {  	_ = 	snop;
	(pc) =	sbr.ind lr, $3  }
0x3a: {  	_ = 	snop  }
0x3b: {  	_ = 	snop  }
0x3c: {  	p2 =	seq.s32 s10, $0x1;
	s10 =	sld [smem:$0x3F53]  }
0x3d: {  	_ =	shalt  }
0x3e: {  	_ =	shalt  }
0x3f: {  	_ =	shalt  }
0x40: {  	_ =	shalt  }
0x41: {  	_ =	shalt  }
0x42: {  	_ =	shalt  }
0x43: {  	_ =	shalt  }
0x44: {  	_ =	shalt  }
0x45: {  	_ =	shalt  }
0x46: {  	_ =	shalt  }
0x47: {  	_ =	shalt  }
0x48: {  	_ =	shalt  }
0x49: {  	_ =	shalt  }
0x4a: {  	_ =	shalt  }
0x4b: {  	_ =	shalt  }
0x4c: {  	_ =	shalt  }
0x4d: {  	_ =	shalt  }
0x4e: {  	_ =	shalt  }
0x4f: {  	_ =	shalt  }
0x50: {  	_ =	shalt  }
0x51: {  	_ =	shalt  }
0x52: {  	_ =	shalt  }
0x53: {  	_ =	shalt  }
0x54: {  	_ =	shalt  }
0x55: {  	_ =	shalt  }
0x56: {  	_ =	shalt  }
0x57: {  	_ =	shalt  }
0x58: {  	_ =	shalt  }
0x59: {  	_ =	shalt  }
0x5a: {  	_ =	shalt  }
0x5b: {  	_ =	shalt  }
0x5c: {  	_ =	shalt  }
0x5d: {  	_ =	shalt  }
0x5e: {  	_ =	shalt  }
0x5f: {  	_ =	shalt  }
0x60: {  	_ =	shalt  }
0x61: {  	_ =	shalt  }
0x62: {  	_ =	shalt  }
0x63: {  	_ =	shalt  }
0x64: {  	_ =	shalt  }
0x65: {  	_ =	shalt  }
0x66: {  	_ =	shalt  }
0x67: {  	_ =	shalt  }
0x68: {  	_ =	shalt  }
0x69: {  	_ =	shalt  }
0x6a: {  	_ =	shalt  }
0x6b: {  	_ =	shalt  }
0x6c: {  	_ =	shalt  }
0x6d: {  	_ =	shalt  }
0x6e: {  	_ =	shalt  }
0x6f: {  	_ =	shalt  }
0x70: {  	_ =	shalt  }
0x71: {  	_ =	shalt  }
0x72: {  	_ =	shalt  }
0x73: {  	_ =	shalt  }
0x74: {  	_ =	shalt  }
0x75: {  	_ =	shalt  }
0x76: {  	_ =	shalt  }
0x77: {  	_ =	shalt  }
0x78: {  	_ =	shalt  }
0x79: {  	_ =	shalt  }
0x7a: {  	_ =	shalt  }
0x7b: {  	_ =	shalt  }
0x7c: {  	_ =	shalt  }
0x7d: {  	_ =	shalt  }
0x7e: {  	_ =	shalt  }
0x7f: {  	_ =	shalt  }
0x80: {  	_ =	shalt  }
0x81: {  	_ =	shalt  }
0x82: {  	_ =	shalt  }
0x83: {  	_ =	shalt  }
0x84: {  	_ =	shalt  }
0x85: {  	_ =	shalt  }
0x86: {  	_ =	shalt  }
0x87: {  	_ =	shalt  }
.Lfunc_end0:
.L_simem_size_0:
called_computation_lowered:
.L_overlay_start_0:
0x88: {  	s2 =	sld [smem:$0x3FD9]  }
0x89: {  	s3 =	sld [smem:$0x3FFE];
	_ =	sdelay $0x1  }
0x8a: {  	s1 =	srdreg.scid  }
0x8b: {  	s0 =	sand.u32 $0x1, s1  }
0x8c: {  	s16 =	sshll.u32 s0, $0xA;
	s2 =	sadd.s32 s3, s2  }
0x8d: {  	s2 =	sadd.s32 s2, s16  }
0x8e: {  	[smem:$0x3F5F] =	sst s2  }
0x8f: {  	_ = 	snop  }
0x90: {  	(tm) =	ssettm $0x1  }
0x91: {  	s17 =	sld [smem:$0x3FFB];
	_ =	sdelay $0x3  }
0x92: {  	_ =	strace s17  }
0x93: {  	s2 =	sld [smem:$0x3FFC];
	_ =	sdelay $0x3  }
0x94: {  	_ =	strace s2  }
0x95: {  	s2 =	sld [smem:$0x3FFD];
	_ =	sdelay $0x3  }
0x96: {  	_ =	strace s2  }
0x97: {  	_ =	strace $0x8FFFFFFF  }
0x98: {  	s18 =	sld [smem:$0x3FDB];
	_ =	sdelay $0x1  }
0x99: {  	s19 =	simm.s32 $_scs_section_size  }
0x9a: {  	s4 =	simm.s32 $_size__tile_overlayer_lowered;
	s5 =	simm.s32 $_tile_overlayer_lowered  }
0x9b: {  	s22 =	simm.s32 $0x1BFF;
	s21 =	sshll.u32 s5, $0x1;
	s2 =	sadd.s32 s19, s18  }
0x9c: {  	s6 =	simm.s32 $0x0;
	s20 =	sshll.u32 s4, $0x1;
	s4 =	sadd.s32 s21, s2  }
0x9d: {  	[timem:s6], [sflag:s22] =	dma.local [hbm:s4], s20  }
0x9e: {  	_ =	swait.ge [sflag:s22], s20  }
0x9f: {  	s3 =	ssub.s32 $0x0, s20;
	[sflag:s22] =	ssyncset.done $0x0  }
0xa0: {  	[sflag:s22] =	ssyncadd.s32 s3;
	_ =	sdelay $0x1  }
0xa1: {  	s23 =	simm.s32 $0x1B8B  }
0xa2: {  	_ =	swait.ge [sflag:s23], $0x1  }
0xa3: {  	[sflag:s23] =	ssyncset.done $0x0  }
0xa4: {  	s25 =	simm.s32 $0x1B8E;
	s24 =	sld [smem:$0x3FFE];
	[sflag:s23] =	ssyncadd.s32 $0xFFFFFFFF  }
0xa5: {  	s26 =	simm.s32 $execute0_lowered;
	[smem:$0x3FD2] =	sst s25  }
0xa6: {  	s4 =	sshll.u32 s26, $0x1;
	_ =	strace $0x80000046;
	[dreg:$0x1] =	wrdreg $0xFFFFFFFF  }
0xa7: {  	s28 =	simm.s32 $_size_execute0_lowered;
	s2 =	sadd.s32 s2, s4;
	[dreg:$0x0] =	wrdreg $0x0  }
0xa8: {  	s4 =	sshll.u32 s28, $0x1;
	[dreg:$0x2] =	wrdreg s2  }
0xa9: {  	[dreg:$0x3] =	wrdreg s4  }
0xaa: {  	[dreg:$0x4] =	wrdreg $0xC0  }
0xab: {  	_ =	task [dreg:s6], $0x5FFFF  }
0xac: {  	[dreg:$0x1] =	wrdreg $0xFFFFFFFF  }
0xad: {  	[dreg:$0x0] =	wrdreg $0x60  }
0xae: {  	[dreg:$0x2] =	wrdreg s24  }
0xaf: {  	[dreg:$0x3] =	wrdreg $0x9  }
0xb0: {  	_ =	task.clear_ibuf [dreg:s6], $0x4FFFF;
	_ =	strace $0x90000046  }
0xb1: {  	s29 =	simm.s32 $0x9;
	_ =	strace $0x80000048  }
0xb2: {  	_ =	swait.ge [sflag:s29], $0x1  }
0xb3: {  	[sflag:s29] =	ssyncadd.s32 $0xFFFFFFFF  }
0xb4: {  	_ =	strace $0x90000048  }
0xb5: {  	_ =	sfence  }
0xb6: {  	s30 =	sld [smem:$0x0];
	_ =	sdelay $0x2  }
0xb7: {  	s31 =	sshll.u32 s1, $0xD;
	s1 =	sshrl.u32 s1, $0x2  }
0xb8: {  	s3 =	sand.u32 $0x4000, s31;
	s1 =	sadd.s32 s1, s30  }
0xb9: {  	s0 =	sor.u32 s3, s0;
	s1 =	sshll.u32 s1, $0x11  }
0xba: {  	s0 =	sor.u32 s1, s0  }
0xbb: {  	s0 =	sadd.s32 $0x8F2B, s0  }
0xbc: {  	[sflag:s0] =	ssyncadd.remote.s32 $0x1  }
0xbd: {  	_ =	sfence.sel $0xFFFF  }
0xbe: {  	[dreg:$0x0] =	wrdreg $0xFFFFFFFF;
	(pc) =	sbr.abs _section_cstart, $3  }
0xbf: {  	[dreg:$0x1] =	wrdreg $0xFFFFFFFF  }
0xc0: {  	_ =	task.clear_ibuf [dreg:s6], $0x2FFFF;
	_ =	strace $0x9FFFFFFF  }
0xc1: {  	(tm) =	ssettm $0x7FFFFFFF  }
tec
execute0_lowered:
.L_overlay_start_1:
0x0: {  	(tag) =	ssettag $0x1  }
0x1: {  	s5 =	rddreg [dreg:$0x0]  }
0x2: {  	s0 =	rddreg [dreg:$0x1]  }
0x3: {  	s3 =	srdreg.scid;
	s1 =	stileid.u32;
	s2 =	simm.s32 $0x0  }
0x4: {  	s11 =	simm.s32 $0x2780;
	s12 =	simm.s32 $0x50;
	s13 =	simm.s32 $0x4F00  }
0x5: {  	s14 =	simm.s32 $0x7700;
	s15 =	simm.s32 $0x1;
	s16 =	simm.s32 $0x2  }
0x6: {  	s17 =	simm.s32 $0x0;
	s6 =	sand.u32 $0x1, s3;
	s30 =	sshll.u32 s1, $0x1  }
0x7: {  	[smem:$0x7FF] =	sst s2;
	s8 =	smul.u32 $0x4E200, s1;
	s3 =	sor.u32 s6, s30  }
0x8: {  	s4 =	sadd.s32 $0x52800, s5;
	_ =	strace $0x80000047;
	s7 =	smul.u32 $0x2710, s3  }
0x9: {  	s9 =	ssub.s32 $0x2, s6;
	s6 =	smul.u32 $0x27100, s6;
	s3 =	sadd.s32 $0x2B600, s5  }
0xa: {  	s8 =	sadd.s32 s8, s5;
	s31 =	sshrl.u32 s9, $0x1;
	s7 =	sshrl.u32 s7, $0x3  }
0xb: {  	s9 =	ssub.s32 s9, s31;
	s10 =	sadd.s32 s6, s8;
	s7 =	sadd.s32 s7, s5  }
0xc: {  	s8 =	sadd.s32 $0xA0C00, s10;
	s5 =	sadd.s32 $0x21800, s7;
	s6 =	sadd.s32 $0x17A00, s7  }
0xd: {  	s7 =	smax.u32 s9, $0x1;
	s9 =	sadd.s32 $0x582C00, s10;
	s10 =	simm.s32 $0x3  }
.LBB2_1:
0xe: {  	[tilespmem:s2], [sflag:$0x3] =	stream.linear.gather [hbm4b:s5+s2], $0x2710, $0x38;
	[tilespmem:$0x9F00] =	vst v63  }
0xf: {  	_ =	swait.ge [sflag:s10], $0x2710  }
0x10: {  	[sflag:s10] =	ssyncset.done $0x0  }
0x11: {  	[sflag:s10] =	ssyncadd.s32 $0xFFFFD8F0  }
0x12: {  	[tilespmem:s11], [sflag:$0x3] =	stream.linear.gather [hbm4b:s6+s2], $0x2710, $0x38;
	[tilespmem:$0x9F00] =	vst v63  }
0x13: {  	_ =	swait.ge [sflag:s10], $0x2710  }
0x14: {  	[sflag:s10] =	ssyncset.done $0x0  }
0x15: {  	s18 =	simm.s32 $0x0;
	[sflag:s10] =	ssyncadd.s32 $0xFFFFD8F0  }
0x16: {  	[tilespmem:s13], [sflag:$0x1] =	stream.indirect.gather [hbm4b:s3+s12], $0x80, s18, s12, $0xb8;
	[tilespmem:$0x9F00] =	vst v63  }
0x17: {  	s31 =	simm.s32 $0x2780  }
0x18: {  	[tilespmem:s14], [sflag:$0x2] =	stream.indirect.gather [hbm4b:s4+s12], $0x80, s31, s12, $0xb8;
	[tilespmem:$0x9F00] =	vst v63  }
0x19: {  	_ =	swait.ge [sflag:s15], $0x2800  }
0x1a: {  	[sflag:s15] =	ssyncset.done $0x0  }
0x1b: {  	[sflag:s15] =	ssyncadd.s32 $0xFFFFD800  }
0x1c: {  	_ =	swait.ge [sflag:s16], $0x2800  }
0x1d: {  	[sflag:s16] =	ssyncset.done $0x0  }
0x1e: {  	[sflag:s16] =	ssyncadd.s32 $0xFFFFD800  }
0x1f: {  	[hbm4b:s8+s2] =	stream.linear.scatter [tilespmem:s13], [sflag:$0x3], $0x2800, $0x38;
	[tilespmem:$0x9F00] =	vst v63  }
0x20: {  	_ =	swait.ge [sflag:s10], $0x2800  }
0x21: {  	[sflag:s10] =	ssyncset.done $0x0  }
0x22: {  	[sflag:s10] =	ssyncadd.s32 $0xFFFFD800  }
0x23: {  	[hbm4b:s9+s2] =	stream.linear.scatter [tilespmem:s14], [sflag:$0x3], $0x2800, $0x38;
	[tilespmem:$0x9F00] =	vst v63  }
0x24: {  	s20 =	simm.s32 $0x140;
	s21 =	simm.s32 $0x280;
	_ =	swait.ge [sflag:s10], $0x2800  }
0x25: {  	s19 =	sadd.s32 $0x500, s8;
	s18 =	sadd.s32 $0x500, s9;
	[sflag:s10] =	ssyncset.done $0x0  }
.LBB2_2:
0x26: {  	s22 =	sshra.s32 s20, $0x2  }
0x27: {  	[sflag:s10] =	ssyncadd.s32 $0xFFFFD800;
	s20 =	smov.u32 s21;
	s23 =	sadd.s32 $0x140, s21  }
0x28: {  	[tilespmem:s13], [sflag:$0x1] =	stream.indirect.gather [hbm4b:s3+s12], $0x80, s22, s12, $0xb8;
	[tilespmem:$0x9F00] =	vst v63  }
0x29: {  	p0 =	sne.s32 s21, $0x9B00;
	s21 =	sadd.s32 $0x2780, s22  }
0x2a: {  	[tilespmem:s14], [sflag:$0x2] =	stream.indirect.gather [hbm4b:s4+s12], $0x80, s21, s12, $0xb8;
	[tilespmem:$0x9F00] =	vst v63  }
0x2b: {  	_ =	swait.ge [sflag:s15], $0x2800  }
0x2c: {  	[sflag:s15] =	ssyncset.done $0x0  }
0x2d: {  	[sflag:s15] =	ssyncadd.s32 $0xFFFFD800  }
0x2e: {  	_ =	swait.ge [sflag:s16], $0x2800  }
0x2f: {  	[sflag:s16] =	ssyncset.done $0x0  }
0x30: {  	[sflag:s16] =	ssyncadd.s32 $0xFFFFD800  }
0x31: {  	[hbm4b:s19+s2] =	stream.linear.scatter [tilespmem:s13], [sflag:$0x3], $0x2800, $0x38;
	[tilespmem:$0x9F00] =	vst v63  }
0x32: {  	_ =	swait.ge [sflag:s10], $0x2800  }
.Ltmp0:
0x33: {  	[sflag:s10] =	ssyncset.done $0x0;
	(pc) =	sbr.rel @p0 .LBB2_2-.Ltmp0, $4  }
0x34: {  	[sflag:s10] =	ssyncadd.s32 $0xFFFFD800  }
0x35: {  	[hbm4b:s18+s2] =	stream.linear.scatter [tilespmem:s14], [sflag:$0x3], $0x2800, $0x38;
	[tilespmem:$0x9F00] =	vst v63  }
0x36: {  	s21 =	smov.u32 s23;
	_ =	swait.ge [sflag:s10], $0x2800  }
0x37: {  	s19 =	sadd.s32 $0x500, s19;
	s18 =	sadd.s32 $0x500, s18;
	[sflag:s10] =	ssyncset.done $0x0  }
0x38: {  	s20 =	sshra.s32 s20, $0x2;
	[sflag:s10] =	ssyncadd.s32 $0xFFFFD800  }
0x39: {  	[tilespmem:s13], [sflag:$0x1] =	stream.indirect.gather [hbm4b:s3+s12], $0x80, s20, s12, $0xb8;
	[tilespmem:$0x9F00] =	vst v63  }
0x3a: {  	s20 =	sadd.s32 $0x2780, s20  }
0x3b: {  	[tilespmem:s14], [sflag:$0x2] =	stream.indirect.gather [hbm4b:s4+s12], $0x80, s20, s12, $0xb8;
	[tilespmem:$0x9F00] =	vst v63  }
0x3c: {  	_ =	swait.ge [sflag:s15], $0x2800  }
0x3d: {  	[sflag:s15] =	ssyncset.done $0x0  }
0x3e: {  	[sflag:s15] =	ssyncadd.s32 $0xFFFFD800  }
0x3f: {  	_ =	swait.ge [sflag:s16], $0x2800  }
0x40: {  	[sflag:s16] =	ssyncset.done $0x0  }
0x41: {  	[sflag:s16] =	ssyncadd.s32 $0xFFFFD800  }
0x42: {  	[hbm4b:s19+s2] =	stream.linear.scatter [tilespmem:s13], [sflag:$0x3], $0x2800, $0x38;
	[tilespmem:$0x9F00] =	vst v63  }
0x43: {  	s17 =	sadd.s32 $0x1, s17;
	_ =	swait.ge [sflag:s10], $0x2800  }
0x44: {  	p0 =	sne.s32 s17, s7;
	[sflag:s10] =	ssyncset.done $0x0  }
.Ltmp1:
0x45: {  	[sflag:s10] =	ssyncadd.s32 $0xFFFFD800;
	(pc) =	sbr.rel @p0 .LBB2_1-.Ltmp1, $4  }
0x46: {  	[hbm4b:s18+s2] =	stream.linear.scatter [tilespmem:s14], [sflag:$0x3], $0x2800, $0x38;
	[tilespmem:$0x9F00] =	vst v63  }
0x47: {  	_ =	swait.ge [sflag:s10], $0x2800  }
0x48: {  	[sflag:s10] =	ssyncset.done $0x0  }
0x49: {  	[sflag:s10] =	ssyncadd.s32 $0xFFFFD800  }
0x4a: {  	_ =	sfence.sel $0x180000  }
0x4b: {  	[bflag:$0x0] =	sbarrier.arrive $0xFFFF  }
0x4c: {  	p0 =	sne.s32 s1, $0x0;
	_ =	strace $0x90000047  }
0x4d: {  	s0 =	sadd.s32 @!p0 $0x100000, s0;
	[bflag:$0x2] =	sbarrier.arrive $0xFFFF  }
0x4e: {  	[sflag:s0] =	ssyncadd.tile.s32 @!p0 $0x1;
	_ =	shalt  }
.Lfunc_end2:
_tile_overlayer_lowered:
.L_overlay_start_2:
0x4f: {  	(tag) =	ssettag $0x2  }
0x50: {  	s0 =	rddreg [dreg:$0x0];
	s2 =	stileid.u32  }
0x51: {  	s1 =	rddreg [dreg:$0x1];
	p0 =	sne.s32 s2, $0x0  }
0x52: {  	s3 =	rddreg [dreg:$0x2];
	[bflag:$0x3] =	sbarrier.arrive $0xFFFF;
	s2 =	simm.s32 @!p0 $0x1C03  }
0x53: {  	[timem:s3], [sflag:s2] =	dma.local @!p0 [hbm:s0], s1  }
0x54: {  	s0 =	simm.s32 @!p0 $0x3  }
0x55: {  	_ =	swait.ge @!p0 [sflag:s0], s1  }
0x56: {  	s1 =	ssub.s32 @!p0 $0x0, s1;
	[sflag:s0] =	ssyncset.done @!p0 $0x0  }
0x57: {  	[sflag:s0] =	ssyncadd.s32 @!p0 s1  }
0x58: {  	[bflag:$0x3] =	sbarrier.arrive $0xFFFF  }
0x59: {  	_ =	shalt  }

// kernel: kernel.28.cloned.1.call-start
scs
__scs_entry_jumppad:
0x0: {  	(pc) =	sbr.rel $0x88, $3  }
0x1: {  	(tag) =	ssettag $0x0;
	lr =	simm.s32 $0x1  }
0x2: {  	[smem:$0x3F38] =	sst lr;
	_ =	strace $0xD0000000  }
0x3: {  	_ = 	snop  }
0x4: {  	_ = 	snop  }
0x5: {  	_ = 	snop  }
0x6: {  	_ = 	snop  }
0x7: {  	_ = 	snop  }
__scs_overlays_trampoline_lowered:
0x8: {  	[smem:$0x3F47] =	sst s0  }
0x9: {  	[smem:$0x3F48] =	sst s1  }
0xa: {  	[smem:$0x3F49] =	sst s2  }
0xb: {  	[smem:$0x3F4A] =	sst s3  }
0xc: {  	[smem:$0x3F4B] =	sst s4  }
0xd: {  	[smem:$0x3F4C] =	sst s5  }
0xe: {  	[smem:$0x3F4D] =	sst s6  }
0xf: {  	[smem:$0x3F4E] =	sst s7  }
0x10: {  	[smem:$0x3F4F] =	sst s8  }
0x11: {  	[smem:$0x3F50] =	sst s9;
	s0 =	simm.s32 @!p0 $0x0  }
0x12: {  	s1 =	sld [smem:$0x3F36];
	s0 =	simm.s32 @p0 $0x1  }
0x13: {  	[smem:$0x3F51] =	sst s0;
	s0 =	simm.s32 @!p1 $0x0  }
0x14: {  	s2 =	sld [smem:$0x3F35];
	s0 =	simm.s32 @p1 $0x1  }
0x15: {  	[smem:$0x3F52] =	sst s0;
	s0 =	simm.s32 @!p2 $0x0  }
0x16: {  	s3 =	sld [smem:$0x3FDB];
	s0 =	simm.s32 @p2 $0x1  }
0x17: {  	s4 =	simm.s32 $0x1BF5;
	[smem:$0x3F54] =	sst s0  }
0x18: {  	s0 =	sld [smem:$0x3F37];
	_ =	swait.ge [sflag:s4], $0x0  }
0x19: {  	s7 =	sld [smem:$0x3F38]  }
0x1a: {  	s8 =	sadd.s32 $0xFFFFE003, lr  }
0x1b: {  	s9 =	sadd.s32 $0xFFFFFEF7, lr;
	s5 =	simm.s32 $0xFFFFFFFF;
	p2 =	slt.u32 s8, $0xFFFFF086  }
0x1c: {  	p1 =	slt.u32 s9, $0xF7A;
	s5 =	simm.s32 @!p2 $0x0  }
0x1d: {  	s5 =	simm.s32 @p1 $0x1;
	p0 =	seq.s32 s7, s2  }
0x1e: {  	s7 =	smul.u32 @!p0 $0xF7A, s2;
	p2 =	seq.s32 @!p0 s5, $0x0  }
0x1f: {  	s9 =	smul.u32 $0xF7A, s1;
	s8 =	simm.s32 @!p0 $0x1BF5;
	p2 =	por !p2, p0  }
0x20: {  	[sflag:s8] =	ssyncset.s32 @!p0 $0xFFFFF086;
	s6 =	sadd.s32 @!p0 s3, s7;
	s7 =	simm.s32 @!p0 $0x108  }
0x21: {  	s3 =	sadd.s32 s3, s9;
	s6 =	sadd.s32 @!p0 $0x88, s6;
	s7 =	simm.s32 @p2 $0x1082  }
0x22: {  	[simem:s7], [sflag:s8] =	dma.local @!p0 [hbm:s6], $0xF7A  }
0x23: {  	s9 =	sor.u32 $0xD0000000, s2;
	s6 =	simm.s32 $0x108;
	_ =	swait.ge @!p0 [sflag:s8], $0x0  }
0x24: {  	s3 =	sadd.s32 $0x88, s3;
	s6 =	simm.s32 @!p1 $0x1082;
	[sflag:s4] =	ssyncset.s32 $0xFFFFF086  }
0x25: {  	[simem:s6], [sflag:s4] =	dma.local [hbm:s3], $0xF7A  }
0x26: {  	[smem:$0x3F38] =	sst s1;
	(tag) =	ssettag s2;
	_ =	strace s9  }
0x27: {  	s1 =	sld [smem:$0x3F48]  }
0x28: {  	s2 =	sld [smem:$0x3F49]  }
0x29: {  	s4 =	sld [smem:$0x3F4B]  }
0x2a: {  	p0 =	seq.s32 s5, $0x0;
	s5 =	sld [smem:$0x3F4C]  }
0x2b: {  	s6 =	sld [smem:$0x3F4D]  }
0x2c: {  	s7 =	sld [smem:$0x3F4E]  }
0x2d: {  	s3 =	simm.s32 $0x108;
	s8 =	sld [smem:$0x3F4F]  }
0x2e: {  	s3 =	simm.s32 @!p0 $0x1082;
	s9 =	sld [smem:$0x3F50]  }
0x2f: {  	lr =	sadd.s32 s0, s3;
	s0 =	sld [smem:$0x3F47]  }
0x30: {  	s3 =	sld [smem:$0x3F4A]  }
0x31: {  	[smem:$0x3F53] =	sst s10  }
0x32: {  	s10 =	sld [smem:$0x3F51];
	_ =	sdelay $0x3  }
0x33: {  	p0 =	seq.s32 s10, $0x1;
	s10 =	sld [smem:$0x3F53];
	_ =	sdelay $0x3  }
0x34: {  	[smem:$0x3F53] =	sst s10  }
0x35: {  	s10 =	sld [smem:$0x3F52];
	_ =	sdelay $0x3  }
0x36: {  	p1 =	seq.s32 s10, $0x1;
	s10 =	sld [smem:$0x3F53];
	_ =	sdelay $0x3  }
0x37: {  	[smem:$0x3F53] =	sst s10  }
0x38: {  	s10 =	sld [smem:$0x3F54]  }
0x39: {  	_ = 	snop;
	(pc) =	sbr.ind lr, $3  }
0x3a: {  	_ = 	snop  }
0x3b: {  	_ = 	snop  }
0x3c: {  	p2 =	seq.s32 s10, $0x1;
	s10 =	sld [smem:$0x3F53]  }
0x3d: {  	_ =	shalt  }
0x3e: {  	_ =	shalt  }
0x3f: {  	_ =	shalt  }
0x40: {  	_ =	shalt  }
0x41: {  	_ =	shalt  }
0x42: {  	_ =	shalt  }
0x43: {  	_ =	shalt  }
0x44: {  	_ =	shalt  }
0x45: {  	_ =	shalt  }
0x46: {  	_ =	shalt  }
0x47: {  	_ =	shalt  }
0x48: {  	_ =	shalt  }
0x49: {  	_ =	shalt  }
0x4a: {  	_ =	shalt  }
0x4b: {  	_ =	shalt  }
0x4c: {  	_ =	shalt  }
0x4d: {  	_ =	shalt  }
0x4e: {  	_ =	shalt  }
0x4f: {  	_ =	shalt  }
0x50: {  	_ =	shalt  }
0x51: {  	_ =	shalt  }
0x52: {  	_ =	shalt  }
0x53: {  	_ =	shalt  }
0x54: {  	_ =	shalt  }
0x55: {  	_ =	shalt  }
0x56: {  	_ =	shalt  }
0x57: {  	_ =	shalt  }
0x58: {  	_ =	shalt  }
0x59: {  	_ =	shalt  }
0x5a: {  	_ =	shalt  }
0x5b: {  	_ =	shalt  }
0x5c: {  	_ =	shalt  }
0x5d: {  	_ =	shalt  }
0x5e: {  	_ =	shalt  }
0x5f: {  	_ =	shalt  }
0x60: {  	_ =	shalt  }
0x61: {  	_ =	shalt  }
0x62: {  	_ =	shalt  }
0x63: {  	_ =	shalt  }
0x64: {  	_ =	shalt  }
0x65: {  	_ =	shalt  }
0x66: {  	_ =	shalt  }
0x67: {  	_ =	shalt  }
0x68: {  	_ =	shalt  }
0x69: {  	_ =	shalt  }
0x6a: {  	_ =	shalt  }
0x6b: {  	_ =	shalt  }
0x6c: {  	_ =	shalt  }
0x6d: {  	_ =	shalt  }
0x6e: {  	_ =	shalt  }
0x6f: {  	_ =	shalt  }
0x70: {  	_ =	shalt  }
0x71: {  	_ =	shalt  }
0x72: {  	_ =	shalt  }
0x73: {  	_ =	shalt  }
0x74: {  	_ =	shalt  }
0x75: {  	_ =	shalt  }
0x76: {  	_ =	shalt  }
0x77: {  	_ =	shalt  }
0x78: {  	_ =	shalt  }
0x79: {  	_ =	shalt  }
0x7a: {  	_ =	shalt  }
0x7b: {  	_ =	shalt  }
0x7c: {  	_ =	shalt  }
0x7d: {  	_ =	shalt  }
0x7e: {  	_ =	shalt  }
0x7f: {  	_ =	shalt  }
0x80: {  	_ =	shalt  }
0x81: {  	_ =	shalt  }
0x82: {  	_ =	shalt  }
0x83: {  	_ =	shalt  }
0x84: {  	_ =	shalt  }
0x85: {  	_ =	shalt  }
0x86: {  	_ =	shalt  }
0x87: {  	_ =	shalt  }
.Lfunc_end0:
.L_simem_size_0:
called_computation.1_lowered:
.L_overlay_start_0:
0x88: {  	s2 =	sld [smem:$0x3FD9]  }
0x89: {  	s3 =	sld [smem:$0x3FFE];
	_ =	sdelay $0x1  }
0x8a: {  	s1 =	srdreg.scid  }
0x8b: {  	s0 =	sand.u32 $0x1, s1  }
0x8c: {  	s17 =	sshll.u32 s0, $0xA;
	s2 =	sadd.s32 s3, s2  }
0x8d: {  	s2 =	sadd.s32 s2, s17  }
0x8e: {  	[smem:$0x3F5F] =	sst s2  }
0x8f: {  	_ = 	snop  }
0x90: {  	s2 =	sld [smem:$0x3FD0];
	(tm) =	ssettm $0x1  }
0x91: {  	s18 =	sld [smem:$0x3FFB];
	_ =	sdelay $0x3  }
0x92: {  	_ =	strace s18  }
0x93: {  	s3 =	sld [smem:$0x3FFC];
	_ =	sdelay $0x3  }
0x94: {  	_ =	strace s3  }
0x95: {  	s3 =	sld [smem:$0x3FFD];
	_ =	sdelay $0x3  }
0x96: {  	_ =	strace s3  }
0x97: {  	_ =	strace $0x8FFFFFFF  }
0x98: {  	s19 =	sld [smem:$0x3FDB];
	_ =	sdelay $0x1  }
0x99: {  	s4 =	simm.s32 $_scs_section_size  }
0x9a: {  	s5 =	simm.s32 $_size__tile_overlayer_lowered;
	s6 =	simm.s32 $_tile_overlayer_lowered  }
0x9b: {  	s22 =	simm.s32 $0x1BFF;
	s21 =	sshll.u32 s6, $0x1;
	s3 =	sadd.s32 s4, s19  }
0x9c: {  	s7 =	simm.s32 $0x0;
	s20 =	sshll.u32 s5, $0x1;
	s5 =	sadd.s32 s21, s3  }
0x9d: {  	[timem:s7], [sflag:s22] =	dma.local [hbm:s5], s20  }
0x9e: {  	_ =	swait.ge [sflag:s22], s20  }
0x9f: {  	s4 =	ssub.s32 $0x0, s20;
	[sflag:s22] =	ssyncset.done $0x0  }
0xa0: {  	[sflag:s22] =	ssyncadd.s32 s4;
	_ =	sdelay $0x1  }
0xa1: {  	s23 =	simm.s32 $0x1B8B  }
0xa2: {  	_ =	swait.ge [sflag:s23], $0x1  }
0xa3: {  	[sflag:s23] =	ssyncset.done $0x0  }
0xa4: {  	s25 =	simm.s32 $0x1B8E;
	s24 =	sld [smem:$0x3FFE];
	[sflag:s23] =	ssyncadd.s32 $0xFFFFFFFF  }
0xa5: {  	s26 =	simm.s32 $execute0_lowered;
	[smem:$0x3FD2] =	sst s25  }
0xa6: {  	s5 =	sshll.u32 s26, $0x1;
	_ =	strace $0x80000049;
	[dreg:$0x1] =	wrdreg $0xFFFFFFFF  }
0xa7: {  	s28 =	simm.s32 $_size_execute0_lowered;
	s3 =	sadd.s32 s3, s5;
	[dreg:$0x0] =	wrdreg $0x0  }
0xa8: {  	s5 =	sshll.u32 s28, $0x1;
	[dreg:$0x2] =	wrdreg s3  }
0xa9: {  	[dreg:$0x3] =	wrdreg s5  }
0xaa: {  	[dreg:$0x4] =	wrdreg $0xC0  }
0xab: {  	_ =	task [dreg:s7], $0x5FFFF  }
0xac: {  	[dreg:$0x1] =	wrdreg $0xFFFFFFFF  }
0xad: {  	[dreg:$0x0] =	wrdreg $0x60  }
0xae: {  	[dreg:$0x2] =	wrdreg s24  }
0xaf: {  	[dreg:$0x3] =	wrdreg s2  }
0xb0: {  	[dreg:$0x4] =	wrdreg $0x28800  }
0xb1: {  	[dreg:$0x5] =	wrdreg $0x9  }
0xb2: {  	_ =	task.clear_ibuf [dreg:s7], $0x6FFFF;
	_ =	strace $0x90000049  }
0xb3: {  	s29 =	simm.s32 $0x9;
	_ =	strace $0x8000004B  }
0xb4: {  	_ =	swait.ge [sflag:s29], $0x1  }
0xb5: {  	[sflag:s29] =	ssyncadd.s32 $0xFFFFFFFF  }
0xb6: {  	_ =	strace $0x9000004B  }
0xb7: {  	_ =	sfence  }
0xb8: {  	s30 =	sld [smem:$0x0];
	_ =	sdelay $0x2  }
0xb9: {  	s31 =	sshll.u32 s1, $0xD;
	s1 =	sshrl.u32 s1, $0x2  }
0xba: {  	s3 =	sand.u32 $0x4000, s31;
	s1 =	sadd.s32 s1, s30  }
0xbb: {  	s0 =	sor.u32 s3, s0;
	s1 =	sshll.u32 s1, $0x11  }
0xbc: {  	s0 =	sor.u32 s1, s0  }
0xbd: {  	s0 =	sadd.s32 $0x8F2B, s0  }
0xbe: {  	[sflag:s0] =	ssyncadd.remote.s32 $0x1  }
0xbf: {  	_ =	sfence.sel $0xFFFF  }
0xc0: {  	[dreg:$0x0] =	wrdreg $0xFFFFFFFF;
	(pc) =	sbr.abs _section_cstart, $3  }
0xc1: {  	[dreg:$0x1] =	wrdreg $0xFFFFFFFF  }
0xc2: {  	_ =	task.clear_ibuf [dreg:s7], $0x2FFFF;
	_ =	strace $0x9FFFFFFF  }
0xc3: {  	(tm) =	ssettm $0x7FFFFFFF  }
tec
execute0_lowered:
.L_overlay_start_1:
0x0: {  	(tag) =	ssettag $0x1  }
0x1: {  	s5 =	rddreg [dreg:$0x0];
	s0 =	stileid.u32  }
0x2: {  	s1 =	srdreg.scid;
	s2 =	rddreg [dreg:$0x1]  }
0x3: {  	s3 =	rddreg [dreg:$0x2];
	s6 =	smul.u32 $0x4E200, s0  }
0x4: {  	s4 =	simm.s32 $0x0;
	s18 =	simm.s32 $0x1;
	s7 =	smul.u32 $0x4E20, s0  }
0x5: {  	s19 =	simm.s32 $0x50;
	s22 =	simm.s32 $0x0;
	s26 =	smul.u32 $0x14000, s0  }
0x6: {  	s10 =	sand.u32 $0x1, s1;
	s1 =	rddreg [dreg:$0x3];
	s11 =	smul.u32 $0x50000, s0  }
0x7: {  	[smem:$0x7FF] =	sst s4;
	s20 =	sshll.u32 s0, $0x6;
	s8 =	smul.u32 $0x2710, s10  }
0x8: {  	s9 =	smul.u32 $0x140000, s10;
	_ =	strace $0x8000004A;
	s29 =	ssub.s32 $0x2, s10  }
0x9: {  	s17 =	smul.u32 $0x27100, s10;
	s20 =	sor.u32 $0x1C01, s20;
	s15 =	sadd.s32 s6, s5  }
0xa: {  	s30 =	sshrl.u32 s11, $0x2;
	s31 =	sshrl.u32 s29, $0x1;
	s7 =	sadd.s32 s8, s7  }
0xb: {  	s28 =	sadd.s32 s26, s9;
	s14 =	ssub.s32 s29, s31;
	s15 =	sadd.s32 s17, s15  }
0xc: {  	s17 =	simm.s32 $0x80;
	s7 =	sshrl.u32 s7, $0x3;
	s6 =	sshrl.u32 s28, $0x3  }
0xd: {  	s16 =	sadd.s32 s7, s5;
	s13 =	sadd.s32 s6, s5;
	s5 =	sadd.s32 s30, s3  }
0xe: {  	s14 =	smax.u32 s14, $0x1;
	s15 =	sadd.s32 $0xF46C00, s15;
	s6 =	sadd.s32 $0x2800, s5  }
0xf: {  	s7 =	sadd.s32 $0x5000, s5;
	s8 =	sadd.s32 $0x7800, s5;
	s9 =	sadd.s32 $0xA000, s5  }
0x10: {  	s10 =	sadd.s32 $0xC800, s5;
	s11 =	sadd.s32 $0xF000, s5;
	s12 =	sadd.s32 $0x11800, s5  }
0x11: {  	s13 =	sadd.s32 $0xA0C00, s13;
	s16 =	sadd.s32 $0x21800, s16;
	s21 =	sshrl.u32 s5, $0x3  }
.LBB2_1:
0x12: {  	[tilespmem:s17], [sflag:$0x1] =	stream.linear.gather [hbm4b:s2+s4], $0x2800, $0x38;
	[tilespmem:$0x16880] =	vst v63  }
0x13: {  	_ =	swait.ge [sflag:s18], $0x2800  }
0x14: {  	[sflag:s18] =	ssyncset.done $0x0  }
0x15: {  	[sflag:s18] =	ssyncadd.s32 $0xFFFFD800  }
0x16: {  	[spmem:s5] =	stream.linear.scatter [tilespmem:s17], [sflag:$0x1], $0x2800, $0x38;
	[tilespmem:$0x16880] =	vst v63  }
0x17: {  	_ =	swait.ge [sflag:s18], $0x2800  }
0x18: {  	[sflag:s18] =	ssyncset.done $0x0  }
0x19: {  	[sflag:s18] =	ssyncadd.s32 $0xFFFFD800  }
0x1a: {  	[spmem:s6] =	stream.linear.scatter [tilespmem:s17], [sflag:$0x1], $0x2800, $0x38;
	[tilespmem:$0x16880] =	vst v63  }
0x1b: {  	_ =	swait.ge [sflag:s18], $0x2800  }
0x1c: {  	[sflag:s18] =	ssyncset.done $0x0  }
0x1d: {  	[sflag:s18] =	ssyncadd.s32 $0xFFFFD800  }
0x1e: {  	[spmem:s7] =	stream.linear.scatter [tilespmem:s17], [sflag:$0x1], $0x2800, $0x38;
	[tilespmem:$0x16880] =	vst v63  }
0x1f: {  	_ =	swait.ge [sflag:s18], $0x2800  }
0x20: {  	[sflag:s18] =	ssyncset.done $0x0  }
0x21: {  	[sflag:s18] =	ssyncadd.s32 $0xFFFFD800  }
0x22: {  	[spmem:s8] =	stream.linear.scatter [tilespmem:s17], [sflag:$0x1], $0x2800, $0x38;
	[tilespmem:$0x16880] =	vst v63  }
0x23: {  	_ =	swait.ge [sflag:s18], $0x2800  }
0x24: {  	[sflag:s18] =	ssyncset.done $0x0  }
0x25: {  	[sflag:s18] =	ssyncadd.s32 $0xFFFFD800  }
0x26: {  	[spmem:s9] =	stream.linear.scatter [tilespmem:s17], [sflag:$0x1], $0x2800, $0x38;
	[tilespmem:$0x16880] =	vst v63  }
0x27: {  	_ =	swait.ge [sflag:s18], $0x2800  }
0x28: {  	[sflag:s18] =	ssyncset.done $0x0  }
0x29: {  	[sflag:s18] =	ssyncadd.s32 $0xFFFFD800  }
0x2a: {  	[spmem:s10] =	stream.linear.scatter [tilespmem:s17], [sflag:$0x1], $0x2800, $0x38;
	[tilespmem:$0x16880] =	vst v63  }
0x2b: {  	_ =	swait.ge [sflag:s18], $0x2800  }
0x2c: {  	[sflag:s18] =	ssyncset.done $0x0  }
0x2d: {  	[sflag:s18] =	ssyncadd.s32 $0xFFFFD800  }
0x2e: {  	[spmem:s11] =	stream.linear.scatter [tilespmem:s17], [sflag:$0x1], $0x2800, $0x38;
	[tilespmem:$0x16880] =	vst v63  }
0x2f: {  	_ =	swait.ge [sflag:s18], $0x2800  }
0x30: {  	[sflag:s18] =	ssyncset.done $0x0  }
0x31: {  	[sflag:s18] =	ssyncadd.s32 $0xFFFFD800  }
0x32: {  	[spmem:s12] =	stream.linear.scatter [tilespmem:s17], [sflag:$0x1], $0x2800, $0x38;
	[tilespmem:$0x16880] =	vst v63  }
0x33: {  	_ =	swait.ge [sflag:s18], $0x2800  }
0x34: {  	[sflag:s18] =	ssyncset.done $0x0  }
0x35: {  	[sflag:s18] =	ssyncadd.s32 $0xFFFFD800  }
0x36: {  	s23 =	sadd.s32 $0x0, s16;
	[bflag:$0x0] =	sbarrier.arrive $0xFFFF  }
0x37: {  	[tilespmem:s4], [sflag:$0x1] =	stream.linear.gather [hbm4b:s23+s4], $0x50, $0x38;
	[tilespmem:$0x16880] =	vst v63  }
0x38: {  	_ =	swait.ge [sflag:s18], $0x50  }
0x39: {  	[sflag:s18] =	ssyncset.done $0x0  }
0x3a: {  	[sflag:s18] =	ssyncadd.s32 $0xFFFFFFB0  }
0x3b: {  	[tilespmem:s17], [sflag:$0x1] =	stream.linear.gather [hbm4b:s15+s4], $0x2800, $0x38;
	[tilespmem:$0x16880] =	vst v63  }
0x3c: {  	_ =	swait.ge [sflag:s18], $0x2800  }
0x3d: {  	[sflag:s18] =	ssyncset.done $0x0  }
0x3e: {  	[sflag:s18] =	ssyncadd.s32 $0xFFFFD800  }
0x3f: {  	[spmem:s3] =	stream.indirect.scatter.add.f32 [tilespmem:s17], [sflag:$0x1], $0x80, s4, s19, $0xb8;
	[tilespmem:$0x16880] =	vst v63  }
0x40: {  	s24 =	simm.s32 $0xA;
	_ =	swait.ge [sflag:s18], $0x2800  }
0x41: {  	s25 =	simm.s32 $0x14;
	s23 =	sadd.s32 $0x500, s15;
	[sflag:s18] =	ssyncset.done $0x0  }
.LBB2_2:
0x42: {  	s26 =	sadd.s32 s24, s16  }
0x43: {  	[sflag:s18] =	ssyncadd.s32 $0xFFFFD800;
	s24 =	smov.u32 s25;
	s28 =	sadd.s32 $0xA, s25  }
0x44: {  	[tilespmem:s4], [sflag:$0x1] =	stream.linear.gather [hbm4b:s26+s4], $0x50, $0x38;
	[tilespmem:$0x16880] =	vst v63  }
0x45: {  	p0 =	sne.s32 s25, $0x4D8;
	_ =	swait.ge [sflag:s18], $0x50  }
0x46: {  	[sflag:s18] =	ssyncset.done $0x0  }
0x47: {  	[sflag:s18] =	ssyncadd.s32 $0xFFFFFFB0  }
0x48: {  	[tilespmem:s17], [sflag:$0x1] =	stream.linear.gather [hbm4b:s23+s4], $0x2800, $0x38;
	[tilespmem:$0x16880] =	vst v63  }
0x49: {  	_ =	swait.ge [sflag:s18], $0x2800  }
.Ltmp0:
0x4a: {  	[sflag:s18] =	ssyncset.done $0x0;
	(pc) =	sbr.rel @p0 .LBB2_2-.Ltmp0, $4  }
0x4b: {  	[sflag:s18] =	ssyncadd.s32 $0xFFFFD800  }
0x4c: {  	[spmem:s3] =	stream.indirect.scatter.add.f32 [tilespmem:s17], [sflag:$0x1], $0x80, s4, s19, $0xb8;
	[tilespmem:$0x16880] =	vst v63  }
0x4d: {  	_ =	swait.ge [sflag:s18], $0x2800  }
0x4e: {  	s25 =	smov.u32 s28;
	s23 =	sadd.s32 $0x500, s23;
	[sflag:s18] =	ssyncset.done $0x0  }
0x4f: {  	s24 =	sadd.s32 s24, s16;
	[sflag:s18] =	ssyncadd.s32 $0xFFFFD800  }
0x50: {  	[tilespmem:s4], [sflag:$0x1] =	stream.linear.gather [hbm4b:s24+s4], $0x50, $0x38;
	[tilespmem:$0x16880] =	vst v63  }
0x51: {  	_ =	swait.ge [sflag:s18], $0x50  }
0x52: {  	[sflag:s18] =	ssyncset.done $0x0  }
0x53: {  	[sflag:s18] =	ssyncadd.s32 $0xFFFFFFB0  }
0x54: {  	[tilespmem:s17], [sflag:$0x1] =	stream.linear.gather [hbm4b:s23+s4], $0x2800, $0x38;
	[tilespmem:$0x16880] =	vst v63  }
0x55: {  	_ =	swait.ge [sflag:s18], $0x2800  }
0x56: {  	[sflag:s18] =	ssyncset.done $0x0  }
0x57: {  	[sflag:s18] =	ssyncadd.s32 $0xFFFFD800  }
0x58: {  	[spmem:s3] =	stream.indirect.scatter.add.f32 [tilespmem:s17], [sflag:$0x1], $0x80, s4, s19, $0xb8;
	[tilespmem:$0x16880] =	vst v63  }
0x59: {  	_ =	swait.ge [sflag:s18], $0x2800  }
0x5a: {  	s22 =	sadd.s32 $0x1, s22;
	[sflag:s18] =	ssyncset.done $0x0  }
0x5b: {  	p0 =	sne.s32 s22, s14;
	[sflag:s18] =	ssyncadd.s32 $0xFFFFD800  }
.Ltmp1:
0x5c: {  	[bflag:$0x0] =	sbarrier.arrive $0xFFFF;
	(pc) =	sbr.rel @p0 .LBB2_1-.Ltmp1, $4  }
0x5d: {  	[hbm:s13], [sflag:s20] =	dma.local [spmem:s21], $0x2800  }
0x5e: {  	_ =	swait.ge [sflag:s18], $0x2800  }
0x5f: {  	[sflag:s18] =	ssyncset.done $0x0  }
0x60: {  	[sflag:s18] =	ssyncadd.s32 $0xFFFFD800  }
0x61: {  	_ =	sfence.sel $0x180000  }
0x62: {  	[bflag:$0x0] =	sbarrier.arrive $0xFFFF  }
0x63: {  	p0 =	sne.s32 s0, $0x0;
	_ =	strace $0x9000004A  }
0x64: {  	s0 =	sadd.s32 @!p0 $0x100000, s1;
	[bflag:$0x2] =	sbarrier.arrive $0xFFFF  }
0x65: {  	[sflag:s0] =	ssyncadd.tile.s32 @!p0 $0x1;
	_ =	shalt  }
.Lfunc_end2:
_tile_overlayer_lowered:
.L_overlay_start_2:
0x66: {  	(tag) =	ssettag $0x2  }
0x67: {  	s0 =	rddreg [dreg:$0x0];
	s2 =	stileid.u32  }
0x68: {  	s1 =	rddreg [dreg:$0x1];
	p0 =	sne.s32 s2, $0x0  }
0x69: {  	s3 =	rddreg [dreg:$0x2];
	[bflag:$0x3] =	sbarrier.arrive $0xFFFF;
	s2 =	simm.s32 @!p0 $0x1C01  }
0x6a: {  	[timem:s3], [sflag:s2] =	dma.local @!p0 [hbm:s0], s1  }
0x6b: {  	s0 =	simm.s32 @!p0 $0x1  }
0x6c: {  	_ =	swait.ge @!p0 [sflag:s0], s1  }
0x6d: {  	s1 =	ssub.s32 @!p0 $0x0, s1;
	[sflag:s0] =	ssyncset.done @!p0 $0x0  }
0x6e: {  	[sflag:s0] =	ssyncadd.s32 @!p0 s1  }
0x6f: {  	[bflag:$0x3] =	sbarrier.arrive $0xFFFF  }
0x70: {  	_ =	shalt  }

// kernel: kernel.31.cloned.1.call-start
scs
__scs_entry_jumppad:
0x0: {  	(pc) =	sbr.rel $0x88, $3  }
0x1: {  	(tag) =	ssettag $0x0;
	lr =	simm.s32 $0x1  }
0x2: {  	[smem:$0x3F38] =	sst lr;
	_ =	strace $0xD0000000  }
0x3: {  	_ = 	snop  }
0x4: {  	_ = 	snop  }
0x5: {  	_ = 	snop  }
0x6: {  	_ = 	snop  }
0x7: {  	_ = 	snop  }
__scs_overlays_trampoline_lowered:
0x8: {  	[smem:$0x3F47] =	sst s0  }
0x9: {  	[smem:$0x3F48] =	sst s1  }
0xa: {  	[smem:$0x3F49] =	sst s2  }
0xb: {  	[smem:$0x3F4A] =	sst s3  }
0xc: {  	[smem:$0x3F4B] =	sst s4  }
0xd: {  	[smem:$0x3F4C] =	sst s5  }
0xe: {  	[smem:$0x3F4D] =	sst s6  }
0xf: {  	[smem:$0x3F4E] =	sst s7  }
0x10: {  	[smem:$0x3F4F] =	sst s8  }
0x11: {  	[smem:$0x3F50] =	sst s9;
	s0 =	simm.s32 @!p0 $0x0  }
0x12: {  	s1 =	sld [smem:$0x3F36];
	s0 =	simm.s32 @p0 $0x1  }
0x13: {  	[smem:$0x3F51] =	sst s0;
	s0 =	simm.s32 @!p1 $0x0  }
0x14: {  	s2 =	sld [smem:$0x3F35];
	s0 =	simm.s32 @p1 $0x1  }
0x15: {  	[smem:$0x3F52] =	sst s0;
	s0 =	simm.s32 @!p2 $0x0  }
0x16: {  	s3 =	sld [smem:$0x3FDB];
	s0 =	simm.s32 @p2 $0x1  }
0x17: {  	s4 =	simm.s32 $0x1BF5;
	[smem:$0x3F54] =	sst s0  }
0x18: {  	s0 =	sld [smem:$0x3F37];
	_ =	swait.ge [sflag:s4], $0x0  }
0x19: {  	s7 =	sld [smem:$0x3F38]  }
0x1a: {  	s8 =	sadd.s32 $0xFFFFE003, lr  }
0x1b: {  	s9 =	sadd.s32 $0xFFFFFEF7, lr;
	s5 =	simm.s32 $0xFFFFFFFF;
	p2 =	slt.u32 s8, $0xFFFFF086  }
0x1c: {  	p1 =	slt.u32 s9, $0xF7A;
	s5 =	simm.s32 @!p2 $0x0  }
0x1d: {  	s5 =	simm.s32 @p1 $0x1;
	p0 =	seq.s32 s7, s2  }
0x1e: {  	s7 =	smul.u32 @!p0 $0xF7A, s2;
	p2 =	seq.s32 @!p0 s5, $0x0  }
0x1f: {  	s9 =	smul.u32 $0xF7A, s1;
	s8 =	simm.s32 @!p0 $0x1BF5;
	p2 =	por !p2, p0  }
0x20: {  	[sflag:s8] =	ssyncset.s32 @!p0 $0xFFFFF086;
	s6 =	sadd.s32 @!p0 s3, s7;
	s7 =	simm.s32 @!p0 $0x108  }
0x21: {  	s3 =	sadd.s32 s3, s9;
	s6 =	sadd.s32 @!p0 $0x88, s6;
	s7 =	simm.s32 @p2 $0x1082  }
0x22: {  	[simem:s7], [sflag:s8] =	dma.local @!p0 [hbm:s6], $0xF7A  }
0x23: {  	s9 =	sor.u32 $0xD0000000, s2;
	s6 =	simm.s32 $0x108;
	_ =	swait.ge @!p0 [sflag:s8], $0x0  }
0x24: {  	s3 =	sadd.s32 $0x88, s3;
	s6 =	simm.s32 @!p1 $0x1082;
	[sflag:s4] =	ssyncset.s32 $0xFFFFF086  }
0x25: {  	[simem:s6], [sflag:s4] =	dma.local [hbm:s3], $0xF7A  }
0x26: {  	[smem:$0x3F38] =	sst s1;
	(tag) =	ssettag s2;
	_ =	strace s9  }
0x27: {  	s1 =	sld [smem:$0x3F48]  }
0x28: {  	s2 =	sld [smem:$0x3F49]  }
0x29: {  	s4 =	sld [smem:$0x3F4B]  }
0x2a: {  	p0 =	seq.s32 s5, $0x0;
	s5 =	sld [smem:$0x3F4C]  }
0x2b: {  	s6 =	sld [smem:$0x3F4D]  }
0x2c: {  	s7 =	sld [smem:$0x3F4E]  }
0x2d: {  	s3 =	simm.s32 $0x108;
	s8 =	sld [smem:$0x3F4F]  }
0x2e: {  	s3 =	simm.s32 @!p0 $0x1082;
	s9 =	sld [smem:$0x3F50]  }
0x2f: {  	lr =	sadd.s32 s0, s3;
	s0 =	sld [smem:$0x3F47]  }
0x30: {  	s3 =	sld [smem:$0x3F4A]  }
0x31: {  	[smem:$0x3F53] =	sst s10  }
0x32: {  	s10 =	sld [smem:$0x3F51];
	_ =	sdelay $0x3  }
0x33: {  	p0 =	seq.s32 s10, $0x1;
	s10 =	sld [smem:$0x3F53];
	_ =	sdelay $0x3  }
0x34: {  	[smem:$0x3F53] =	sst s10  }
0x35: {  	s10 =	sld [smem:$0x3F52];
	_ =	sdelay $0x3  }
0x36: {  	p1 =	seq.s32 s10, $0x1;
	s10 =	sld [smem:$0x3F53];
	_ =	sdelay $0x3  }
0x37: {  	[smem:$0x3F53] =	sst s10  }
0x38: {  	s10 =	sld [smem:$0x3F54]  }
0x39: {  	_ = 	snop;
	(pc) =	sbr.ind lr, $3  }
0x3a: {  	_ = 	snop  }
0x3b: {  	_ = 	snop  }
0x3c: {  	p2 =	seq.s32 s10, $0x1;
	s10 =	sld [smem:$0x3F53]  }
0x3d: {  	_ =	shalt  }
0x3e: {  	_ =	shalt  }
0x3f: {  	_ =	shalt  }
0x40: {  	_ =	shalt  }
0x41: {  	_ =	shalt  }
0x42: {  	_ =	shalt  }
0x43: {  	_ =	shalt  }
0x44: {  	_ =	shalt  }
0x45: {  	_ =	shalt  }
0x46: {  	_ =	shalt  }
0x47: {  	_ =	shalt  }
0x48: {  	_ =	shalt  }
0x49: {  	_ =	shalt  }
0x4a: {  	_ =	shalt  }
0x4b: {  	_ =	shalt  }
0x4c: {  	_ =	shalt  }
0x4d: {  	_ =	shalt  }
0x4e: {  	_ =	shalt  }
0x4f: {  	_ =	shalt  }
0x50: {  	_ =	shalt  }
0x51: {  	_ =	shalt  }
0x52: {  	_ =	shalt  }
0x53: {  	_ =	shalt  }
0x54: {  	_ =	shalt  }
0x55: {  	_ =	shalt  }
0x56: {  	_ =	shalt  }
0x57: {  	_ =	shalt  }
0x58: {  	_ =	shalt  }
0x59: {  	_ =	shalt  }
0x5a: {  	_ =	shalt  }
0x5b: {  	_ =	shalt  }
0x5c: {  	_ =	shalt  }
0x5d: {  	_ =	shalt  }
0x5e: {  	_ =	shalt  }
0x5f: {  	_ =	shalt  }
0x60: {  	_ =	shalt  }
0x61: {  	_ =	shalt  }
0x62: {  	_ =	shalt  }
0x63: {  	_ =	shalt  }
0x64: {  	_ =	shalt  }
0x65: {  	_ =	shalt  }
0x66: {  	_ =	shalt  }
0x67: {  	_ =	shalt  }
0x68: {  	_ =	shalt  }
0x69: {  	_ =	shalt  }
0x6a: {  	_ =	shalt  }
0x6b: {  	_ =	shalt  }
0x6c: {  	_ =	shalt  }
0x6d: {  	_ =	shalt  }
0x6e: {  	_ =	shalt  }
0x6f: {  	_ =	shalt  }
0x70: {  	_ =	shalt  }
0x71: {  	_ =	shalt  }
0x72: {  	_ =	shalt  }
0x73: {  	_ =	shalt  }
0x74: {  	_ =	shalt  }
0x75: {  	_ =	shalt  }
0x76: {  	_ =	shalt  }
0x77: {  	_ =	shalt  }
0x78: {  	_ =	shalt  }
0x79: {  	_ =	shalt  }
0x7a: {  	_ =	shalt  }
0x7b: {  	_ =	shalt  }
0x7c: {  	_ =	shalt  }
0x7d: {  	_ =	shalt  }
0x7e: {  	_ =	shalt  }
0x7f: {  	_ =	shalt  }
0x80: {  	_ =	shalt  }
0x81: {  	_ =	shalt  }
0x82: {  	_ =	shalt  }
0x83: {  	_ =	shalt  }
0x84: {  	_ =	shalt  }
0x85: {  	_ =	shalt  }
0x86: {  	_ =	shalt  }
0x87: {  	_ =	shalt  }
.Lfunc_end0:
.L_simem_size_0:
called_computation.2_lowered:
.L_overlay_start_0:
0x88: {  	s2 =	sld [smem:$0x3FD9]  }
0x89: {  	s3 =	sld [smem:$0x3FFE];
	_ =	sdelay $0x1  }
0x8a: {  	s1 =	srdreg.scid  }
0x8b: {  	s0 =	sand.u32 $0x1, s1  }
0x8c: {  	s16 =	sshll.u32 s0, $0xA;
	s2 =	sadd.s32 s3, s2  }
0x8d: {  	s2 =	sadd.s32 s2, s16  }
0x8e: {  	[smem:$0x3F5F] =	sst s2  }
0x8f: {  	_ = 	snop  }
0x90: {  	(tm) =	ssettm $0x1  }
0x91: {  	s17 =	sld [smem:$0x3FFB];
	_ =	sdelay $0x3  }
0x92: {  	_ =	strace s17  }
0x93: {  	s2 =	sld [smem:$0x3FFC];
	_ =	sdelay $0x3  }
0x94: {  	_ =	strace s2  }
0x95: {  	s2 =	sld [smem:$0x3FFD];
	_ =	sdelay $0x3  }
0x96: {  	_ =	strace s2  }
0x97: {  	_ =	strace $0x8FFFFFFF  }
0x98: {  	s18 =	sld [smem:$0x3FDB];
	_ =	sdelay $0x1  }
0x99: {  	s19 =	simm.s32 $_scs_section_size  }
0x9a: {  	s4 =	simm.s32 $_size__tile_overlayer_lowered;
	s5 =	simm.s32 $_tile_overlayer_lowered  }
0x9b: {  	s22 =	simm.s32 $0x1BFF;
	s21 =	sshll.u32 s5, $0x1;
	s2 =	sadd.s32 s19, s18  }
0x9c: {  	s6 =	simm.s32 $0x0;
	s20 =	sshll.u32 s4, $0x1;
	s4 =	sadd.s32 s21, s2  }
0x9d: {  	[timem:s6], [sflag:s22] =	dma.local [hbm:s4], s20  }
0x9e: {  	_ =	swait.ge [sflag:s22], s20  }
0x9f: {  	s3 =	ssub.s32 $0x0, s20;
	[sflag:s22] =	ssyncset.done $0x0  }
0xa0: {  	[sflag:s22] =	ssyncadd.s32 s3;
	_ =	sdelay $0x1  }
0xa1: {  	s23 =	simm.s32 $0x1B8B  }
0xa2: {  	_ =	swait.ge [sflag:s23], $0x1  }
0xa3: {  	[sflag:s23] =	ssyncset.done $0x0  }
0xa4: {  	s25 =	simm.s32 $0x1B8E;
	s24 =	sld [smem:$0x3FFE];
	[sflag:s23] =	ssyncadd.s32 $0xFFFFFFFF  }
0xa5: {  	s26 =	simm.s32 $execute0_lowered;
	[smem:$0x3FD2] =	sst s25  }
0xa6: {  	s4 =	sshll.u32 s26, $0x1;
	_ =	strace $0x8000004C;
	[dreg:$0x1] =	wrdreg $0xFFFFFFFF  }
0xa7: {  	s28 =	simm.s32 $_size_execute0_lowered;
	s2 =	sadd.s32 s2, s4;
	[dreg:$0x0] =	wrdreg $0x0  }
0xa8: {  	s4 =	sshll.u32 s28, $0x1;
	[dreg:$0x2] =	wrdreg s2  }
0xa9: {  	[dreg:$0x3] =	wrdreg s4  }
0xaa: {  	[dreg:$0x4] =	wrdreg $0xC0  }
0xab: {  	_ =	task [dreg:s6], $0x5FFFF  }
0xac: {  	[dreg:$0x1] =	wrdreg $0xFFFFFFFF  }
0xad: {  	[dreg:$0x0] =	wrdreg $0x60  }
0xae: {  	[dreg:$0x2] =	wrdreg s24  }
0xaf: {  	[dreg:$0x3] =	wrdreg $0x9  }
0xb0: {  	_ =	task.clear_ibuf [dreg:s6], $0x4FFFF;
	_ =	strace $0x9000004C  }
0xb1: {  	s29 =	simm.s32 $0x9;
	_ =	strace $0x8000004E  }
0xb2: {  	_ =	swait.ge [sflag:s29], $0x1  }
0xb3: {  	[sflag:s29] =	ssyncadd.s32 $0xFFFFFFFF  }
0xb4: {  	_ =	strace $0x9000004E  }
0xb5: {  	_ =	sfence  }
0xb6: {  	s30 =	sld [smem:$0x0];
	_ =	sdelay $0x2  }
0xb7: {  	s31 =	sshll.u32 s1, $0xD;
	s1 =	sshrl.u32 s1, $0x2  }
0xb8: {  	s3 =	sand.u32 $0x4000, s31;
	s1 =	sadd.s32 s1, s30  }
0xb9: {  	s0 =	sor.u32 s3, s0;
	s1 =	sshll.u32 s1, $0x11  }
0xba: {  	s0 =	sor.u32 s1, s0  }
0xbb: {  	s0 =	sadd.s32 $0x8F2B, s0  }
0xbc: {  	[sflag:s0] =	ssyncadd.remote.s32 $0x1  }
0xbd: {  	_ =	sfence.sel $0xFFFF  }
0xbe: {  	[dreg:$0x0] =	wrdreg $0xFFFFFFFF;
	(pc) =	sbr.abs _section_cstart, $3  }
0xbf: {  	[dreg:$0x1] =	wrdreg $0xFFFFFFFF  }
0xc0: {  	_ =	task.clear_ibuf [dreg:s6], $0x2FFFF;
	_ =	strace $0x9FFFFFFF  }
0xc1: {  	(tm) =	ssettm $0x7FFFFFFF  }
tec
execute0_lowered:
.L_overlay_start_1:
0x0: {  	(tag) =	ssettag $0x1  }
0x1: {  	s5 =	rddreg [dreg:$0x0]  }
0x2: {  	s0 =	rddreg [dreg:$0x1]  }
0x3: {  	s3 =	srdreg.scid;
	s1 =	stileid.u32;
	s2 =	simm.s32 $0x0  }
0x4: {  	s11 =	simm.s32 $0x2780;
	s12 =	simm.s32 $0x50;
	s13 =	simm.s32 $0x4F00  }
0x5: {  	s14 =	simm.s32 $0x7700;
	s15 =	simm.s32 $0x1;
	s16 =	simm.s32 $0x2  }
0x6: {  	s17 =	simm.s32 $0x0;
	s6 =	sand.u32 $0x1, s3;
	s30 =	sshll.u32 s1, $0x1  }
0x7: {  	[smem:$0x7FF] =	sst s2;
	s8 =	smul.u32 $0x4E200, s1;
	s3 =	sor.u32 s6, s30  }
0x8: {  	s4 =	sadd.s32 $0x52800, s5;
	_ =	strace $0x8000004D;
	s7 =	smul.u32 $0x2710, s3  }
0x9: {  	s9 =	ssub.s32 $0x2, s6;
	s6 =	smul.u32 $0x27100, s6;
	s3 =	sadd.s32 $0x2B600, s5  }
0xa: {  	s8 =	sadd.s32 s8, s5;
	s31 =	sshrl.u32 s9, $0x1;
	s7 =	sshrl.u32 s7, $0x3  }
0xb: {  	s9 =	ssub.s32 s9, s31;
	s10 =	sadd.s32 s6, s8;
	s7 =	sadd.s32 s7, s5  }
0xc: {  	s8 =	sadd.s32 $0xA0C00, s10;
	s5 =	sadd.s32 $0x21800, s7;
	s6 =	sadd.s32 $0x17A00, s7  }
0xd: {  	s7 =	smax.u32 s9, $0x1;
	s9 =	sadd.s32 $0x582C00, s10;
	s10 =	simm.s32 $0x3  }
.LBB2_1:
0xe: {  	[tilespmem:s2], [sflag:$0x3] =	stream.linear.gather [hbm4b:s5+s2], $0x2710, $0x38;
	[tilespmem:$0x9F00] =	vst v63  }
0xf: {  	_ =	swait.ge [sflag:s10], $0x2710  }
0x10: {  	[sflag:s10] =	ssyncset.done $0x0  }
0x11: {  	[sflag:s10] =	ssyncadd.s32 $0xFFFFD8F0  }
0x12: {  	[tilespmem:s11], [sflag:$0x3] =	stream.linear.gather [hbm4b:s6+s2], $0x2710, $0x38;
	[tilespmem:$0x9F00] =	vst v63  }
0x13: {  	_ =	swait.ge [sflag:s10], $0x2710  }
0x14: {  	[sflag:s10] =	ssyncset.done $0x0  }
0x15: {  	s18 =	simm.s32 $0x0;
	[sflag:s10] =	ssyncadd.s32 $0xFFFFD8F0  }
0x16: {  	[tilespmem:s13], [sflag:$0x1] =	stream.indirect.gather [hbm4b:s3+s12], $0x80, s18, s12, $0xb8;
	[tilespmem:$0x9F00] =	vst v63  }
0x17: {  	s31 =	simm.s32 $0x2780  }
0x18: {  	[tilespmem:s14], [sflag:$0x2] =	stream.indirect.gather [hbm4b:s4+s12], $0x80, s31, s12, $0xb8;
	[tilespmem:$0x9F00] =	vst v63  }
0x19: {  	_ =	swait.ge [sflag:s15], $0x2800  }
0x1a: {  	[sflag:s15] =	ssyncset.done $0x0  }
0x1b: {  	[sflag:s15] =	ssyncadd.s32 $0xFFFFD800  }
0x1c: {  	_ =	swait.ge [sflag:s16], $0x2800  }
0x1d: {  	[sflag:s16] =	ssyncset.done $0x0  }
0x1e: {  	[sflag:s16] =	ssyncadd.s32 $0xFFFFD800  }
0x1f: {  	[hbm4b:s8+s2] =	stream.linear.scatter [tilespmem:s13], [sflag:$0x3], $0x2800, $0x38;
	[tilespmem:$0x9F00] =	vst v63  }
0x20: {  	_ =	swait.ge [sflag:s10], $0x2800  }
0x21: {  	[sflag:s10] =	ssyncset.done $0x0  }
0x22: {  	[sflag:s10] =	ssyncadd.s32 $0xFFFFD800  }
0x23: {  	[hbm4b:s9+s2] =	stream.linear.scatter [tilespmem:s14], [sflag:$0x3], $0x2800, $0x38;
	[tilespmem:$0x9F00] =	vst v63  }
0x24: {  	s20 =	simm.s32 $0x140;
	s21 =	simm.s32 $0x280;
	_ =	swait.ge [sflag:s10], $0x2800  }
0x25: {  	s19 =	sadd.s32 $0x500, s8;
	s18 =	sadd.s32 $0x500, s9;
	[sflag:s10] =	ssyncset.done $0x0  }
.LBB2_2:
0x26: {  	s22 =	sshra.s32 s20, $0x2  }
0x27: {  	[sflag:s10] =	ssyncadd.s32 $0xFFFFD800;
	s20 =	smov.u32 s21;
	s23 =	sadd.s32 $0x140, s21  }
0x28: {  	[tilespmem:s13], [sflag:$0x1] =	stream.indirect.gather [hbm4b:s3+s12], $0x80, s22, s12, $0xb8;
	[tilespmem:$0x9F00] =	vst v63  }
0x29: {  	p0 =	sne.s32 s21, $0x9B00;
	s21 =	sadd.s32 $0x2780, s22  }
0x2a: {  	[tilespmem:s14], [sflag:$0x2] =	stream.indirect.gather [hbm4b:s4+s12], $0x80, s21, s12, $0xb8;
	[tilespmem:$0x9F00] =	vst v63  }
0x2b: {  	_ =	swait.ge [sflag:s15], $0x2800  }
0x2c: {  	[sflag:s15] =	ssyncset.done $0x0  }
0x2d: {  	[sflag:s15] =	ssyncadd.s32 $0xFFFFD800  }
0x2e: {  	_ =	swait.ge [sflag:s16], $0x2800  }
0x2f: {  	[sflag:s16] =	ssyncset.done $0x0  }
0x30: {  	[sflag:s16] =	ssyncadd.s32 $0xFFFFD800  }
0x31: {  	[hbm4b:s19+s2] =	stream.linear.scatter [tilespmem:s13], [sflag:$0x3], $0x2800, $0x38;
	[tilespmem:$0x9F00] =	vst v63  }
0x32: {  	_ =	swait.ge [sflag:s10], $0x2800  }
.Ltmp0:
0x33: {  	[sflag:s10] =	ssyncset.done $0x0;
	(pc) =	sbr.rel @p0 .LBB2_2-.Ltmp0, $4  }
0x34: {  	[sflag:s10] =	ssyncadd.s32 $0xFFFFD800  }
0x35: {  	[hbm4b:s18+s2] =	stream.linear.scatter [tilespmem:s14], [sflag:$0x3], $0x2800, $0x38;
	[tilespmem:$0x9F00] =	vst v63  }
0x36: {  	s21 =	smov.u32 s23;
	_ =	swait.ge [sflag:s10], $0x2800  }
0x37: {  	s19 =	sadd.s32 $0x500, s19;
	s18 =	sadd.s32 $0x500, s18;
	[sflag:s10] =	ssyncset.done $0x0  }
0x38: {  	s20 =	sshra.s32 s20, $0x2;
	[sflag:s10] =	ssyncadd.s32 $0xFFFFD800  }
0x39: {  	[tilespmem:s13], [sflag:$0x1] =	stream.indirect.gather [hbm4b:s3+s12], $0x80, s20, s12, $0xb8;
	[tilespmem:$0x9F00] =	vst v63  }
0x3a: {  	s20 =	sadd.s32 $0x2780, s20  }
0x3b: {  	[tilespmem:s14], [sflag:$0x2] =	stream.indirect.gather [hbm4b:s4+s12], $0x80, s20, s12, $0xb8;
	[tilespmem:$0x9F00] =	vst v63  }
0x3c: {  	_ =	swait.ge [sflag:s15], $0x2800  }
0x3d: {  	[sflag:s15] =	ssyncset.done $0x0  }
0x3e: {  	[sflag:s15] =	ssyncadd.s32 $0xFFFFD800  }
0x3f: {  	_ =	swait.ge [sflag:s16], $0x2800  }
0x40: {  	[sflag:s16] =	ssyncset.done $0x0  }
0x41: {  	[sflag:s16] =	ssyncadd.s32 $0xFFFFD800  }
0x42: {  	[hbm4b:s19+s2] =	stream.linear.scatter [tilespmem:s13], [sflag:$0x3], $0x2800, $0x38;
	[tilespmem:$0x9F00] =	vst v63  }
0x43: {  	s17 =	sadd.s32 $0x1, s17;
	_ =	swait.ge [sflag:s10], $0x2800  }
0x44: {  	p0 =	sne.s32 s17, s7;
	[sflag:s10] =	ssyncset.done $0x0  }
.Ltmp1:
0x45: {  	[sflag:s10] =	ssyncadd.s32 $0xFFFFD800;
	(pc) =	sbr.rel @p0 .LBB2_1-.Ltmp1, $4  }
0x46: {  	[hbm4b:s18+s2] =	stream.linear.scatter [tilespmem:s14], [sflag:$0x3], $0x2800, $0x38;
	[tilespmem:$0x9F00] =	vst v63  }
0x47: {  	_ =	swait.ge [sflag:s10], $0x2800  }
0x48: {  	[sflag:s10] =	ssyncset.done $0x0  }
0x49: {  	[sflag:s10] =	ssyncadd.s32 $0xFFFFD800  }
0x4a: {  	_ =	sfence.sel $0x180000  }
0x4b: {  	[bflag:$0x0] =	sbarrier.arrive $0xFFFF  }
0x4c: {  	p0 =	sne.s32 s1, $0x0;
	_ =	strace $0x9000004D  }
0x4d: {  	s0 =	sadd.s32 @!p0 $0x100000, s0;
	[bflag:$0x2] =	sbarrier.arrive $0xFFFF  }
0x4e: {  	[sflag:s0] =	ssyncadd.tile.s32 @!p0 $0x1;
	_ =	shalt  }
.Lfunc_end2:
_tile_overlayer_lowered:
.L_overlay_start_2:
0x4f: {  	(tag) =	ssettag $0x2  }
0x50: {  	s0 =	rddreg [dreg:$0x0];
	s2 =	stileid.u32  }
0x51: {  	s1 =	rddreg [dreg:$0x1];
	p0 =	sne.s32 s2, $0x0  }
0x52: {  	s3 =	rddreg [dreg:$0x2];
	[bflag:$0x3] =	sbarrier.arrive $0xFFFF;
	s2 =	simm.s32 @!p0 $0x1C03  }
0x53: {  	[timem:s3], [sflag:s2] =	dma.local @!p0 [hbm:s0], s1  }
0x54: {  	s0 =	simm.s32 @!p0 $0x3  }
0x55: {  	_ =	swait.ge @!p0 [sflag:s0], s1  }
0x56: {  	s1 =	ssub.s32 @!p0 $0x0, s1;
	[sflag:s0] =	ssyncset.done @!p0 $0x0  }
0x57: {  	[sflag:s0] =	ssyncadd.s32 @!p0 s1  }
0x58: {  	[bflag:$0x3] =	sbarrier.arrive $0xFFFF  }
0x59: {  	_ =	shalt  }

// kernel: kernel.34.cloned.1.call-start
scs
__scs_entry_jumppad:
0x0: {  	(pc) =	sbr.rel $0x88, $3  }
0x1: {  	(tag) =	ssettag $0x0;
	lr =	simm.s32 $0x1  }
0x2: {  	[smem:$0x3F38] =	sst lr;
	_ =	strace $0xD0000000  }
0x3: {  	_ = 	snop  }
0x4: {  	_ = 	snop  }
0x5: {  	_ = 	snop  }
0x6: {  	_ = 	snop  }
0x7: {  	_ = 	snop  }
__scs_overlays_trampoline_lowered:
0x8: {  	[smem:$0x3F47] =	sst s0  }
0x9: {  	[smem:$0x3F48] =	sst s1  }
0xa: {  	[smem:$0x3F49] =	sst s2  }
0xb: {  	[smem:$0x3F4A] =	sst s3  }
0xc: {  	[smem:$0x3F4B] =	sst s4  }
0xd: {  	[smem:$0x3F4C] =	sst s5  }
0xe: {  	[smem:$0x3F4D] =	sst s6  }
0xf: {  	[smem:$0x3F4E] =	sst s7  }
0x10: {  	[smem:$0x3F4F] =	sst s8  }
0x11: {  	[smem:$0x3F50] =	sst s9;
	s0 =	simm.s32 @!p0 $0x0  }
0x12: {  	s1 =	sld [smem:$0x3F36];
	s0 =	simm.s32 @p0 $0x1  }
0x13: {  	[smem:$0x3F51] =	sst s0;
	s0 =	simm.s32 @!p1 $0x0  }
0x14: {  	s2 =	sld [smem:$0x3F35];
	s0 =	simm.s32 @p1 $0x1  }
0x15: {  	[smem:$0x3F52] =	sst s0;
	s0 =	simm.s32 @!p2 $0x0  }
0x16: {  	s3 =	sld [smem:$0x3FDB];
	s0 =	simm.s32 @p2 $0x1  }
0x17: {  	s4 =	simm.s32 $0x1BF5;
	[smem:$0x3F54] =	sst s0  }
0x18: {  	s0 =	sld [smem:$0x3F37];
	_ =	swait.ge [sflag:s4], $0x0  }
0x19: {  	s7 =	sld [smem:$0x3F38]  }
0x1a: {  	s8 =	sadd.s32 $0xFFFFE003, lr  }
0x1b: {  	s9 =	sadd.s32 $0xFFFFFEF7, lr;
	s5 =	simm.s32 $0xFFFFFFFF;
	p2 =	slt.u32 s8, $0xFFFFF086  }
0x1c: {  	p1 =	slt.u32 s9, $0xF7A;
	s5 =	simm.s32 @!p2 $0x0  }
0x1d: {  	s5 =	simm.s32 @p1 $0x1;
	p0 =	seq.s32 s7, s2  }
0x1e: {  	s7 =	smul.u32 @!p0 $0xF7A, s2;
	p2 =	seq.s32 @!p0 s5, $0x0  }
0x1f: {  	s9 =	smul.u32 $0xF7A, s1;
	s8 =	simm.s32 @!p0 $0x1BF5;
	p2 =	por !p2, p0  }
0x20: {  	[sflag:s8] =	ssyncset.s32 @!p0 $0xFFFFF086;
	s6 =	sadd.s32 @!p0 s3, s7;
	s7 =	simm.s32 @!p0 $0x108  }
0x21: {  	s3 =	sadd.s32 s3, s9;
	s6 =	sadd.s32 @!p0 $0x88, s6;
	s7 =	simm.s32 @p2 $0x1082  }
0x22: {  	[simem:s7], [sflag:s8] =	dma.local @!p0 [hbm:s6], $0xF7A  }
0x23: {  	s9 =	sor.u32 $0xD0000000, s2;
	s6 =	simm.s32 $0x108;
	_ =	swait.ge @!p0 [sflag:s8], $0x0  }
0x24: {  	s3 =	sadd.s32 $0x88, s3;
	s6 =	simm.s32 @!p1 $0x1082;
	[sflag:s4] =	ssyncset.s32 $0xFFFFF086  }
0x25: {  	[simem:s6], [sflag:s4] =	dma.local [hbm:s3], $0xF7A  }
0x26: {  	[smem:$0x3F38] =	sst s1;
	(tag) =	ssettag s2;
	_ =	strace s9  }
0x27: {  	s1 =	sld [smem:$0x3F48]  }
0x28: {  	s2 =	sld [smem:$0x3F49]  }
0x29: {  	s4 =	sld [smem:$0x3F4B]  }
0x2a: {  	p0 =	seq.s32 s5, $0x0;
	s5 =	sld [smem:$0x3F4C]  }
0x2b: {  	s6 =	sld [smem:$0x3F4D]  }
0x2c: {  	s7 =	sld [smem:$0x3F4E]  }
0x2d: {  	s3 =	simm.s32 $0x108;
	s8 =	sld [smem:$0x3F4F]  }
0x2e: {  	s3 =	simm.s32 @!p0 $0x1082;
	s9 =	sld [smem:$0x3F50]  }
0x2f: {  	lr =	sadd.s32 s0, s3;
	s0 =	sld [smem:$0x3F47]  }
0x30: {  	s3 =	sld [smem:$0x3F4A]  }
0x31: {  	[smem:$0x3F53] =	sst s10  }
0x32: {  	s10 =	sld [smem:$0x3F51];
	_ =	sdelay $0x3  }
0x33: {  	p0 =	seq.s32 s10, $0x1;
	s10 =	sld [smem:$0x3F53];
	_ =	sdelay $0x3  }
0x34: {  	[smem:$0x3F53] =	sst s10  }
0x35: {  	s10 =	sld [smem:$0x3F52];
	_ =	sdelay $0x3  }
0x36: {  	p1 =	seq.s32 s10, $0x1;
	s10 =	sld [smem:$0x3F53];
	_ =	sdelay $0x3  }
0x37: {  	[smem:$0x3F53] =	sst s10  }
0x38: {  	s10 =	sld [smem:$0x3F54]  }
0x39: {  	_ = 	snop;
	(pc) =	sbr.ind lr, $3  }
0x3a: {  	_ = 	snop  }
0x3b: {  	_ = 	snop  }
0x3c: {  	p2 =	seq.s32 s10, $0x1;
	s10 =	sld [smem:$0x3F53]  }
0x3d: {  	_ =	shalt  }
0x3e: {  	_ =	shalt  }
0x3f: {  	_ =	shalt  }
0x40: {  	_ =	shalt  }
0x41: {  	_ =	shalt  }
0x42: {  	_ =	shalt  }
0x43: {  	_ =	shalt  }
0x44: {  	_ =	shalt  }
0x45: {  	_ =	shalt  }
0x46: {  	_ =	shalt  }
0x47: {  	_ =	shalt  }
0x48: {  	_ =	shalt  }
0x49: {  	_ =	shalt  }
0x4a: {  	_ =	shalt  }
0x4b: {  	_ =	shalt  }
0x4c: {  	_ =	shalt  }
0x4d: {  	_ =	shalt  }
0x4e: {  	_ =	shalt  }
0x4f: {  	_ =	shalt  }
0x50: {  	_ =	shalt  }
0x51: {  	_ =	shalt  }
0x52: {  	_ =	shalt  }
0x53: {  	_ =	shalt  }
0x54: {  	_ =	shalt  }
0x55: {  	_ =	shalt  }
0x56: {  	_ =	shalt  }
0x57: {  	_ =	shalt  }
0x58: {  	_ =	shalt  }
0x59: {  	_ =	shalt  }
0x5a: {  	_ =	shalt  }
0x5b: {  	_ =	shalt  }
0x5c: {  	_ =	shalt  }
0x5d: {  	_ =	shalt  }
0x5e: {  	_ =	shalt  }
0x5f: {  	_ =	shalt  }
0x60: {  	_ =	shalt  }
0x61: {  	_ =	shalt  }
0x62: {  	_ =	shalt  }
0x63: {  	_ =	shalt  }
0x64: {  	_ =	shalt  }
0x65: {  	_ =	shalt  }
0x66: {  	_ =	shalt  }
0x67: {  	_ =	shalt  }
0x68: {  	_ =	shalt  }
0x69: {  	_ =	shalt  }
0x6a: {  	_ =	shalt  }
0x6b: {  	_ =	shalt  }
0x6c: {  	_ =	shalt  }
0x6d: {  	_ =	shalt  }
0x6e: {  	_ =	shalt  }
0x6f: {  	_ =	shalt  }
0x70: {  	_ =	shalt  }
0x71: {  	_ =	shalt  }
0x72: {  	_ =	shalt  }
0x73: {  	_ =	shalt  }
0x74: {  	_ =	shalt  }
0x75: {  	_ =	shalt  }
0x76: {  	_ =	shalt  }
0x77: {  	_ =	shalt  }
0x78: {  	_ =	shalt  }
0x79: {  	_ =	shalt  }
0x7a: {  	_ =	shalt  }
0x7b: {  	_ =	shalt  }
0x7c: {  	_ =	shalt  }
0x7d: {  	_ =	shalt  }
0x7e: {  	_ =	shalt  }
0x7f: {  	_ =	shalt  }
0x80: {  	_ =	shalt  }
0x81: {  	_ =	shalt  }
0x82: {  	_ =	shalt  }
0x83: {  	_ =	shalt  }
0x84: {  	_ =	shalt  }
0x85: {  	_ =	shalt  }
0x86: {  	_ =	shalt  }
0x87: {  	_ =	shalt  }
.Lfunc_end0:
.L_simem_size_0:
called_computation.3_lowered:
.L_overlay_start_0:
0x88: {  	s2 =	sld [smem:$0x3FD9]  }
0x89: {  	s3 =	sld [smem:$0x3FFE];
	_ =	sdelay $0x1  }
0x8a: {  	s1 =	srdreg.scid  }
0x8b: {  	s0 =	sand.u32 $0x1, s1  }
0x8c: {  	s17 =	sshll.u32 s0, $0xA;
	s2 =	sadd.s32 s3, s2  }
0x8d: {  	s2 =	sadd.s32 s2, s17  }
0x8e: {  	[smem:$0x3F5F] =	sst s2  }
0x8f: {  	_ = 	snop  }
0x90: {  	s2 =	sld [smem:$0x3FD0];
	(tm) =	ssettm $0x1  }
0x91: {  	s18 =	sld [smem:$0x3FFB];
	_ =	sdelay $0x3  }
0x92: {  	_ =	strace s18  }
0x93: {  	s3 =	sld [smem:$0x3FFC];
	_ =	sdelay $0x3  }
0x94: {  	_ =	strace s3  }
0x95: {  	s3 =	sld [smem:$0x3FFD];
	_ =	sdelay $0x3  }
0x96: {  	_ =	strace s3  }
0x97: {  	_ =	strace $0x8FFFFFFF  }
0x98: {  	s19 =	sld [smem:$0x3FDB];
	_ =	sdelay $0x1  }
0x99: {  	s4 =	simm.s32 $_scs_section_size  }
0x9a: {  	s5 =	simm.s32 $_size__tile_overlayer_lowered;
	s6 =	simm.s32 $_tile_overlayer_lowered  }
0x9b: {  	s22 =	simm.s32 $0x1BFF;
	s21 =	sshll.u32 s6, $0x1;
	s3 =	sadd.s32 s4, s19  }
0x9c: {  	s7 =	simm.s32 $0x0;
	s20 =	sshll.u32 s5, $0x1;
	s5 =	sadd.s32 s21, s3  }
0x9d: {  	[timem:s7], [sflag:s22] =	dma.local [hbm:s5], s20  }
0x9e: {  	_ =	swait.ge [sflag:s22], s20  }
0x9f: {  	s4 =	ssub.s32 $0x0, s20;
	[sflag:s22] =	ssyncset.done $0x0  }
0xa0: {  	[sflag:s22] =	ssyncadd.s32 s4;
	_ =	sdelay $0x1  }
0xa1: {  	s23 =	simm.s32 $0x1B8B  }
0xa2: {  	_ =	swait.ge [sflag:s23], $0x1  }
0xa3: {  	[sflag:s23] =	ssyncset.done $0x0  }
0xa4: {  	s25 =	simm.s32 $0x1B8E;
	s24 =	sld [smem:$0x3FFE];
	[sflag:s23] =	ssyncadd.s32 $0xFFFFFFFF  }
0xa5: {  	s26 =	simm.s32 $execute0_lowered;
	[smem:$0x3FD2] =	sst s25  }
0xa6: {  	s5 =	sshll.u32 s26, $0x1;
	_ =	strace $0x8000004F;
	[dreg:$0x1] =	wrdreg $0xFFFFFFFF  }
0xa7: {  	s28 =	simm.s32 $_size_execute0_lowered;
	s3 =	sadd.s32 s3, s5;
	[dreg:$0x0] =	wrdreg $0x0  }
0xa8: {  	s5 =	sshll.u32 s28, $0x1;
	[dreg:$0x2] =	wrdreg s3  }
0xa9: {  	[dreg:$0x3] =	wrdreg s5  }
0xaa: {  	[dreg:$0x4] =	wrdreg $0xC0  }
0xab: {  	_ =	task [dreg:s7], $0x5FFFF  }
0xac: {  	[dreg:$0x1] =	wrdreg $0xFFFFFFFF  }
0xad: {  	[dreg:$0x0] =	wrdreg $0x60  }
0xae: {  	[dreg:$0x2] =	wrdreg s24  }
0xaf: {  	[dreg:$0x3] =	wrdreg s2  }
0xb0: {  	[dreg:$0x4] =	wrdreg $0x28800  }
0xb1: {  	[dreg:$0x5] =	wrdreg $0x9  }
0xb2: {  	_ =	task.clear_ibuf [dreg:s7], $0x6FFFF;
	_ =	strace $0x9000004F  }
0xb3: {  	s29 =	simm.s32 $0x9;
	_ =	strace $0x80000051  }
0xb4: {  	_ =	swait.ge [sflag:s29], $0x1  }
0xb5: {  	[sflag:s29] =	ssyncadd.s32 $0xFFFFFFFF  }
0xb6: {  	_ =	strace $0x90000051  }
0xb7: {  	_ =	sfence  }
0xb8: {  	s30 =	sld [smem:$0x0];
	_ =	sdelay $0x2  }
0xb9: {  	s31 =	sshll.u32 s1, $0xD;
	s1 =	sshrl.u32 s1, $0x2  }
0xba: {  	s3 =	sand.u32 $0x4000, s31;
	s1 =	sadd.s32 s1, s30  }
0xbb: {  	s0 =	sor.u32 s3, s0;
	s1 =	sshll.u32 s1, $0x11  }
0xbc: {  	s0 =	sor.u32 s1, s0  }
0xbd: {  	s0 =	sadd.s32 $0x8F2B, s0  }
0xbe: {  	[sflag:s0] =	ssyncadd.remote.s32 $0x1  }
0xbf: {  	_ =	sfence.sel $0xFFFF  }
0xc0: {  	[dreg:$0x0] =	wrdreg $0xFFFFFFFF;
	(pc) =	sbr.abs _section_cstart, $3  }
0xc1: {  	[dreg:$0x1] =	wrdreg $0xFFFFFFFF  }
0xc2: {  	_ =	task.clear_ibuf [dreg:s7], $0x2FFFF;
	_ =	strace $0x9FFFFFFF  }
0xc3: {  	(tm) =	ssettm $0x7FFFFFFF  }
tec
execute0_lowered:
.L_overlay_start_1:
0x0: {  	(tag) =	ssettag $0x1  }
0x1: {  	s5 =	rddreg [dreg:$0x0];
	s0 =	stileid.u32  }
0x2: {  	s1 =	srdreg.scid;
	s2 =	rddreg [dreg:$0x1]  }
0x3: {  	s3 =	rddreg [dreg:$0x2];
	s6 =	smul.u32 $0x4E200, s0  }
0x4: {  	s4 =	simm.s32 $0x0;
	s18 =	simm.s32 $0x1;
	s7 =	smul.u32 $0x4E20, s0  }
0x5: {  	s19 =	simm.s32 $0x50;
	s22 =	simm.s32 $0x0;
	s26 =	smul.u32 $0x14000, s0  }
0x6: {  	s10 =	sand.u32 $0x1, s1;
	s1 =	rddreg [dreg:$0x3];
	s11 =	smul.u32 $0x50000, s0  }
0x7: {  	[smem:$0x7FF] =	sst s4;
	s20 =	sshll.u32 s0, $0x6;
	s8 =	smul.u32 $0x2710, s10  }
0x8: {  	s9 =	smul.u32 $0x140000, s10;
	_ =	strace $0x80000050;
	s29 =	ssub.s32 $0x2, s10  }
0x9: {  	s17 =	smul.u32 $0x27100, s10;
	s20 =	sor.u32 $0x1C01, s20;
	s15 =	sadd.s32 s6, s5  }
0xa: {  	s30 =	sshrl.u32 s11, $0x2;
	s31 =	sshrl.u32 s29, $0x1;
	s7 =	sadd.s32 s8, s7  }
0xb: {  	s28 =	sadd.s32 s26, s9;
	s14 =	ssub.s32 s29, s31;
	s15 =	sadd.s32 s17, s15  }
0xc: {  	s17 =	simm.s32 $0x80;
	s7 =	sshrl.u32 s7, $0x3;
	s6 =	sshrl.u32 s28, $0x3  }
0xd: {  	s16 =	sadd.s32 s7, s5;
	s13 =	sadd.s32 s6, s5;
	s5 =	sadd.s32 s30, s3  }
0xe: {  	s14 =	smax.u32 s14, $0x1;
	s15 =	sadd.s32 $0xA64C00, s15;
	s6 =	sadd.s32 $0x2800, s5  }
0xf: {  	s7 =	sadd.s32 $0x5000, s5;
	s8 =	sadd.s32 $0x7800, s5;
	s9 =	sadd.s32 $0xA000, s5  }
0x10: {  	s10 =	sadd.s32 $0xC800, s5;
	s11 =	sadd.s32 $0xF000, s5;
	s12 =	sadd.s32 $0x11800, s5  }
0x11: {  	s13 =	sadd.s32 $0xA0C00, s13;
	s16 =	sadd.s32 $0x21800, s16;
	s21 =	sshrl.u32 s5, $0x3  }
.LBB2_1:
0x12: {  	[tilespmem:s17], [sflag:$0x1] =	stream.linear.gather [hbm4b:s2+s4], $0x2800, $0x38;
	[tilespmem:$0x16880] =	vst v63  }
0x13: {  	_ =	swait.ge [sflag:s18], $0x2800  }
0x14: {  	[sflag:s18] =	ssyncset.done $0x0  }
0x15: {  	[sflag:s18] =	ssyncadd.s32 $0xFFFFD800  }
0x16: {  	[spmem:s5] =	stream.linear.scatter [tilespmem:s17], [sflag:$0x1], $0x2800, $0x38;
	[tilespmem:$0x16880] =	vst v63  }
0x17: {  	_ =	swait.ge [sflag:s18], $0x2800  }
0x18: {  	[sflag:s18] =	ssyncset.done $0x0  }
0x19: {  	[sflag:s18] =	ssyncadd.s32 $0xFFFFD800  }
0x1a: {  	[spmem:s6] =	stream.linear.scatter [tilespmem:s17], [sflag:$0x1], $0x2800, $0x38;
	[tilespmem:$0x16880] =	vst v63  }
0x1b: {  	_ =	swait.ge [sflag:s18], $0x2800  }
0x1c: {  	[sflag:s18] =	ssyncset.done $0x0  }
0x1d: {  	[sflag:s18] =	ssyncadd.s32 $0xFFFFD800  }
0x1e: {  	[spmem:s7] =	stream.linear.scatter [tilespmem:s17], [sflag:$0x1], $0x2800, $0x38;
	[tilespmem:$0x16880] =	vst v63  }
0x1f: {  	_ =	swait.ge [sflag:s18], $0x2800  }
0x20: {  	[sflag:s18] =	ssyncset.done $0x0  }
0x21: {  	[sflag:s18] =	ssyncadd.s32 $0xFFFFD800  }
0x22: {  	[spmem:s8] =	stream.linear.scatter [tilespmem:s17], [sflag:$0x1], $0x2800, $0x38;
	[tilespmem:$0x16880] =	vst v63  }
0x23: {  	_ =	swait.ge [sflag:s18], $0x2800  }
0x24: {  	[sflag:s18] =	ssyncset.done $0x0  }
0x25: {  	[sflag:s18] =	ssyncadd.s32 $0xFFFFD800  }
0x26: {  	[spmem:s9] =	stream.linear.scatter [tilespmem:s17], [sflag:$0x1], $0x2800, $0x38;
	[tilespmem:$0x16880] =	vst v63  }
0x27: {  	_ =	swait.ge [sflag:s18], $0x2800  }
0x28: {  	[sflag:s18] =	ssyncset.done $0x0  }
0x29: {  	[sflag:s18] =	ssyncadd.s32 $0xFFFFD800  }
0x2a: {  	[spmem:s10] =	stream.linear.scatter [tilespmem:s17], [sflag:$0x1], $0x2800, $0x38;
	[tilespmem:$0x16880] =	vst v63  }
0x2b: {  	_ =	swait.ge [sflag:s18], $0x2800  }
0x2c: {  	[sflag:s18] =	ssyncset.done $0x0  }
0x2d: {  	[sflag:s18] =	ssyncadd.s32 $0xFFFFD800  }
0x2e: {  	[spmem:s11] =	stream.linear.scatter [tilespmem:s17], [sflag:$0x1], $0x2800, $0x38;
	[tilespmem:$0x16880] =	vst v63  }
0x2f: {  	_ =	swait.ge [sflag:s18], $0x2800  }
0x30: {  	[sflag:s18] =	ssyncset.done $0x0  }
0x31: {  	[sflag:s18] =	ssyncadd.s32 $0xFFFFD800  }
0x32: {  	[spmem:s12] =	stream.linear.scatter [tilespmem:s17], [sflag:$0x1], $0x2800, $0x38;
	[tilespmem:$0x16880] =	vst v63  }
0x33: {  	_ =	swait.ge [sflag:s18], $0x2800  }
0x34: {  	[sflag:s18] =	ssyncset.done $0x0  }
0x35: {  	[sflag:s18] =	ssyncadd.s32 $0xFFFFD800  }
0x36: {  	s23 =	sadd.s32 $0x0, s16;
	[bflag:$0x0] =	sbarrier.arrive $0xFFFF  }
0x37: {  	[tilespmem:s4], [sflag:$0x1] =	stream.linear.gather [hbm4b:s23+s4], $0x50, $0x38;
	[tilespmem:$0x16880] =	vst v63  }
0x38: {  	_ =	swait.ge [sflag:s18], $0x50  }
0x39: {  	[sflag:s18] =	ssyncset.done $0x0  }
0x3a: {  	[sflag:s18] =	ssyncadd.s32 $0xFFFFFFB0  }
0x3b: {  	[tilespmem:s17], [sflag:$0x1] =	stream.linear.gather [hbm4b:s15+s4], $0x2800, $0x38;
	[tilespmem:$0x16880] =	vst v63  }
0x3c: {  	_ =	swait.ge [sflag:s18], $0x2800  }
0x3d: {  	[sflag:s18] =	ssyncset.done $0x0  }
0x3e: {  	[sflag:s18] =	ssyncadd.s32 $0xFFFFD800  }
0x3f: {  	[spmem:s3] =	stream.indirect.scatter.add.f32 [tilespmem:s17], [sflag:$0x1], $0x80, s4, s19, $0xb8;
	[tilespmem:$0x16880] =	vst v63  }
0x40: {  	s24 =	simm.s32 $0xA;
	_ =	swait.ge [sflag:s18], $0x2800  }
0x41: {  	s25 =	simm.s32 $0x14;
	s23 =	sadd.s32 $0x500, s15;
	[sflag:s18] =	ssyncset.done $0x0  }
.LBB2_2:
0x42: {  	s26 =	sadd.s32 s24, s16  }
0x43: {  	[sflag:s18] =	ssyncadd.s32 $0xFFFFD800;
	s24 =	smov.u32 s25;
	s28 =	sadd.s32 $0xA, s25  }
0x44: {  	[tilespmem:s4], [sflag:$0x1] =	stream.linear.gather [hbm4b:s26+s4], $0x50, $0x38;
	[tilespmem:$0x16880] =	vst v63  }
0x45: {  	p0 =	sne.s32 s25, $0x4D8;
	_ =	swait.ge [sflag:s18], $0x50  }
0x46: {  	[sflag:s18] =	ssyncset.done $0x0  }
0x47: {  	[sflag:s18] =	ssyncadd.s32 $0xFFFFFFB0  }
0x48: {  	[tilespmem:s17], [sflag:$0x1] =	stream.linear.gather [hbm4b:s23+s4], $0x2800, $0x38;
	[tilespmem:$0x16880] =	vst v63  }
0x49: {  	_ =	swait.ge [sflag:s18], $0x2800  }
.Ltmp0:
0x4a: {  	[sflag:s18] =	ssyncset.done $0x0;
	(pc) =	sbr.rel @p0 .LBB2_2-.Ltmp0, $4  }
0x4b: {  	[sflag:s18] =	ssyncadd.s32 $0xFFFFD800  }
0x4c: {  	[spmem:s3] =	stream.indirect.scatter.add.f32 [tilespmem:s17], [sflag:$0x1], $0x80, s4, s19, $0xb8;
	[tilespmem:$0x16880] =	vst v63  }
0x4d: {  	_ =	swait.ge [sflag:s18], $0x2800  }
0x4e: {  	s25 =	smov.u32 s28;
	s23 =	sadd.s32 $0x500, s23;
	[sflag:s18] =	ssyncset.done $0x0  }
0x4f: {  	s24 =	sadd.s32 s24, s16;
	[sflag:s18] =	ssyncadd.s32 $0xFFFFD800  }
0x50: {  	[tilespmem:s4], [sflag:$0x1] =	stream.linear.gather [hbm4b:s24+s4], $0x50, $0x38;
	[tilespmem:$0x16880] =	vst v63  }
0x51: {  	_ =	swait.ge [sflag:s18], $0x50  }
0x52: {  	[sflag:s18] =	ssyncset.done $0x0  }
0x53: {  	[sflag:s18] =	ssyncadd.s32 $0xFFFFFFB0  }
0x54: {  	[tilespmem:s17], [sflag:$0x1] =	stream.linear.gather [hbm4b:s23+s4], $0x2800, $0x38;
	[tilespmem:$0x16880] =	vst v63  }
0x55: {  	_ =	swait.ge [sflag:s18], $0x2800  }
0x56: {  	[sflag:s18] =	ssyncset.done $0x0  }
0x57: {  	[sflag:s18] =	ssyncadd.s32 $0xFFFFD800  }
0x58: {  	[spmem:s3] =	stream.indirect.scatter.add.f32 [tilespmem:s17], [sflag:$0x1], $0x80, s4, s19, $0xb8;
	[tilespmem:$0x16880] =	vst v63  }
0x59: {  	_ =	swait.ge [sflag:s18], $0x2800  }
0x5a: {  	s22 =	sadd.s32 $0x1, s22;
	[sflag:s18] =	ssyncset.done $0x0  }
0x5b: {  	p0 =	sne.s32 s22, s14;
	[sflag:s18] =	ssyncadd.s32 $0xFFFFD800  }
.Ltmp1:
0x5c: {  	[bflag:$0x0] =	sbarrier.arrive $0xFFFF;
	(pc) =	sbr.rel @p0 .LBB2_1-.Ltmp1, $4  }
0x5d: {  	[hbm:s13], [sflag:s20] =	dma.local [spmem:s21], $0x2800  }
0x5e: {  	_ =	swait.ge [sflag:s18], $0x2800  }
0x5f: {  	[sflag:s18] =	ssyncset.done $0x0  }
0x60: {  	[sflag:s18] =	ssyncadd.s32 $0xFFFFD800  }
0x61: {  	_ =	sfence.sel $0x180000  }
0x62: {  	[bflag:$0x0] =	sbarrier.arrive $0xFFFF  }
0x63: {  	p0 =	sne.s32 s0, $0x0;
	_ =	strace $0x90000050  }
0x64: {  	s0 =	sadd.s32 @!p0 $0x100000, s1;
	[bflag:$0x2] =	sbarrier.arrive $0xFFFF  }
0x65: {  	[sflag:s0] =	ssyncadd.tile.s32 @!p0 $0x1;
	_ =	shalt  }
.Lfunc_end2:
_tile_overlayer_lowered:
.L_overlay_start_2:
0x66: {  	(tag) =	ssettag $0x2  }
0x67: {  	s0 =	rddreg [dreg:$0x0];
	s2 =	stileid.u32  }
0x68: {  	s1 =	rddreg [dreg:$0x1];
	p0 =	sne.s32 s2, $0x0  }
0x69: {  	s3 =	rddreg [dreg:$0x2];
	[bflag:$0x3] =	sbarrier.arrive $0xFFFF;
	s2 =	simm.s32 @!p0 $0x1C01  }
0x6a: {  	[timem:s3], [sflag:s2] =	dma.local @!p0 [hbm:s0], s1  }
0x6b: {  	s0 =	simm.s32 @!p0 $0x1  }
0x6c: {  	_ =	swait.ge @!p0 [sflag:s0], s1  }
0x6d: {  	s1 =	ssub.s32 @!p0 $0x0, s1;
	[sflag:s0] =	ssyncset.done @!p0 $0x0  }
0x6e: {  	[sflag:s0] =	ssyncadd.s32 @!p0 s1  }
0x6f: {  	[bflag:$0x3] =	sbarrier.arrive $0xFFFF  }
0x70: {  	_ =	shalt  }

// kernel: kernel.37.cloned.1.call-start
scs
__scs_entry_jumppad:
0x0: {  	(pc) =	sbr.rel $0x88, $3  }
0x1: {  	(tag) =	ssettag $0x0;
	lr =	simm.s32 $0x1  }
0x2: {  	[smem:$0x3F38] =	sst lr;
	_ =	strace $0xD0000000  }
0x3: {  	_ = 	snop  }
0x4: {  	_ = 	snop  }
0x5: {  	_ = 	snop  }
0x6: {  	_ = 	snop  }
0x7: {  	_ = 	snop  }
__scs_overlays_trampoline_lowered:
0x8: {  	[smem:$0x3F47] =	sst s0  }
0x9: {  	[smem:$0x3F48] =	sst s1  }
0xa: {  	[smem:$0x3F49] =	sst s2  }
0xb: {  	[smem:$0x3F4A] =	sst s3  }
0xc: {  	[smem:$0x3F4B] =	sst s4  }
0xd: {  	[smem:$0x3F4C] =	sst s5  }
0xe: {  	[smem:$0x3F4D] =	sst s6  }
0xf: {  	[smem:$0x3F4E] =	sst s7  }
0x10: {  	[smem:$0x3F4F] =	sst s8  }
0x11: {  	[smem:$0x3F50] =	sst s9;
	s0 =	simm.s32 @!p0 $0x0  }
0x12: {  	s1 =	sld [smem:$0x3F36];
	s0 =	simm.s32 @p0 $0x1  }
0x13: {  	[smem:$0x3F51] =	sst s0;
	s0 =	simm.s32 @!p1 $0x0  }
0x14: {  	s2 =	sld [smem:$0x3F35];
	s0 =	simm.s32 @p1 $0x1  }
0x15: {  	[smem:$0x3F52] =	sst s0;
	s0 =	simm.s32 @!p2 $0x0  }
0x16: {  	s3 =	sld [smem:$0x3FDB];
	s0 =	simm.s32 @p2 $0x1  }
0x17: {  	s4 =	simm.s32 $0x1BF5;
	[smem:$0x3F54] =	sst s0  }
0x18: {  	s0 =	sld [smem:$0x3F37];
	_ =	swait.ge [sflag:s4], $0x0  }
0x19: {  	s7 =	sld [smem:$0x3F38]  }
0x1a: {  	s8 =	sadd.s32 $0xFFFFE003, lr  }
0x1b: {  	s9 =	sadd.s32 $0xFFFFFEF7, lr;
	s5 =	simm.s32 $0xFFFFFFFF;
	p2 =	slt.u32 s8, $0xFFFFF086  }
0x1c: {  	p1 =	slt.u32 s9, $0xF7A;
	s5 =	simm.s32 @!p2 $0x0  }
0x1d: {  	s5 =	simm.s32 @p1 $0x1;
	p0 =	seq.s32 s7, s2  }
0x1e: {  	s7 =	smul.u32 @!p0 $0xF7A, s2;
	p2 =	seq.s32 @!p0 s5, $0x0  }
0x1f: {  	s9 =	smul.u32 $0xF7A, s1;
	s8 =	simm.s32 @!p0 $0x1BF5;
	p2 =	por !p2, p0  }
0x20: {  	[sflag:s8] =	ssyncset.s32 @!p0 $0xFFFFF086;
	s6 =	sadd.s32 @!p0 s3, s7;
	s7 =	simm.s32 @!p0 $0x108  }
0x21: {  	s3 =	sadd.s32 s3, s9;
	s6 =	sadd.s32 @!p0 $0x88, s6;
	s7 =	simm.s32 @p2 $0x1082  }
0x22: {  	[simem:s7], [sflag:s8] =	dma.local @!p0 [hbm:s6], $0xF7A  }
0x23: {  	s9 =	sor.u32 $0xD0000000, s2;
	s6 =	simm.s32 $0x108;
	_ =	swait.ge @!p0 [sflag:s8], $0x0  }
0x24: {  	s3 =	sadd.s32 $0x88, s3;
	s6 =	simm.s32 @!p1 $0x1082;
	[sflag:s4] =	ssyncset.s32 $0xFFFFF086  }
0x25: {  	[simem:s6], [sflag:s4] =	dma.local [hbm:s3], $0xF7A  }
0x26: {  	[smem:$0x3F38] =	sst s1;
	(tag) =	ssettag s2;
	_ =	strace s9  }
0x27: {  	s1 =	sld [smem:$0x3F48]  }
0x28: {  	s2 =	sld [smem:$0x3F49]  }
0x29: {  	s4 =	sld [smem:$0x3F4B]  }
0x2a: {  	p0 =	seq.s32 s5, $0x0;
	s5 =	sld [smem:$0x3F4C]  }
0x2b: {  	s6 =	sld [smem:$0x3F4D]  }
0x2c: {  	s7 =	sld [smem:$0x3F4E]  }
0x2d: {  	s3 =	simm.s32 $0x108;
	s8 =	sld [smem:$0x3F4F]  }
0x2e: {  	s3 =	simm.s32 @!p0 $0x1082;
	s9 =	sld [smem:$0x3F50]  }
0x2f: {  	lr =	sadd.s32 s0, s3;
	s0 =	sld [smem:$0x3F47]  }
0x30: {  	s3 =	sld [smem:$0x3F4A]  }
0x31: {  	[smem:$0x3F53] =	sst s10  }
0x32: {  	s10 =	sld [smem:$0x3F51];
	_ =	sdelay $0x3  }
0x33: {  	p0 =	seq.s32 s10, $0x1;
	s10 =	sld [smem:$0x3F53];
	_ =	sdelay $0x3  }
0x34: {  	[smem:$0x3F53] =	sst s10  }
0x35: {  	s10 =	sld [smem:$0x3F52];
	_ =	sdelay $0x3  }
0x36: {  	p1 =	seq.s32 s10, $0x1;
	s10 =	sld [smem:$0x3F53];
	_ =	sdelay $0x3  }
0x37: {  	[smem:$0x3F53] =	sst s10  }
0x38: {  	s10 =	sld [smem:$0x3F54]  }
0x39: {  	_ = 	snop;
	(pc) =	sbr.ind lr, $3  }
0x3a: {  	_ = 	snop  }
0x3b: {  	_ = 	snop  }
0x3c: {  	p2 =	seq.s32 s10, $0x1;
	s10 =	sld [smem:$0x3F53]  }
0x3d: {  	_ =	shalt  }
0x3e: {  	_ =	shalt  }
0x3f: {  	_ =	shalt  }
0x40: {  	_ =	shalt  }
0x41: {  	_ =	shalt  }
0x42: {  	_ =	shalt  }
0x43: {  	_ =	shalt  }
0x44: {  	_ =	shalt  }
0x45: {  	_ =	shalt  }
0x46: {  	_ =	shalt  }
0x47: {  	_ =	shalt  }
0x48: {  	_ =	shalt  }
0x49: {  	_ =	shalt  }
0x4a: {  	_ =	shalt  }
0x4b: {  	_ =	shalt  }
0x4c: {  	_ =	shalt  }
0x4d: {  	_ =	shalt  }
0x4e: {  	_ =	shalt  }
0x4f: {  	_ =	shalt  }
0x50: {  	_ =	shalt  }
0x51: {  	_ =	shalt  }
0x52: {  	_ =	shalt  }
0x53: {  	_ =	shalt  }
0x54: {  	_ =	shalt  }
0x55: {  	_ =	shalt  }
0x56: {  	_ =	shalt  }
0x57: {  	_ =	shalt  }
0x58: {  	_ =	shalt  }
0x59: {  	_ =	shalt  }
0x5a: {  	_ =	shalt  }
0x5b: {  	_ =	shalt  }
0x5c: {  	_ =	shalt  }
0x5d: {  	_ =	shalt  }
0x5e: {  	_ =	shalt  }
0x5f: {  	_ =	shalt  }
0x60: {  	_ =	shalt  }
0x61: {  	_ =	shalt  }
0x62: {  	_ =	shalt  }
0x63: {  	_ =	shalt  }
0x64: {  	_ =	shalt  }
0x65: {  	_ =	shalt  }
0x66: {  	_ =	shalt  }
0x67: {  	_ =	shalt  }
0x68: {  	_ =	shalt  }
0x69: {  	_ =	shalt  }
0x6a: {  	_ =	shalt  }
0x6b: {  	_ =	shalt  }
0x6c: {  	_ =	shalt  }
0x6d: {  	_ =	shalt  }
0x6e: {  	_ =	shalt  }
0x6f: {  	_ =	shalt  }
0x70: {  	_ =	shalt  }
0x71: {  	_ =	shalt  }
0x72: {  	_ =	shalt  }
0x73: {  	_ =	shalt  }
0x74: {  	_ =	shalt  }
0x75: {  	_ =	shalt  }
0x76: {  	_ =	shalt  }
0x77: {  	_ =	shalt  }
0x78: {  	_ =	shalt  }
0x79: {  	_ =	shalt  }
0x7a: {  	_ =	shalt  }
0x7b: {  	_ =	shalt  }
0x7c: {  	_ =	shalt  }
0x7d: {  	_ =	shalt  }
0x7e: {  	_ =	shalt  }
0x7f: {  	_ =	shalt  }
0x80: {  	_ =	shalt  }
0x81: {  	_ =	shalt  }
0x82: {  	_ =	shalt  }
0x83: {  	_ =	shalt  }
0x84: {  	_ =	shalt  }
0x85: {  	_ =	shalt  }
0x86: {  	_ =	shalt  }
0x87: {  	_ =	shalt  }
.Lfunc_end0:
.L_simem_size_0:
called_computation.4_lowered:
.L_overlay_start_0:
0x88: {  	s2 =	sld [smem:$0x3FD9]  }
0x89: {  	s3 =	sld [smem:$0x3FFE];
	_ =	sdelay $0x1  }
0x8a: {  	s1 =	srdreg.scid  }
0x8b: {  	s0 =	sand.u32 $0x1, s1  }
0x8c: {  	s16 =	sshll.u32 s0, $0xA;
	s2 =	sadd.s32 s3, s2  }
0x8d: {  	s2 =	sadd.s32 s2, s16  }
0x8e: {  	[smem:$0x3F5F] =	sst s2  }
0x8f: {  	_ = 	snop  }
0x90: {  	(tm) =	ssettm $0x1  }
0x91: {  	s17 =	sld [smem:$0x3FFB];
	_ =	sdelay $0x3  }
0x92: {  	_ =	strace s17  }
0x93: {  	s2 =	sld [smem:$0x3FFC];
	_ =	sdelay $0x3  }
0x94: {  	_ =	strace s2  }
0x95: {  	s2 =	sld [smem:$0x3FFD];
	_ =	sdelay $0x3  }
0x96: {  	_ =	strace s2  }
0x97: {  	_ =	strace $0x8FFFFFFF  }
0x98: {  	s18 =	sld [smem:$0x3FDB];
	_ =	sdelay $0x1  }
0x99: {  	s19 =	simm.s32 $_scs_section_size  }
0x9a: {  	s4 =	simm.s32 $_size__tile_overlayer_lowered;
	s5 =	simm.s32 $_tile_overlayer_lowered  }
0x9b: {  	s22 =	simm.s32 $0x1BFF;
	s21 =	sshll.u32 s5, $0x1;
	s2 =	sadd.s32 s19, s18  }
0x9c: {  	s6 =	simm.s32 $0x0;
	s20 =	sshll.u32 s4, $0x1;
	s4 =	sadd.s32 s21, s2  }
0x9d: {  	[timem:s6], [sflag:s22] =	dma.local [hbm:s4], s20  }
0x9e: {  	_ =	swait.ge [sflag:s22], s20  }
0x9f: {  	s3 =	ssub.s32 $0x0, s20;
	[sflag:s22] =	ssyncset.done $0x0  }
0xa0: {  	[sflag:s22] =	ssyncadd.s32 s3;
	_ =	sdelay $0x1  }
0xa1: {  	s23 =	simm.s32 $0x1B8B  }
0xa2: {  	_ =	swait.ge [sflag:s23], $0x1  }
0xa3: {  	[sflag:s23] =	ssyncset.done $0x0  }
0xa4: {  	s25 =	simm.s32 $0x1B8E;
	s24 =	sld [smem:$0x3FFE];
	[sflag:s23] =	ssyncadd.s32 $0xFFFFFFFF  }
0xa5: {  	s26 =	simm.s32 $execute0_lowered;
	[smem:$0x3FD2] =	sst s25  }
0xa6: {  	s4 =	sshll.u32 s26, $0x1;
	_ =	strace $0x80000052;
	[dreg:$0x1] =	wrdreg $0xFFFFFFFF  }
0xa7: {  	s28 =	simm.s32 $_size_execute0_lowered;
	s2 =	sadd.s32 s2, s4;
	[dreg:$0x0] =	wrdreg $0x0  }
0xa8: {  	s4 =	sshll.u32 s28, $0x1;
	[dreg:$0x2] =	wrdreg s2  }
0xa9: {  	[dreg:$0x3] =	wrdreg s4  }
0xaa: {  	[dreg:$0x4] =	wrdreg $0xC0  }
0xab: {  	_ =	task [dreg:s6], $0x5FFFF  }
0xac: {  	[dreg:$0x1] =	wrdreg $0xFFFFFFFF  }
0xad: {  	[dreg:$0x0] =	wrdreg $0x60  }
0xae: {  	[dreg:$0x2] =	wrdreg s24  }
0xaf: {  	[dreg:$0x3] =	wrdreg $0x9  }
0xb0: {  	_ =	task.clear_ibuf [dreg:s6], $0x4FFFF;
	_ =	strace $0x90000052  }
0xb1: {  	s29 =	simm.s32 $0x9;
	_ =	strace $0x80000054  }
0xb2: {  	_ =	swait.ge [sflag:s29], $0x1  }
0xb3: {  	[sflag:s29] =	ssyncadd.s32 $0xFFFFFFFF  }
0xb4: {  	_ =	strace $0x90000054  }
0xb5: {  	_ =	sfence  }
0xb6: {  	s30 =	sld [smem:$0x0];
	_ =	sdelay $0x2  }
0xb7: {  	s31 =	sshll.u32 s1, $0xD;
	s1 =	sshrl.u32 s1, $0x2  }
0xb8: {  	s3 =	sand.u32 $0x4000, s31;
	s1 =	sadd.s32 s1, s30  }
0xb9: {  	s0 =	sor.u32 s3, s0;
	s1 =	sshll.u32 s1, $0x11  }
0xba: {  	s0 =	sor.u32 s1, s0  }
0xbb: {  	s0 =	sadd.s32 $0x8F2B, s0  }
0xbc: {  	[sflag:s0] =	ssyncadd.remote.s32 $0x1  }
0xbd: {  	_ =	sfence.sel $0xFFFF  }
0xbe: {  	[dreg:$0x0] =	wrdreg $0xFFFFFFFF;
	(pc) =	sbr.abs _section_cstart, $3  }
0xbf: {  	[dreg:$0x1] =	wrdreg $0xFFFFFFFF  }
0xc0: {  	_ =	task.clear_ibuf [dreg:s6], $0x2FFFF;
	_ =	strace $0x9FFFFFFF  }
0xc1: {  	(tm) =	ssettm $0x7FFFFFFF  }
tec
execute0_lowered:
.L_overlay_start_1:
0x0: {  	(tag) =	ssettag $0x1  }
0x1: {  	s5 =	rddreg [dreg:$0x0]  }
0x2: {  	s0 =	rddreg [dreg:$0x1]  }
0x3: {  	s3 =	srdreg.scid;
	s1 =	stileid.u32;
	s2 =	simm.s32 $0x0  }
0x4: {  	s11 =	simm.s32 $0x2780;
	s12 =	simm.s32 $0x50;
	s13 =	simm.s32 $0x4F00  }
0x5: {  	s14 =	simm.s32 $0x7700;
	s15 =	simm.s32 $0x1;
	s16 =	simm.s32 $0x2  }
0x6: {  	s17 =	simm.s32 $0x0;
	s6 =	sand.u32 $0x1, s3;
	s30 =	sshll.u32 s1, $0x1  }
0x7: {  	[smem:$0x7FF] =	sst s2;
	s8 =	smul.u32 $0x4E200, s1;
	s3 =	sor.u32 s6, s30  }
0x8: {  	s4 =	sadd.s32 $0x52800, s5;
	_ =	strace $0x80000053;
	s7 =	smul.u32 $0x2710, s3  }
0x9: {  	s9 =	ssub.s32 $0x2, s6;
	s6 =	smul.u32 $0x27100, s6;
	s3 =	sadd.s32 $0x2B600, s5  }
0xa: {  	s8 =	sadd.s32 s8, s5;
	s31 =	sshrl.u32 s9, $0x1;
	s7 =	sshrl.u32 s7, $0x3  }
0xb: {  	s9 =	ssub.s32 s9, s31;
	s10 =	sadd.s32 s6, s8;
	s7 =	sadd.s32 s7, s5  }
0xc: {  	s8 =	sadd.s32 $0xA0C00, s10;
	s5 =	sadd.s32 $0x21800, s7;
	s6 =	sadd.s32 $0x17A00, s7  }
0xd: {  	s7 =	smax.u32 s9, $0x1;
	s9 =	sadd.s32 $0x582C00, s10;
	s10 =	simm.s32 $0x3  }
.LBB2_1:
0xe: {  	[tilespmem:s2], [sflag:$0x3] =	stream.linear.gather [hbm4b:s5+s2], $0x2710, $0x38;
	[tilespmem:$0x9F00] =	vst v63  }
0xf: {  	_ =	swait.ge [sflag:s10], $0x2710  }
0x10: {  	[sflag:s10] =	ssyncset.done $0x0  }
0x11: {  	[sflag:s10] =	ssyncadd.s32 $0xFFFFD8F0  }
0x12: {  	[tilespmem:s11], [sflag:$0x3] =	stream.linear.gather [hbm4b:s6+s2], $0x2710, $0x38;
	[tilespmem:$0x9F00] =	vst v63  }
0x13: {  	_ =	swait.ge [sflag:s10], $0x2710  }
0x14: {  	[sflag:s10] =	ssyncset.done $0x0  }
0x15: {  	s18 =	simm.s32 $0x0;
	[sflag:s10] =	ssyncadd.s32 $0xFFFFD8F0  }
0x16: {  	[tilespmem:s13], [sflag:$0x1] =	stream.indirect.gather [hbm4b:s3+s12], $0x80, s18, s12, $0xb8;
	[tilespmem:$0x9F00] =	vst v63  }
0x17: {  	s31 =	simm.s32 $0x2780  }
0x18: {  	[tilespmem:s14], [sflag:$0x2] =	stream.indirect.gather [hbm4b:s4+s12], $0x80, s31, s12, $0xb8;
	[tilespmem:$0x9F00] =	vst v63  }
0x19: {  	_ =	swait.ge [sflag:s15], $0x2800  }
0x1a: {  	[sflag:s15] =	ssyncset.done $0x0  }
0x1b: {  	[sflag:s15] =	ssyncadd.s32 $0xFFFFD800  }
0x1c: {  	_ =	swait.ge [sflag:s16], $0x2800  }
0x1d: {  	[sflag:s16] =	ssyncset.done $0x0  }
0x1e: {  	[sflag:s16] =	ssyncadd.s32 $0xFFFFD800  }
0x1f: {  	[hbm4b:s8+s2] =	stream.linear.scatter [tilespmem:s13], [sflag:$0x3], $0x2800, $0x38;
	[tilespmem:$0x9F00] =	vst v63  }
0x20: {  	_ =	swait.ge [sflag:s10], $0x2800  }
0x21: {  	[sflag:s10] =	ssyncset.done $0x0  }
0x22: {  	[sflag:s10] =	ssyncadd.s32 $0xFFFFD800  }
0x23: {  	[hbm4b:s9+s2] =	stream.linear.scatter [tilespmem:s14], [sflag:$0x3], $0x2800, $0x38;
	[tilespmem:$0x9F00] =	vst v63  }
0x24: {  	s20 =	simm.s32 $0x140;
	s21 =	simm.s32 $0x280;
	_ =	swait.ge [sflag:s10], $0x2800  }
0x25: {  	s19 =	sadd.s32 $0x500, s8;
	s18 =	sadd.s32 $0x500, s9;
	[sflag:s10] =	ssyncset.done $0x0  }
.LBB2_2:
0x26: {  	s22 =	sshra.s32 s20, $0x2  }
0x27: {  	[sflag:s10] =	ssyncadd.s32 $0xFFFFD800;
	s20 =	smov.u32 s21;
	s23 =	sadd.s32 $0x140, s21  }
0x28: {  	[tilespmem:s13], [sflag:$0x1] =	stream.indirect.gather [hbm4b:s3+s12], $0x80, s22, s12, $0xb8;
	[tilespmem:$0x9F00] =	vst v63  }
0x29: {  	p0 =	sne.s32 s21, $0x9B00;
	s21 =	sadd.s32 $0x2780, s22  }
0x2a: {  	[tilespmem:s14], [sflag:$0x2] =	stream.indirect.gather [hbm4b:s4+s12], $0x80, s21, s12, $0xb8;
	[tilespmem:$0x9F00] =	vst v63  }
0x2b: {  	_ =	swait.ge [sflag:s15], $0x2800  }
0x2c: {  	[sflag:s15] =	ssyncset.done $0x0  }
0x2d: {  	[sflag:s15] =	ssyncadd.s32 $0xFFFFD800  }
0x2e: {  	_ =	swait.ge [sflag:s16], $0x2800  }
0x2f: {  	[sflag:s16] =	ssyncset.done $0x0  }
0x30: {  	[sflag:s16] =	ssyncadd.s32 $0xFFFFD800  }
0x31: {  	[hbm4b:s19+s2] =	stream.linear.scatter [tilespmem:s13], [sflag:$0x3], $0x2800, $0x38;
	[tilespmem:$0x9F00] =	vst v63  }
0x32: {  	_ =	swait.ge [sflag:s10], $0x2800  }
.Ltmp0:
0x33: {  	[sflag:s10] =	ssyncset.done $0x0;
	(pc) =	sbr.rel @p0 .LBB2_2-.Ltmp0, $4  }
0x34: {  	[sflag:s10] =	ssyncadd.s32 $0xFFFFD800  }
0x35: {  	[hbm4b:s18+s2] =	stream.linear.scatter [tilespmem:s14], [sflag:$0x3], $0x2800, $0x38;
	[tilespmem:$0x9F00] =	vst v63  }
0x36: {  	s21 =	smov.u32 s23;
	_ =	swait.ge [sflag:s10], $0x2800  }
0x37: {  	s19 =	sadd.s32 $0x500, s19;
	s18 =	sadd.s32 $0x500, s18;
	[sflag:s10] =	ssyncset.done $0x0  }
0x38: {  	s20 =	sshra.s32 s20, $0x2;
	[sflag:s10] =	ssyncadd.s32 $0xFFFFD800  }
0x39: {  	[tilespmem:s13], [sflag:$0x1] =	stream.indirect.gather [hbm4b:s3+s12], $0x80, s20, s12, $0xb8;
	[tilespmem:$0x9F00] =	vst v63  }
0x3a: {  	s20 =	sadd.s32 $0x2780, s20  }
0x3b: {  	[tilespmem:s14], [sflag:$0x2] =	stream.indirect.gather [hbm4b:s4+s12], $0x80, s20, s12, $0xb8;
	[tilespmem:$0x9F00] =	vst v63  }
0x3c: {  	_ =	swait.ge [sflag:s15], $0x2800  }
0x3d: {  	[sflag:s15] =	ssyncset.done $0x0  }
0x3e: {  	[sflag:s15] =	ssyncadd.s32 $0xFFFFD800  }
0x3f: {  	_ =	swait.ge [sflag:s16], $0x2800  }
0x40: {  	[sflag:s16] =	ssyncset.done $0x0  }
0x41: {  	[sflag:s16] =	ssyncadd.s32 $0xFFFFD800  }
0x42: {  	[hbm4b:s19+s2] =	stream.linear.scatter [tilespmem:s13], [sflag:$0x3], $0x2800, $0x38;
	[tilespmem:$0x9F00] =	vst v63  }
0x43: {  	s17 =	sadd.s32 $0x1, s17;
	_ =	swait.ge [sflag:s10], $0x2800  }
0x44: {  	p0 =	sne.s32 s17, s7;
	[sflag:s10] =	ssyncset.done $0x0  }
.Ltmp1:
0x45: {  	[sflag:s10] =	ssyncadd.s32 $0xFFFFD800;
	(pc) =	sbr.rel @p0 .LBB2_1-.Ltmp1, $4  }
0x46: {  	[hbm4b:s18+s2] =	stream.linear.scatter [tilespmem:s14], [sflag:$0x3], $0x2800, $0x38;
	[tilespmem:$0x9F00] =	vst v63  }
0x47: {  	_ =	swait.ge [sflag:s10], $0x2800  }
0x48: {  	[sflag:s10] =	ssyncset.done $0x0  }
0x49: {  	[sflag:s10] =	ssyncadd.s32 $0xFFFFD800  }
0x4a: {  	_ =	sfence.sel $0x180000  }
0x4b: {  	[bflag:$0x0] =	sbarrier.arrive $0xFFFF  }
0x4c: {  	p0 =	sne.s32 s1, $0x0;
	_ =	strace $0x90000053  }
0x4d: {  	s0 =	sadd.s32 @!p0 $0x100000, s0;
	[bflag:$0x2] =	sbarrier.arrive $0xFFFF  }
0x4e: {  	[sflag:s0] =	ssyncadd.tile.s32 @!p0 $0x1;
	_ =	shalt  }
.Lfunc_end2:
_tile_overlayer_lowered:
.L_overlay_start_2:
0x4f: {  	(tag) =	ssettag $0x2  }
0x50: {  	s0 =	rddreg [dreg:$0x0];
	s2 =	stileid.u32  }
0x51: {  	s1 =	rddreg [dreg:$0x1];
	p0 =	sne.s32 s2, $0x0  }
0x52: {  	s3 =	rddreg [dreg:$0x2];
	[bflag:$0x3] =	sbarrier.arrive $0xFFFF;
	s2 =	simm.s32 @!p0 $0x1C03  }
0x53: {  	[timem:s3], [sflag:s2] =	dma.local @!p0 [hbm:s0], s1  }
0x54: {  	s0 =	simm.s32 @!p0 $0x3  }
0x55: {  	_ =	swait.ge @!p0 [sflag:s0], s1  }
0x56: {  	s1 =	ssub.s32 @!p0 $0x0, s1;
	[sflag:s0] =	ssyncset.done @!p0 $0x0  }
0x57: {  	[sflag:s0] =	ssyncadd.s32 @!p0 s1  }
0x58: {  	[bflag:$0x3] =	sbarrier.arrive $0xFFFF  }
0x59: {  	_ =	shalt  }

// kernel: kernel.40.cloned.1.call-start
scs
__scs_entry_jumppad:
0x0: {  	(pc) =	sbr.rel $0x88, $3  }
0x1: {  	(tag) =	ssettag $0x0;
	lr =	simm.s32 $0x1  }
0x2: {  	[smem:$0x3F38] =	sst lr;
	_ =	strace $0xD0000000  }
0x3: {  	_ = 	snop  }
0x4: {  	_ = 	snop  }
0x5: {  	_ = 	snop  }
0x6: {  	_ = 	snop  }
0x7: {  	_ = 	snop  }
__scs_overlays_trampoline_lowered:
0x8: {  	[smem:$0x3F47] =	sst s0  }
0x9: {  	[smem:$0x3F48] =	sst s1  }
0xa: {  	[smem:$0x3F49] =	sst s2  }
0xb: {  	[smem:$0x3F4A] =	sst s3  }
0xc: {  	[smem:$0x3F4B] =	sst s4  }
0xd: {  	[smem:$0x3F4C] =	sst s5  }
0xe: {  	[smem:$0x3F4D] =	sst s6  }
0xf: {  	[smem:$0x3F4E] =	sst s7  }
0x10: {  	[smem:$0x3F4F] =	sst s8  }
0x11: {  	[smem:$0x3F50] =	sst s9;
	s0 =	simm.s32 @!p0 $0x0  }
0x12: {  	s1 =	sld [smem:$0x3F36];
	s0 =	simm.s32 @p0 $0x1  }
0x13: {  	[smem:$0x3F51] =	sst s0;
	s0 =	simm.s32 @!p1 $0x0  }
0x14: {  	s2 =	sld [smem:$0x3F35];
	s0 =	simm.s32 @p1 $0x1  }
0x15: {  	[smem:$0x3F52] =	sst s0;
	s0 =	simm.s32 @!p2 $0x0  }
0x16: {  	s3 =	sld [smem:$0x3FDB];
	s0 =	simm.s32 @p2 $0x1  }
0x17: {  	s4 =	simm.s32 $0x1BF5;
	[smem:$0x3F54] =	sst s0  }
0x18: {  	s0 =	sld [smem:$0x3F37];
	_ =	swait.ge [sflag:s4], $0x0  }
0x19: {  	s7 =	sld [smem:$0x3F38]  }
0x1a: {  	s8 =	sadd.s32 $0xFFFFE003, lr  }
0x1b: {  	s9 =	sadd.s32 $0xFFFFFEF7, lr;
	s5 =	simm.s32 $0xFFFFFFFF;
	p2 =	slt.u32 s8, $0xFFFFF086  }
0x1c: {  	p1 =	slt.u32 s9, $0xF7A;
	s5 =	simm.s32 @!p2 $0x0  }
0x1d: {  	s5 =	simm.s32 @p1 $0x1;
	p0 =	seq.s32 s7, s2  }
0x1e: {  	s7 =	smul.u32 @!p0 $0xF7A, s2;
	p2 =	seq.s32 @!p0 s5, $0x0  }
0x1f: {  	s9 =	smul.u32 $0xF7A, s1;
	s8 =	simm.s32 @!p0 $0x1BF5;
	p2 =	por !p2, p0  }
0x20: {  	[sflag:s8] =	ssyncset.s32 @!p0 $0xFFFFF086;
	s6 =	sadd.s32 @!p0 s3, s7;
	s7 =	simm.s32 @!p0 $0x108  }
0x21: {  	s3 =	sadd.s32 s3, s9;
	s6 =	sadd.s32 @!p0 $0x88, s6;
	s7 =	simm.s32 @p2 $0x1082  }
0x22: {  	[simem:s7], [sflag:s8] =	dma.local @!p0 [hbm:s6], $0xF7A  }
0x23: {  	s9 =	sor.u32 $0xD0000000, s2;
	s6 =	simm.s32 $0x108;
	_ =	swait.ge @!p0 [sflag:s8], $0x0  }
0x24: {  	s3 =	sadd.s32 $0x88, s3;
	s6 =	simm.s32 @!p1 $0x1082;
	[sflag:s4] =	ssyncset.s32 $0xFFFFF086  }
0x25: {  	[simem:s6], [sflag:s4] =	dma.local [hbm:s3], $0xF7A  }
0x26: {  	[smem:$0x3F38] =	sst s1;
	(tag) =	ssettag s2;
	_ =	strace s9  }
0x27: {  	s1 =	sld [smem:$0x3F48]  }
0x28: {  	s2 =	sld [smem:$0x3F49]  }
0x29: {  	s4 =	sld [smem:$0x3F4B]  }
0x2a: {  	p0 =	seq.s32 s5, $0x0;
	s5 =	sld [smem:$0x3F4C]  }
0x2b: {  	s6 =	sld [smem:$0x3F4D]  }
0x2c: {  	s7 =	sld [smem:$0x3F4E]  }
0x2d: {  	s3 =	simm.s32 $0x108;
	s8 =	sld [smem:$0x3F4F]  }
0x2e: {  	s3 =	simm.s32 @!p0 $0x1082;
	s9 =	sld [smem:$0x3F50]  }
0x2f: {  	lr =	sadd.s32 s0, s3;
	s0 =	sld [smem:$0x3F47]  }
0x30: {  	s3 =	sld [smem:$0x3F4A]  }
0x31: {  	[smem:$0x3F53] =	sst s10  }
0x32: {  	s10 =	sld [smem:$0x3F51];
	_ =	sdelay $0x3  }
0x33: {  	p0 =	seq.s32 s10, $0x1;
	s10 =	sld [smem:$0x3F53];
	_ =	sdelay $0x3  }
0x34: {  	[smem:$0x3F53] =	sst s10  }
0x35: {  	s10 =	sld [smem:$0x3F52];
	_ =	sdelay $0x3  }
0x36: {  	p1 =	seq.s32 s10, $0x1;
	s10 =	sld [smem:$0x3F53];
	_ =	sdelay $0x3  }
0x37: {  	[smem:$0x3F53] =	sst s10  }
0x38: {  	s10 =	sld [smem:$0x3F54]  }
0x39: {  	_ = 	snop;
	(pc) =	sbr.ind lr, $3  }
0x3a: {  	_ = 	snop  }
0x3b: {  	_ = 	snop  }
0x3c: {  	p2 =	seq.s32 s10, $0x1;
	s10 =	sld [smem:$0x3F53]  }
0x3d: {  	_ =	shalt  }
0x3e: {  	_ =	shalt  }
0x3f: {  	_ =	shalt  }
0x40: {  	_ =	shalt  }
0x41: {  	_ =	shalt  }
0x42: {  	_ =	shalt  }
0x43: {  	_ =	shalt  }
0x44: {  	_ =	shalt  }
0x45: {  	_ =	shalt  }
0x46: {  	_ =	shalt  }
0x47: {  	_ =	shalt  }
0x48: {  	_ =	shalt  }
0x49: {  	_ =	shalt  }
0x4a: {  	_ =	shalt  }
0x4b: {  	_ =	shalt  }
0x4c: {  	_ =	shalt  }
0x4d: {  	_ =	shalt  }
0x4e: {  	_ =	shalt  }
0x4f: {  	_ =	shalt  }
0x50: {  	_ =	shalt  }
0x51: {  	_ =	shalt  }
0x52: {  	_ =	shalt  }
0x53: {  	_ =	shalt  }
0x54: {  	_ =	shalt  }
0x55: {  	_ =	shalt  }
0x56: {  	_ =	shalt  }
0x57: {  	_ =	shalt  }
0x58: {  	_ =	shalt  }
0x59: {  	_ =	shalt  }
0x5a: {  	_ =	shalt  }
0x5b: {  	_ =	shalt  }
0x5c: {  	_ =	shalt  }
0x5d: {  	_ =	shalt  }
0x5e: {  	_ =	shalt  }
0x5f: {  	_ =	shalt  }
0x60: {  	_ =	shalt  }
0x61: {  	_ =	shalt  }
0x62: {  	_ =	shalt  }
0x63: {  	_ =	shalt  }
0x64: {  	_ =	shalt  }
0x65: {  	_ =	shalt  }
0x66: {  	_ =	shalt  }
0x67: {  	_ =	shalt  }
0x68: {  	_ =	shalt  }
0x69: {  	_ =	shalt  }
0x6a: {  	_ =	shalt  }
0x6b: {  	_ =	shalt  }
0x6c: {  	_ =	shalt  }
0x6d: {  	_ =	shalt  }
0x6e: {  	_ =	shalt  }
0x6f: {  	_ =	shalt  }
0x70: {  	_ =	shalt  }
0x71: {  	_ =	shalt  }
0x72: {  	_ =	shalt  }
0x73: {  	_ =	shalt  }
0x74: {  	_ =	shalt  }
0x75: {  	_ =	shalt  }
0x76: {  	_ =	shalt  }
0x77: {  	_ =	shalt  }
0x78: {  	_ =	shalt  }
0x79: {  	_ =	shalt  }
0x7a: {  	_ =	shalt  }
0x7b: {  	_ =	shalt  }
0x7c: {  	_ =	shalt  }
0x7d: {  	_ =	shalt  }
0x7e: {  	_ =	shalt  }
0x7f: {  	_ =	shalt  }
0x80: {  	_ =	shalt  }
0x81: {  	_ =	shalt  }
0x82: {  	_ =	shalt  }
0x83: {  	_ =	shalt  }
0x84: {  	_ =	shalt  }
0x85: {  	_ =	shalt  }
0x86: {  	_ =	shalt  }
0x87: {  	_ =	shalt  }
.Lfunc_end0:
.L_simem_size_0:
called_computation.5_lowered:
.L_overlay_start_0:
0x88: {  	s2 =	sld [smem:$0x3FD9]  }
0x89: {  	s3 =	sld [smem:$0x3FFE];
	_ =	sdelay $0x1  }
0x8a: {  	s1 =	srdreg.scid  }
0x8b: {  	s0 =	sand.u32 $0x1, s1  }
0x8c: {  	s17 =	sshll.u32 s0, $0xA;
	s2 =	sadd.s32 s3, s2  }
0x8d: {  	s2 =	sadd.s32 s2, s17  }
0x8e: {  	[smem:$0x3F5F] =	sst s2  }
0x8f: {  	_ = 	snop  }
0x90: {  	s2 =	sld [smem:$0x3FD0];
	(tm) =	ssettm $0x1  }
0x91: {  	s18 =	sld [smem:$0x3FFB];
	_ =	sdelay $0x3  }
0x92: {  	_ =	strace s18  }
0x93: {  	s3 =	sld [smem:$0x3FFC];
	_ =	sdelay $0x3  }
0x94: {  	_ =	strace s3  }
0x95: {  	s3 =	sld [smem:$0x3FFD];
	_ =	sdelay $0x3  }
0x96: {  	_ =	strace s3  }
0x97: {  	_ =	strace $0x8FFFFFFF  }
0x98: {  	s19 =	sld [smem:$0x3FDB];
	_ =	sdelay $0x1  }
0x99: {  	s4 =	simm.s32 $_scs_section_size  }
0x9a: {  	s5 =	simm.s32 $_size__tile_overlayer_lowered;
	s6 =	simm.s32 $_tile_overlayer_lowered  }
0x9b: {  	s22 =	simm.s32 $0x1BFF;
	s21 =	sshll.u32 s6, $0x1;
	s3 =	sadd.s32 s4, s19  }
0x9c: {  	s7 =	simm.s32 $0x0;
	s20 =	sshll.u32 s5, $0x1;
	s5 =	sadd.s32 s21, s3  }
0x9d: {  	[timem:s7], [sflag:s22] =	dma.local [hbm:s5], s20  }
0x9e: {  	_ =	swait.ge [sflag:s22], s20  }
0x9f: {  	s4 =	ssub.s32 $0x0, s20;
	[sflag:s22] =	ssyncset.done $0x0  }
0xa0: {  	[sflag:s22] =	ssyncadd.s32 s4;
	_ =	sdelay $0x1  }
0xa1: {  	s23 =	simm.s32 $0x1B8B  }
0xa2: {  	_ =	swait.ge [sflag:s23], $0x1  }
0xa3: {  	[sflag:s23] =	ssyncset.done $0x0  }
0xa4: {  	s25 =	simm.s32 $0x1B8E;
	s24 =	sld [smem:$0x3FFE];
	[sflag:s23] =	ssyncadd.s32 $0xFFFFFFFF  }
0xa5: {  	s26 =	simm.s32 $execute0_lowered;
	[smem:$0x3FD2] =	sst s25  }
0xa6: {  	s5 =	sshll.u32 s26, $0x1;
	_ =	strace $0x80000055;
	[dreg:$0x1] =	wrdreg $0xFFFFFFFF  }
0xa7: {  	s28 =	simm.s32 $_size_execute0_lowered;
	s3 =	sadd.s32 s3, s5;
	[dreg:$0x0] =	wrdreg $0x0  }
0xa8: {  	s5 =	sshll.u32 s28, $0x1;
	[dreg:$0x2] =	wrdreg s3  }
0xa9: {  	[dreg:$0x3] =	wrdreg s5  }
0xaa: {  	[dreg:$0x4] =	wrdreg $0xC0  }
0xab: {  	_ =	task [dreg:s7], $0x5FFFF  }
0xac: {  	[dreg:$0x1] =	wrdreg $0xFFFFFFFF  }
0xad: {  	[dreg:$0x0] =	wrdreg $0x60  }
0xae: {  	[dreg:$0x2] =	wrdreg s24  }
0xaf: {  	[dreg:$0x3] =	wrdreg s2  }
0xb0: {  	[dreg:$0x4] =	wrdreg $0x28800  }
0xb1: {  	[dreg:$0x5] =	wrdreg $0x9  }
0xb2: {  	_ =	task.clear_ibuf [dreg:s7], $0x6FFFF;
	_ =	strace $0x90000055  }
0xb3: {  	s29 =	simm.s32 $0x9;
	_ =	strace $0x80000057  }
0xb4: {  	_ =	swait.ge [sflag:s29], $0x1  }
0xb5: {  	[sflag:s29] =	ssyncadd.s32 $0xFFFFFFFF  }
0xb6: {  	_ =	strace $0x90000057  }
0xb7: {  	_ =	sfence  }
0xb8: {  	s30 =	sld [smem:$0x0];
	_ =	sdelay $0x2  }
0xb9: {  	s31 =	sshll.u32 s1, $0xD;
	s1 =	sshrl.u32 s1, $0x2  }
0xba: {  	s3 =	sand.u32 $0x4000, s31;
	s1 =	sadd.s32 s1, s30  }
0xbb: {  	s0 =	sor.u32 s3, s0;
	s1 =	sshll.u32 s1, $0x11  }
0xbc: {  	s0 =	sor.u32 s1, s0  }
0xbd: {  	s0 =	sadd.s32 $0x8F2B, s0  }
0xbe: {  	[sflag:s0] =	ssyncadd.remote.s32 $0x1  }
0xbf: {  	_ =	sfence.sel $0xFFFF  }
0xc0: {  	[dreg:$0x0] =	wrdreg $0xFFFFFFFF;
	(pc) =	sbr.abs _section_cstart, $3  }
0xc1: {  	[dreg:$0x1] =	wrdreg $0xFFFFFFFF  }
0xc2: {  	_ =	task.clear_ibuf [dreg:s7], $0x2FFFF;
	_ =	strace $0x9FFFFFFF  }
0xc3: {  	(tm) =	ssettm $0x7FFFFFFF  }
tec
execute0_lowered:
.L_overlay_start_1:
0x0: {  	(tag) =	ssettag $0x1  }
0x1: {  	s5 =	rddreg [dreg:$0x0];
	s0 =	stileid.u32  }
0x2: {  	s1 =	srdreg.scid;
	s2 =	rddreg [dreg:$0x1]  }
0x3: {  	s3 =	rddreg [dreg:$0x2];
	s6 =	smul.u32 $0x4E200, s0  }
0x4: {  	s4 =	simm.s32 $0x0;
	s18 =	simm.s32 $0x1;
	s7 =	smul.u32 $0x4E20, s0  }
0x5: {  	s19 =	simm.s32 $0x50;
	s22 =	simm.s32 $0x0;
	s26 =	smul.u32 $0x14000, s0  }
0x6: {  	s10 =	sand.u32 $0x1, s1;
	s1 =	rddreg [dreg:$0x3];
	s11 =	smul.u32 $0x50000, s0  }
0x7: {  	[smem:$0x7FF] =	sst s4;
	s20 =	sshll.u32 s0, $0x6;
	s8 =	smul.u32 $0x2710, s10  }
0x8: {  	s9 =	smul.u32 $0x140000, s10;
	_ =	strace $0x80000056;
	s29 =	ssub.s32 $0x2, s10  }
0x9: {  	s17 =	smul.u32 $0x27100, s10;
	s20 =	sor.u32 $0x1C01, s20;
	s15 =	sadd.s32 s6, s5  }
0xa: {  	s30 =	sshrl.u32 s11, $0x2;
	s31 =	sshrl.u32 s29, $0x1;
	s7 =	sadd.s32 s8, s7  }
0xb: {  	s28 =	sadd.s32 s26, s9;
	s14 =	ssub.s32 s29, s31;
	s15 =	sadd.s32 s17, s15  }
0xc: {  	s17 =	simm.s32 $0x80;
	s7 =	sshrl.u32 s7, $0x3;
	s6 =	sshrl.u32 s28, $0x3  }
0xd: {  	s16 =	sadd.s32 s7, s5;
	s13 =	sadd.s32 s6, s5;
	s5 =	sadd.s32 s30, s3  }
0xe: {  	s14 =	smax.u32 s14, $0x1;
	s15 =	sadd.s32 $0xA64C00, s15;
	s6 =	sadd.s32 $0x2800, s5  }
0xf: {  	s7 =	sadd.s32 $0x5000, s5;
	s8 =	sadd.s32 $0x7800, s5;
	s9 =	sadd.s32 $0xA000, s5  }
0x10: {  	s10 =	sadd.s32 $0xC800, s5;
	s11 =	sadd.s32 $0xF000, s5;
	s12 =	sadd.s32 $0x11800, s5  }
0x11: {  	s13 =	sadd.s32 $0xF46C00, s13;
	s16 =	sadd.s32 $0x21800, s16;
	s21 =	sshrl.u32 s5, $0x3  }
.LBB2_1:
0x12: {  	[tilespmem:s17], [sflag:$0x1] =	stream.linear.gather [hbm4b:s2+s4], $0x2800, $0x38;
	[tilespmem:$0x16880] =	vst v63  }
0x13: {  	_ =	swait.ge [sflag:s18], $0x2800  }
0x14: {  	[sflag:s18] =	ssyncset.done $0x0  }
0x15: {  	[sflag:s18] =	ssyncadd.s32 $0xFFFFD800  }
0x16: {  	[spmem:s5] =	stream.linear.scatter [tilespmem:s17], [sflag:$0x1], $0x2800, $0x38;
	[tilespmem:$0x16880] =	vst v63  }
0x17: {  	_ =	swait.ge [sflag:s18], $0x2800  }
0x18: {  	[sflag:s18] =	ssyncset.done $0x0  }
0x19: {  	[sflag:s18] =	ssyncadd.s32 $0xFFFFD800  }
0x1a: {  	[spmem:s6] =	stream.linear.scatter [tilespmem:s17], [sflag:$0x1], $0x2800, $0x38;
	[tilespmem:$0x16880] =	vst v63  }
0x1b: {  	_ =	swait.ge [sflag:s18], $0x2800  }
0x1c: {  	[sflag:s18] =	ssyncset.done $0x0  }
0x1d: {  	[sflag:s18] =	ssyncadd.s32 $0xFFFFD800  }
0x1e: {  	[spmem:s7] =	stream.linear.scatter [tilespmem:s17], [sflag:$0x1], $0x2800, $0x38;
	[tilespmem:$0x16880] =	vst v63  }
0x1f: {  	_ =	swait.ge [sflag:s18], $0x2800  }
0x20: {  	[sflag:s18] =	ssyncset.done $0x0  }
0x21: {  	[sflag:s18] =	ssyncadd.s32 $0xFFFFD800  }
0x22: {  	[spmem:s8] =	stream.linear.scatter [tilespmem:s17], [sflag:$0x1], $0x2800, $0x38;
	[tilespmem:$0x16880] =	vst v63  }
0x23: {  	_ =	swait.ge [sflag:s18], $0x2800  }
0x24: {  	[sflag:s18] =	ssyncset.done $0x0  }
0x25: {  	[sflag:s18] =	ssyncadd.s32 $0xFFFFD800  }
0x26: {  	[spmem:s9] =	stream.linear.scatter [tilespmem:s17], [sflag:$0x1], $0x2800, $0x38;
	[tilespmem:$0x16880] =	vst v63  }
0x27: {  	_ =	swait.ge [sflag:s18], $0x2800  }
0x28: {  	[sflag:s18] =	ssyncset.done $0x0  }
0x29: {  	[sflag:s18] =	ssyncadd.s32 $0xFFFFD800  }
0x2a: {  	[spmem:s10] =	stream.linear.scatter [tilespmem:s17], [sflag:$0x1], $0x2800, $0x38;
	[tilespmem:$0x16880] =	vst v63  }
0x2b: {  	_ =	swait.ge [sflag:s18], $0x2800  }
0x2c: {  	[sflag:s18] =	ssyncset.done $0x0  }
0x2d: {  	[sflag:s18] =	ssyncadd.s32 $0xFFFFD800  }
0x2e: {  	[spmem:s11] =	stream.linear.scatter [tilespmem:s17], [sflag:$0x1], $0x2800, $0x38;
	[tilespmem:$0x16880] =	vst v63  }
0x2f: {  	_ =	swait.ge [sflag:s18], $0x2800  }
0x30: {  	[sflag:s18] =	ssyncset.done $0x0  }
0x31: {  	[sflag:s18] =	ssyncadd.s32 $0xFFFFD800  }
0x32: {  	[spmem:s12] =	stream.linear.scatter [tilespmem:s17], [sflag:$0x1], $0x2800, $0x38;
	[tilespmem:$0x16880] =	vst v63  }
0x33: {  	_ =	swait.ge [sflag:s18], $0x2800  }
0x34: {  	[sflag:s18] =	ssyncset.done $0x0  }
0x35: {  	[sflag:s18] =	ssyncadd.s32 $0xFFFFD800  }
0x36: {  	s23 =	sadd.s32 $0x0, s16;
	[bflag:$0x0] =	sbarrier.arrive $0xFFFF  }
0x37: {  	[tilespmem:s4], [sflag:$0x1] =	stream.linear.gather [hbm4b:s23+s4], $0x50, $0x38;
	[tilespmem:$0x16880] =	vst v63  }
0x38: {  	_ =	swait.ge [sflag:s18], $0x50  }
0x39: {  	[sflag:s18] =	ssyncset.done $0x0  }
0x3a: {  	[sflag:s18] =	ssyncadd.s32 $0xFFFFFFB0  }
0x3b: {  	[tilespmem:s17], [sflag:$0x1] =	stream.linear.gather [hbm4b:s15+s4], $0x2800, $0x38;
	[tilespmem:$0x16880] =	vst v63  }
0x3c: {  	_ =	swait.ge [sflag:s18], $0x2800  }
0x3d: {  	[sflag:s18] =	ssyncset.done $0x0  }
0x3e: {  	[sflag:s18] =	ssyncadd.s32 $0xFFFFD800  }
0x3f: {  	[spmem:s3] =	stream.indirect.scatter.add.f32 [tilespmem:s17], [sflag:$0x1], $0x80, s4, s19, $0xb8;
	[tilespmem:$0x16880] =	vst v63  }
0x40: {  	s24 =	simm.s32 $0xA;
	_ =	swait.ge [sflag:s18], $0x2800  }
0x41: {  	s25 =	simm.s32 $0x14;
	s23 =	sadd.s32 $0x500, s15;
	[sflag:s18] =	ssyncset.done $0x0  }
.LBB2_2:
0x42: {  	s26 =	sadd.s32 s24, s16  }
0x43: {  	[sflag:s18] =	ssyncadd.s32 $0xFFFFD800;
	s24 =	smov.u32 s25;
	s28 =	sadd.s32 $0xA, s25  }
0x44: {  	[tilespmem:s4], [sflag:$0x1] =	stream.linear.gather [hbm4b:s26+s4], $0x50, $0x38;
	[tilespmem:$0x16880] =	vst v63  }
0x45: {  	p0 =	sne.s32 s25, $0x4D8;
	_ =	swait.ge [sflag:s18], $0x50  }
0x46: {  	[sflag:s18] =	ssyncset.done $0x0  }
0x47: {  	[sflag:s18] =	ssyncadd.s32 $0xFFFFFFB0  }
0x48: {  	[tilespmem:s17], [sflag:$0x1] =	stream.linear.gather [hbm4b:s23+s4], $0x2800, $0x38;
	[tilespmem:$0x16880] =	vst v63  }
0x49: {  	_ =	swait.ge [sflag:s18], $0x2800  }
.Ltmp0:
0x4a: {  	[sflag:s18] =	ssyncset.done $0x0;
	(pc) =	sbr.rel @p0 .LBB2_2-.Ltmp0, $4  }
0x4b: {  	[sflag:s18] =	ssyncadd.s32 $0xFFFFD800  }
0x4c: {  	[spmem:s3] =	stream.indirect.scatter.add.f32 [tilespmem:s17], [sflag:$0x1], $0x80, s4, s19, $0xb8;
	[tilespmem:$0x16880] =	vst v63  }
0x4d: {  	_ =	swait.ge [sflag:s18], $0x2800  }
0x4e: {  	s25 =	smov.u32 s28;
	s23 =	sadd.s32 $0x500, s23;
	[sflag:s18] =	ssyncset.done $0x0  }
0x4f: {  	s24 =	sadd.s32 s24, s16;
	[sflag:s18] =	ssyncadd.s32 $0xFFFFD800  }
0x50: {  	[tilespmem:s4], [sflag:$0x1] =	stream.linear.gather [hbm4b:s24+s4], $0x50, $0x38;
	[tilespmem:$0x16880] =	vst v63  }
0x51: {  	_ =	swait.ge [sflag:s18], $0x50  }
0x52: {  	[sflag:s18] =	ssyncset.done $0x0  }
0x53: {  	[sflag:s18] =	ssyncadd.s32 $0xFFFFFFB0  }
0x54: {  	[tilespmem:s17], [sflag:$0x1] =	stream.linear.gather [hbm4b:s23+s4], $0x2800, $0x38;
	[tilespmem:$0x16880] =	vst v63  }
0x55: {  	_ =	swait.ge [sflag:s18], $0x2800  }
0x56: {  	[sflag:s18] =	ssyncset.done $0x0  }
0x57: {  	[sflag:s18] =	ssyncadd.s32 $0xFFFFD800  }
0x58: {  	[spmem:s3] =	stream.indirect.scatter.add.f32 [tilespmem:s17], [sflag:$0x1], $0x80, s4, s19, $0xb8;
	[tilespmem:$0x16880] =	vst v63  }
0x59: {  	_ =	swait.ge [sflag:s18], $0x2800  }
0x5a: {  	s22 =	sadd.s32 $0x1, s22;
	[sflag:s18] =	ssyncset.done $0x0  }
0x5b: {  	p0 =	sne.s32 s22, s14;
	[sflag:s18] =	ssyncadd.s32 $0xFFFFD800  }
.Ltmp1:
0x5c: {  	[bflag:$0x0] =	sbarrier.arrive $0xFFFF;
	(pc) =	sbr.rel @p0 .LBB2_1-.Ltmp1, $4  }
0x5d: {  	[hbm:s13], [sflag:s20] =	dma.local [spmem:s21], $0x2800  }
0x5e: {  	_ =	swait.ge [sflag:s18], $0x2800  }
0x5f: {  	[sflag:s18] =	ssyncset.done $0x0  }
0x60: {  	[sflag:s18] =	ssyncadd.s32 $0xFFFFD800  }
0x61: {  	_ =	sfence.sel $0x180000  }
0x62: {  	[bflag:$0x0] =	sbarrier.arrive $0xFFFF  }
0x63: {  	p0 =	sne.s32 s0, $0x0;
	_ =	strace $0x90000056  }
0x64: {  	s0 =	sadd.s32 @!p0 $0x100000, s1;
	[bflag:$0x2] =	sbarrier.arrive $0xFFFF  }
0x65: {  	[sflag:s0] =	ssyncadd.tile.s32 @!p0 $0x1;
	_ =	shalt  }
.Lfunc_end2:
_tile_overlayer_lowered:
.L_overlay_start_2:
0x66: {  	(tag) =	ssettag $0x2  }
0x67: {  	s0 =	rddreg [dreg:$0x0];
	s2 =	stileid.u32  }
0x68: {  	s1 =	rddreg [dreg:$0x1];
	p0 =	sne.s32 s2, $0x0  }
0x69: {  	s3 =	rddreg [dreg:$0x2];
	[bflag:$0x3] =	sbarrier.arrive $0xFFFF;
	s2 =	simm.s32 @!p0 $0x1C01  }
0x6a: {  	[timem:s3], [sflag:s2] =	dma.local @!p0 [hbm:s0], s1  }
0x6b: {  	s0 =	simm.s32 @!p0 $0x1  }
0x6c: {  	_ =	swait.ge @!p0 [sflag:s0], s1  }
0x6d: {  	s1 =	ssub.s32 @!p0 $0x0, s1;
	[sflag:s0] =	ssyncset.done @!p0 $0x0  }
0x6e: {  	[sflag:s0] =	ssyncadd.s32 @!p0 s1  }
0x6f: {  	[bflag:$0x3] =	sbarrier.arrive $0xFFFF  }
0x70: {  	_ =	shalt  }

// kernel: kernel.43.cloned.1.call-start
scs
__scs_entry_jumppad:
0x0: {  	(pc) =	sbr.rel $0x88, $3  }
0x1: {  	(tag) =	ssettag $0x0;
	lr =	simm.s32 $0x1  }
0x2: {  	[smem:$0x3F38] =	sst lr;
	_ =	strace $0xD0000000  }
0x3: {  	_ = 	snop  }
0x4: {  	_ = 	snop  }
0x5: {  	_ = 	snop  }
0x6: {  	_ = 	snop  }
0x7: {  	_ = 	snop  }
__scs_overlays_trampoline_lowered:
0x8: {  	[smem:$0x3F47] =	sst s0  }
0x9: {  	[smem:$0x3F48] =	sst s1  }
0xa: {  	[smem:$0x3F49] =	sst s2  }
0xb: {  	[smem:$0x3F4A] =	sst s3  }
0xc: {  	[smem:$0x3F4B] =	sst s4  }
0xd: {  	[smem:$0x3F4C] =	sst s5  }
0xe: {  	[smem:$0x3F4D] =	sst s6  }
0xf: {  	[smem:$0x3F4E] =	sst s7  }
0x10: {  	[smem:$0x3F4F] =	sst s8  }
0x11: {  	[smem:$0x3F50] =	sst s9;
	s0 =	simm.s32 @!p0 $0x0  }
0x12: {  	s1 =	sld [smem:$0x3F36];
	s0 =	simm.s32 @p0 $0x1  }
0x13: {  	[smem:$0x3F51] =	sst s0;
	s0 =	simm.s32 @!p1 $0x0  }
0x14: {  	s2 =	sld [smem:$0x3F35];
	s0 =	simm.s32 @p1 $0x1  }
0x15: {  	[smem:$0x3F52] =	sst s0;
	s0 =	simm.s32 @!p2 $0x0  }
0x16: {  	s3 =	sld [smem:$0x3FDB];
	s0 =	simm.s32 @p2 $0x1  }
0x17: {  	s4 =	simm.s32 $0x1BF5;
	[smem:$0x3F54] =	sst s0  }
0x18: {  	s0 =	sld [smem:$0x3F37];
	_ =	swait.ge [sflag:s4], $0x0  }
0x19: {  	s7 =	sld [smem:$0x3F38]  }
0x1a: {  	s8 =	sadd.s32 $0xFFFFE003, lr  }
0x1b: {  	s9 =	sadd.s32 $0xFFFFFEF7, lr;
	s5 =	simm.s32 $0xFFFFFFFF;
	p2 =	slt.u32 s8, $0xFFFFF086  }
0x1c: {  	p1 =	slt.u32 s9, $0xF7A;
	s5 =	simm.s32 @!p2 $0x0  }
0x1d: {  	s5 =	simm.s32 @p1 $0x1;
	p0 =	seq.s32 s7, s2  }
0x1e: {  	s7 =	smul.u32 @!p0 $0xF7A, s2;
	p2 =	seq.s32 @!p0 s5, $0x0  }
0x1f: {  	s9 =	smul.u32 $0xF7A, s1;
	s8 =	simm.s32 @!p0 $0x1BF5;
	p2 =	por !p2, p0  }
0x20: {  	[sflag:s8] =	ssyncset.s32 @!p0 $0xFFFFF086;
	s6 =	sadd.s32 @!p0 s3, s7;
	s7 =	simm.s32 @!p0 $0x108  }
0x21: {  	s3 =	sadd.s32 s3, s9;
	s6 =	sadd.s32 @!p0 $0x88, s6;
	s7 =	simm.s32 @p2 $0x1082  }
0x22: {  	[simem:s7], [sflag:s8] =	dma.local @!p0 [hbm:s6], $0xF7A  }
0x23: {  	s9 =	sor.u32 $0xD0000000, s2;
	s6 =	simm.s32 $0x108;
	_ =	swait.ge @!p0 [sflag:s8], $0x0  }
0x24: {  	s3 =	sadd.s32 $0x88, s3;
	s6 =	simm.s32 @!p1 $0x1082;
	[sflag:s4] =	ssyncset.s32 $0xFFFFF086  }
0x25: {  	[simem:s6], [sflag:s4] =	dma.local [hbm:s3], $0xF7A  }
0x26: {  	[smem:$0x3F38] =	sst s1;
	(tag) =	ssettag s2;
	_ =	strace s9  }
0x27: {  	s1 =	sld [smem:$0x3F48]  }
0x28: {  	s2 =	sld [smem:$0x3F49]  }
0x29: {  	s4 =	sld [smem:$0x3F4B]  }
0x2a: {  	p0 =	seq.s32 s5, $0x0;
	s5 =	sld [smem:$0x3F4C]  }
0x2b: {  	s6 =	sld [smem:$0x3F4D]  }
0x2c: {  	s7 =	sld [smem:$0x3F4E]  }
0x2d: {  	s3 =	simm.s32 $0x108;
	s8 =	sld [smem:$0x3F4F]  }
0x2e: {  	s3 =	simm.s32 @!p0 $0x1082;
	s9 =	sld [smem:$0x3F50]  }
0x2f: {  	lr =	sadd.s32 s0, s3;
	s0 =	sld [smem:$0x3F47]  }
0x30: {  	s3 =	sld [smem:$0x3F4A]  }
0x31: {  	[smem:$0x3F53] =	sst s10  }
0x32: {  	s10 =	sld [smem:$0x3F51];
	_ =	sdelay $0x3  }
0x33: {  	p0 =	seq.s32 s10, $0x1;
	s10 =	sld [smem:$0x3F53];
	_ =	sdelay $0x3  }
0x34: {  	[smem:$0x3F53] =	sst s10  }
0x35: {  	s10 =	sld [smem:$0x3F52];
	_ =	sdelay $0x3  }
0x36: {  	p1 =	seq.s32 s10, $0x1;
	s10 =	sld [smem:$0x3F53];
	_ =	sdelay $0x3  }
0x37: {  	[smem:$0x3F53] =	sst s10  }
0x38: {  	s10 =	sld [smem:$0x3F54]  }
0x39: {  	_ = 	snop;
	(pc) =	sbr.ind lr, $3  }
0x3a: {  	_ = 	snop  }
0x3b: {  	_ = 	snop  }
0x3c: {  	p2 =	seq.s32 s10, $0x1;
	s10 =	sld [smem:$0x3F53]  }
0x3d: {  	_ =	shalt  }
0x3e: {  	_ =	shalt  }
0x3f: {  	_ =	shalt  }
0x40: {  	_ =	shalt  }
0x41: {  	_ =	shalt  }
0x42: {  	_ =	shalt  }
0x43: {  	_ =	shalt  }
0x44: {  	_ =	shalt  }
0x45: {  	_ =	shalt  }
0x46: {  	_ =	shalt  }
0x47: {  	_ =	shalt  }
0x48: {  	_ =	shalt  }
0x49: {  	_ =	shalt  }
0x4a: {  	_ =	shalt  }
0x4b: {  	_ =	shalt  }
0x4c: {  	_ =	shalt  }
0x4d: {  	_ =	shalt  }
0x4e: {  	_ =	shalt  }
0x4f: {  	_ =	shalt  }
0x50: {  	_ =	shalt  }
0x51: {  	_ =	shalt  }
0x52: {  	_ =	shalt  }
0x53: {  	_ =	shalt  }
0x54: {  	_ =	shalt  }
0x55: {  	_ =	shalt  }
0x56: {  	_ =	shalt  }
0x57: {  	_ =	shalt  }
0x58: {  	_ =	shalt  }
0x59: {  	_ =	shalt  }
0x5a: {  	_ =	shalt  }
0x5b: {  	_ =	shalt  }
0x5c: {  	_ =	shalt  }
0x5d: {  	_ =	shalt  }
0x5e: {  	_ =	shalt  }
0x5f: {  	_ =	shalt  }
0x60: {  	_ =	shalt  }
0x61: {  	_ =	shalt  }
0x62: {  	_ =	shalt  }
0x63: {  	_ =	shalt  }
0x64: {  	_ =	shalt  }
0x65: {  	_ =	shalt  }
0x66: {  	_ =	shalt  }
0x67: {  	_ =	shalt  }
0x68: {  	_ =	shalt  }
0x69: {  	_ =	shalt  }
0x6a: {  	_ =	shalt  }
0x6b: {  	_ =	shalt  }
0x6c: {  	_ =	shalt  }
0x6d: {  	_ =	shalt  }
0x6e: {  	_ =	shalt  }
0x6f: {  	_ =	shalt  }
0x70: {  	_ =	shalt  }
0x71: {  	_ =	shalt  }
0x72: {  	_ =	shalt  }
0x73: {  	_ =	shalt  }
0x74: {  	_ =	shalt  }
0x75: {  	_ =	shalt  }
0x76: {  	_ =	shalt  }
0x77: {  	_ =	shalt  }
0x78: {  	_ =	shalt  }
0x79: {  	_ =	shalt  }
0x7a: {  	_ =	shalt  }
0x7b: {  	_ =	shalt  }
0x7c: {  	_ =	shalt  }
0x7d: {  	_ =	shalt  }
0x7e: {  	_ =	shalt  }
0x7f: {  	_ =	shalt  }
0x80: {  	_ =	shalt  }
0x81: {  	_ =	shalt  }
0x82: {  	_ =	shalt  }
0x83: {  	_ =	shalt  }
0x84: {  	_ =	shalt  }
0x85: {  	_ =	shalt  }
0x86: {  	_ =	shalt  }
0x87: {  	_ =	shalt  }
.Lfunc_end0:
.L_simem_size_0:
called_computation.6_lowered:
.L_overlay_start_0:
0x88: {  	s2 =	sld [smem:$0x3FD9]  }
0x89: {  	s3 =	sld [smem:$0x3FFE];
	_ =	sdelay $0x1  }
0x8a: {  	s1 =	srdreg.scid  }
0x8b: {  	s0 =	sand.u32 $0x1, s1  }
0x8c: {  	s16 =	sshll.u32 s0, $0xA;
	s2 =	sadd.s32 s3, s2  }
0x8d: {  	s2 =	sadd.s32 s2, s16  }
0x8e: {  	[smem:$0x3F5F] =	sst s2  }
0x8f: {  	_ = 	snop  }
0x90: {  	(tm) =	ssettm $0x1  }
0x91: {  	s17 =	sld [smem:$0x3FFB];
	_ =	sdelay $0x3  }
0x92: {  	_ =	strace s17  }
0x93: {  	s2 =	sld [smem:$0x3FFC];
	_ =	sdelay $0x3  }
0x94: {  	_ =	strace s2  }
0x95: {  	s2 =	sld [smem:$0x3FFD];
	_ =	sdelay $0x3  }
0x96: {  	_ =	strace s2  }
0x97: {  	_ =	strace $0x8FFFFFFF  }
0x98: {  	s18 =	sld [smem:$0x3FDB];
	_ =	sdelay $0x1  }
0x99: {  	s19 =	simm.s32 $_scs_section_size  }
0x9a: {  	s4 =	simm.s32 $_size__tile_overlayer_lowered;
	s5 =	simm.s32 $_tile_overlayer_lowered  }
0x9b: {  	s22 =	simm.s32 $0x1BFF;
	s21 =	sshll.u32 s5, $0x1;
	s2 =	sadd.s32 s19, s18  }
0x9c: {  	s6 =	simm.s32 $0x0;
	s20 =	sshll.u32 s4, $0x1;
	s4 =	sadd.s32 s21, s2  }
0x9d: {  	[timem:s6], [sflag:s22] =	dma.local [hbm:s4], s20  }
0x9e: {  	_ =	swait.ge [sflag:s22], s20  }
0x9f: {  	s3 =	ssub.s32 $0x0, s20;
	[sflag:s22] =	ssyncset.done $0x0  }
0xa0: {  	[sflag:s22] =	ssyncadd.s32 s3;
	_ =	sdelay $0x1  }
0xa1: {  	s23 =	simm.s32 $0x1B8B  }
0xa2: {  	_ =	swait.ge [sflag:s23], $0x1  }
0xa3: {  	[sflag:s23] =	ssyncset.done $0x0  }
0xa4: {  	s25 =	simm.s32 $0x1B8E;
	s24 =	sld [smem:$0x3FFE];
	[sflag:s23] =	ssyncadd.s32 $0xFFFFFFFF  }
0xa5: {  	s26 =	simm.s32 $execute0_lowered;
	[smem:$0x3FD2] =	sst s25  }
0xa6: {  	s4 =	sshll.u32 s26, $0x1;
	_ =	strace $0x80000058;
	[dreg:$0x1] =	wrdreg $0xFFFFFFFF  }
0xa7: {  	s28 =	simm.s32 $_size_execute0_lowered;
	s2 =	sadd.s32 s2, s4;
	[dreg:$0x0] =	wrdreg $0x0  }
0xa8: {  	s4 =	sshll.u32 s28, $0x1;
	[dreg:$0x2] =	wrdreg s2  }
0xa9: {  	[dreg:$0x3] =	wrdreg s4  }
0xaa: {  	[dreg:$0x4] =	wrdreg $0xC0  }
0xab: {  	_ =	task [dreg:s6], $0x5FFFF  }
0xac: {  	[dreg:$0x1] =	wrdreg $0xFFFFFFFF  }
0xad: {  	[dreg:$0x0] =	wrdreg $0x60  }
0xae: {  	[dreg:$0x2] =	wrdreg s24  }
0xaf: {  	[dreg:$0x3] =	wrdreg $0x9  }
0xb0: {  	_ =	task.clear_ibuf [dreg:s6], $0x4FFFF;
	_ =	strace $0x90000058  }
0xb1: {  	s29 =	simm.s32 $0x9;
	_ =	strace $0x8000005A  }
0xb2: {  	_ =	swait.ge [sflag:s29], $0x1  }
0xb3: {  	[sflag:s29] =	ssyncadd.s32 $0xFFFFFFFF  }
0xb4: {  	_ =	strace $0x9000005A  }
0xb5: {  	_ =	sfence  }
0xb6: {  	s30 =	sld [smem:$0x0];
	_ =	sdelay $0x2  }
0xb7: {  	s31 =	sshll.u32 s1, $0xD;
	s1 =	sshrl.u32 s1, $0x2  }
0xb8: {  	s3 =	sand.u32 $0x4000, s31;
	s1 =	sadd.s32 s1, s30  }
0xb9: {  	s0 =	sor.u32 s3, s0;
	s1 =	sshll.u32 s1, $0x11  }
0xba: {  	s0 =	sor.u32 s1, s0  }
0xbb: {  	s0 =	sadd.s32 $0x8F2B, s0  }
0xbc: {  	[sflag:s0] =	ssyncadd.remote.s32 $0x1  }
0xbd: {  	_ =	sfence.sel $0xFFFF  }
0xbe: {  	[dreg:$0x0] =	wrdreg $0xFFFFFFFF;
	(pc) =	sbr.abs _section_cstart, $3  }
0xbf: {  	[dreg:$0x1] =	wrdreg $0xFFFFFFFF  }
0xc0: {  	_ =	task.clear_ibuf [dreg:s6], $0x2FFFF;
	_ =	strace $0x9FFFFFFF  }
0xc1: {  	(tm) =	ssettm $0x7FFFFFFF  }
tec
execute0_lowered:
.L_overlay_start_1:
0x0: {  	(tag) =	ssettag $0x1  }
0x1: {  	s5 =	rddreg [dreg:$0x0]  }
0x2: {  	s0 =	rddreg [dreg:$0x1]  }
0x3: {  	s3 =	srdreg.scid;
	s1 =	stileid.u32;
	s2 =	simm.s32 $0x0  }
0x4: {  	s11 =	simm.s32 $0x2780;
	s12 =	simm.s32 $0x50;
	s13 =	simm.s32 $0x4F00  }
0x5: {  	s14 =	simm.s32 $0x7700;
	s15 =	simm.s32 $0x1;
	s16 =	simm.s32 $0x2  }
0x6: {  	s17 =	simm.s32 $0x0;
	s6 =	sand.u32 $0x1, s3;
	s30 =	sshll.u32 s1, $0x1  }
0x7: {  	[smem:$0x7FF] =	sst s2;
	s8 =	smul.u32 $0x4E200, s1;
	s3 =	sor.u32 s6, s30  }
0x8: {  	s4 =	sadd.s32 $0x52800, s5;
	_ =	strace $0x80000059;
	s7 =	smul.u32 $0x2710, s3  }
0x9: {  	s9 =	ssub.s32 $0x2, s6;
	s6 =	smul.u32 $0x27100, s6;
	s3 =	sadd.s32 $0x2B600, s5  }
0xa: {  	s8 =	sadd.s32 s8, s5;
	s31 =	sshrl.u32 s9, $0x1;
	s7 =	sshrl.u32 s7, $0x3  }
0xb: {  	s9 =	ssub.s32 s9, s31;
	s10 =	sadd.s32 s6, s8;
	s7 =	sadd.s32 s7, s5  }
0xc: {  	s8 =	sadd.s32 $0xA0C00, s10;
	s5 =	sadd.s32 $0x21800, s7;
	s6 =	sadd.s32 $0x17A00, s7  }
0xd: {  	s7 =	smax.u32 s9, $0x1;
	s9 =	sadd.s32 $0x582C00, s10;
	s10 =	simm.s32 $0x3  }
.LBB2_1:
0xe: {  	[tilespmem:s2], [sflag:$0x3] =	stream.linear.gather [hbm4b:s5+s2], $0x2710, $0x38;
	[tilespmem:$0x9F00] =	vst v63  }
0xf: {  	_ =	swait.ge [sflag:s10], $0x2710  }
0x10: {  	[sflag:s10] =	ssyncset.done $0x0  }
0x11: {  	[sflag:s10] =	ssyncadd.s32 $0xFFFFD8F0  }
0x12: {  	[tilespmem:s11], [sflag:$0x3] =	stream.linear.gather [hbm4b:s6+s2], $0x2710, $0x38;
	[tilespmem:$0x9F00] =	vst v63  }
0x13: {  	_ =	swait.ge [sflag:s10], $0x2710  }
0x14: {  	[sflag:s10] =	ssyncset.done $0x0  }
0x15: {  	s18 =	simm.s32 $0x0;
	[sflag:s10] =	ssyncadd.s32 $0xFFFFD8F0  }
0x16: {  	[tilespmem:s13], [sflag:$0x1] =	stream.indirect.gather [hbm4b:s3+s12], $0x80, s18, s12, $0xb8;
	[tilespmem:$0x9F00] =	vst v63  }
0x17: {  	s31 =	simm.s32 $0x2780  }
0x18: {  	[tilespmem:s14], [sflag:$0x2] =	stream.indirect.gather [hbm4b:s4+s12], $0x80, s31, s12, $0xb8;
	[tilespmem:$0x9F00] =	vst v63  }
0x19: {  	_ =	swait.ge [sflag:s15], $0x2800  }
0x1a: {  	[sflag:s15] =	ssyncset.done $0x0  }
0x1b: {  	[sflag:s15] =	ssyncadd.s32 $0xFFFFD800  }
0x1c: {  	_ =	swait.ge [sflag:s16], $0x2800  }
0x1d: {  	[sflag:s16] =	ssyncset.done $0x0  }
0x1e: {  	[sflag:s16] =	ssyncadd.s32 $0xFFFFD800  }
0x1f: {  	[hbm4b:s8+s2] =	stream.linear.scatter [tilespmem:s13], [sflag:$0x3], $0x2800, $0x38;
	[tilespmem:$0x9F00] =	vst v63  }
0x20: {  	_ =	swait.ge [sflag:s10], $0x2800  }
0x21: {  	[sflag:s10] =	ssyncset.done $0x0  }
0x22: {  	[sflag:s10] =	ssyncadd.s32 $0xFFFFD800  }
0x23: {  	[hbm4b:s9+s2] =	stream.linear.scatter [tilespmem:s14], [sflag:$0x3], $0x2800, $0x38;
	[tilespmem:$0x9F00] =	vst v63  }
0x24: {  	s20 =	simm.s32 $0x140;
	s21 =	simm.s32 $0x280;
	_ =	swait.ge [sflag:s10], $0x2800  }
0x25: {  	s19 =	sadd.s32 $0x500, s8;
	s18 =	sadd.s32 $0x500, s9;
	[sflag:s10] =	ssyncset.done $0x0  }
.LBB2_2:
0x26: {  	s22 =	sshra.s32 s20, $0x2  }
0x27: {  	[sflag:s10] =	ssyncadd.s32 $0xFFFFD800;
	s20 =	smov.u32 s21;
	s23 =	sadd.s32 $0x140, s21  }
0x28: {  	[tilespmem:s13], [sflag:$0x1] =	stream.indirect.gather [hbm4b:s3+s12], $0x80, s22, s12, $0xb8;
	[tilespmem:$0x9F00] =	vst v63  }
0x29: {  	p0 =	sne.s32 s21, $0x9B00;
	s21 =	sadd.s32 $0x2780, s22  }
0x2a: {  	[tilespmem:s14], [sflag:$0x2] =	stream.indirect.gather [hbm4b:s4+s12], $0x80, s21, s12, $0xb8;
	[tilespmem:$0x9F00] =	vst v63  }
0x2b: {  	_ =	swait.ge [sflag:s15], $0x2800  }
0x2c: {  	[sflag:s15] =	ssyncset.done $0x0  }
0x2d: {  	[sflag:s15] =	ssyncadd.s32 $0xFFFFD800  }
0x2e: {  	_ =	swait.ge [sflag:s16], $0x2800  }
0x2f: {  	[sflag:s16] =	ssyncset.done $0x0  }
0x30: {  	[sflag:s16] =	ssyncadd.s32 $0xFFFFD800  }
0x31: {  	[hbm4b:s19+s2] =	stream.linear.scatter [tilespmem:s13], [sflag:$0x3], $0x2800, $0x38;
	[tilespmem:$0x9F00] =	vst v63  }
0x32: {  	_ =	swait.ge [sflag:s10], $0x2800  }
.Ltmp0:
0x33: {  	[sflag:s10] =	ssyncset.done $0x0;
	(pc) =	sbr.rel @p0 .LBB2_2-.Ltmp0, $4  }
0x34: {  	[sflag:s10] =	ssyncadd.s32 $0xFFFFD800  }
0x35: {  	[hbm4b:s18+s2] =	stream.linear.scatter [tilespmem:s14], [sflag:$0x3], $0x2800, $0x38;
	[tilespmem:$0x9F00] =	vst v63  }
0x36: {  	s21 =	smov.u32 s23;
	_ =	swait.ge [sflag:s10], $0x2800  }
0x37: {  	s19 =	sadd.s32 $0x500, s19;
	s18 =	sadd.s32 $0x500, s18;
	[sflag:s10] =	ssyncset.done $0x0  }
0x38: {  	s20 =	sshra.s32 s20, $0x2;
	[sflag:s10] =	ssyncadd.s32 $0xFFFFD800  }
0x39: {  	[tilespmem:s13], [sflag:$0x1] =	stream.indirect.gather [hbm4b:s3+s12], $0x80, s20, s12, $0xb8;
	[tilespmem:$0x9F00] =	vst v63  }
0x3a: {  	s20 =	sadd.s32 $0x2780, s20  }
0x3b: {  	[tilespmem:s14], [sflag:$0x2] =	stream.indirect.gather [hbm4b:s4+s12], $0x80, s20, s12, $0xb8;
	[tilespmem:$0x9F00] =	vst v63  }
0x3c: {  	_ =	swait.ge [sflag:s15], $0x2800  }
0x3d: {  	[sflag:s15] =	ssyncset.done $0x0  }
0x3e: {  	[sflag:s15] =	ssyncadd.s32 $0xFFFFD800  }
0x3f: {  	_ =	swait.ge [sflag:s16], $0x2800  }
0x40: {  	[sflag:s16] =	ssyncset.done $0x0  }
0x41: {  	[sflag:s16] =	ssyncadd.s32 $0xFFFFD800  }
0x42: {  	[hbm4b:s19+s2] =	stream.linear.scatter [tilespmem:s13], [sflag:$0x3], $0x2800, $0x38;
	[tilespmem:$0x9F00] =	vst v63  }
0x43: {  	s17 =	sadd.s32 $0x1, s17;
	_ =	swait.ge [sflag:s10], $0x2800  }
0x44: {  	p0 =	sne.s32 s17, s7;
	[sflag:s10] =	ssyncset.done $0x0  }
.Ltmp1:
0x45: {  	[sflag:s10] =	ssyncadd.s32 $0xFFFFD800;
	(pc) =	sbr.rel @p0 .LBB2_1-.Ltmp1, $4  }
0x46: {  	[hbm4b:s18+s2] =	stream.linear.scatter [tilespmem:s14], [sflag:$0x3], $0x2800, $0x38;
	[tilespmem:$0x9F00] =	vst v63  }
0x47: {  	_ =	swait.ge [sflag:s10], $0x2800  }
0x48: {  	[sflag:s10] =	ssyncset.done $0x0  }
0x49: {  	[sflag:s10] =	ssyncadd.s32 $0xFFFFD800  }
0x4a: {  	_ =	sfence.sel $0x180000  }
0x4b: {  	[bflag:$0x0] =	sbarrier.arrive $0xFFFF  }
0x4c: {  	p0 =	sne.s32 s1, $0x0;
	_ =	strace $0x90000059  }
0x4d: {  	s0 =	sadd.s32 @!p0 $0x100000, s0;
	[bflag:$0x2] =	sbarrier.arrive $0xFFFF  }
0x4e: {  	[sflag:s0] =	ssyncadd.tile.s32 @!p0 $0x1;
	_ =	shalt  }
.Lfunc_end2:
_tile_overlayer_lowered:
.L_overlay_start_2:
0x4f: {  	(tag) =	ssettag $0x2  }
0x50: {  	s0 =	rddreg [dreg:$0x0];
	s2 =	stileid.u32  }
0x51: {  	s1 =	rddreg [dreg:$0x1];
	p0 =	sne.s32 s2, $0x0  }
0x52: {  	s3 =	rddreg [dreg:$0x2];
	[bflag:$0x3] =	sbarrier.arrive $0xFFFF;
	s2 =	simm.s32 @!p0 $0x1C03  }
0x53: {  	[timem:s3], [sflag:s2] =	dma.local @!p0 [hbm:s0], s1  }
0x54: {  	s0 =	simm.s32 @!p0 $0x3  }
0x55: {  	_ =	swait.ge @!p0 [sflag:s0], s1  }
0x56: {  	s1 =	ssub.s32 @!p0 $0x0, s1;
	[sflag:s0] =	ssyncset.done @!p0 $0x0  }
0x57: {  	[sflag:s0] =	ssyncadd.s32 @!p0 s1  }
0x58: {  	[bflag:$0x3] =	sbarrier.arrive $0xFFFF  }
0x59: {  	_ =	shalt  }

// kernel: kernel.46.cloned.1.call-start
scs
__scs_entry_jumppad:
0x0: {  	(pc) =	sbr.rel $0x88, $3  }
0x1: {  	(tag) =	ssettag $0x0;
	lr =	simm.s32 $0x1  }
0x2: {  	[smem:$0x3F38] =	sst lr;
	_ =	strace $0xD0000000  }
0x3: {  	_ = 	snop  }
0x4: {  	_ = 	snop  }
0x5: {  	_ = 	snop  }
0x6: {  	_ = 	snop  }
0x7: {  	_ = 	snop  }
__scs_overlays_trampoline_lowered:
0x8: {  	[smem:$0x3F47] =	sst s0  }
0x9: {  	[smem:$0x3F48] =	sst s1  }
0xa: {  	[smem:$0x3F49] =	sst s2  }
0xb: {  	[smem:$0x3F4A] =	sst s3  }
0xc: {  	[smem:$0x3F4B] =	sst s4  }
0xd: {  	[smem:$0x3F4C] =	sst s5  }
0xe: {  	[smem:$0x3F4D] =	sst s6  }
0xf: {  	[smem:$0x3F4E] =	sst s7  }
0x10: {  	[smem:$0x3F4F] =	sst s8  }
0x11: {  	[smem:$0x3F50] =	sst s9;
	s0 =	simm.s32 @!p0 $0x0  }
0x12: {  	s1 =	sld [smem:$0x3F36];
	s0 =	simm.s32 @p0 $0x1  }
0x13: {  	[smem:$0x3F51] =	sst s0;
	s0 =	simm.s32 @!p1 $0x0  }
0x14: {  	s2 =	sld [smem:$0x3F35];
	s0 =	simm.s32 @p1 $0x1  }
0x15: {  	[smem:$0x3F52] =	sst s0;
	s0 =	simm.s32 @!p2 $0x0  }
0x16: {  	s3 =	sld [smem:$0x3FDB];
	s0 =	simm.s32 @p2 $0x1  }
0x17: {  	s4 =	simm.s32 $0x1BF5;
	[smem:$0x3F54] =	sst s0  }
0x18: {  	s0 =	sld [smem:$0x3F37];
	_ =	swait.ge [sflag:s4], $0x0  }
0x19: {  	s7 =	sld [smem:$0x3F38]  }
0x1a: {  	s8 =	sadd.s32 $0xFFFFE003, lr  }
0x1b: {  	s9 =	sadd.s32 $0xFFFFFEF7, lr;
	s5 =	simm.s32 $0xFFFFFFFF;
	p2 =	slt.u32 s8, $0xFFFFF086  }
0x1c: {  	p1 =	slt.u32 s9, $0xF7A;
	s5 =	simm.s32 @!p2 $0x0  }
0x1d: {  	s5 =	simm.s32 @p1 $0x1;
	p0 =	seq.s32 s7, s2  }
0x1e: {  	s7 =	smul.u32 @!p0 $0xF7A, s2;
	p2 =	seq.s32 @!p0 s5, $0x0  }
0x1f: {  	s9 =	smul.u32 $0xF7A, s1;
	s8 =	simm.s32 @!p0 $0x1BF5;
	p2 =	por !p2, p0  }
0x20: {  	[sflag:s8] =	ssyncset.s32 @!p0 $0xFFFFF086;
	s6 =	sadd.s32 @!p0 s3, s7;
	s7 =	simm.s32 @!p0 $0x108  }
0x21: {  	s3 =	sadd.s32 s3, s9;
	s6 =	sadd.s32 @!p0 $0x88, s6;
	s7 =	simm.s32 @p2 $0x1082  }
0x22: {  	[simem:s7], [sflag:s8] =	dma.local @!p0 [hbm:s6], $0xF7A  }
0x23: {  	s9 =	sor.u32 $0xD0000000, s2;
	s6 =	simm.s32 $0x108;
	_ =	swait.ge @!p0 [sflag:s8], $0x0  }
0x24: {  	s3 =	sadd.s32 $0x88, s3;
	s6 =	simm.s32 @!p1 $0x1082;
	[sflag:s4] =	ssyncset.s32 $0xFFFFF086  }
0x25: {  	[simem:s6], [sflag:s4] =	dma.local [hbm:s3], $0xF7A  }
0x26: {  	[smem:$0x3F38] =	sst s1;
	(tag) =	ssettag s2;
	_ =	strace s9  }
0x27: {  	s1 =	sld [smem:$0x3F48]  }
0x28: {  	s2 =	sld [smem:$0x3F49]  }
0x29: {  	s4 =	sld [smem:$0x3F4B]  }
0x2a: {  	p0 =	seq.s32 s5, $0x0;
	s5 =	sld [smem:$0x3F4C]  }
0x2b: {  	s6 =	sld [smem:$0x3F4D]  }
0x2c: {  	s7 =	sld [smem:$0x3F4E]  }
0x2d: {  	s3 =	simm.s32 $0x108;
	s8 =	sld [smem:$0x3F4F]  }
0x2e: {  	s3 =	simm.s32 @!p0 $0x1082;
	s9 =	sld [smem:$0x3F50]  }
0x2f: {  	lr =	sadd.s32 s0, s3;
	s0 =	sld [smem:$0x3F47]  }
0x30: {  	s3 =	sld [smem:$0x3F4A]  }
0x31: {  	[smem:$0x3F53] =	sst s10  }
0x32: {  	s10 =	sld [smem:$0x3F51];
	_ =	sdelay $0x3  }
0x33: {  	p0 =	seq.s32 s10, $0x1;
	s10 =	sld [smem:$0x3F53];
	_ =	sdelay $0x3  }
0x34: {  	[smem:$0x3F53] =	sst s10  }
0x35: {  	s10 =	sld [smem:$0x3F52];
	_ =	sdelay $0x3  }
0x36: {  	p1 =	seq.s32 s10, $0x1;
	s10 =	sld [smem:$0x3F53];
	_ =	sdelay $0x3  }
0x37: {  	[smem:$0x3F53] =	sst s10  }
0x38: {  	s10 =	sld [smem:$0x3F54]  }
0x39: {  	_ = 	snop;
	(pc) =	sbr.ind lr, $3  }
0x3a: {  	_ = 	snop  }
0x3b: {  	_ = 	snop  }
0x3c: {  	p2 =	seq.s32 s10, $0x1;
	s10 =	sld [smem:$0x3F53]  }
0x3d: {  	_ =	shalt  }
0x3e: {  	_ =	shalt  }
0x3f: {  	_ =	shalt  }
0x40: {  	_ =	shalt  }
0x41: {  	_ =	shalt  }
0x42: {  	_ =	shalt  }
0x43: {  	_ =	shalt  }
0x44: {  	_ =	shalt  }
0x45: {  	_ =	shalt  }
0x46: {  	_ =	shalt  }
0x47: {  	_ =	shalt  }
0x48: {  	_ =	shalt  }
0x49: {  	_ =	shalt  }
0x4a: {  	_ =	shalt  }
0x4b: {  	_ =	shalt  }
0x4c: {  	_ =	shalt  }
0x4d: {  	_ =	shalt  }
0x4e: {  	_ =	shalt  }
0x4f: {  	_ =	shalt  }
0x50: {  	_ =	shalt  }
0x51: {  	_ =	shalt  }
0x52: {  	_ =	shalt  }
0x53: {  	_ =	shalt  }
0x54: {  	_ =	shalt  }
0x55: {  	_ =	shalt  }
0x56: {  	_ =	shalt  }
0x57: {  	_ =	shalt  }
0x58: {  	_ =	shalt  }
0x59: {  	_ =	shalt  }
0x5a: {  	_ =	shalt  }
0x5b: {  	_ =	shalt  }
0x5c: {  	_ =	shalt  }
0x5d: {  	_ =	shalt  }
0x5e: {  	_ =	shalt  }
0x5f: {  	_ =	shalt  }
0x60: {  	_ =	shalt  }
0x61: {  	_ =	shalt  }
0x62: {  	_ =	shalt  }
0x63: {  	_ =	shalt  }
0x64: {  	_ =	shalt  }
0x65: {  	_ =	shalt  }
0x66: {  	_ =	shalt  }
0x67: {  	_ =	shalt  }
0x68: {  	_ =	shalt  }
0x69: {  	_ =	shalt  }
0x6a: {  	_ =	shalt  }
0x6b: {  	_ =	shalt  }
0x6c: {  	_ =	shalt  }
0x6d: {  	_ =	shalt  }
0x6e: {  	_ =	shalt  }
0x6f: {  	_ =	shalt  }
0x70: {  	_ =	shalt  }
0x71: {  	_ =	shalt  }
0x72: {  	_ =	shalt  }
0x73: {  	_ =	shalt  }
0x74: {  	_ =	shalt  }
0x75: {  	_ =	shalt  }
0x76: {  	_ =	shalt  }
0x77: {  	_ =	shalt  }
0x78: {  	_ =	shalt  }
0x79: {  	_ =	shalt  }
0x7a: {  	_ =	shalt  }
0x7b: {  	_ =	shalt  }
0x7c: {  	_ =	shalt  }
0x7d: {  	_ =	shalt  }
0x7e: {  	_ =	shalt  }
0x7f: {  	_ =	shalt  }
0x80: {  	_ =	shalt  }
0x81: {  	_ =	shalt  }
0x82: {  	_ =	shalt  }
0x83: {  	_ =	shalt  }
0x84: {  	_ =	shalt  }
0x85: {  	_ =	shalt  }
0x86: {  	_ =	shalt  }
0x87: {  	_ =	shalt  }
.Lfunc_end0:
.L_simem_size_0:
called_computation.7_lowered:
.L_overlay_start_0:
0x88: {  	s2 =	sld [smem:$0x3FD9]  }
0x89: {  	s3 =	sld [smem:$0x3FFE];
	_ =	sdelay $0x1  }
0x8a: {  	s1 =	srdreg.scid  }
0x8b: {  	s0 =	sand.u32 $0x1, s1  }
0x8c: {  	s17 =	sshll.u32 s0, $0xA;
	s2 =	sadd.s32 s3, s2  }
0x8d: {  	s2 =	sadd.s32 s2, s17  }
0x8e: {  	[smem:$0x3F5F] =	sst s2  }
0x8f: {  	_ = 	snop  }
0x90: {  	s2 =	sld [smem:$0x3FD0];
	(tm) =	ssettm $0x1  }
0x91: {  	s18 =	sld [smem:$0x3FFB];
	_ =	sdelay $0x3  }
0x92: {  	_ =	strace s18  }
0x93: {  	s3 =	sld [smem:$0x3FFC];
	_ =	sdelay $0x3  }
0x94: {  	_ =	strace s3  }
0x95: {  	s3 =	sld [smem:$0x3FFD];
	_ =	sdelay $0x3  }
0x96: {  	_ =	strace s3  }
0x97: {  	_ =	strace $0x8FFFFFFF  }
0x98: {  	s19 =	sld [smem:$0x3FDB];
	_ =	sdelay $0x1  }
0x99: {  	s4 =	simm.s32 $_scs_section_size  }
0x9a: {  	s5 =	simm.s32 $_size__tile_overlayer_lowered;
	s6 =	simm.s32 $_tile_overlayer_lowered  }
0x9b: {  	s22 =	simm.s32 $0x1BFF;
	s21 =	sshll.u32 s6, $0x1;
	s3 =	sadd.s32 s4, s19  }
0x9c: {  	s7 =	simm.s32 $0x0;
	s20 =	sshll.u32 s5, $0x1;
	s5 =	sadd.s32 s21, s3  }
0x9d: {  	[timem:s7], [sflag:s22] =	dma.local [hbm:s5], s20  }
0x9e: {  	_ =	swait.ge [sflag:s22], s20  }
0x9f: {  	s4 =	ssub.s32 $0x0, s20;
	[sflag:s22] =	ssyncset.done $0x0  }
0xa0: {  	[sflag:s22] =	ssyncadd.s32 s4;
	_ =	sdelay $0x1  }
0xa1: {  	s23 =	simm.s32 $0x1B8B  }
0xa2: {  	_ =	swait.ge [sflag:s23], $0x1  }
0xa3: {  	[sflag:s23] =	ssyncset.done $0x0  }
0xa4: {  	s25 =	simm.s32 $0x1B8E;
	s24 =	sld [smem:$0x3FFE];
	[sflag:s23] =	ssyncadd.s32 $0xFFFFFFFF  }
0xa5: {  	s26 =	simm.s32 $execute0_lowered;
	[smem:$0x3FD2] =	sst s25  }
0xa6: {  	s5 =	sshll.u32 s26, $0x1;
	_ =	strace $0x8000005B;
	[dreg:$0x1] =	wrdreg $0xFFFFFFFF  }
0xa7: {  	s28 =	simm.s32 $_size_execute0_lowered;
	s3 =	sadd.s32 s3, s5;
	[dreg:$0x0] =	wrdreg $0x0  }
0xa8: {  	s5 =	sshll.u32 s28, $0x1;
	[dreg:$0x2] =	wrdreg s3  }
0xa9: {  	[dreg:$0x3] =	wrdreg s5  }
0xaa: {  	[dreg:$0x4] =	wrdreg $0xC0  }
0xab: {  	_ =	task [dreg:s7], $0x5FFFF  }
0xac: {  	[dreg:$0x1] =	wrdreg $0xFFFFFFFF  }
0xad: {  	[dreg:$0x0] =	wrdreg $0x60  }
0xae: {  	[dreg:$0x2] =	wrdreg s24  }
0xaf: {  	[dreg:$0x3] =	wrdreg s2  }
0xb0: {  	[dreg:$0x4] =	wrdreg $0x28800  }
0xb1: {  	[dreg:$0x5] =	wrdreg $0x9  }
0xb2: {  	_ =	task.clear_ibuf [dreg:s7], $0x6FFFF;
	_ =	strace $0x9000005B  }
0xb3: {  	s29 =	simm.s32 $0x9;
	_ =	strace $0x8000005D  }
0xb4: {  	_ =	swait.ge [sflag:s29], $0x1  }
0xb5: {  	[sflag:s29] =	ssyncadd.s32 $0xFFFFFFFF  }
0xb6: {  	_ =	strace $0x9000005D  }
0xb7: {  	_ =	sfence  }
0xb8: {  	s30 =	sld [smem:$0x0];
	_ =	sdelay $0x2  }
0xb9: {  	s31 =	sshll.u32 s1, $0xD;
	s1 =	sshrl.u32 s1, $0x2  }
0xba: {  	s3 =	sand.u32 $0x4000, s31;
	s1 =	sadd.s32 s1, s30  }
0xbb: {  	s0 =	sor.u32 s3, s0;
	s1 =	sshll.u32 s1, $0x11  }
0xbc: {  	s0 =	sor.u32 s1, s0  }
0xbd: {  	s0 =	sadd.s32 $0x8F2B, s0  }
0xbe: {  	[sflag:s0] =	ssyncadd.remote.s32 $0x1  }
0xbf: {  	_ =	sfence.sel $0xFFFF  }
0xc0: {  	[dreg:$0x0] =	wrdreg $0xFFFFFFFF;
	(pc) =	sbr.abs _section_cstart, $3  }
0xc1: {  	[dreg:$0x1] =	wrdreg $0xFFFFFFFF  }
0xc2: {  	_ =	task.clear_ibuf [dreg:s7], $0x2FFFF;
	_ =	strace $0x9FFFFFFF  }
0xc3: {  	(tm) =	ssettm $0x7FFFFFFF  }
tec
execute0_lowered:
.L_overlay_start_1:
0x0: {  	(tag) =	ssettag $0x1  }
0x1: {  	s5 =	rddreg [dreg:$0x0];
	s0 =	stileid.u32  }
0x2: {  	s1 =	srdreg.scid;
	s2 =	rddreg [dreg:$0x1]  }
0x3: {  	s3 =	rddreg [dreg:$0x2];
	s6 =	smul.u32 $0x4E200, s0  }
0x4: {  	s4 =	simm.s32 $0x0;
	s18 =	simm.s32 $0x1;
	s7 =	smul.u32 $0x4E20, s0  }
0x5: {  	s19 =	simm.s32 $0x50;
	s22 =	simm.s32 $0x0;
	s26 =	smul.u32 $0x14000, s0  }
0x6: {  	s10 =	sand.u32 $0x1, s1;
	s1 =	rddreg [dreg:$0x3];
	s11 =	smul.u32 $0x50000, s0  }
0x7: {  	[smem:$0x7FF] =	sst s4;
	s20 =	sshll.u32 s0, $0x6;
	s8 =	smul.u32 $0x2710, s10  }
0x8: {  	s9 =	smul.u32 $0x140000, s10;
	_ =	strace $0x8000005C;
	s29 =	ssub.s32 $0x2, s10  }
0x9: {  	s17 =	smul.u32 $0x27100, s10;
	s20 =	sor.u32 $0x1C01, s20;
	s15 =	sadd.s32 s6, s5  }
0xa: {  	s30 =	sshrl.u32 s11, $0x2;
	s31 =	sshrl.u32 s29, $0x1;
	s7 =	sadd.s32 s8, s7  }
0xb: {  	s28 =	sadd.s32 s26, s9;
	s14 =	ssub.s32 s29, s31;
	s15 =	sadd.s32 s17, s15  }
0xc: {  	s17 =	simm.s32 $0x80;
	s7 =	sshrl.u32 s7, $0x3;
	s6 =	sshrl.u32 s28, $0x3  }
0xd: {  	s16 =	sadd.s32 s7, s5;
	s13 =	sadd.s32 s6, s5;
	s5 =	sadd.s32 s30, s3  }
0xe: {  	s14 =	smax.u32 s14, $0x1;
	s15 =	sadd.s32 $0xA64C00, s15;
	s6 =	sadd.s32 $0x2800, s5  }
0xf: {  	s7 =	sadd.s32 $0x5000, s5;
	s8 =	sadd.s32 $0x7800, s5;
	s9 =	sadd.s32 $0xA000, s5  }
0x10: {  	s10 =	sadd.s32 $0xC800, s5;
	s11 =	sadd.s32 $0xF000, s5;
	s12 =	sadd.s32 $0x11800, s5  }
0x11: {  	s13 =	sadd.s32 $0xA0C00, s13;
	s16 =	sadd.s32 $0x21800, s16;
	s21 =	sshrl.u32 s5, $0x3  }
.LBB2_1:
0x12: {  	[tilespmem:s17], [sflag:$0x1] =	stream.linear.gather [hbm4b:s2+s4], $0x2800, $0x38;
	[tilespmem:$0x16880] =	vst v63  }
0x13: {  	_ =	swait.ge [sflag:s18], $0x2800  }
0x14: {  	[sflag:s18] =	ssyncset.done $0x0  }
0x15: {  	[sflag:s18] =	ssyncadd.s32 $0xFFFFD800  }
0x16: {  	[spmem:s5] =	stream.linear.scatter [tilespmem:s17], [sflag:$0x1], $0x2800, $0x38;
	[tilespmem:$0x16880] =	vst v63  }
0x17: {  	_ =	swait.ge [sflag:s18], $0x2800  }
0x18: {  	[sflag:s18] =	ssyncset.done $0x0  }
0x19: {  	[sflag:s18] =	ssyncadd.s32 $0xFFFFD800  }
0x1a: {  	[spmem:s6] =	stream.linear.scatter [tilespmem:s17], [sflag:$0x1], $0x2800, $0x38;
	[tilespmem:$0x16880] =	vst v63  }
0x1b: {  	_ =	swait.ge [sflag:s18], $0x2800  }
0x1c: {  	[sflag:s18] =	ssyncset.done $0x0  }
0x1d: {  	[sflag:s18] =	ssyncadd.s32 $0xFFFFD800  }
0x1e: {  	[spmem:s7] =	stream.linear.scatter [tilespmem:s17], [sflag:$0x1], $0x2800, $0x38;
	[tilespmem:$0x16880] =	vst v63  }
0x1f: {  	_ =	swait.ge [sflag:s18], $0x2800  }
0x20: {  	[sflag:s18] =	ssyncset.done $0x0  }
0x21: {  	[sflag:s18] =	ssyncadd.s32 $0xFFFFD800  }
0x22: {  	[spmem:s8] =	stream.linear.scatter [tilespmem:s17], [sflag:$0x1], $0x2800, $0x38;
	[tilespmem:$0x16880] =	vst v63  }
0x23: {  	_ =	swait.ge [sflag:s18], $0x2800  }
0x24: {  	[sflag:s18] =	ssyncset.done $0x0  }
0x25: {  	[sflag:s18] =	ssyncadd.s32 $0xFFFFD800  }
0x26: {  	[spmem:s9] =	stream.linear.scatter [tilespmem:s17], [sflag:$0x1], $0x2800, $0x38;
	[tilespmem:$0x16880] =	vst v63  }
0x27: {  	_ =	swait.ge [sflag:s18], $0x2800  }
0x28: {  	[sflag:s18] =	ssyncset.done $0x0  }
0x29: {  	[sflag:s18] =	ssyncadd.s32 $0xFFFFD800  }
0x2a: {  	[spmem:s10] =	stream.linear.scatter [tilespmem:s17], [sflag:$0x1], $0x2800, $0x38;
	[tilespmem:$0x16880] =	vst v63  }
0x2b: {  	_ =	swait.ge [sflag:s18], $0x2800  }
0x2c: {  	[sflag:s18] =	ssyncset.done $0x0  }
0x2d: {  	[sflag:s18] =	ssyncadd.s32 $0xFFFFD800  }
0x2e: {  	[spmem:s11] =	stream.linear.scatter [tilespmem:s17], [sflag:$0x1], $0x2800, $0x38;
	[tilespmem:$0x16880] =	vst v63  }
0x2f: {  	_ =	swait.ge [sflag:s18], $0x2800  }
0x30: {  	[sflag:s18] =	ssyncset.done $0x0  }
0x31: {  	[sflag:s18] =	ssyncadd.s32 $0xFFFFD800  }
0x32: {  	[spmem:s12] =	stream.linear.scatter [tilespmem:s17], [sflag:$0x1], $0x2800, $0x38;
	[tilespmem:$0x16880] =	vst v63  }
0x33: {  	_ =	swait.ge [sflag:s18], $0x2800  }
0x34: {  	[sflag:s18] =	ssyncset.done $0x0  }
0x35: {  	[sflag:s18] =	ssyncadd.s32 $0xFFFFD800  }
0x36: {  	s23 =	sadd.s32 $0x0, s16;
	[bflag:$0x0] =	sbarrier.arrive $0xFFFF  }
0x37: {  	[tilespmem:s4], [sflag:$0x1] =	stream.linear.gather [hbm4b:s23+s4], $0x50, $0x38;
	[tilespmem:$0x16880] =	vst v63  }
0x38: {  	_ =	swait.ge [sflag:s18], $0x50  }
0x39: {  	[sflag:s18] =	ssyncset.done $0x0  }
0x3a: {  	[sflag:s18] =	ssyncadd.s32 $0xFFFFFFB0  }
0x3b: {  	[tilespmem:s17], [sflag:$0x1] =	stream.linear.gather [hbm4b:s15+s4], $0x2800, $0x38;
	[tilespmem:$0x16880] =	vst v63  }
0x3c: {  	_ =	swait.ge [sflag:s18], $0x2800  }
0x3d: {  	[sflag:s18] =	ssyncset.done $0x0  }
0x3e: {  	[sflag:s18] =	ssyncadd.s32 $0xFFFFD800  }
0x3f: {  	[spmem:s3] =	stream.indirect.scatter.add.f32 [tilespmem:s17], [sflag:$0x1], $0x80, s4, s19, $0xb8;
	[tilespmem:$0x16880] =	vst v63  }
0x40: {  	s24 =	simm.s32 $0xA;
	_ =	swait.ge [sflag:s18], $0x2800  }
0x41: {  	s25 =	simm.s32 $0x14;
	s23 =	sadd.s32 $0x500, s15;
	[sflag:s18] =	ssyncset.done $0x0  }
.LBB2_2:
0x42: {  	s26 =	sadd.s32 s24, s16  }
0x43: {  	[sflag:s18] =	ssyncadd.s32 $0xFFFFD800;
	s24 =	smov.u32 s25;
	s28 =	sadd.s32 $0xA, s25  }
0x44: {  	[tilespmem:s4], [sflag:$0x1] =	stream.linear.gather [hbm4b:s26+s4], $0x50, $0x38;
	[tilespmem:$0x16880] =	vst v63  }
0x45: {  	p0 =	sne.s32 s25, $0x4D8;
	_ =	swait.ge [sflag:s18], $0x50  }
0x46: {  	[sflag:s18] =	ssyncset.done $0x0  }
0x47: {  	[sflag:s18] =	ssyncadd.s32 $0xFFFFFFB0  }
0x48: {  	[tilespmem:s17], [sflag:$0x1] =	stream.linear.gather [hbm4b:s23+s4], $0x2800, $0x38;
	[tilespmem:$0x16880] =	vst v63  }
0x49: {  	_ =	swait.ge [sflag:s18], $0x2800  }
.Ltmp0:
0x4a: {  	[sflag:s18] =	ssyncset.done $0x0;
	(pc) =	sbr.rel @p0 .LBB2_2-.Ltmp0, $4  }
0x4b: {  	[sflag:s18] =	ssyncadd.s32 $0xFFFFD800  }
0x4c: {  	[spmem:s3] =	stream.indirect.scatter.add.f32 [tilespmem:s17], [sflag:$0x1], $0x80, s4, s19, $0xb8;
	[tilespmem:$0x16880] =	vst v63  }
0x4d: {  	_ =	swait.ge [sflag:s18], $0x2800  }
0x4e: {  	s25 =	smov.u32 s28;
	s23 =	sadd.s32 $0x500, s23;
	[sflag:s18] =	ssyncset.done $0x0  }
0x4f: {  	s24 =	sadd.s32 s24, s16;
	[sflag:s18] =	ssyncadd.s32 $0xFFFFD800  }
0x50: {  	[tilespmem:s4], [sflag:$0x1] =	stream.linear.gather [hbm4b:s24+s4], $0x50, $0x38;
	[tilespmem:$0x16880] =	vst v63  }
0x51: {  	_ =	swait.ge [sflag:s18], $0x50  }
0x52: {  	[sflag:s18] =	ssyncset.done $0x0  }
0x53: {  	[sflag:s18] =	ssyncadd.s32 $0xFFFFFFB0  }
0x54: {  	[tilespmem:s17], [sflag:$0x1] =	stream.linear.gather [hbm4b:s23+s4], $0x2800, $0x38;
	[tilespmem:$0x16880] =	vst v63  }
0x55: {  	_ =	swait.ge [sflag:s18], $0x2800  }
0x56: {  	[sflag:s18] =	ssyncset.done $0x0  }
0x57: {  	[sflag:s18] =	ssyncadd.s32 $0xFFFFD800  }
0x58: {  	[spmem:s3] =	stream.indirect.scatter.add.f32 [tilespmem:s17], [sflag:$0x1], $0x80, s4, s19, $0xb8;
	[tilespmem:$0x16880] =	vst v63  }
0x59: {  	_ =	swait.ge [sflag:s18], $0x2800  }
0x5a: {  	s22 =	sadd.s32 $0x1, s22;
	[sflag:s18] =	ssyncset.done $0x0  }
0x5b: {  	p0 =	sne.s32 s22, s14;
	[sflag:s18] =	ssyncadd.s32 $0xFFFFD800  }
.Ltmp1:
0x5c: {  	[bflag:$0x0] =	sbarrier.arrive $0xFFFF;
	(pc) =	sbr.rel @p0 .LBB2_1-.Ltmp1, $4  }
0x5d: {  	[hbm:s13], [sflag:s20] =	dma.local [spmem:s21], $0x2800  }
0x5e: {  	_ =	swait.ge [sflag:s18], $0x2800  }
0x5f: {  	[sflag:s18] =	ssyncset.done $0x0  }
0x60: {  	[sflag:s18] =	ssyncadd.s32 $0xFFFFD800  }
0x61: {  	_ =	sfence.sel $0x180000  }
0x62: {  	[bflag:$0x0] =	sbarrier.arrive $0xFFFF  }
0x63: {  	p0 =	sne.s32 s0, $0x0;
	_ =	strace $0x9000005C  }
0x64: {  	s0 =	sadd.s32 @!p0 $0x100000, s1;
	[bflag:$0x2] =	sbarrier.arrive $0xFFFF  }
0x65: {  	[sflag:s0] =	ssyncadd.tile.s32 @!p0 $0x1;
	_ =	shalt  }
.Lfunc_end2:
_tile_overlayer_lowered:
.L_overlay_start_2:
0x66: {  	(tag) =	ssettag $0x2  }
0x67: {  	s0 =	rddreg [dreg:$0x0];
	s2 =	stileid.u32  }
0x68: {  	s1 =	rddreg [dreg:$0x1];
	p0 =	sne.s32 s2, $0x0  }
0x69: {  	s3 =	rddreg [dreg:$0x2];
	[bflag:$0x3] =	sbarrier.arrive $0xFFFF;
	s2 =	simm.s32 @!p0 $0x1C01  }
0x6a: {  	[timem:s3], [sflag:s2] =	dma.local @!p0 [hbm:s0], s1  }
0x6b: {  	s0 =	simm.s32 @!p0 $0x1  }
0x6c: {  	_ =	swait.ge @!p0 [sflag:s0], s1  }
0x6d: {  	s1 =	ssub.s32 @!p0 $0x0, s1;
	[sflag:s0] =	ssyncset.done @!p0 $0x0  }
0x6e: {  	[sflag:s0] =	ssyncadd.s32 @!p0 s1  }
0x6f: {  	[bflag:$0x3] =	sbarrier.arrive $0xFFFF  }
0x70: {  	_ =	shalt  }

// kernel: kernel.49.cloned.1.call-start
scs
__scs_entry_jumppad:
0x0: {  	(pc) =	sbr.rel $0x88, $3  }
0x1: {  	(tag) =	ssettag $0x0;
	lr =	simm.s32 $0x1  }
0x2: {  	[smem:$0x3F38] =	sst lr;
	_ =	strace $0xD0000000  }
0x3: {  	_ = 	snop  }
0x4: {  	_ = 	snop  }
0x5: {  	_ = 	snop  }
0x6: {  	_ = 	snop  }
0x7: {  	_ = 	snop  }
__scs_overlays_trampoline_lowered:
0x8: {  	[smem:$0x3F47] =	sst s0  }
0x9: {  	[smem:$0x3F48] =	sst s1  }
0xa: {  	[smem:$0x3F49] =	sst s2  }
0xb: {  	[smem:$0x3F4A] =	sst s3  }
0xc: {  	[smem:$0x3F4B] =	sst s4  }
0xd: {  	[smem:$0x3F4C] =	sst s5  }
0xe: {  	[smem:$0x3F4D] =	sst s6  }
0xf: {  	[smem:$0x3F4E] =	sst s7  }
0x10: {  	[smem:$0x3F4F] =	sst s8  }
0x11: {  	[smem:$0x3F50] =	sst s9;
	s0 =	simm.s32 @!p0 $0x0  }
0x12: {  	s1 =	sld [smem:$0x3F36];
	s0 =	simm.s32 @p0 $0x1  }
0x13: {  	[smem:$0x3F51] =	sst s0;
	s0 =	simm.s32 @!p1 $0x0  }
0x14: {  	s2 =	sld [smem:$0x3F35];
	s0 =	simm.s32 @p1 $0x1  }
0x15: {  	[smem:$0x3F52] =	sst s0;
	s0 =	simm.s32 @!p2 $0x0  }
0x16: {  	s3 =	sld [smem:$0x3FDB];
	s0 =	simm.s32 @p2 $0x1  }
0x17: {  	s4 =	simm.s32 $0x1BF5;
	[smem:$0x3F54] =	sst s0  }
0x18: {  	s0 =	sld [smem:$0x3F37];
	_ =	swait.ge [sflag:s4], $0x0  }
0x19: {  	s7 =	sld [smem:$0x3F38]  }
0x1a: {  	s8 =	sadd.s32 $0xFFFFE003, lr  }
0x1b: {  	s9 =	sadd.s32 $0xFFFFFEF7, lr;
	s5 =	simm.s32 $0xFFFFFFFF;
	p2 =	slt.u32 s8, $0xFFFFF086  }
0x1c: {  	p1 =	slt.u32 s9, $0xF7A;
	s5 =	simm.s32 @!p2 $0x0  }
0x1d: {  	s5 =	simm.s32 @p1 $0x1;
	p0 =	seq.s32 s7, s2  }
0x1e: {  	s7 =	smul.u32 @!p0 $0xF7A, s2;
	p2 =	seq.s32 @!p0 s5, $0x0  }
0x1f: {  	s9 =	smul.u32 $0xF7A, s1;
	s8 =	simm.s32 @!p0 $0x1BF5;
	p2 =	por !p2, p0  }
0x20: {  	[sflag:s8] =	ssyncset.s32 @!p0 $0xFFFFF086;
	s6 =	sadd.s32 @!p0 s3, s7;
	s7 =	simm.s32 @!p0 $0x108  }
0x21: {  	s3 =	sadd.s32 s3, s9;
	s6 =	sadd.s32 @!p0 $0x88, s6;
	s7 =	simm.s32 @p2 $0x1082  }
0x22: {  	[simem:s7], [sflag:s8] =	dma.local @!p0 [hbm:s6], $0xF7A  }
0x23: {  	s9 =	sor.u32 $0xD0000000, s2;
	s6 =	simm.s32 $0x108;
	_ =	swait.ge @!p0 [sflag:s8], $0x0  }
0x24: {  	s3 =	sadd.s32 $0x88, s3;
	s6 =	simm.s32 @!p1 $0x1082;
	[sflag:s4] =	ssyncset.s32 $0xFFFFF086  }
0x25: {  	[simem:s6], [sflag:s4] =	dma.local [hbm:s3], $0xF7A  }
0x26: {  	[smem:$0x3F38] =	sst s1;
	(tag) =	ssettag s2;
	_ =	strace s9  }
0x27: {  	s1 =	sld [smem:$0x3F48]  }
0x28: {  	s2 =	sld [smem:$0x3F49]  }
0x29: {  	s4 =	sld [smem:$0x3F4B]  }
0x2a: {  	p0 =	seq.s32 s5, $0x0;
	s5 =	sld [smem:$0x3F4C]  }
0x2b: {  	s6 =	sld [smem:$0x3F4D]  }
0x2c: {  	s7 =	sld [smem:$0x3F4E]  }
0x2d: {  	s3 =	simm.s32 $0x108;
	s8 =	sld [smem:$0x3F4F]  }
0x2e: {  	s3 =	simm.s32 @!p0 $0x1082;
	s9 =	sld [smem:$0x3F50]  }
0x2f: {  	lr =	sadd.s32 s0, s3;
	s0 =	sld [smem:$0x3F47]  }
0x30: {  	s3 =	sld [smem:$0x3F4A]  }
0x31: {  	[smem:$0x3F53] =	sst s10  }
0x32: {  	s10 =	sld [smem:$0x3F51];
	_ =	sdelay $0x3  }
0x33: {  	p0 =	seq.s32 s10, $0x1;
	s10 =	sld [smem:$0x3F53];
	_ =	sdelay $0x3  }
0x34: {  	[smem:$0x3F53] =	sst s10  }
0x35: {  	s10 =	sld [smem:$0x3F52];
	_ =	sdelay $0x3  }
0x36: {  	p1 =	seq.s32 s10, $0x1;
	s10 =	sld [smem:$0x3F53];
	_ =	sdelay $0x3  }
0x37: {  	[smem:$0x3F53] =	sst s10  }
0x38: {  	s10 =	sld [smem:$0x3F54]  }
0x39: {  	_ = 	snop;
	(pc) =	sbr.ind lr, $3  }
0x3a: {  	_ = 	snop  }
0x3b: {  	_ = 	snop  }
0x3c: {  	p2 =	seq.s32 s10, $0x1;
	s10 =	sld [smem:$0x3F53]  }
0x3d: {  	_ =	shalt  }
0x3e: {  	_ =	shalt  }
0x3f: {  	_ =	shalt  }
0x40: {  	_ =	shalt  }
0x41: {  	_ =	shalt  }
0x42: {  	_ =	shalt  }
0x43: {  	_ =	shalt  }
0x44: {  	_ =	shalt  }
0x45: {  	_ =	shalt  }
0x46: {  	_ =	shalt  }
0x47: {  	_ =	shalt  }
0x48: {  	_ =	shalt  }
0x49: {  	_ =	shalt  }
0x4a: {  	_ =	shalt  }
0x4b: {  	_ =	shalt  }
0x4c: {  	_ =	shalt  }
0x4d: {  	_ =	shalt  }
0x4e: {  	_ =	shalt  }
0x4f: {  	_ =	shalt  }
0x50: {  	_ =	shalt  }
0x51: {  	_ =	shalt  }
0x52: {  	_ =	shalt  }
0x53: {  	_ =	shalt  }
0x54: {  	_ =	shalt  }
0x55: {  	_ =	shalt  }
0x56: {  	_ =	shalt  }
0x57: {  	_ =	shalt  }
0x58: {  	_ =	shalt  }
0x59: {  	_ =	shalt  }
0x5a: {  	_ =	shalt  }
0x5b: {  	_ =	shalt  }
0x5c: {  	_ =	shalt  }
0x5d: {  	_ =	shalt  }
0x5e: {  	_ =	shalt  }
0x5f: {  	_ =	shalt  }
0x60: {  	_ =	shalt  }
0x61: {  	_ =	shalt  }
0x62: {  	_ =	shalt  }
0x63: {  	_ =	shalt  }
0x64: {  	_ =	shalt  }
0x65: {  	_ =	shalt  }
0x66: {  	_ =	shalt  }
0x67: {  	_ =	shalt  }
0x68: {  	_ =	shalt  }
0x69: {  	_ =	shalt  }
0x6a: {  	_ =	shalt  }
0x6b: {  	_ =	shalt  }
0x6c: {  	_ =	shalt  }
0x6d: {  	_ =	shalt  }
0x6e: {  	_ =	shalt  }
0x6f: {  	_ =	shalt  }
0x70: {  	_ =	shalt  }
0x71: {  	_ =	shalt  }
0x72: {  	_ =	shalt  }
0x73: {  	_ =	shalt  }
0x74: {  	_ =	shalt  }
0x75: {  	_ =	shalt  }
0x76: {  	_ =	shalt  }
0x77: {  	_ =	shalt  }
0x78: {  	_ =	shalt  }
0x79: {  	_ =	shalt  }
0x7a: {  	_ =	shalt  }
0x7b: {  	_ =	shalt  }
0x7c: {  	_ =	shalt  }
0x7d: {  	_ =	shalt  }
0x7e: {  	_ =	shalt  }
0x7f: {  	_ =	shalt  }
0x80: {  	_ =	shalt  }
0x81: {  	_ =	shalt  }
0x82: {  	_ =	shalt  }
0x83: {  	_ =	shalt  }
0x84: {  	_ =	shalt  }
0x85: {  	_ =	shalt  }
0x86: {  	_ =	shalt  }
0x87: {  	_ =	shalt  }
.Lfunc_end0:
.L_simem_size_0:
called_computation.8_lowered:
.L_overlay_start_0:
0x88: {  	s2 =	sld [smem:$0x3FD9]  }
0x89: {  	s3 =	sld [smem:$0x3FFE];
	_ =	sdelay $0x1  }
0x8a: {  	s1 =	srdreg.scid  }
0x8b: {  	s0 =	sand.u32 $0x1, s1  }
0x8c: {  	s16 =	sshll.u32 s0, $0xA;
	s2 =	sadd.s32 s3, s2  }
0x8d: {  	s2 =	sadd.s32 s2, s16  }
0x8e: {  	[smem:$0x3F5F] =	sst s2  }
0x8f: {  	_ = 	snop  }
0x90: {  	(tm) =	ssettm $0x1  }
0x91: {  	s17 =	sld [smem:$0x3FFB];
	_ =	sdelay $0x3  }
0x92: {  	_ =	strace s17  }
0x93: {  	s2 =	sld [smem:$0x3FFC];
	_ =	sdelay $0x3  }
0x94: {  	_ =	strace s2  }
0x95: {  	s2 =	sld [smem:$0x3FFD];
	_ =	sdelay $0x3  }
0x96: {  	_ =	strace s2  }
0x97: {  	_ =	strace $0x8FFFFFFF  }
0x98: {  	s18 =	sld [smem:$0x3FDB];
	_ =	sdelay $0x1  }
0x99: {  	s19 =	simm.s32 $_scs_section_size  }
0x9a: {  	s4 =	simm.s32 $_size__tile_overlayer_lowered;
	s5 =	simm.s32 $_tile_overlayer_lowered  }
0x9b: {  	s22 =	simm.s32 $0x1BFF;
	s21 =	sshll.u32 s5, $0x1;
	s2 =	sadd.s32 s19, s18  }
0x9c: {  	s6 =	simm.s32 $0x0;
	s20 =	sshll.u32 s4, $0x1;
	s4 =	sadd.s32 s21, s2  }
0x9d: {  	[timem:s6], [sflag:s22] =	dma.local [hbm:s4], s20  }
0x9e: {  	_ =	swait.ge [sflag:s22], s20  }
0x9f: {  	s3 =	ssub.s32 $0x0, s20;
	[sflag:s22] =	ssyncset.done $0x0  }
0xa0: {  	[sflag:s22] =	ssyncadd.s32 s3;
	_ =	sdelay $0x1  }
0xa1: {  	s23 =	simm.s32 $0x1B8B  }
0xa2: {  	_ =	swait.ge [sflag:s23], $0x1  }
0xa3: {  	[sflag:s23] =	ssyncset.done $0x0  }
0xa4: {  	s25 =	simm.s32 $0x1B8E;
	s24 =	sld [smem:$0x3FFE];
	[sflag:s23] =	ssyncadd.s32 $0xFFFFFFFF  }
0xa5: {  	s26 =	simm.s32 $execute0_lowered;
	[smem:$0x3FD2] =	sst s25  }
0xa6: {  	s4 =	sshll.u32 s26, $0x1;
	_ =	strace $0x8000005E;
	[dreg:$0x1] =	wrdreg $0xFFFFFFFF  }
0xa7: {  	s28 =	simm.s32 $_size_execute0_lowered;
	s2 =	sadd.s32 s2, s4;
	[dreg:$0x0] =	wrdreg $0x0  }
0xa8: {  	s4 =	sshll.u32 s28, $0x1;
	[dreg:$0x2] =	wrdreg s2  }
0xa9: {  	[dreg:$0x3] =	wrdreg s4  }
0xaa: {  	[dreg:$0x4] =	wrdreg $0xC0  }
0xab: {  	_ =	task [dreg:s6], $0x5FFFF  }
0xac: {  	[dreg:$0x1] =	wrdreg $0xFFFFFFFF  }
0xad: {  	[dreg:$0x0] =	wrdreg $0x60  }
0xae: {  	[dreg:$0x2] =	wrdreg s24  }
0xaf: {  	[dreg:$0x3] =	wrdreg $0x9  }
0xb0: {  	_ =	task.clear_ibuf [dreg:s6], $0x4FFFF;
	_ =	strace $0x9000005E  }
0xb1: {  	s29 =	simm.s32 $0x9;
	_ =	strace $0x80000060  }
0xb2: {  	_ =	swait.ge [sflag:s29], $0x1  }
0xb3: {  	[sflag:s29] =	ssyncadd.s32 $0xFFFFFFFF  }
0xb4: {  	_ =	strace $0x90000060  }
0xb5: {  	_ =	sfence  }
0xb6: {  	s30 =	sld [smem:$0x0];
	_ =	sdelay $0x2  }
0xb7: {  	s31 =	sshll.u32 s1, $0xD;
	s1 =	sshrl.u32 s1, $0x2  }
0xb8: {  	s3 =	sand.u32 $0x4000, s31;
	s1 =	sadd.s32 s1, s30  }
0xb9: {  	s0 =	sor.u32 s3, s0;
	s1 =	sshll.u32 s1, $0x11  }
0xba: {  	s0 =	sor.u32 s1, s0  }
0xbb: {  	s0 =	sadd.s32 $0x8F2B, s0  }
0xbc: {  	[sflag:s0] =	ssyncadd.remote.s32 $0x1  }
0xbd: {  	_ =	sfence.sel $0xFFFF  }
0xbe: {  	[dreg:$0x0] =	wrdreg $0xFFFFFFFF;
	(pc) =	sbr.abs _section_cstart, $3  }
0xbf: {  	[dreg:$0x1] =	wrdreg $0xFFFFFFFF  }
0xc0: {  	_ =	task.clear_ibuf [dreg:s6], $0x2FFFF;
	_ =	strace $0x9FFFFFFF  }
0xc1: {  	(tm) =	ssettm $0x7FFFFFFF  }
tec
execute0_lowered:
.L_overlay_start_1:
0x0: {  	(tag) =	ssettag $0x1  }
0x1: {  	s5 =	rddreg [dreg:$0x0]  }
0x2: {  	s0 =	rddreg [dreg:$0x1]  }
0x3: {  	s3 =	srdreg.scid;
	s1 =	stileid.u32;
	s2 =	simm.s32 $0x0  }
0x4: {  	s11 =	simm.s32 $0x2780;
	s12 =	simm.s32 $0x50;
	s13 =	simm.s32 $0x4F00  }
0x5: {  	s14 =	simm.s32 $0x7700;
	s15 =	simm.s32 $0x1;
	s16 =	simm.s32 $0x2  }
0x6: {  	s17 =	simm.s32 $0x0;
	s6 =	sand.u32 $0x1, s3;
	s30 =	sshll.u32 s1, $0x1  }
0x7: {  	[smem:$0x7FF] =	sst s2;
	s8 =	smul.u32 $0x4E200, s1;
	s3 =	sor.u32 s6, s30  }
0x8: {  	s4 =	sadd.s32 $0x52800, s5;
	_ =	strace $0x8000005F;
	s7 =	smul.u32 $0x2710, s3  }
0x9: {  	s9 =	ssub.s32 $0x2, s6;
	s6 =	smul.u32 $0x27100, s6;
	s3 =	sadd.s32 $0x2B600, s5  }
0xa: {  	s8 =	sadd.s32 s8, s5;
	s31 =	sshrl.u32 s9, $0x1;
	s7 =	sshrl.u32 s7, $0x3  }
0xb: {  	s9 =	ssub.s32 s9, s31;
	s10 =	sadd.s32 s6, s8;
	s7 =	sadd.s32 s7, s5  }
0xc: {  	s8 =	sadd.s32 $0xA0C00, s10;
	s5 =	sadd.s32 $0x21800, s7;
	s6 =	sadd.s32 $0x17A00, s7  }
0xd: {  	s7 =	smax.u32 s9, $0x1;
	s9 =	sadd.s32 $0x582C00, s10;
	s10 =	simm.s32 $0x3  }
.LBB2_1:
0xe: {  	[tilespmem:s2], [sflag:$0x3] =	stream.linear.gather [hbm4b:s5+s2], $0x2710, $0x38;
	[tilespmem:$0x9F00] =	vst v63  }
0xf: {  	_ =	swait.ge [sflag:s10], $0x2710  }
0x10: {  	[sflag:s10] =	ssyncset.done $0x0  }
0x11: {  	[sflag:s10] =	ssyncadd.s32 $0xFFFFD8F0  }
0x12: {  	[tilespmem:s11], [sflag:$0x3] =	stream.linear.gather [hbm4b:s6+s2], $0x2710, $0x38;
	[tilespmem:$0x9F00] =	vst v63  }
0x13: {  	_ =	swait.ge [sflag:s10], $0x2710  }
0x14: {  	[sflag:s10] =	ssyncset.done $0x0  }
0x15: {  	s18 =	simm.s32 $0x0;
	[sflag:s10] =	ssyncadd.s32 $0xFFFFD8F0  }
0x16: {  	[tilespmem:s13], [sflag:$0x1] =	stream.indirect.gather [hbm4b:s3+s12], $0x80, s18, s12, $0xb8;
	[tilespmem:$0x9F00] =	vst v63  }
0x17: {  	s31 =	simm.s32 $0x2780  }
0x18: {  	[tilespmem:s14], [sflag:$0x2] =	stream.indirect.gather [hbm4b:s4+s12], $0x80, s31, s12, $0xb8;
	[tilespmem:$0x9F00] =	vst v63  }
0x19: {  	_ =	swait.ge [sflag:s15], $0x2800  }
0x1a: {  	[sflag:s15] =	ssyncset.done $0x0  }
0x1b: {  	[sflag:s15] =	ssyncadd.s32 $0xFFFFD800  }
0x1c: {  	_ =	swait.ge [sflag:s16], $0x2800  }
0x1d: {  	[sflag:s16] =	ssyncset.done $0x0  }
0x1e: {  	[sflag:s16] =	ssyncadd.s32 $0xFFFFD800  }
0x1f: {  	[hbm4b:s8+s2] =	stream.linear.scatter [tilespmem:s13], [sflag:$0x3], $0x2800, $0x38;
	[tilespmem:$0x9F00] =	vst v63  }
0x20: {  	_ =	swait.ge [sflag:s10], $0x2800  }
0x21: {  	[sflag:s10] =	ssyncset.done $0x0  }
0x22: {  	[sflag:s10] =	ssyncadd.s32 $0xFFFFD800  }
0x23: {  	[hbm4b:s9+s2] =	stream.linear.scatter [tilespmem:s14], [sflag:$0x3], $0x2800, $0x38;
	[tilespmem:$0x9F00] =	vst v63  }
0x24: {  	s20 =	simm.s32 $0x140;
	s21 =	simm.s32 $0x280;
	_ =	swait.ge [sflag:s10], $0x2800  }
0x25: {  	s19 =	sadd.s32 $0x500, s8;
	s18 =	sadd.s32 $0x500, s9;
	[sflag:s10] =	ssyncset.done $0x0  }
.LBB2_2:
0x26: {  	s22 =	sshra.s32 s20, $0x2  }
0x27: {  	[sflag:s10] =	ssyncadd.s32 $0xFFFFD800;
	s20 =	smov.u32 s21;
	s23 =	sadd.s32 $0x140, s21  }
0x28: {  	[tilespmem:s13], [sflag:$0x1] =	stream.indirect.gather [hbm4b:s3+s12], $0x80, s22, s12, $0xb8;
	[tilespmem:$0x9F00] =	vst v63  }
0x29: {  	p0 =	sne.s32 s21, $0x9B00;
	s21 =	sadd.s32 $0x2780, s22  }
0x2a: {  	[tilespmem:s14], [sflag:$0x2] =	stream.indirect.gather [hbm4b:s4+s12], $0x80, s21, s12, $0xb8;
	[tilespmem:$0x9F00] =	vst v63  }
0x2b: {  	_ =	swait.ge [sflag:s15], $0x2800  }
0x2c: {  	[sflag:s15] =	ssyncset.done $0x0  }
0x2d: {  	[sflag:s15] =	ssyncadd.s32 $0xFFFFD800  }
0x2e: {  	_ =	swait.ge [sflag:s16], $0x2800  }
0x2f: {  	[sflag:s16] =	ssyncset.done $0x0  }
0x30: {  	[sflag:s16] =	ssyncadd.s32 $0xFFFFD800  }
0x31: {  	[hbm4b:s19+s2] =	stream.linear.scatter [tilespmem:s13], [sflag:$0x3], $0x2800, $0x38;
	[tilespmem:$0x9F00] =	vst v63  }
0x32: {  	_ =	swait.ge [sflag:s10], $0x2800  }
.Ltmp0:
0x33: {  	[sflag:s10] =	ssyncset.done $0x0;
	(pc) =	sbr.rel @p0 .LBB2_2-.Ltmp0, $4  }
0x34: {  	[sflag:s10] =	ssyncadd.s32 $0xFFFFD800  }
0x35: {  	[hbm4b:s18+s2] =	stream.linear.scatter [tilespmem:s14], [sflag:$0x3], $0x2800, $0x38;
	[tilespmem:$0x9F00] =	vst v63  }
0x36: {  	s21 =	smov.u32 s23;
	_ =	swait.ge [sflag:s10], $0x2800  }
0x37: {  	s19 =	sadd.s32 $0x500, s19;
	s18 =	sadd.s32 $0x500, s18;
	[sflag:s10] =	ssyncset.done $0x0  }
0x38: {  	s20 =	sshra.s32 s20, $0x2;
	[sflag:s10] =	ssyncadd.s32 $0xFFFFD800  }
0x39: {  	[tilespmem:s13], [sflag:$0x1] =	stream.indirect.gather [hbm4b:s3+s12], $0x80, s20, s12, $0xb8;
	[tilespmem:$0x9F00] =	vst v63  }
0x3a: {  	s20 =	sadd.s32 $0x2780, s20  }
0x3b: {  	[tilespmem:s14], [sflag:$0x2] =	stream.indirect.gather [hbm4b:s4+s12], $0x80, s20, s12, $0xb8;
	[tilespmem:$0x9F00] =	vst v63  }
0x3c: {  	_ =	swait.ge [sflag:s15], $0x2800  }
0x3d: {  	[sflag:s15] =	ssyncset.done $0x0  }
0x3e: {  	[sflag:s15] =	ssyncadd.s32 $0xFFFFD800  }
0x3f: {  	_ =	swait.ge [sflag:s16], $0x2800  }
0x40: {  	[sflag:s16] =	ssyncset.done $0x0  }
0x41: {  	[sflag:s16] =	ssyncadd.s32 $0xFFFFD800  }
0x42: {  	[hbm4b:s19+s2] =	stream.linear.scatter [tilespmem:s13], [sflag:$0x3], $0x2800, $0x38;
	[tilespmem:$0x9F00] =	vst v63  }
0x43: {  	s17 =	sadd.s32 $0x1, s17;
	_ =	swait.ge [sflag:s10], $0x2800  }
0x44: {  	p0 =	sne.s32 s17, s7;
	[sflag:s10] =	ssyncset.done $0x0  }
.Ltmp1:
0x45: {  	[sflag:s10] =	ssyncadd.s32 $0xFFFFD800;
	(pc) =	sbr.rel @p0 .LBB2_1-.Ltmp1, $4  }
0x46: {  	[hbm4b:s18+s2] =	stream.linear.scatter [tilespmem:s14], [sflag:$0x3], $0x2800, $0x38;
	[tilespmem:$0x9F00] =	vst v63  }
0x47: {  	_ =	swait.ge [sflag:s10], $0x2800  }
0x48: {  	[sflag:s10] =	ssyncset.done $0x0  }
0x49: {  	[sflag:s10] =	ssyncadd.s32 $0xFFFFD800  }
0x4a: {  	_ =	sfence.sel $0x180000  }
0x4b: {  	[bflag:$0x0] =	sbarrier.arrive $0xFFFF  }
0x4c: {  	p0 =	sne.s32 s1, $0x0;
	_ =	strace $0x9000005F  }
0x4d: {  	s0 =	sadd.s32 @!p0 $0x100000, s0;
	[bflag:$0x2] =	sbarrier.arrive $0xFFFF  }
0x4e: {  	[sflag:s0] =	ssyncadd.tile.s32 @!p0 $0x1;
	_ =	shalt  }
.Lfunc_end2:
_tile_overlayer_lowered:
.L_overlay_start_2:
0x4f: {  	(tag) =	ssettag $0x2  }
0x50: {  	s0 =	rddreg [dreg:$0x0];
	s2 =	stileid.u32  }
0x51: {  	s1 =	rddreg [dreg:$0x1];
	p0 =	sne.s32 s2, $0x0  }
0x52: {  	s3 =	rddreg [dreg:$0x2];
	[bflag:$0x3] =	sbarrier.arrive $0xFFFF;
	s2 =	simm.s32 @!p0 $0x1C03  }
0x53: {  	[timem:s3], [sflag:s2] =	dma.local @!p0 [hbm:s0], s1  }
0x54: {  	s0 =	simm.s32 @!p0 $0x3  }
0x55: {  	_ =	swait.ge @!p0 [sflag:s0], s1  }
0x56: {  	s1 =	ssub.s32 @!p0 $0x0, s1;
	[sflag:s0] =	ssyncset.done @!p0 $0x0  }
0x57: {  	[sflag:s0] =	ssyncadd.s32 @!p0 s1  }
0x58: {  	[bflag:$0x3] =	sbarrier.arrive $0xFFFF  }
0x59: {  	_ =	shalt  }

// kernel: kernel.52.cloned.1.call-start
scs
__scs_entry_jumppad:
0x0: {  	(pc) =	sbr.rel $0x88, $3  }
0x1: {  	(tag) =	ssettag $0x0;
	lr =	simm.s32 $0x1  }
0x2: {  	[smem:$0x3F38] =	sst lr;
	_ =	strace $0xD0000000  }
0x3: {  	_ = 	snop  }
0x4: {  	_ = 	snop  }
0x5: {  	_ = 	snop  }
0x6: {  	_ = 	snop  }
0x7: {  	_ = 	snop  }
__scs_overlays_trampoline_lowered:
0x8: {  	[smem:$0x3F47] =	sst s0  }
0x9: {  	[smem:$0x3F48] =	sst s1  }
0xa: {  	[smem:$0x3F49] =	sst s2  }
0xb: {  	[smem:$0x3F4A] =	sst s3  }
0xc: {  	[smem:$0x3F4B] =	sst s4  }
0xd: {  	[smem:$0x3F4C] =	sst s5  }
0xe: {  	[smem:$0x3F4D] =	sst s6  }
0xf: {  	[smem:$0x3F4E] =	sst s7  }
0x10: {  	[smem:$0x3F4F] =	sst s8  }
0x11: {  	[smem:$0x3F50] =	sst s9;
	s0 =	simm.s32 @!p0 $0x0  }
0x12: {  	s1 =	sld [smem:$0x3F36];
	s0 =	simm.s32 @p0 $0x1  }
0x13: {  	[smem:$0x3F51] =	sst s0;
	s0 =	simm.s32 @!p1 $0x0  }
0x14: {  	s2 =	sld [smem:$0x3F35];
	s0 =	simm.s32 @p1 $0x1  }
0x15: {  	[smem:$0x3F52] =	sst s0;
	s0 =	simm.s32 @!p2 $0x0  }
0x16: {  	s3 =	sld [smem:$0x3FDB];
	s0 =	simm.s32 @p2 $0x1  }
0x17: {  	s4 =	simm.s32 $0x1BF5;
	[smem:$0x3F54] =	sst s0  }
0x18: {  	s0 =	sld [smem:$0x3F37];
	_ =	swait.ge [sflag:s4], $0x0  }
0x19: {  	s7 =	sld [smem:$0x3F38]  }
0x1a: {  	s8 =	sadd.s32 $0xFFFFE003, lr  }
0x1b: {  	s9 =	sadd.s32 $0xFFFFFEF7, lr;
	s5 =	simm.s32 $0xFFFFFFFF;
	p2 =	slt.u32 s8, $0xFFFFF086  }
0x1c: {  	p1 =	slt.u32 s9, $0xF7A;
	s5 =	simm.s32 @!p2 $0x0  }
0x1d: {  	s5 =	simm.s32 @p1 $0x1;
	p0 =	seq.s32 s7, s2  }
0x1e: {  	s7 =	smul.u32 @!p0 $0xF7A, s2;
	p2 =	seq.s32 @!p0 s5, $0x0  }
0x1f: {  	s9 =	smul.u32 $0xF7A, s1;
	s8 =	simm.s32 @!p0 $0x1BF5;
	p2 =	por !p2, p0  }
0x20: {  	[sflag:s8] =	ssyncset.s32 @!p0 $0xFFFFF086;
	s6 =	sadd.s32 @!p0 s3, s7;
	s7 =	simm.s32 @!p0 $0x108  }
0x21: {  	s3 =	sadd.s32 s3, s9;
	s6 =	sadd.s32 @!p0 $0x88, s6;
	s7 =	simm.s32 @p2 $0x1082  }
0x22: {  	[simem:s7], [sflag:s8] =	dma.local @!p0 [hbm:s6], $0xF7A  }
0x23: {  	s9 =	sor.u32 $0xD0000000, s2;
	s6 =	simm.s32 $0x108;
	_ =	swait.ge @!p0 [sflag:s8], $0x0  }
0x24: {  	s3 =	sadd.s32 $0x88, s3;
	s6 =	simm.s32 @!p1 $0x1082;
	[sflag:s4] =	ssyncset.s32 $0xFFFFF086  }
0x25: {  	[simem:s6], [sflag:s4] =	dma.local [hbm:s3], $0xF7A  }
0x26: {  	[smem:$0x3F38] =	sst s1;
	(tag) =	ssettag s2;
	_ =	strace s9  }
0x27: {  	s1 =	sld [smem:$0x3F48]  }
0x28: {  	s2 =	sld [smem:$0x3F49]  }
0x29: {  	s4 =	sld [smem:$0x3F4B]  }
0x2a: {  	p0 =	seq.s32 s5, $0x0;
	s5 =	sld [smem:$0x3F4C]  }
0x2b: {  	s6 =	sld [smem:$0x3F4D]  }
0x2c: {  	s7 =	sld [smem:$0x3F4E]  }
0x2d: {  	s3 =	simm.s32 $0x108;
	s8 =	sld [smem:$0x3F4F]  }
0x2e: {  	s3 =	simm.s32 @!p0 $0x1082;
	s9 =	sld [smem:$0x3F50]  }
0x2f: {  	lr =	sadd.s32 s0, s3;
	s0 =	sld [smem:$0x3F47]  }
0x30: {  	s3 =	sld [smem:$0x3F4A]  }
0x31: {  	[smem:$0x3F53] =	sst s10  }
0x32: {  	s10 =	sld [smem:$0x3F51];
	_ =	sdelay $0x3  }
0x33: {  	p0 =	seq.s32 s10, $0x1;
	s10 =	sld [smem:$0x3F53];
	_ =	sdelay $0x3  }
0x34: {  	[smem:$0x3F53] =	sst s10  }
0x35: {  	s10 =	sld [smem:$0x3F52];
	_ =	sdelay $0x3  }
0x36: {  	p1 =	seq.s32 s10, $0x1;
	s10 =	sld [smem:$0x3F53];
	_ =	sdelay $0x3  }
0x37: {  	[smem:$0x3F53] =	sst s10  }
0x38: {  	s10 =	sld [smem:$0x3F54]  }
0x39: {  	_ = 	snop;
	(pc) =	sbr.ind lr, $3  }
0x3a: {  	_ = 	snop  }
0x3b: {  	_ = 	snop  }
0x3c: {  	p2 =	seq.s32 s10, $0x1;
	s10 =	sld [smem:$0x3F53]  }
0x3d: {  	_ =	shalt  }
0x3e: {  	_ =	shalt  }
0x3f: {  	_ =	shalt  }
0x40: {  	_ =	shalt  }
0x41: {  	_ =	shalt  }
0x42: {  	_ =	shalt  }
0x43: {  	_ =	shalt  }
0x44: {  	_ =	shalt  }
0x45: {  	_ =	shalt  }
0x46: {  	_ =	shalt  }
0x47: {  	_ =	shalt  }
0x48: {  	_ =	shalt  }
0x49: {  	_ =	shalt  }
0x4a: {  	_ =	shalt  }
0x4b: {  	_ =	shalt  }
0x4c: {  	_ =	shalt  }
0x4d: {  	_ =	shalt  }
0x4e: {  	_ =	shalt  }
0x4f: {  	_ =	shalt  }
0x50: {  	_ =	shalt  }
0x51: {  	_ =	shalt  }
0x52: {  	_ =	shalt  }
0x53: {  	_ =	shalt  }
0x54: {  	_ =	shalt  }
0x55: {  	_ =	shalt  }
0x56: {  	_ =	shalt  }
0x57: {  	_ =	shalt  }
0x58: {  	_ =	shalt  }
0x59: {  	_ =	shalt  }
0x5a: {  	_ =	shalt  }
0x5b: {  	_ =	shalt  }
0x5c: {  	_ =	shalt  }
0x5d: {  	_ =	shalt  }
0x5e: {  	_ =	shalt  }
0x5f: {  	_ =	shalt  }
0x60: {  	_ =	shalt  }
0x61: {  	_ =	shalt  }
0x62: {  	_ =	shalt  }
0x63: {  	_ =	shalt  }
0x64: {  	_ =	shalt  }
0x65: {  	_ =	shalt  }
0x66: {  	_ =	shalt  }
0x67: {  	_ =	shalt  }
0x68: {  	_ =	shalt  }
0x69: {  	_ =	shalt  }
0x6a: {  	_ =	shalt  }
0x6b: {  	_ =	shalt  }
0x6c: {  	_ =	shalt  }
0x6d: {  	_ =	shalt  }
0x6e: {  	_ =	shalt  }
0x6f: {  	_ =	shalt  }
0x70: {  	_ =	shalt  }
0x71: {  	_ =	shalt  }
0x72: {  	_ =	shalt  }
0x73: {  	_ =	shalt  }
0x74: {  	_ =	shalt  }
0x75: {  	_ =	shalt  }
0x76: {  	_ =	shalt  }
0x77: {  	_ =	shalt  }
0x78: {  	_ =	shalt  }
0x79: {  	_ =	shalt  }
0x7a: {  	_ =	shalt  }
0x7b: {  	_ =	shalt  }
0x7c: {  	_ =	shalt  }
0x7d: {  	_ =	shalt  }
0x7e: {  	_ =	shalt  }
0x7f: {  	_ =	shalt  }
0x80: {  	_ =	shalt  }
0x81: {  	_ =	shalt  }
0x82: {  	_ =	shalt  }
0x83: {  	_ =	shalt  }
0x84: {  	_ =	shalt  }
0x85: {  	_ =	shalt  }
0x86: {  	_ =	shalt  }
0x87: {  	_ =	shalt  }
.Lfunc_end0:
.L_simem_size_0:
called_computation.9_lowered:
.L_overlay_start_0:
0x88: {  	s2 =	sld [smem:$0x3FD9]  }
0x89: {  	s3 =	sld [smem:$0x3FFE];
	_ =	sdelay $0x1  }
0x8a: {  	s1 =	srdreg.scid  }
0x8b: {  	s0 =	sand.u32 $0x1, s1  }
0x8c: {  	s17 =	sshll.u32 s0, $0xA;
	s2 =	sadd.s32 s3, s2  }
0x8d: {  	s2 =	sadd.s32 s2, s17  }
0x8e: {  	[smem:$0x3F5F] =	sst s2  }
0x8f: {  	_ = 	snop  }
0x90: {  	s2 =	sld [smem:$0x3FD0];
	(tm) =	ssettm $0x1  }
0x91: {  	s18 =	sld [smem:$0x3FFB];
	_ =	sdelay $0x3  }
0x92: {  	_ =	strace s18  }
0x93: {  	s3 =	sld [smem:$0x3FFC];
	_ =	sdelay $0x3  }
0x94: {  	_ =	strace s3  }
0x95: {  	s3 =	sld [smem:$0x3FFD];
	_ =	sdelay $0x3  }
0x96: {  	_ =	strace s3  }
0x97: {  	_ =	strace $0x8FFFFFFF  }
0x98: {  	s19 =	sld [smem:$0x3FDB];
	_ =	sdelay $0x1  }
0x99: {  	s4 =	simm.s32 $_scs_section_size  }
0x9a: {  	s5 =	simm.s32 $_size__tile_overlayer_lowered;
	s6 =	simm.s32 $_tile_overlayer_lowered  }
0x9b: {  	s22 =	simm.s32 $0x1BFF;
	s21 =	sshll.u32 s6, $0x1;
	s3 =	sadd.s32 s4, s19  }
0x9c: {  	s7 =	simm.s32 $0x0;
	s20 =	sshll.u32 s5, $0x1;
	s5 =	sadd.s32 s21, s3  }
0x9d: {  	[timem:s7], [sflag:s22] =	dma.local [hbm:s5], s20  }
0x9e: {  	_ =	swait.ge [sflag:s22], s20  }
0x9f: {  	s4 =	ssub.s32 $0x0, s20;
	[sflag:s22] =	ssyncset.done $0x0  }
0xa0: {  	[sflag:s22] =	ssyncadd.s32 s4;
	_ =	sdelay $0x1  }
0xa1: {  	s23 =	simm.s32 $0x1B8B  }
0xa2: {  	_ =	swait.ge [sflag:s23], $0x1  }
0xa3: {  	[sflag:s23] =	ssyncset.done $0x0  }
0xa4: {  	s25 =	simm.s32 $0x1B8E;
	s24 =	sld [smem:$0x3FFE];
	[sflag:s23] =	ssyncadd.s32 $0xFFFFFFFF  }
0xa5: {  	s26 =	simm.s32 $execute0_lowered;
	[smem:$0x3FD2] =	sst s25  }
0xa6: {  	s5 =	sshll.u32 s26, $0x1;
	_ =	strace $0x80000061;
	[dreg:$0x1] =	wrdreg $0xFFFFFFFF  }
0xa7: {  	s28 =	simm.s32 $_size_execute0_lowered;
	s3 =	sadd.s32 s3, s5;
	[dreg:$0x0] =	wrdreg $0x0  }
0xa8: {  	s5 =	sshll.u32 s28, $0x1;
	[dreg:$0x2] =	wrdreg s3  }
0xa9: {  	[dreg:$0x3] =	wrdreg s5  }
0xaa: {  	[dreg:$0x4] =	wrdreg $0xC0  }
0xab: {  	_ =	task [dreg:s7], $0x5FFFF  }
0xac: {  	[dreg:$0x1] =	wrdreg $0xFFFFFFFF  }
0xad: {  	[dreg:$0x0] =	wrdreg $0x60  }
0xae: {  	[dreg:$0x2] =	wrdreg s24  }
0xaf: {  	[dreg:$0x3] =	wrdreg s2  }
0xb0: {  	[dreg:$0x4] =	wrdreg $0x28800  }
0xb1: {  	[dreg:$0x5] =	wrdreg $0x9  }
0xb2: {  	_ =	task.clear_ibuf [dreg:s7], $0x6FFFF;
	_ =	strace $0x90000061  }
0xb3: {  	s29 =	simm.s32 $0x9;
	_ =	strace $0x80000063  }
0xb4: {  	_ =	swait.ge [sflag:s29], $0x1  }
0xb5: {  	[sflag:s29] =	ssyncadd.s32 $0xFFFFFFFF  }
0xb6: {  	_ =	strace $0x90000063  }
0xb7: {  	_ =	sfence  }
0xb8: {  	s30 =	sld [smem:$0x0];
	_ =	sdelay $0x2  }
0xb9: {  	s31 =	sshll.u32 s1, $0xD;
	s1 =	sshrl.u32 s1, $0x2  }
0xba: {  	s3 =	sand.u32 $0x4000, s31;
	s1 =	sadd.s32 s1, s30  }
0xbb: {  	s0 =	sor.u32 s3, s0;
	s1 =	sshll.u32 s1, $0x11  }
0xbc: {  	s0 =	sor.u32 s1, s0  }
0xbd: {  	s0 =	sadd.s32 $0x8F2B, s0  }
0xbe: {  	[sflag:s0] =	ssyncadd.remote.s32 $0x1  }
0xbf: {  	_ =	sfence.sel $0xFFFF  }
0xc0: {  	[dreg:$0x0] =	wrdreg $0xFFFFFFFF;
	(pc) =	sbr.abs _section_cstart, $3  }
0xc1: {  	[dreg:$0x1] =	wrdreg $0xFFFFFFFF  }
0xc2: {  	_ =	task.clear_ibuf [dreg:s7], $0x2FFFF;
	_ =	strace $0x9FFFFFFF  }
0xc3: {  	(tm) =	ssettm $0x7FFFFFFF  }
tec
execute0_lowered:
.L_overlay_start_1:
0x0: {  	(tag) =	ssettag $0x1  }
0x1: {  	s5 =	rddreg [dreg:$0x0];
	s0 =	stileid.u32  }
0x2: {  	s1 =	srdreg.scid;
	s2 =	rddreg [dreg:$0x1]  }
0x3: {  	s3 =	rddreg [dreg:$0x2];
	s6 =	smul.u32 $0x4E200, s0  }
0x4: {  	s4 =	simm.s32 $0x0;
	s18 =	simm.s32 $0x1;
	s7 =	smul.u32 $0x4E20, s0  }
0x5: {  	s19 =	simm.s32 $0x50;
	s22 =	simm.s32 $0x0;
	s26 =	smul.u32 $0x14000, s0  }
0x6: {  	s10 =	sand.u32 $0x1, s1;
	s1 =	rddreg [dreg:$0x3];
	s11 =	smul.u32 $0x50000, s0  }
0x7: {  	[smem:$0x7FF] =	sst s4;
	s20 =	sshll.u32 s0, $0x6;
	s8 =	smul.u32 $0x2710, s10  }
0x8: {  	s9 =	smul.u32 $0x140000, s10;
	_ =	strace $0x80000062;
	s29 =	ssub.s32 $0x2, s10  }
0x9: {  	s17 =	smul.u32 $0x27100, s10;
	s20 =	sor.u32 $0x1C01, s20;
	s15 =	sadd.s32 s6, s5  }
0xa: {  	s30 =	sshrl.u32 s11, $0x2;
	s31 =	sshrl.u32 s29, $0x1;
	s7 =	sadd.s32 s8, s7  }
0xb: {  	s28 =	sadd.s32 s26, s9;
	s14 =	ssub.s32 s29, s31;
	s15 =	sadd.s32 s17, s15  }
0xc: {  	s17 =	simm.s32 $0x80;
	s7 =	sshrl.u32 s7, $0x3;
	s6 =	sshrl.u32 s28, $0x3  }
0xd: {  	s16 =	sadd.s32 s7, s5;
	s13 =	sadd.s32 s6, s5;
	s5 =	sadd.s32 s30, s3  }
0xe: {  	s14 =	smax.u32 s14, $0x1;
	s15 =	sadd.s32 $0x1428C00, s15;
	s6 =	sadd.s32 $0x2800, s5  }
0xf: {  	s7 =	sadd.s32 $0x5000, s5;
	s8 =	sadd.s32 $0x7800, s5;
	s9 =	sadd.s32 $0xA000, s5  }
0x10: {  	s10 =	sadd.s32 $0xC800, s5;
	s11 =	sadd.s32 $0xF000, s5;
	s12 =	sadd.s32 $0x11800, s5  }
0x11: {  	s13 =	sadd.s32 $0xA0C00, s13;
	s16 =	sadd.s32 $0x21800, s16;
	s21 =	sshrl.u32 s5, $0x3  }
.LBB2_1:
0x12: {  	[tilespmem:s17], [sflag:$0x1] =	stream.linear.gather [hbm4b:s2+s4], $0x2800, $0x38;
	[tilespmem:$0x16880] =	vst v63  }
0x13: {  	_ =	swait.ge [sflag:s18], $0x2800  }
0x14: {  	[sflag:s18] =	ssyncset.done $0x0  }
0x15: {  	[sflag:s18] =	ssyncadd.s32 $0xFFFFD800  }
0x16: {  	[spmem:s5] =	stream.linear.scatter [tilespmem:s17], [sflag:$0x1], $0x2800, $0x38;
	[tilespmem:$0x16880] =	vst v63  }
0x17: {  	_ =	swait.ge [sflag:s18], $0x2800  }
0x18: {  	[sflag:s18] =	ssyncset.done $0x0  }
0x19: {  	[sflag:s18] =	ssyncadd.s32 $0xFFFFD800  }
0x1a: {  	[spmem:s6] =	stream.linear.scatter [tilespmem:s17], [sflag:$0x1], $0x2800, $0x38;
	[tilespmem:$0x16880] =	vst v63  }
0x1b: {  	_ =	swait.ge [sflag:s18], $0x2800  }
0x1c: {  	[sflag:s18] =	ssyncset.done $0x0  }
0x1d: {  	[sflag:s18] =	ssyncadd.s32 $0xFFFFD800  }
0x1e: {  	[spmem:s7] =	stream.linear.scatter [tilespmem:s17], [sflag:$0x1], $0x2800, $0x38;
	[tilespmem:$0x16880] =	vst v63  }
0x1f: {  	_ =	swait.ge [sflag:s18], $0x2800  }
0x20: {  	[sflag:s18] =	ssyncset.done $0x0  }
0x21: {  	[sflag:s18] =	ssyncadd.s32 $0xFFFFD800  }
0x22: {  	[spmem:s8] =	stream.linear.scatter [tilespmem:s17], [sflag:$0x1], $0x2800, $0x38;
	[tilespmem:$0x16880] =	vst v63  }
0x23: {  	_ =	swait.ge [sflag:s18], $0x2800  }
0x24: {  	[sflag:s18] =	ssyncset.done $0x0  }
0x25: {  	[sflag:s18] =	ssyncadd.s32 $0xFFFFD800  }
0x26: {  	[spmem:s9] =	stream.linear.scatter [tilespmem:s17], [sflag:$0x1], $0x2800, $0x38;
	[tilespmem:$0x16880] =	vst v63  }
0x27: {  	_ =	swait.ge [sflag:s18], $0x2800  }
0x28: {  	[sflag:s18] =	ssyncset.done $0x0  }
0x29: {  	[sflag:s18] =	ssyncadd.s32 $0xFFFFD800  }
0x2a: {  	[spmem:s10] =	stream.linear.scatter [tilespmem:s17], [sflag:$0x1], $0x2800, $0x38;
	[tilespmem:$0x16880] =	vst v63  }
0x2b: {  	_ =	swait.ge [sflag:s18], $0x2800  }
0x2c: {  	[sflag:s18] =	ssyncset.done $0x0  }
0x2d: {  	[sflag:s18] =	ssyncadd.s32 $0xFFFFD800  }
0x2e: {  	[spmem:s11] =	stream.linear.scatter [tilespmem:s17], [sflag:$0x1], $0x2800, $0x38;
	[tilespmem:$0x16880] =	vst v63  }
0x2f: {  	_ =	swait.ge [sflag:s18], $0x2800  }
0x30: {  	[sflag:s18] =	ssyncset.done $0x0  }
0x31: {  	[sflag:s18] =	ssyncadd.s32 $0xFFFFD800  }
0x32: {  	[spmem:s12] =	stream.linear.scatter [tilespmem:s17], [sflag:$0x1], $0x2800, $0x38;
	[tilespmem:$0x16880] =	vst v63  }
0x33: {  	_ =	swait.ge [sflag:s18], $0x2800  }
0x34: {  	[sflag:s18] =	ssyncset.done $0x0  }
0x35: {  	[sflag:s18] =	ssyncadd.s32 $0xFFFFD800  }
0x36: {  	s23 =	sadd.s32 $0x0, s16;
	[bflag:$0x0] =	sbarrier.arrive $0xFFFF  }
0x37: {  	[tilespmem:s4], [sflag:$0x1] =	stream.linear.gather [hbm4b:s23+s4], $0x50, $0x38;
	[tilespmem:$0x16880] =	vst v63  }
0x38: {  	_ =	swait.ge [sflag:s18], $0x50  }
0x39: {  	[sflag:s18] =	ssyncset.done $0x0  }
0x3a: {  	[sflag:s18] =	ssyncadd.s32 $0xFFFFFFB0  }
0x3b: {  	[tilespmem:s17], [sflag:$0x1] =	stream.linear.gather [hbm4b:s15+s4], $0x2800, $0x38;
	[tilespmem:$0x16880] =	vst v63  }
0x3c: {  	_ =	swait.ge [sflag:s18], $0x2800  }
0x3d: {  	[sflag:s18] =	ssyncset.done $0x0  }
0x3e: {  	[sflag:s18] =	ssyncadd.s32 $0xFFFFD800  }
0x3f: {  	[spmem:s3] =	stream.indirect.scatter.add.f32 [tilespmem:s17], [sflag:$0x1], $0x80, s4, s19, $0xb8;
	[tilespmem:$0x16880] =	vst v63  }
0x40: {  	s24 =	simm.s32 $0xA;
	_ =	swait.ge [sflag:s18], $0x2800  }
0x41: {  	s25 =	simm.s32 $0x14;
	s23 =	sadd.s32 $0x500, s15;
	[sflag:s18] =	ssyncset.done $0x0  }
.LBB2_2:
0x42: {  	s26 =	sadd.s32 s24, s16  }
0x43: {  	[sflag:s18] =	ssyncadd.s32 $0xFFFFD800;
	s24 =	smov.u32 s25;
	s28 =	sadd.s32 $0xA, s25  }
0x44: {  	[tilespmem:s4], [sflag:$0x1] =	stream.linear.gather [hbm4b:s26+s4], $0x50, $0x38;
	[tilespmem:$0x16880] =	vst v63  }
0x45: {  	p0 =	sne.s32 s25, $0x4D8;
	_ =	swait.ge [sflag:s18], $0x50  }
0x46: {  	[sflag:s18] =	ssyncset.done $0x0  }
0x47: {  	[sflag:s18] =	ssyncadd.s32 $0xFFFFFFB0  }
0x48: {  	[tilespmem:s17], [sflag:$0x1] =	stream.linear.gather [hbm4b:s23+s4], $0x2800, $0x38;
	[tilespmem:$0x16880] =	vst v63  }
0x49: {  	_ =	swait.ge [sflag:s18], $0x2800  }
.Ltmp0:
0x4a: {  	[sflag:s18] =	ssyncset.done $0x0;
	(pc) =	sbr.rel @p0 .LBB2_2-.Ltmp0, $4  }
0x4b: {  	[sflag:s18] =	ssyncadd.s32 $0xFFFFD800  }
0x4c: {  	[spmem:s3] =	stream.indirect.scatter.add.f32 [tilespmem:s17], [sflag:$0x1], $0x80, s4, s19, $0xb8;
	[tilespmem:$0x16880] =	vst v63  }
0x4d: {  	_ =	swait.ge [sflag:s18], $0x2800  }
0x4e: {  	s25 =	smov.u32 s28;
	s23 =	sadd.s32 $0x500, s23;
	[sflag:s18] =	ssyncset.done $0x0  }
0x4f: {  	s24 =	sadd.s32 s24, s16;
	[sflag:s18] =	ssyncadd.s32 $0xFFFFD800  }
0x50: {  	[tilespmem:s4], [sflag:$0x1] =	stream.linear.gather [hbm4b:s24+s4], $0x50, $0x38;
	[tilespmem:$0x16880] =	vst v63  }
0x51: {  	_ =	swait.ge [sflag:s18], $0x50  }
0x52: {  	[sflag:s18] =	ssyncset.done $0x0  }
0x53: {  	[sflag:s18] =	ssyncadd.s32 $0xFFFFFFB0  }
0x54: {  	[tilespmem:s17], [sflag:$0x1] =	stream.linear.gather [hbm4b:s23+s4], $0x2800, $0x38;
	[tilespmem:$0x16880] =	vst v63  }
0x55: {  	_ =	swait.ge [sflag:s18], $0x2800  }
0x56: {  	[sflag:s18] =	ssyncset.done $0x0  }
0x57: {  	[sflag:s18] =	ssyncadd.s32 $0xFFFFD800  }
0x58: {  	[spmem:s3] =	stream.indirect.scatter.add.f32 [tilespmem:s17], [sflag:$0x1], $0x80, s4, s19, $0xb8;
	[tilespmem:$0x16880] =	vst v63  }
0x59: {  	_ =	swait.ge [sflag:s18], $0x2800  }
0x5a: {  	s22 =	sadd.s32 $0x1, s22;
	[sflag:s18] =	ssyncset.done $0x0  }
0x5b: {  	p0 =	sne.s32 s22, s14;
	[sflag:s18] =	ssyncadd.s32 $0xFFFFD800  }
.Ltmp1:
0x5c: {  	[bflag:$0x0] =	sbarrier.arrive $0xFFFF;
	(pc) =	sbr.rel @p0 .LBB2_1-.Ltmp1, $4  }
0x5d: {  	[hbm:s13], [sflag:s20] =	dma.local [spmem:s21], $0x2800  }
0x5e: {  	_ =	swait.ge [sflag:s18], $0x2800  }
0x5f: {  	[sflag:s18] =	ssyncset.done $0x0  }
0x60: {  	[sflag:s18] =	ssyncadd.s32 $0xFFFFD800  }
0x61: {  	_ =	sfence.sel $0x180000  }
0x62: {  	[bflag:$0x0] =	sbarrier.arrive $0xFFFF  }
0x63: {  	p0 =	sne.s32 s0, $0x0;
	_ =	strace $0x90000062  }
0x64: {  	s0 =	sadd.s32 @!p0 $0x100000, s1;
	[bflag:$0x2] =	sbarrier.arrive $0xFFFF  }
0x65: {  	[sflag:s0] =	ssyncadd.tile.s32 @!p0 $0x1;
	_ =	shalt  }
.Lfunc_end2:
_tile_overlayer_lowered:
.L_overlay_start_2:
0x66: {  	(tag) =	ssettag $0x2  }
0x67: {  	s0 =	rddreg [dreg:$0x0];
	s2 =	stileid.u32  }
0x68: {  	s1 =	rddreg [dreg:$0x1];
	p0 =	sne.s32 s2, $0x0  }
0x69: {  	s3 =	rddreg [dreg:$0x2];
	[bflag:$0x3] =	sbarrier.arrive $0xFFFF;
	s2 =	simm.s32 @!p0 $0x1C01  }
0x6a: {  	[timem:s3], [sflag:s2] =	dma.local @!p0 [hbm:s0], s1  }
0x6b: {  	s0 =	simm.s32 @!p0 $0x1  }
0x6c: {  	_ =	swait.ge @!p0 [sflag:s0], s1  }
0x6d: {  	s1 =	ssub.s32 @!p0 $0x0, s1;
	[sflag:s0] =	ssyncset.done @!p0 $0x0  }
0x6e: {  	[sflag:s0] =	ssyncadd.s32 @!p0 s1  }
0x6f: {  	[bflag:$0x3] =	sbarrier.arrive $0xFFFF  }
0x70: {  	_ =	shalt  }

</sc_bundles>
